<compile_context>
chip_gen: v7x
topology: tpu7x:2x2x1
jax: 0.10.2.dev20260603
libtpu: 0.0.44.dev20260713+nightly
codegen_flags: <defaults>
</compile_context>

<pallas_src>
import functools

import numpy as np
import jax
import jax.numpy as jnp
from jax import lax
from jax.experimental import pallas as pl
from jax.experimental.pallas import tpu as pltpu
from jax.experimental.pallas import tpu_sc as plsc

F32 = jnp.float32
BF16 = jnp.bfloat16
H = 128
NSTEP = 50
EPS = 1e-5

SC_CORES = 2
SC_SUBCORES = 16
SC_WORKERS = SC_CORES * SC_SUBCORES


def _lrelu(x):
    return jnp.where(x >= 0, x, 0.01 * x)


_MASK_HI = -65536
_MASK_LO = 0xFFFF


def _rne_bf16_bits(f):
    b = lax.bitcast_convert_type(f, jnp.int32)
    return b + 0x7FFF + ((b >> 16) & 1)


def _pack_pair(lo, hi):
    return (((_rne_bf16_bits(lo) >> 16) & _MASK_LO)
            | (_rne_bf16_bits(hi) & _MASK_HI))


def _unpack_lo(p):
    return lax.bitcast_convert_type(p << 16, F32)


def _unpack_hi(p):
    return lax.bitcast_convert_type(p & _MASK_HI, F32)


def _dot16(a, b):
    return jnp.dot(a.astype(BF16), b.astype(BF16), preferred_element_type=F32)


def _prep_body(x_ref, w1a_ref, w1c_ref, wd_ref, bd_ref, tsrc_ref, u3_ref,
               xd_ref):
    xb = x_ref[...]
    xd = jnp.dot(xb, wd_ref[...], preferred_element_type=F32) + bd_ref[...]
    u1 = jnp.dot(xb, w1a_ref[...], preferred_element_type=F32)
    tsrc_ref[...] = _pack_pair(u1, xd)
    u3_ref[...] = jnp.dot(xb, w1c_ref[...], preferred_element_type=F32)
    xd_ref[...] = xd


def _prep(x, w1a, w1c, wd, bd, nblk):
    n = x.shape[0]
    grid = (n // nblk,)
    return pl.pallas_call(
        _prep_body,
        grid=grid,
        in_specs=[
            pl.BlockSpec((nblk, H), lambda i: (i, 0)),
            pl.BlockSpec((H, H), lambda i: (0, 0)),
            pl.BlockSpec((H, H), lambda i: (0, 0)),
            pl.BlockSpec((H, H), lambda i: (0, 0)),
            pl.BlockSpec((1, H), lambda i: (0, 0)),
        ],
        out_specs=[
            pl.BlockSpec((nblk, H), lambda i: (i, 0)),
            pl.BlockSpec((nblk, H), lambda i: (i, 0)),
            pl.BlockSpec((nblk, H), lambda i: (i, 0)),
        ],
        out_shape=[
            jax.ShapeDtypeStruct((n, H), jnp.int32),
            jax.ShapeDtypeStruct((n, H), F32),
            jax.ShapeDtypeStruct((n, H), F32),
        ],
    )(x, w1a, w1c, wd, bd)


def _sc_gather(tsrc, u3, ei, e0, e):
    tc = e // 128
    cw = tc // SC_WORKERS
    rem = tc - cw * SC_WORKERS
    assert e % 128 == 0 and rem % 2 == 0
    stage = (cw + rem) * 128
    mesh = plsc.VectorSubcoreMesh(core_axis_name="c", subcore_axis_name="s")

    @functools.partial(
        pl.kernel,
        mesh=mesh,
        out_type=[
            jax.ShapeDtypeStruct((e, H), jnp.int32),
            jax.ShapeDtypeStruct((e, H), F32),
        ],
        scratch_types=[
            pltpu.VMEM((stage,), jnp.int32),
            pltpu.VMEM((stage,), jnp.int32),
            pltpu.VMEM((128, H), jnp.int32),
            pltpu.VMEM((128, H), jnp.int32),
            pltpu.VMEM((128, H), F32),
            pltpu.VMEM((128, H), F32),
            pltpu.SemaphoreType.DMA,
            pltpu.SemaphoreType.DMA,
            pltpu.SemaphoreType.DMA,
            pltpu.SemaphoreType.DMA,
        ],
    )
    def k(tsrc_hbm, u3_hbm, ei_hbm, gs_hbm, gd_hbm,
          idxs, idxd, rs0, rs1, rd0, rd1, sem_s0, sem_s1, sem_d0, sem_d1):
        c = lax.axis_index("c")
        s = lax.axis_index("s")
        wid = s * SC_CORES + c
        base = wid * cw * 128
        nf = cw + jnp.where(wid == SC_WORKERS - 1, rem, 0)

        pltpu.sync_copy(ei_hbm.at[0, pl.ds(e0 + base, stage)], idxs)
        pltpu.sync_copy(ei_hbm.at[1, pl.ds(e0 + base, stage)], idxd)

        def start(j, rbuf_s, rbuf_d, sem_a, sem_b):
            pltpu.async_copy(tsrc_hbm.at[idxs.at[pl.ds(j * 128, 128)]], rbuf_s, sem_a)
            pltpu.async_copy(u3_hbm.at[idxd.at[pl.ds(j * 128, 128)]], rbuf_d, sem_b)

        def finish(j, rbuf_s, rbuf_d, sem_a, sem_b):
            pltpu.make_async_copy(tsrc_hbm.at[idxs.at[pl.ds(j * 128, 128)]], rbuf_s, sem_a).wait()
            pltpu.make_async_copy(u3_hbm.at[idxd.at[pl.ds(j * 128, 128)]], rbuf_d, sem_b).wait()
            pltpu.sync_copy(rbuf_s, gs_hbm.at[pl.ds(base + j * 128, 128)])
            pltpu.sync_copy(rbuf_d, gd_hbm.at[pl.ds(base + j * 128, 128)])

        start(0, rs0, rd0, sem_s0, sem_d0)

        def body(j2, carry):
            j = j2 * 2
            start(j + 1, rs1, rd1, sem_s1, sem_d1)
            finish(j, rs0, rd0, sem_s0, sem_d0)

            @pl.when(j + 2 < nf)
            def _():
                start(j + 2, rs0, rd0, sem_s0, sem_d0)

            finish(j + 1, rs1, rd1, sem_s1, sem_d1)
            return carry

        lax.fori_loop(0, nf // 2, body, 0)
        if cw % 2:
            finish(nf - 1, rs0, rd0, sem_s0, sem_d0)

    return k(tsrc, u3, ei)


_DN0 = (((0,), (0,)), ((), ()))


def _pass1_body(ea_ref, gs_ref, gd_ref, r_ref, cf_ref, wb_ref, bb_ref,
                wmid_ref, be1_ref, h1_ref, st_ref, acc):
    i = pl.program_id(0)
    a = lax.dot_general(ea_ref[...], r_ref[...], _DN0,
                        preferred_element_type=F32)
    d = a - cf_ref[...]
    g = jnp.exp(-(d * d))
    g = _lrelu(_dot16(g, wb_ref[...]) + bb_ref[...])
    h1 = _lrelu(_unpack_lo(gs_ref[...]) + gd_ref[...] +
                _dot16(g, wmid_ref[...]) + be1_ref[...])
    h1_ref[...] = h1.astype(BF16)

    @pl.when(i == 0)
    def _():
        acc[...] = jnp.zeros_like(acc)

    acc[0:1, :] += jnp.sum(h1, axis=0, keepdims=True)
    acc[1:2, :] += jnp.sum(h1 * h1, axis=0, keepdims=True)

    @pl.when(i == pl.num_programs(0) - 1)
    def _():
        st_ref[...] = acc[...]


def _pass1(ea, gs, gd, rmat, cf, wb, bb, wmid, be1, eb, blk0):
    e = gs.shape[0]
    grid = (e // eb,)
    return pl.pallas_call(
        _pass1_body,
        grid=grid,
        in_specs=[
            pl.BlockSpec((4, eb), lambda i: (0, blk0 + i)),
            pl.BlockSpec((eb, H), lambda i: (i, 0)),
            pl.BlockSpec((eb, H), lambda i: (i, 0)),
            pl.BlockSpec((4, 4 * NSTEP), lambda i: (0, 0)),
            pl.BlockSpec((1, 4 * NSTEP), lambda i: (0, 0)),
            pl.BlockSpec((4 * NSTEP, H), lambda i: (0, 0)),
            pl.BlockSpec((1, H), lambda i: (0, 0)),
            pl.BlockSpec((H, H), lambda i: (0, 0)),
            pl.BlockSpec((1, H), lambda i: (0, 0)),
        ],
        out_specs=[
            pl.BlockSpec((eb, H), lambda i: (i, 0)),
            pl.BlockSpec((8, H), lambda i: (0, 0)),
        ],
        out_shape=[
            jax.ShapeDtypeStruct((e, H), BF16),
            jax.ShapeDtypeStruct((8, H), F32),
        ],
        scratch_shapes=[pltpu.VMEM((8, H), F32)],
    )(ea, gs, gd, rmat, cf, wb, bb, wmid, be1)


def _bn_fold(st, ne, g, bt, w_next, b_next):
    mean = st[0] * (1.0 / ne)
    var = st[1] * (1.0 / ne) - mean * mean
    a = g * lax.rsqrt(var + EPS)
    weff = w_next * a[:, None]
    beff = ((bt - mean * a) @ w_next + b_next).reshape(1, -1)
    return weff, beff


def _stats2_body(h1_ref, w2_ref, b2_ref, st2_ref, acc):
    i = pl.program_id(0)
    h2 = _lrelu(_dot16(h1_ref[...], w2_ref[...]) + b2_ref[...])

    @pl.when(i == 0)
    def _():
        acc[...] = jnp.zeros_like(acc)

    acc[0:1, :] += jnp.sum(h2, axis=0, keepdims=True)
    acc[1:2, :] += jnp.sum(h2 * h2, axis=0, keepdims=True)

    @pl.when(i == pl.num_programs(0) - 1)
    def _():
        st2_ref[...] = acc[...]


def _stats2(h1, w2eff, b2eff, eb):
    e = h1.shape[0]
    grid = (e // eb,)
    return pl.pallas_call(
        _stats2_body,
        grid=grid,
        in_specs=[
            pl.BlockSpec((eb, H), lambda i: (i, 0)),
            pl.BlockSpec((H, H), lambda i: (0, 0)),
            pl.BlockSpec((1, H), lambda i: (0, 0)),
        ],
        out_specs=pl.BlockSpec((8, H), lambda i: (0, 0)),
        out_shape=jax.ShapeDtypeStruct((8, H), F32),
        scratch_shapes=[pltpu.VMEM((8, H), F32)],
    )(h1, w2eff, b2eff)


def _msgs_body(h1_ref, gxd_ref, ea_ref, one_ref, w2_ref, b2_ref,
               w3_ref, b3_ref, m_ref):
    h2 = _lrelu(_dot16(h1_ref[...], w2_ref[...]) + b2_ref[...])
    h3 = _dot16(h2, w3_ref[...]) + b3_ref[...]
    cosr = jnp.cos((np.pi / 2) * ea_ref[3:4, :])
    coef = lax.dot_general(cosr, one_ref[...], _DN0,
                           preferred_element_type=F32)
    m_ref[...] = coef[:, 0:1] * h3 * _unpack_hi(gxd_ref[...])


def _msgs(h1, gs, eat, one18, w2eff, b2eff, w3eff, b3eff, eb, blk0):
    e = h1.shape[0]
    grid = (e // eb,)
    return pl.pallas_call(
        _msgs_body,
        grid=grid,
        in_specs=[
            pl.BlockSpec((eb, H), lambda i: (i, 0)),
            pl.BlockSpec((eb, H), lambda i: (i, 0)),
            pl.BlockSpec((4, eb), lambda i: (0, blk0 + i)),
            pl.BlockSpec((1, 8), lambda i: (0, 0)),
            pl.BlockSpec((H, H), lambda i: (0, 0)),
            pl.BlockSpec((1, H), lambda i: (0, 0)),
            pl.BlockSpec((H, H), lambda i: (0, 0)),
            pl.BlockSpec((1, H), lambda i: (0, 0)),
        ],
        out_specs=pl.BlockSpec((eb, H), lambda i: (i, 0)),
        out_shape=jax.ShapeDtypeStruct((e, H), F32),
    )(h1, gs, eat, one18, w2eff, b2eff, w3eff, b3eff)


def _sc_scatter(m, ei, init, e0):
    e = m.shape[0]
    n = init.shape[1]
    tc = e // 128
    cw = tc // SC_WORKERS
    rem = tc - cw * SC_WORKERS
    assert e % 128 == 0 and rem % 2 == 0
    mesh = plsc.VectorSubcoreMesh(core_axis_name="c", subcore_axis_name="s")

    @functools.partial(
        pl.kernel,
        mesh=mesh,
        out_type=jax.ShapeDtypeStruct((SC_CORES, n, H), F32),
        scratch_types=[
            pltpu.VMEM((128,), jnp.int32),
            pltpu.VMEM((128,), jnp.int32),
            pltpu.VMEM((16,), jnp.int32),
            pltpu.VMEM((128, H), F32),
            pltpu.VMEM((128, H), F32),
            pltpu.VMEM_SHARED((n, H), F32),
            pltpu.SemaphoreType.DMA,
            pltpu.SemaphoreType.DMA,
            pltpu.SemaphoreType.DMA,
            pltpu.SemaphoreType.DMA,
        ],
    )
    def k(m_hbm, ei_hbm, z_hbm, out_hbm, idx0, idx1, idxt, rb0, rb1, accsh,
          si0, si1, sm0, sm1):
        c = lax.axis_index("c")
        s = lax.axis_index("s")
        r0 = s * 640
        ncp = jnp.where(s == SC_SUBCORES - 1, (n - 640 * (SC_SUBCORES - 1)) // 40,
                        640 // 40)

        def cp_init(j, carry):
            off = r0 + j * 40
            pltpu.sync_copy(z_hbm.at[c, pl.ds(off, 40)], accsh.at[pl.ds(off, 40)])
            return carry

        lax.fori_loop(0, ncp, cp_init, 0)
        wid = c * SC_SUBCORES + s
        base = wid * cw * 128
        nf = cw + jnp.where(wid == SC_WORKERS - 1, rem, 0)
        plsc.subcore_barrier()

        def start(j, idxb, rbuf, semi, semm):
            pltpu.async_copy(ei_hbm.at[1, pl.ds(e0 + base + j * 128, 128)], idxb, semi)
            pltpu.async_copy(m_hbm.at[pl.ds(base + j * 128, 128)], rbuf, semm)

        def finish(j, idxb, rbuf, semi, semm):
            pltpu.make_async_copy(ei_hbm.at[1, pl.ds(e0 + base + j * 128, 128)], idxb, semi).wait()
            pltpu.make_async_copy(m_hbm.at[pl.ds(base + j * 128, 128)], rbuf, semm).wait()
            pltpu.sync_copy(rbuf, accsh.at[idxb], add=True)

        start(0, idx0, rb0, si0, sm0)

        def body(j2, carry):
            j = j2 * 2
            start(j + 1, idx1, rb1, si1, sm1)
            finish(j, idx0, rb0, si0, sm0)

            @pl.when(j + 2 < nf)
            def _():
                start(j + 2, idx0, rb0, si0, sm0)

            finish(j + 1, idx1, rb1, si1, sm1)
            return carry

        lax.fori_loop(0, nf // 2, body, 0)
        if cw % 2:
            finish(nf - 1, idx0, rb0, si0, sm0)
        plsc.subcore_barrier()

        def cp_out(j, carry):
            off = r0 + j * 40
            pltpu.sync_copy(accsh.at[pl.ds(off, 40)], out_hbm.at[c, pl.ds(off, 40)])
            return carry

        lax.fori_loop(0, ncp, cp_out, 0)

    return k(m, ei, init)


def _node_stats_body(xd_ref, i0_ref, i1_ref, v_ref, wn1_ref, bn1_ref,
                     st_ref, acc):
    i = pl.program_id(0)
    z0 = v_ref[...] * xd_ref[...] + i0_ref[0] + i1_ref[0]
    n1 = _lrelu(jnp.dot(z0, wn1_ref[...], preferred_element_type=F32) + bn1_ref[...])

    @pl.when(i == 0)
    def _():
        acc[...] = jnp.zeros_like(acc)

    acc[0:1, :] += jnp.sum(n1, axis=0, keepdims=True)
    acc[1:2, :] += jnp.sum(n1 * n1, axis=0, keepdims=True)

    @pl.when(i == pl.num_programs(0) - 1)
    def _():
        st_ref[...] = acc[...]


def _node_apply_body(xd_ref, i0_ref, i1_ref, x_ref, v_ref, wn1_ref,
                     bn1_ref, wn2_ref, bn2_ref, z_ref):
    z0 = v_ref[...] * xd_ref[...] + i0_ref[0] + i1_ref[0]
    n1 = _lrelu(jnp.dot(z0, wn1_ref[...], preferred_element_type=F32) + bn1_ref[...])
    z_ref[...] = (jnp.dot(n1, wn2_ref[...], preferred_element_type=F32)
                  + bn2_ref[...] + x_ref[...])


def _node_stats(xd, inc, v, wn1, bn1, nblk):
    n = xd.shape[0]
    grid = (n // nblk,)
    blk = lambda shape: pl.BlockSpec(shape, lambda i: (0,) * len(shape))
    nodeb = pl.BlockSpec((nblk, H), lambda i: (i, 0))
    inc0 = pl.BlockSpec((1, nblk, H), lambda i: (0, i, 0))
    inc1 = pl.BlockSpec((1, nblk, H), lambda i: (1, i, 0))
    return pl.pallas_call(
        _node_stats_body,
        grid=grid,
        in_specs=[nodeb, inc0, inc1, blk((1, H)), blk((H, H)), blk((1, H))],
        out_specs=pl.BlockSpec((8, H), lambda i: (0, 0)),
        out_shape=jax.ShapeDtypeStruct((8, H), F32),
        scratch_shapes=[pltpu.VMEM((8, H), F32)],
    )(xd, inc, inc, v, wn1, bn1)


def _node_apply(xd, inc, x, v, wn1, bn1, wn2eff, bn2eff, nblk):
    n = x.shape[0]
    grid = (n // nblk,)
    blk = lambda shape: pl.BlockSpec(shape, lambda i: (0,) * len(shape))
    nodeb = pl.BlockSpec((nblk, H), lambda i: (i, 0))
    inc0 = pl.BlockSpec((1, nblk, H), lambda i: (0, i, 0))
    inc1 = pl.BlockSpec((1, nblk, H), lambda i: (1, i, 0))
    return pl.pallas_call(
        _node_apply_body,
        grid=grid,
        in_specs=[nodeb, inc0, inc1, nodeb, blk((1, H)), blk((H, H)),
                  blk((1, H)), blk((H, H)), blk((1, H))],
        out_specs=nodeb,
        out_shape=jax.ShapeDtypeStruct((n, H), F32),
    )(xd, inc, inc, x, v, wn1, bn1, wn2eff, bn2eff)


def kernel(x, edge_attr, edge_index, Wb, bb, w_e1, b_e1, g_e1, bt_e1,
           w_e2, b_e2, g_e2, bt_e2, w_e3, b_e3, w_d, b_d, v,
           w_n1, b_n1, g_n1, bt_n1, w_n2, b_n2):
    n = x.shape[0]
    e = edge_attr.shape[0]

    w1a = w_e1[0:H]
    wmid = w_e1[H:2 * H]
    w1c = w_e1[2 * H:3 * H]

    row = lambda b: b.reshape(1, -1)

    rmat = jnp.repeat(jnp.eye(4, dtype=F32) * NSTEP, NSTEP, axis=1)
    cf = (jnp.tile(jnp.linspace(0.0, 1.0, NSTEP), 4) * NSTEP).astype(F32).reshape(1, -1)

    tsrc, u3, xd = _prep(x, w1a, w1c, w_d, row(b_d), nblk=2000)

    eat = edge_attr.T
    one18 = jnp.zeros((1, 8), F32).at[0, 0].set(1.0)

    eb = 3200
    bounds = [0, e // 2, e]
    parts = [(bounds[i], bounds[i + 1] - bounds[i]) for i in range(len(bounds) - 1)]
    wbb = Wb.astype(BF16)
    wmidb = wmid.astype(BF16)

    gres = [_sc_gather(tsrc, u3, edge_index, e0, sz) for e0, sz in parts]
    p1 = [_pass1(eat, gs_, gd_, rmat, cf, wbb, row(bb), wmidb, row(b_e1),
                 eb, e0 // eb)
          for (e0, sz), (gs_, gd_) in zip(parts, gres)]
    st1 = sum(st_ for _, st_ in p1)
    w2eff, b2eff = _bn_fold(st1, e, g_e1, bt_e1, w_e2, b_e2)
    w2b = w2eff.astype(BF16)
    st2 = sum(_stats2(h1_, w2b, b2eff, eb) for h1_, _ in p1)
    w3eff, b3eff = _bn_fold(st2, e, g_e2, bt_e2, w_e3, b_e3)
    w3b = w3eff.astype(BF16)
    ms = [_msgs(h1_, gs_, eat, one18, w2b, b2eff, w3b, b3eff, eb, e0 // eb)
          for (e0, sz), (h1_, _), (gs_, _) in zip(parts, p1, gres)]

    inc = jnp.zeros((SC_CORES, n, H), F32)
    for (e0, sz), m_ in zip(parts, ms):
        inc = _sc_scatter(m_, edge_index, inc, e0)

    stn = _node_stats(xd, inc, v, w_n1, row(b_n1), nblk=2000)
    wn2eff, bn2eff = _bn_fold(stn, n, g_n1, bt_n1, w_n2, b_n2)
    return _node_apply(xd, inc, x, v, w_n1, row(b_n1), wn2eff, bn2eff,
                       nblk=2000)

# --- scband reference (transcript-rebuilt; emitter-appended) ---
"""Pipeline reference for scband-gnnlayer-10531259810483 (READ-ONLY COPY).

The authoritative reference and input builder live on the scoring server;
editing this copy changes nothing except your own understanding.
"""

import jax, jax.numpy as jnp
import numpy as np

HIDDEN = 128
NUM_STEPS = 50
N_NODES = 10000
N_EDGES = 320000

def leaky_relu(x):
    return jnp.where(x >= 0, x, 0.01 * x)

def batchnorm(x, gamma, beta, eps=1e-5):
    mean = jnp.mean(x, axis=0, keepdims=True)
    var = jnp.var(x, axis=0, keepdims=True)
    return gamma * (x - mean) / jnp.sqrt(var + eps) + beta

def gaussian_expand(edge_attr, num_steps):
    centers = jnp.linspace(0.0, 1.0, num_steps)
    diff = edge_attr[:, :, None] - centers[None, None, :]
    out = jnp.exp(-(diff * num_steps) ** 2)
    return out.reshape(edge_attr.shape[0], -1)

def _linear(key, fan_in, fan_out):
    k1, k2 = jax.random.split(key)
    bound = 1.0 / np.sqrt(fan_in)
    W = jax.random.uniform(k1, (fan_in, fan_out), minval=-bound, maxval=bound, dtype=jnp.float32)
    b = jax.random.uniform(k2, (fan_out,), minval=-bound, maxval=bound, dtype=jnp.float32)
    return W, b

def setup_inputs(seed: int = 0):
    key = jax.random.key(seed)
    ks = jax.random.split(key, 12)
    x = jax.random.normal(ks[0], (N_NODES, HIDDEN), dtype=jnp.float32)
    edge_attr = jax.random.uniform(ks[1], (N_EDGES, 4), dtype=jnp.float32)
    edge_index = jax.random.randint(ks[2], (2, N_EDGES), 0, N_NODES)
    Wb, bb = _linear(ks[3], 4 * NUM_STEPS, HIDDEN)
    w_e1, b_e1 = _linear(ks[4], 3 * HIDDEN, HIDDEN)
    w_e2, b_e2 = _linear(ks[5], HIDDEN, HIDDEN)
    w_e3, b_e3 = _linear(ks[6], HIDDEN, HIDDEN)
    w_d, b_d = _linear(ks[7], HIDDEN, HIDDEN)
    w_n1, b_n1 = _linear(ks[8], HIDDEN, HIDDEN)
    w_n2, b_n2 = _linear(ks[9], HIDDEN, HIDDEN)
    return {
        'x': x, 'edge_attr': edge_attr, 'edge_index': edge_index,
        'Wb': Wb, 'bb': bb,
        'w_e1': w_e1, 'b_e1': b_e1, 'g_e1': jnp.ones((HIDDEN,), jnp.float32), 'bt_e1': jnp.zeros((HIDDEN,), jnp.float32),
        'w_e2': w_e2, 'b_e2': b_e2, 'g_e2': jnp.ones((HIDDEN,), jnp.float32), 'bt_e2': jnp.zeros((HIDDEN,), jnp.float32),
        'w_e3': w_e3, 'b_e3': b_e3,
        'w_d': w_d, 'b_d': b_d, 'v': jnp.ones((1, HIDDEN), jnp.float32),
        'w_n1': w_n1, 'b_n1': b_n1, 'g_n1': jnp.ones((HIDDEN,), jnp.float32), 'bt_n1': jnp.zeros((HIDDEN,), jnp.float32),
        'w_n2': w_n2, 'b_n2': b_n2,
    }

def reference(x, edge_attr, edge_index, Wb, bb, w_e1, b_e1, g_e1, bt_e1, w_e2, b_e2, g_e2, bt_e2, w_e3, b_e3, w_d, b_d, v, w_n1, b_n1, g_n1, bt_n1, w_n2, b_n2):
    src = edge_index[0]
    dst = edge_index[1]
    gaussian_transformed = leaky_relu(gaussian_expand(edge_attr, NUM_STEPS) @ Wb + bb)
    coefficient = jnp.cos(np.pi / 2 * edge_attr[:, 3])[:, None]
    h = jnp.concatenate([x[src], gaussian_transformed, x[dst]], axis=1)
    h = h @ w_e1 + b_e1
    h = batchnorm(leaky_relu(h), g_e1, bt_e1)
    h = h @ w_e2 + b_e2
    h = batchnorm(leaky_relu(h), g_e2, bt_e2)
    h = h @ w_e3 + b_e3
    cond_filter = coefficient * h
    m_st = cond_filter * (x[src] @ w_d + b_d)
    m_t = v * (x @ w_d + b_d)
    incoming_message = jax.ops.segment_sum(m_st, dst, num_segments=x.shape[0])
    z = m_t + incoming_message
    z = z @ w_n1 + b_n1
    z = batchnorm(leaky_relu(z), g_n1, bt_n1)
    z = z @ w_n2 + b_n2
    return z + x

if __name__ == "__main__":
    import jax
    _d = setup_inputs()
    print(jax.jit(kernel)(*tuple(_d.values())))

</pallas_src>

<mosaic_0001>
#map = affine_map<(d0, d1) -> (0, 0)>
module attributes {stable_mosaic.version = 14 : i64} {
  func.func @k(%arg0: i32, %arg1: i32, %arg2: memref<10000x128xi32, #tpu.memory_space<hbm>>, %arg3: memref<10000x128xf32, #tpu.memory_space<hbm>>, %arg4: memref<2x320000xi32, #tpu.memory_space<hbm>>, %arg5: memref<160000x128xi32, #tpu.memory_space<hbm>>, %arg6: memref<160000x128xf32, #tpu.memory_space<hbm>>, %arg7: memref<5248xi32, #tpu.memory_space<vmem>>, %arg8: memref<5248xi32, #tpu.memory_space<vmem>>, %arg9: memref<128x128xi32, #tpu.memory_space<vmem>>, %arg10: memref<128x128xi32, #tpu.memory_space<vmem>>, %arg11: memref<128x128xf32, #tpu.memory_space<vmem>>, %arg12: memref<128x128xf32, #tpu.memory_space<vmem>>, %arg13: memref<!tpu.dma_semaphore, #tpu.memory_space<semaphore_mem>>, %arg14: memref<!tpu.dma_semaphore, #tpu.memory_space<semaphore_mem>>, %arg15: memref<!tpu.dma_semaphore, #tpu.memory_space<semaphore_mem>>, %arg16: memref<!tpu.dma_semaphore, #tpu.memory_space<semaphore_mem>>) attributes {dimension_semantics = [#tpu.dimension_semantics<core_parallel>, #tpu.dimension_semantics<subcore_parallel>], iteration_bounds = array<i64: 2, 16>, scalar_prefetch = 0 : i64, scratch_operands = 10 : i64, tpu.core_type = #tpu.core_type<sc_vector_subcore>, window_params = [{transform_indices = #map}, {transform_indices = #map}, {transform_indices = #map}, {transform_indices = #map}, {transform_indices = #map}]} {
    %mul3A = arith.constant 2 : i32
    %mul3A_0 = arith.muli %arg1, %mul3A : i32
    %add3A = arith.addi %mul3A_0, %arg0 : i32
    %mul3A_1 = arith.constant 39 : i32
    %mul3A_2 = arith.muli %add3A, %mul3A_1 : i32
    %mul3A_3 = arith.constant 128 : i32
    %mul3A_4 = arith.muli %mul3A_2, %mul3A_3 : i32
    %eq3A = arith.constant 31 : i32
    %eq3A_5 = arith.cmpi eq, %add3A, %eq3A : i32
    %jit3A = arith.constant 2 : i32
    %jit3A_6 = arith.constant 0 : i32
    %select_n3A = arith.select %eq3A_5, %jit3A, %jit3A_6 : i32
    %add3A_7 = arith.constant 39 : i32
    %add3A_8 = arith.addi %add3A_7, %select_n3A : i32
    %add3A_9 = arith.constant 0 : i32
    %add3A_10 = arith.addi %add3A_9, %mul3A_4 : i32
    %run_scoped3A = arith.constant 0 : i32
    "tpu.region"() ({
      %run_scoped3A_69 = tpu.sem_alloc : memref<!tpu.dma_semaphore, #tpu.memory_space<semaphore_mem>>
      %dma_start3A_70 = tpu.memref_slice %arg4[%run_scoped3A, %add3A_10] : memref<2x320000xi32, #tpu.memory_space<hbm>> -> memref<1x5248xi32, #tpu.memory_space<hbm>>
      %dma_start3A_71 = tpu.memref_squeeze %dma_start3A_70 : memref<1x5248xi32, #tpu.memory_space<hbm>> -> memref<5248xi32, #tpu.memory_space<hbm>>
      %dma_start3A_72 = tpu.memref_slice %arg4[%run_scoped3A, %add3A_10] : memref<2x320000xi32, #tpu.memory_space<hbm>> -> memref<1x5248xi32, #tpu.memory_space<hbm>>
      %dma_start3A_73 = tpu.memref_squeeze %dma_start3A_72 : memref<1x5248xi32, #tpu.memory_space<hbm>> -> memref<5248xi32, #tpu.memory_space<hbm>>
      tpu.enqueue_dma source(%dma_start3A_73 : memref<5248xi32, #tpu.memory_space<hbm>>) target(%arg7 : memref<5248xi32, #tpu.memory_space<vmem>>) target_semaphore(%run_scoped3A_69 : memref<!tpu.dma_semaphore, #tpu.memory_space<semaphore_mem>>)
      %dma_wait3A_74 = tpu.memref_slice %arg4[%run_scoped3A, %add3A_10] : memref<2x320000xi32, #tpu.memory_space<hbm>> -> memref<1x5248xi32, #tpu.memory_space<hbm>>
      %dma_wait3A_75 = tpu.memref_squeeze %dma_wait3A_74 : memref<1x5248xi32, #tpu.memory_space<hbm>> -> memref<5248xi32, #tpu.memory_space<hbm>>
      %dma_wait3A_76 = tpu.memref_slice %arg4[%run_scoped3A, %add3A_10] : memref<2x320000xi32, #tpu.memory_space<hbm>> -> memref<1x5248xi32, #tpu.memory_space<hbm>>
      %dma_wait3A_77 = tpu.memref_squeeze %dma_wait3A_76 : memref<1x5248xi32, #tpu.memory_space<hbm>> -> memref<5248xi32, #tpu.memory_space<hbm>>
      tpu.wait_dma2 semaphore(%run_scoped3A_69 : memref<!tpu.dma_semaphore, #tpu.memory_space<semaphore_mem>>) src(%dma_wait3A_77 : memref<5248xi32, #tpu.memory_space<hbm>>) dst(%arg7 : memref<5248xi32, #tpu.memory_space<vmem>>)
      tpu.yield
    }) : () -> ()
    %add3A_11 = arith.constant 0 : i32
    %add3A_12 = arith.addi %add3A_11, %mul3A_4 : i32
    %run_scoped3A_13 = arith.constant 1 : i32
    "tpu.region"() ({
      %run_scoped3A_69 = tpu.sem_alloc : memref<!tpu.dma_semaphore, #tpu.memory_space<semaphore_mem>>
      %dma_start3A_70 = tpu.memref_slice %arg4[%run_scoped3A_13, %add3A_12] : memref<2x320000xi32, #tpu.memory_space<hbm>> -> memref<1x5248xi32, #tpu.memory_space<hbm>>
      %dma_start3A_71 = tpu.memref_squeeze %dma_start3A_70 : memref<1x5248xi32, #tpu.memory_space<hbm>> -> memref<5248xi32, #tpu.memory_space<hbm>>
      %dma_start3A_72 = tpu.memref_slice %arg4[%run_scoped3A_13, %add3A_12] : memref<2x320000xi32, #tpu.memory_space<hbm>> -> memref<1x5248xi32, #tpu.memory_space<hbm>>
      %dma_start3A_73 = tpu.memref_squeeze %dma_start3A_72 : memref<1x5248xi32, #tpu.memory_space<hbm>> -> memref<5248xi32, #tpu.memory_space<hbm>>
      tpu.enqueue_dma source(%dma_start3A_73 : memref<5248xi32, #tpu.memory_space<hbm>>) target(%arg8 : memref<5248xi32, #tpu.memory_space<vmem>>) target_semaphore(%run_scoped3A_69 : memref<!tpu.dma_semaphore, #tpu.memory_space<semaphore_mem>>)
      %dma_wait3A_74 = tpu.memref_slice %arg4[%run_scoped3A_13, %add3A_12] : memref<2x320000xi32, #tpu.memory_space<hbm>> -> memref<1x5248xi32, #tpu.memory_space<hbm>>
      %dma_wait3A_75 = tpu.memref_squeeze %dma_wait3A_74 : memref<1x5248xi32, #tpu.memory_space<hbm>> -> memref<5248xi32, #tpu.memory_space<hbm>>
      %dma_wait3A_76 = tpu.memref_slice %arg4[%run_scoped3A_13, %add3A_12] : memref<2x320000xi32, #tpu.memory_space<hbm>> -> memref<1x5248xi32, #tpu.memory_space<hbm>>
      %dma_wait3A_77 = tpu.memref_squeeze %dma_wait3A_76 : memref<1x5248xi32, #tpu.memory_space<hbm>> -> memref<5248xi32, #tpu.memory_space<hbm>>
      tpu.wait_dma2 semaphore(%run_scoped3A_69 : memref<!tpu.dma_semaphore, #tpu.memory_space<semaphore_mem>>) src(%dma_wait3A_77 : memref<5248xi32, #tpu.memory_space<hbm>>) dst(%arg8 : memref<5248xi32, #tpu.memory_space<vmem>>)
      tpu.yield
    }) : () -> ()
    %dma_start3A = arith.constant 0 : i32
    %dma_start3A_14 = tpu.memref_slice %arg7[%dma_start3A] : memref<5248xi32, #tpu.memory_space<vmem>> -> memref<128xi32, #tpu.memory_space<vmem>>
    %dma_start3A_15 = arith.constant 0 : i32
    %dma_start3A_16 = arith.constant 0 : i32
    %dma_start3A_17 = tpu.memref_slice %arg2[%dma_start3A_15, %dma_start3A_16] : memref<10000x128xi32, #tpu.memory_space<hbm>> -> memref<10000x128xi32, #tpu.memory_space<hbm>>
    tpu.enqueue_indirect_dma source(%dma_start3A_17 : memref<10000x128xi32, #tpu.memory_space<hbm>>) target(%arg9 : memref<128x128xi32, #tpu.memory_space<vmem>>) offsets(%dma_start3A_14 : memref<128xi32, #tpu.memory_space<vmem>>) semaphore(%arg13 : memref<!tpu.dma_semaphore, #tpu.memory_space<semaphore_mem>>)
    %dma_start3A_18 = arith.constant 0 : i32
    %dma_start3A_19 = tpu.memref_slice %arg8[%dma_start3A_18] : memref<5248xi32, #tpu.memory_space<vmem>> -> memref<128xi32, #tpu.memory_space<vmem>>
    %dma_start3A_20 = arith.constant 0 : i32
    %dma_start3A_21 = arith.constant 0 : i32
    %dma_start3A_22 = tpu.memref_slice %arg3[%dma_start3A_20, %dma_start3A_21] : memref<10000x128xf32, #tpu.memory_space<hbm>> -> memref<10000x128xf32, #tpu.memory_space<hbm>>
    tpu.enqueue_indirect_dma source(%dma_start3A_22 : memref<10000x128xf32, #tpu.memory_space<hbm>>) target(%arg11 : memref<128x128xf32, #tpu.memory_space<vmem>>) offsets(%dma_start3A_19 : memref<128xi32, #tpu.memory_space<vmem>>) semaphore(%arg15 : memref<!tpu.dma_semaphore, #tpu.memory_space<semaphore_mem>>)
    %jit3A_23 = arith.constant 2 : i32
    %div3A = arith.divsi %add3A_8, %jit3A_23 : i32
    %sign3A = arith.constant 0 : i32
    %sign3A_24 = arith.cmpi sgt, %add3A_8, %sign3A : i32
    %sign3A_25 = arith.extui %sign3A_24 : i1 to i32
    %sign3A_26 = arith.constant 0 : i32
    %sign3A_27 = arith.cmpi slt, %add3A_8, %sign3A_26 : i32
    %sign3A_28 = arith.extui %sign3A_27 : i1 to i32
    %sign3A_29 = arith.subi %sign3A_25, %sign3A_28 : i32
    %sign3A_30 = arith.constant 0 : i32
    %sign3A_31 = arith.cmpi sgt, %jit3A_23, %sign3A_30 : i32
    %sign3A_32 = arith.extui %sign3A_31 : i1 to i32
    %sign3A_33 = arith.constant 0 : i32
    %sign3A_34 = arith.cmpi slt, %jit3A_23, %sign3A_33 : i32
    %sign3A_35 = arith.extui %sign3A_34 : i1 to i32
    %sign3A_36 = arith.subi %sign3A_32, %sign3A_35 : i32
    %ne3A = arith.cmpi ne, %sign3A_29, %sign3A_36 : i32
    %rem3A = arith.remsi %add3A_8, %jit3A_23 : i32
    %ne3A_37 = arith.constant 0 : i32
    %ne3A_38 = arith.cmpi ne, %rem3A, %ne3A_37 : i32
    %and3A = arith.andi %ne3A, %ne3A_38 : i1
    %sub3A = arith.constant 1 : i32
    %sub3A_39 = arith.subi %div3A, %sub3A : i32
    %select_n3A_40 = arith.select %and3A, %sub3A_39, %div3A : i32
    %while3A = arith.constant 0 : i32
    %while3A_41 = arith.constant 0 : i32
    %while3A_42 = arith.subi %select_n3A_40, %while3A_41 : i32
    %while3A_43 = arith.addi %while3A_41, %while3A_42 : i32
    %while3A_44 = arith.constant 1 : i32
    %while3A_45 = arith.divsi %while3A_42, %while3A_44 : i32
    %while3A_46 = arith.muli %while3A_45, %while3A_44 : i32
    %while3A_47 = arith.addi %while3A_41, %while3A_46 : i32
    %while3A_48 = arith.constant 1 : i32
    scf.for %while3A_69 = %while3A_41 to %while3A_47 step %while3A_48  : i32 {
      %mul3A_70 = arith.constant 2 : i32
      %mul3A_71 = arith.muli %while3A_69, %mul3A_70 : i32
      %add3A_72 = arith.constant 1 : i32
      %add3A_73 = arith.addi %mul3A_71, %add3A_72 : i32
      %mul3A_74 = arith.constant 128 : i32
      %mul3A_75 = arith.muli %add3A_73, %mul3A_74 : i32
      %dma_start3A_76 = tpu.memref_slice %arg7[%mul3A_75] : memref<5248xi32, #tpu.memory_space<vmem>> -> memref<128xi32, #tpu.memory_space<vmem>>
      %dma_start3A_77 = arith.constant 0 : i32
      %dma_start3A_78 = arith.constant 0 : i32
      %dma_start3A_79 = tpu.memref_slice %arg2[%dma_start3A_77, %dma_start3A_78] : memref<10000x128xi32, #tpu.memory_space<hbm>> -> memref<10000x128xi32, #tpu.memory_space<hbm>>
      tpu.enqueue_indirect_dma source(%dma_start3A_79 : memref<10000x128xi32, #tpu.memory_space<hbm>>) target(%arg10 : memref<128x128xi32, #tpu.memory_space<vmem>>) offsets(%dma_start3A_76 : memref<128xi32, #tpu.memory_space<vmem>>) semaphore(%arg14 : memref<!tpu.dma_semaphore, #tpu.memory_space<semaphore_mem>>)
      %mul3A_80 = arith.constant 128 : i32
      %mul3A_81 = arith.muli %add3A_73, %mul3A_80 : i32
      %dma_start3A_82 = tpu.memref_slice %arg8[%mul3A_81] : memref<5248xi32, #tpu.memory_space<vmem>> -> memref<128xi32, #tpu.memory_space<vmem>>
      %dma_start3A_83 = arith.constant 0 : i32
      %dma_start3A_84 = arith.constant 0 : i32
      %dma_start3A_85 = tpu.memref_slice %arg3[%dma_start3A_83, %dma_start3A_84] : memref<10000x128xf32, #tpu.memory_space<hbm>> -> memref<10000x128xf32, #tpu.memory_space<hbm>>
      tpu.enqueue_indirect_dma source(%dma_start3A_85 : memref<10000x128xf32, #tpu.memory_space<hbm>>) target(%arg12 : memref<128x128xf32, #tpu.memory_space<vmem>>) offsets(%dma_start3A_82 : memref<128xi32, #tpu.memory_space<vmem>>) semaphore(%arg16 : memref<!tpu.dma_semaphore, #tpu.memory_space<semaphore_mem>>)
      %mul3A_86 = arith.constant 128 : i32
      %mul3A_87 = arith.muli %mul3A_71, %mul3A_86 : i32
      %dma_wait3A_88 = tpu.memref_slice %arg7[%mul3A_87] : memref<5248xi32, #tpu.memory_space<vmem>> -> memref<128xi32, #tpu.memory_space<vmem>>
      %dma_wait3A_89 = arith.constant 0 : i32
      %dma_wait3A_90 = arith.constant 0 : i32
      %dma_wait3A_91 = tpu.memref_slice %arg2[%dma_wait3A_89, %dma_wait3A_90] : memref<10000x128xi32, #tpu.memory_space<hbm>> -> memref<10000x128xi32, #tpu.memory_space<hbm>>
      tpu.wait_indirect_dma semaphore(%arg13 : memref<!tpu.dma_semaphore, #tpu.memory_space<semaphore_mem>>) src(%dma_wait3A_91 : memref<10000x128xi32, #tpu.memory_space<hbm>>) dst(%arg9 : memref<128x128xi32, #tpu.memory_space<vmem>>)
      %mul3A_92 = arith.constant 128 : i32
      %mul3A_93 = arith.muli %mul3A_71, %mul3A_92 : i32
      %dma_wait3A_94 = tpu.memref_slice %arg8[%mul3A_93] : memref<5248xi32, #tpu.memory_space<vmem>> -> memref<128xi32, #tpu.memory_space<vmem>>
      %dma_wait3A_95 = arith.constant 0 : i32
      %dma_wait3A_96 = arith.constant 0 : i32
      %dma_wait3A_97 = tpu.memref_slice %arg3[%dma_wait3A_95, %dma_wait3A_96] : memref<10000x128xf32, #tpu.memory_space<hbm>> -> memref<10000x128xf32, #tpu.memory_space<hbm>>
      tpu.wait_indirect_dma semaphore(%arg15 : memref<!tpu.dma_semaphore, #tpu.memory_space<semaphore_mem>>) src(%dma_wait3A_97 : memref<10000x128xf32, #tpu.memory_space<hbm>>) dst(%arg11 : memref<128x128xf32, #tpu.memory_space<vmem>>)
      %mul3A_98 = arith.constant 128 : i32
      %mul3A_99 = arith.muli %mul3A_71, %mul3A_98 : i32
      %add3A_100 = arith.addi %mul3A_4, %mul3A_99 : i32
      "tpu.region"() ({
        %run_scoped3A_127 = tpu.sem_alloc : memref<!tpu.dma_semaphore, #tpu.memory_space<semaphore_mem>>
        %dma_start3A_128 = arith.constant 0 : i32
        %dma_start3A_129 = tpu.memref_slice %arg5[%add3A_100, %dma_start3A_128] : memref<160000x128xi32, #tpu.memory_space<hbm>> -> memref<128x128xi32, #tpu.memory_space<hbm>>
        %dma_start3A_130 = arith.constant 0 : i32
        %dma_start3A_131 = tpu.memref_slice %arg5[%add3A_100, %dma_start3A_130] : memref<160000x128xi32, #tpu.memory_space<hbm>> -> memref<128x128xi32, #tpu.memory_space<hbm>>
        tpu.enqueue_dma source(%arg9 : memref<128x128xi32, #tpu.memory_space<vmem>>) target(%dma_start3A_131 : memref<128x128xi32, #tpu.memory_space<hbm>>) target_semaphore(%run_scoped3A_127 : memref<!tpu.dma_semaphore, #tpu.memory_space<semaphore_mem>>)
        %dma_wait3A_132 = arith.constant 0 : i32
        %dma_wait3A_133 = tpu.memref_slice %arg5[%add3A_100, %dma_wait3A_132] : memref<160000x128xi32, #tpu.memory_space<hbm>> -> memref<128x128xi32, #tpu.memory_space<hbm>>
        %dma_wait3A_134 = arith.constant 0 : i32
        %dma_wait3A_135 = tpu.memref_slice %arg5[%add3A_100, %dma_wait3A_134] : memref<160000x128xi32, #tpu.memory_space<hbm>> -> memref<128x128xi32, #tpu.memory_space<hbm>>
        tpu.wait_dma2 semaphore(%run_scoped3A_127 : memref<!tpu.dma_semaphore, #tpu.memory_space<semaphore_mem>>) src(%arg9 : memref<128x128xi32, #tpu.memory_space<vmem>>) dst(%dma_wait3A_135 : memref<128x128xi32, #tpu.memory_space<hbm>>)
        tpu.yield
      }) : () -> ()
      %mul3A_101 = arith.constant 128 : i32
      %mul3A_102 = arith.muli %mul3A_71, %mul3A_101 : i32
      %add3A_103 = arith.addi %mul3A_4, %mul3A_102 : i32
      "tpu.region"() ({
        %run_scoped3A_127 = tpu.sem_alloc : memref<!tpu.dma_semaphore, #tpu.memory_space<semaphore_mem>>
        %dma_start3A_128 = arith.constant 0 : i32
        %dma_start3A_129 = tpu.memref_slice %arg6[%add3A_103, %dma_start3A_128] : memref<160000x128xf32, #tpu.memory_space<hbm>> -> memref<128x128xf32, #tpu.memory_space<hbm>>
        %dma_start3A_130 = arith.constant 0 : i32
        %dma_start3A_131 = tpu.memref_slice %arg6[%add3A_103, %dma_start3A_130] : memref<160000x128xf32, #tpu.memory_space<hbm>> -> memref<128x128xf32, #tpu.memory_space<hbm>>
        tpu.enqueue_dma source(%arg11 : memref<128x128xf32, #tpu.memory_space<vmem>>) target(%dma_start3A_131 : memref<128x128xf32, #tpu.memory_space<hbm>>) target_semaphore(%run_scoped3A_127 : memref<!tpu.dma_semaphore, #tpu.memory_space<semaphore_mem>>)
        %dma_wait3A_132 = arith.constant 0 : i32
        %dma_wait3A_133 = tpu.memref_slice %arg6[%add3A_103, %dma_wait3A_132] : memref<160000x128xf32, #tpu.memory_space<hbm>> -> memref<128x128xf32, #tpu.memory_space<hbm>>
        %dma_wait3A_134 = arith.constant 0 : i32
        %dma_wait3A_135 = tpu.memref_slice %arg6[%add3A_103, %dma_wait3A_134] : memref<160000x128xf32, #tpu.memory_space<hbm>> -> memref<128x128xf32, #tpu.memory_space<hbm>>
        tpu.wait_dma2 semaphore(%run_scoped3A_127 : memref<!tpu.dma_semaphore, #tpu.memory_space<semaphore_mem>>) src(%arg11 : memref<128x128xf32, #tpu.memory_space<vmem>>) dst(%dma_wait3A_135 : memref<128x128xf32, #tpu.memory_space<hbm>>)
        tpu.yield
      }) : () -> ()
      %add3A_104 = arith.constant 2 : i32
      %add3A_105 = arith.addi %mul3A_71, %add3A_104 : i32
      %lt3A = arith.cmpi slt, %add3A_105, %add3A_8 : i32
      %convert_element_type3A = arith.extui %lt3A : i1 to i32
      %cond3A = arith.constant 0 : i32
      %cond3A_106 = arith.cmpi ne, %convert_element_type3A, %cond3A : i32
      scf.if %cond3A_106 {
        %add3A_127 = arith.constant 2 : i32
        %add3A_128 = arith.addi %mul3A_71, %add3A_127 : i32
        %mul3A_129 = arith.constant 128 : i32
        %mul3A_130 = arith.muli %add3A_128, %mul3A_129 : i32
        %dma_start3A_131 = tpu.memref_slice %arg7[%mul3A_130] : memref<5248xi32, #tpu.memory_space<vmem>> -> memref<128xi32, #tpu.memory_space<vmem>>
        %dma_start3A_132 = arith.constant 0 : i32
        %dma_start3A_133 = arith.constant 0 : i32
        %dma_start3A_134 = tpu.memref_slice %arg2[%dma_start3A_132, %dma_start3A_133] : memref<10000x128xi32, #tpu.memory_space<hbm>> -> memref<10000x128xi32, #tpu.memory_space<hbm>>
        tpu.enqueue_indirect_dma source(%dma_start3A_134 : memref<10000x128xi32, #tpu.memory_space<hbm>>) target(%arg9 : memref<128x128xi32, #tpu.memory_space<vmem>>) offsets(%dma_start3A_131 : memref<128xi32, #tpu.memory_space<vmem>>) semaphore(%arg13 : memref<!tpu.dma_semaphore, #tpu.memory_space<semaphore_mem>>)
        %mul3A_135 = arith.constant 128 : i32
        %mul3A_136 = arith.muli %add3A_128, %mul3A_135 : i32
        %dma_start3A_137 = tpu.memref_slice %arg8[%mul3A_136] : memref<5248xi32, #tpu.memory_space<vmem>> -> memref<128xi32, #tpu.memory_space<vmem>>
        %dma_start3A_138 = arith.constant 0 : i32
        %dma_start3A_139 = arith.constant 0 : i32
        %dma_start3A_140 = tpu.memref_slice %arg3[%dma_start3A_138, %dma_start3A_139] : memref<10000x128xf32, #tpu.memory_space<hbm>> -> memref<10000x128xf32, #tpu.memory_space<hbm>>
        tpu.enqueue_indirect_dma source(%dma_start3A_140 : memref<10000x128xf32, #tpu.memory_space<hbm>>) target(%arg11 : memref<128x128xf32, #tpu.memory_space<vmem>>) offsets(%dma_start3A_137 : memref<128xi32, #tpu.memory_space<vmem>>) semaphore(%arg15 : memref<!tpu.dma_semaphore, #tpu.memory_space<semaphore_mem>>)
      } else {
      }
      %add3A_107 = arith.constant 1 : i32
      %add3A_108 = arith.addi %mul3A_71, %add3A_107 : i32
      %mul3A_109 = arith.constant 128 : i32
      %mul3A_110 = arith.muli %add3A_108, %mul3A_109 : i32
      %dma_wait3A_111 = tpu.memref_slice %arg7[%mul3A_110] : memref<5248xi32, #tpu.memory_space<vmem>> -> memref<128xi32, #tpu.memory_space<vmem>>
      %dma_wait3A_112 = arith.constant 0 : i32
      %dma_wait3A_113 = arith.constant 0 : i32
      %dma_wait3A_114 = tpu.memref_slice %arg2[%dma_wait3A_112, %dma_wait3A_113] : memref<10000x128xi32, #tpu.memory_space<hbm>> -> memref<10000x128xi32, #tpu.memory_space<hbm>>
      tpu.wait_indirect_dma semaphore(%arg14 : memref<!tpu.dma_semaphore, #tpu.memory_space<semaphore_mem>>) src(%dma_wait3A_114 : memref<10000x128xi32, #tpu.memory_space<hbm>>) dst(%arg10 : memref<128x128xi32, #tpu.memory_space<vmem>>)
      %mul3A_115 = arith.constant 128 : i32
      %mul3A_116 = arith.muli %add3A_108, %mul3A_115 : i32
      %dma_wait3A_117 = tpu.memref_slice %arg8[%mul3A_116] : memref<5248xi32, #tpu.memory_space<vmem>> -> memref<128xi32, #tpu.memory_space<vmem>>
      %dma_wait3A_118 = arith.constant 0 : i32
      %dma_wait3A_119 = arith.constant 0 : i32
      %dma_wait3A_120 = tpu.memref_slice %arg3[%dma_wait3A_118, %dma_wait3A_119] : memref<10000x128xf32, #tpu.memory_space<hbm>> -> memref<10000x128xf32, #tpu.memory_space<hbm>>
      tpu.wait_indirect_dma semaphore(%arg16 : memref<!tpu.dma_semaphore, #tpu.memory_space<semaphore_mem>>) src(%dma_wait3A_120 : memref<10000x128xf32, #tpu.memory_space<hbm>>) dst(%arg12 : memref<128x128xf32, #tpu.memory_space<vmem>>)
      %mul3A_121 = arith.constant 128 : i32
      %mul3A_122 = arith.muli %add3A_108, %mul3A_121 : i32
      %add3A_123 = arith.addi %mul3A_4, %mul3A_122 : i32
      "tpu.region"() ({
        %run_scoped3A_127 = tpu.sem_alloc : memref<!tpu.dma_semaphore, #tpu.memory_space<semaphore_mem>>
        %dma_start3A_128 = arith.constant 0 : i32
        %dma_start3A_129 = tpu.memref_slice %arg5[%add3A_123, %dma_start3A_128] : memref<160000x128xi32, #tpu.memory_space<hbm>> -> memref<128x128xi32, #tpu.memory_space<hbm>>
        %dma_start3A_130 = arith.constant 0 : i32
        %dma_start3A_131 = tpu.memref_slice %arg5[%add3A_123, %dma_start3A_130] : memref<160000x128xi32, #tpu.memory_space<hbm>> -> memref<128x128xi32, #tpu.memory_space<hbm>>
        tpu.enqueue_dma source(%arg10 : memref<128x128xi32, #tpu.memory_space<vmem>>) target(%dma_start3A_131 : memref<128x128xi32, #tpu.memory_space<hbm>>) target_semaphore(%run_scoped3A_127 : memref<!tpu.dma_semaphore, #tpu.memory_space<semaphore_mem>>)
        %dma_wait3A_132 = arith.constant 0 : i32
        %dma_wait3A_133 = tpu.memref_slice %arg5[%add3A_123, %dma_wait3A_132] : memref<160000x128xi32, #tpu.memory_space<hbm>> -> memref<128x128xi32, #tpu.memory_space<hbm>>
        %dma_wait3A_134 = arith.constant 0 : i32
        %dma_wait3A_135 = tpu.memref_slice %arg5[%add3A_123, %dma_wait3A_134] : memref<160000x128xi32, #tpu.memory_space<hbm>> -> memref<128x128xi32, #tpu.memory_space<hbm>>
        tpu.wait_dma2 semaphore(%run_scoped3A_127 : memref<!tpu.dma_semaphore, #tpu.memory_space<semaphore_mem>>) src(%arg10 : memref<128x128xi32, #tpu.memory_space<vmem>>) dst(%dma_wait3A_135 : memref<128x128xi32, #tpu.memory_space<hbm>>)
        tpu.yield
      }) : () -> ()
      %mul3A_124 = arith.constant 128 : i32
      %mul3A_125 = arith.muli %add3A_108, %mul3A_124 : i32
      %add3A_126 = arith.addi %mul3A_4, %mul3A_125 : i32
      "tpu.region"() ({
        %run_scoped3A_127 = tpu.sem_alloc : memref<!tpu.dma_semaphore, #tpu.memory_space<semaphore_mem>>
        %dma_start3A_128 = arith.constant 0 : i32
        %dma_start3A_129 = tpu.memref_slice %arg6[%add3A_126, %dma_start3A_128] : memref<160000x128xf32, #tpu.memory_space<hbm>> -> memref<128x128xf32, #tpu.memory_space<hbm>>
        %dma_start3A_130 = arith.constant 0 : i32
        %dma_start3A_131 = tpu.memref_slice %arg6[%add3A_126, %dma_start3A_130] : memref<160000x128xf32, #tpu.memory_space<hbm>> -> memref<128x128xf32, #tpu.memory_space<hbm>>
        tpu.enqueue_dma source(%arg12 : memref<128x128xf32, #tpu.memory_space<vmem>>) target(%dma_start3A_131 : memref<128x128xf32, #tpu.memory_space<hbm>>) target_semaphore(%run_scoped3A_127 : memref<!tpu.dma_semaphore, #tpu.memory_space<semaphore_mem>>)
        %dma_wait3A_132 = arith.constant 0 : i32
        %dma_wait3A_133 = tpu.memref_slice %arg6[%add3A_126, %dma_wait3A_132] : memref<160000x128xf32, #tpu.memory_space<hbm>> -> memref<128x128xf32, #tpu.memory_space<hbm>>
        %dma_wait3A_134 = arith.constant 0 : i32
        %dma_wait3A_135 = tpu.memref_slice %arg6[%add3A_126, %dma_wait3A_134] : memref<160000x128xf32, #tpu.memory_space<hbm>> -> memref<128x128xf32, #tpu.memory_space<hbm>>
        tpu.wait_dma2 semaphore(%run_scoped3A_127 : memref<!tpu.dma_semaphore, #tpu.memory_space<semaphore_mem>>) src(%arg12 : memref<128x128xf32, #tpu.memory_space<vmem>>) dst(%dma_wait3A_135 : memref<128x128xf32, #tpu.memory_space<hbm>>)
        tpu.yield
      }) : () -> ()
    }
    %while3A_49 = arith.constant 1 : i32
    scf.for %while3A_69 = %while3A_47 to %while3A_43 step %while3A_49  : i32 {
      %mul3A_70 = arith.constant 2 : i32
      %mul3A_71 = arith.muli %while3A_69, %mul3A_70 : i32
      %add3A_72 = arith.constant 1 : i32
      %add3A_73 = arith.addi %mul3A_71, %add3A_72 : i32
      %mul3A_74 = arith.constant 128 : i32
      %mul3A_75 = arith.muli %add3A_73, %mul3A_74 : i32
      %dma_start3A_76 = tpu.memref_slice %arg7[%mul3A_75] : memref<5248xi32, #tpu.memory_space<vmem>> -> memref<128xi32, #tpu.memory_space<vmem>>
      %dma_start3A_77 = arith.constant 0 : i32
      %dma_start3A_78 = arith.constant 0 : i32
      %dma_start3A_79 = tpu.memref_slice %arg2[%dma_start3A_77, %dma_start3A_78] : memref<10000x128xi32, #tpu.memory_space<hbm>> -> memref<10000x128xi32, #tpu.memory_space<hbm>>
      tpu.enqueue_indirect_dma source(%dma_start3A_79 : memref<10000x128xi32, #tpu.memory_space<hbm>>) target(%arg10 : memref<128x128xi32, #tpu.memory_space<vmem>>) offsets(%dma_start3A_76 : memref<128xi32, #tpu.memory_space<vmem>>) semaphore(%arg14 : memref<!tpu.dma_semaphore, #tpu.memory_space<semaphore_mem>>)
      %mul3A_80 = arith.constant 128 : i32
      %mul3A_81 = arith.muli %add3A_73, %mul3A_80 : i32
      %dma_start3A_82 = tpu.memref_slice %arg8[%mul3A_81] : memref<5248xi32, #tpu.memory_space<vmem>> -> memref<128xi32, #tpu.memory_space<vmem>>
      %dma_start3A_83 = arith.constant 0 : i32
      %dma_start3A_84 = arith.constant 0 : i32
      %dma_start3A_85 = tpu.memref_slice %arg3[%dma_start3A_83, %dma_start3A_84] : memref<10000x128xf32, #tpu.memory_space<hbm>> -> memref<10000x128xf32, #tpu.memory_space<hbm>>
      tpu.enqueue_indirect_dma source(%dma_start3A_85 : memref<10000x128xf32, #tpu.memory_space<hbm>>) target(%arg12 : memref<128x128xf32, #tpu.memory_space<vmem>>) offsets(%dma_start3A_82 : memref<128xi32, #tpu.memory_space<vmem>>) semaphore(%arg16 : memref<!tpu.dma_semaphore, #tpu.memory_space<semaphore_mem>>)
      %mul3A_86 = arith.constant 128 : i32
      %mul3A_87 = arith.muli %mul3A_71, %mul3A_86 : i32
      %dma_wait3A_88 = tpu.memref_slice %arg7[%mul3A_87] : memref<5248xi32, #tpu.memory_space<vmem>> -> memref<128xi32, #tpu.memory_space<vmem>>
      %dma_wait3A_89 = arith.constant 0 : i32
      %dma_wait3A_90 = arith.constant 0 : i32
      %dma_wait3A_91 = tpu.memref_slice %arg2[%dma_wait3A_89, %dma_wait3A_90] : memref<10000x128xi32, #tpu.memory_space<hbm>> -> memref<10000x128xi32, #tpu.memory_space<hbm>>
      tpu.wait_indirect_dma semaphore(%arg13 : memref<!tpu.dma_semaphore, #tpu.memory_space<semaphore_mem>>) src(%dma_wait3A_91 : memref<10000x128xi32, #tpu.memory_space<hbm>>) dst(%arg9 : memref<128x128xi32, #tpu.memory_space<vmem>>)
      %mul3A_92 = arith.constant 128 : i32
      %mul3A_93 = arith.muli %mul3A_71, %mul3A_92 : i32
      %dma_wait3A_94 = tpu.memref_slice %arg8[%mul3A_93] : memref<5248xi32, #tpu.memory_space<vmem>> -> memref<128xi32, #tpu.memory_space<vmem>>
      %dma_wait3A_95 = arith.constant 0 : i32
      %dma_wait3A_96 = arith.constant 0 : i32
      %dma_wait3A_97 = tpu.memref_slice %arg3[%dma_wait3A_95, %dma_wait3A_96] : memref<10000x128xf32, #tpu.memory_space<hbm>> -> memref<10000x128xf32, #tpu.memory_space<hbm>>
      tpu.wait_indirect_dma semaphore(%arg15 : memref<!tpu.dma_semaphore, #tpu.memory_space<semaphore_mem>>) src(%dma_wait3A_97 : memref<10000x128xf32, #tpu.memory_space<hbm>>) dst(%arg11 : memref<128x128xf32, #tpu.memory_space<vmem>>)
      %mul3A_98 = arith.constant 128 : i32
      %mul3A_99 = arith.muli %mul3A_71, %mul3A_98 : i32
      %add3A_100 = arith.addi %mul3A_4, %mul3A_99 : i32
      "tpu.region"() ({
        %run_scoped3A_127 = tpu.sem_alloc : memref<!tpu.dma_semaphore, #tpu.memory_space<semaphore_mem>>
        %dma_start3A_128 = arith.constant 0 : i32
        %dma_start3A_129 = tpu.memref_slice %arg5[%add3A_100, %dma_start3A_128] : memref<160000x128xi32, #tpu.memory_space<hbm>> -> memref<128x128xi32, #tpu.memory_space<hbm>>
        %dma_start3A_130 = arith.constant 0 : i32
        %dma_start3A_131 = tpu.memref_slice %arg5[%add3A_100, %dma_start3A_130] : memref<160000x128xi32, #tpu.memory_space<hbm>> -> memref<128x128xi32, #tpu.memory_space<hbm>>
        tpu.enqueue_dma source(%arg9 : memref<128x128xi32, #tpu.memory_space<vmem>>) target(%dma_start3A_131 : memref<128x128xi32, #tpu.memory_space<hbm>>) target_semaphore(%run_scoped3A_127 : memref<!tpu.dma_semaphore, #tpu.memory_space<semaphore_mem>>)
        %dma_wait3A_132 = arith.constant 0 : i32
        %dma_wait3A_133 = tpu.memref_slice %arg5[%add3A_100, %dma_wait3A_132] : memref<160000x128xi32, #tpu.memory_space<hbm>> -> memref<128x128xi32, #tpu.memory_space<hbm>>
        %dma_wait3A_134 = arith.constant 0 : i32
        %dma_wait3A_135 = tpu.memref_slice %arg5[%add3A_100, %dma_wait3A_134] : memref<160000x128xi32, #tpu.memory_space<hbm>> -> memref<128x128xi32, #tpu.memory_space<hbm>>
        tpu.wait_dma2 semaphore(%run_scoped3A_127 : memref<!tpu.dma_semaphore, #tpu.memory_space<semaphore_mem>>) src(%arg9 : memref<128x128xi32, #tpu.memory_space<vmem>>) dst(%dma_wait3A_135 : memref<128x128xi32, #tpu.memory_space<hbm>>)
        tpu.yield
      }) : () -> ()
      %mul3A_101 = arith.constant 128 : i32
      %mul3A_102 = arith.muli %mul3A_71, %mul3A_101 : i32
      %add3A_103 = arith.addi %mul3A_4, %mul3A_102 : i32
      "tpu.region"() ({
        %run_scoped3A_127 = tpu.sem_alloc : memref<!tpu.dma_semaphore, #tpu.memory_space<semaphore_mem>>
        %dma_start3A_128 = arith.constant 0 : i32
        %dma_start3A_129 = tpu.memref_slice %arg6[%add3A_103, %dma_start3A_128] : memref<160000x128xf32, #tpu.memory_space<hbm>> -> memref<128x128xf32, #tpu.memory_space<hbm>>
        %dma_start3A_130 = arith.constant 0 : i32
        %dma_start3A_131 = tpu.memref_slice %arg6[%add3A_103, %dma_start3A_130] : memref<160000x128xf32, #tpu.memory_space<hbm>> -> memref<128x128xf32, #tpu.memory_space<hbm>>
        tpu.enqueue_dma source(%arg11 : memref<128x128xf32, #tpu.memory_space<vmem>>) target(%dma_start3A_131 : memref<128x128xf32, #tpu.memory_space<hbm>>) target_semaphore(%run_scoped3A_127 : memref<!tpu.dma_semaphore, #tpu.memory_space<semaphore_mem>>)
        %dma_wait3A_132 = arith.constant 0 : i32
        %dma_wait3A_133 = tpu.memref_slice %arg6[%add3A_103, %dma_wait3A_132] : memref<160000x128xf32, #tpu.memory_space<hbm>> -> memref<128x128xf32, #tpu.memory_space<hbm>>
        %dma_wait3A_134 = arith.constant 0 : i32
        %dma_wait3A_135 = tpu.memref_slice %arg6[%add3A_103, %dma_wait3A_134] : memref<160000x128xf32, #tpu.memory_space<hbm>> -> memref<128x128xf32, #tpu.memory_space<hbm>>
        tpu.wait_dma2 semaphore(%run_scoped3A_127 : memref<!tpu.dma_semaphore, #tpu.memory_space<semaphore_mem>>) src(%arg11 : memref<128x128xf32, #tpu.memory_space<vmem>>) dst(%dma_wait3A_135 : memref<128x128xf32, #tpu.memory_space<hbm>>)
        tpu.yield
      }) : () -> ()
      %add3A_104 = arith.constant 2 : i32
      %add3A_105 = arith.addi %mul3A_71, %add3A_104 : i32
      %lt3A = arith.cmpi slt, %add3A_105, %add3A_8 : i32
      %convert_element_type3A = arith.extui %lt3A : i1 to i32
      %cond3A = arith.constant 0 : i32
      %cond3A_106 = arith.cmpi ne, %convert_element_type3A, %cond3A : i32
      scf.if %cond3A_106 {
        %add3A_127 = arith.constant 2 : i32
        %add3A_128 = arith.addi %mul3A_71, %add3A_127 : i32
        %mul3A_129 = arith.constant 128 : i32
        %mul3A_130 = arith.muli %add3A_128, %mul3A_129 : i32
        %dma_start3A_131 = tpu.memref_slice %arg7[%mul3A_130] : memref<5248xi32, #tpu.memory_space<vmem>> -> memref<128xi32, #tpu.memory_space<vmem>>
        %dma_start3A_132 = arith.constant 0 : i32
        %dma_start3A_133 = arith.constant 0 : i32
        %dma_start3A_134 = tpu.memref_slice %arg2[%dma_start3A_132, %dma_start3A_133] : memref<10000x128xi32, #tpu.memory_space<hbm>> -> memref<10000x128xi32, #tpu.memory_space<hbm>>
        tpu.enqueue_indirect_dma source(%dma_start3A_134 : memref<10000x128xi32, #tpu.memory_space<hbm>>) target(%arg9 : memref<128x128xi32, #tpu.memory_space<vmem>>) offsets(%dma_start3A_131 : memref<128xi32, #tpu.memory_space<vmem>>) semaphore(%arg13 : memref<!tpu.dma_semaphore, #tpu.memory_space<semaphore_mem>>)
        %mul3A_135 = arith.constant 128 : i32
        %mul3A_136 = arith.muli %add3A_128, %mul3A_135 : i32
        %dma_start3A_137 = tpu.memref_slice %arg8[%mul3A_136] : memref<5248xi32, #tpu.memory_space<vmem>> -> memref<128xi32, #tpu.memory_space<vmem>>
        %dma_start3A_138 = arith.constant 0 : i32
        %dma_start3A_139 = arith.constant 0 : i32
        %dma_start3A_140 = tpu.memref_slice %arg3[%dma_start3A_138, %dma_start3A_139] : memref<10000x128xf32, #tpu.memory_space<hbm>> -> memref<10000x128xf32, #tpu.memory_space<hbm>>
        tpu.enqueue_indirect_dma source(%dma_start3A_140 : memref<10000x128xf32, #tpu.memory_space<hbm>>) target(%arg11 : memref<128x128xf32, #tpu.memory_space<vmem>>) offsets(%dma_start3A_137 : memref<128xi32, #tpu.memory_space<vmem>>) semaphore(%arg15 : memref<!tpu.dma_semaphore, #tpu.memory_space<semaphore_mem>>)
      } else {
      }
      %add3A_107 = arith.constant 1 : i32
      %add3A_108 = arith.addi %mul3A_71, %add3A_107 : i32
      %mul3A_109 = arith.constant 128 : i32
      %mul3A_110 = arith.muli %add3A_108, %mul3A_109 : i32
      %dma_wait3A_111 = tpu.memref_slice %arg7[%mul3A_110] : memref<5248xi32, #tpu.memory_space<vmem>> -> memref<128xi32, #tpu.memory_space<vmem>>
      %dma_wait3A_112 = arith.constant 0 : i32
      %dma_wait3A_113 = arith.constant 0 : i32
      %dma_wait3A_114 = tpu.memref_slice %arg2[%dma_wait3A_112, %dma_wait3A_113] : memref<10000x128xi32, #tpu.memory_space<hbm>> -> memref<10000x128xi32, #tpu.memory_space<hbm>>
      tpu.wait_indirect_dma semaphore(%arg14 : memref<!tpu.dma_semaphore, #tpu.memory_space<semaphore_mem>>) src(%dma_wait3A_114 : memref<10000x128xi32, #tpu.memory_space<hbm>>) dst(%arg10 : memref<128x128xi32, #tpu.memory_space<vmem>>)
      %mul3A_115 = arith.constant 128 : i32
      %mul3A_116 = arith.muli %add3A_108, %mul3A_115 : i32
      %dma_wait3A_117 = tpu.memref_slice %arg8[%mul3A_116] : memref<5248xi32, #tpu.memory_space<vmem>> -> memref<128xi32, #tpu.memory_space<vmem>>
      %dma_wait3A_118 = arith.constant 0 : i32
      %dma_wait3A_119 = arith.constant 0 : i32
      %dma_wait3A_120 = tpu.memref_slice %arg3[%dma_wait3A_118, %dma_wait3A_119] : memref<10000x128xf32, #tpu.memory_space<hbm>> -> memref<10000x128xf32, #tpu.memory_space<hbm>>
      tpu.wait_indirect_dma semaphore(%arg16 : memref<!tpu.dma_semaphore, #tpu.memory_space<semaphore_mem>>) src(%dma_wait3A_120 : memref<10000x128xf32, #tpu.memory_space<hbm>>) dst(%arg12 : memref<128x128xf32, #tpu.memory_space<vmem>>)
      %mul3A_121 = arith.constant 128 : i32
      %mul3A_122 = arith.muli %add3A_108, %mul3A_121 : i32
      %add3A_123 = arith.addi %mul3A_4, %mul3A_122 : i32
      "tpu.region"() ({
        %run_scoped3A_127 = tpu.sem_alloc : memref<!tpu.dma_semaphore, #tpu.memory_space<semaphore_mem>>
        %dma_start3A_128 = arith.constant 0 : i32
        %dma_start3A_129 = tpu.memref_slice %arg5[%add3A_123, %dma_start3A_128] : memref<160000x128xi32, #tpu.memory_space<hbm>> -> memref<128x128xi32, #tpu.memory_space<hbm>>
        %dma_start3A_130 = arith.constant 0 : i32
        %dma_start3A_131 = tpu.memref_slice %arg5[%add3A_123, %dma_start3A_130] : memref<160000x128xi32, #tpu.memory_space<hbm>> -> memref<128x128xi32, #tpu.memory_space<hbm>>
        tpu.enqueue_dma source(%arg10 : memref<128x128xi32, #tpu.memory_space<vmem>>) target(%dma_start3A_131 : memref<128x128xi32, #tpu.memory_space<hbm>>) target_semaphore(%run_scoped3A_127 : memref<!tpu.dma_semaphore, #tpu.memory_space<semaphore_mem>>)
        %dma_wait3A_132 = arith.constant 0 : i32
        %dma_wait3A_133 = tpu.memref_slice %arg5[%add3A_123, %dma_wait3A_132] : memref<160000x128xi32, #tpu.memory_space<hbm>> -> memref<128x128xi32, #tpu.memory_space<hbm>>
        %dma_wait3A_134 = arith.constant 0 : i32
        %dma_wait3A_135 = tpu.memref_slice %arg5[%add3A_123, %dma_wait3A_134] : memref<160000x128xi32, #tpu.memory_space<hbm>> -> memref<128x128xi32, #tpu.memory_space<hbm>>
        tpu.wait_dma2 semaphore(%run_scoped3A_127 : memref<!tpu.dma_semaphore, #tpu.memory_space<semaphore_mem>>) src(%arg10 : memref<128x128xi32, #tpu.memory_space<vmem>>) dst(%dma_wait3A_135 : memref<128x128xi32, #tpu.memory_space<hbm>>)
        tpu.yield
      }) : () -> ()
      %mul3A_124 = arith.constant 128 : i32
      %mul3A_125 = arith.muli %add3A_108, %mul3A_124 : i32
      %add3A_126 = arith.addi %mul3A_4, %mul3A_125 : i32
      "tpu.region"() ({
        %run_scoped3A_127 = tpu.sem_alloc : memref<!tpu.dma_semaphore, #tpu.memory_space<semaphore_mem>>
        %dma_start3A_128 = arith.constant 0 : i32
        %dma_start3A_129 = tpu.memref_slice %arg6[%add3A_126, %dma_start3A_128] : memref<160000x128xf32, #tpu.memory_space<hbm>> -> memref<128x128xf32, #tpu.memory_space<hbm>>
        %dma_start3A_130 = arith.constant 0 : i32
        %dma_start3A_131 = tpu.memref_slice %arg6[%add3A_126, %dma_start3A_130] : memref<160000x128xf32, #tpu.memory_space<hbm>> -> memref<128x128xf32, #tpu.memory_space<hbm>>
        tpu.enqueue_dma source(%arg12 : memref<128x128xf32, #tpu.memory_space<vmem>>) target(%dma_start3A_131 : memref<128x128xf32, #tpu.memory_space<hbm>>) target_semaphore(%run_scoped3A_127 : memref<!tpu.dma_semaphore, #tpu.memory_space<semaphore_mem>>)
        %dma_wait3A_132 = arith.constant 0 : i32
        %dma_wait3A_133 = tpu.memref_slice %arg6[%add3A_126, %dma_wait3A_132] : memref<160000x128xf32, #tpu.memory_space<hbm>> -> memref<128x128xf32, #tpu.memory_space<hbm>>
        %dma_wait3A_134 = arith.constant 0 : i32
        %dma_wait3A_135 = tpu.memref_slice %arg6[%add3A_126, %dma_wait3A_134] : memref<160000x128xf32, #tpu.memory_space<hbm>> -> memref<128x128xf32, #tpu.memory_space<hbm>>
        tpu.wait_dma2 semaphore(%run_scoped3A_127 : memref<!tpu.dma_semaphore, #tpu.memory_space<semaphore_mem>>) src(%arg12 : memref<128x128xf32, #tpu.memory_space<vmem>>) dst(%dma_wait3A_135 : memref<128x128xf32, #tpu.memory_space<hbm>>)
        tpu.yield
      }) : () -> ()
    }
    %sub3A_50 = arith.constant 1 : i32
    %sub3A_51 = arith.subi %add3A_8, %sub3A_50 : i32
    %mul3A_52 = arith.constant 128 : i32
    %mul3A_53 = arith.muli %sub3A_51, %mul3A_52 : i32
    %dma_wait3A = tpu.memref_slice %arg7[%mul3A_53] : memref<5248xi32, #tpu.memory_space<vmem>> -> memref<128xi32, #tpu.memory_space<vmem>>
    %dma_wait3A_54 = arith.constant 0 : i32
    %dma_wait3A_55 = arith.constant 0 : i32
    %dma_wait3A_56 = tpu.memref_slice %arg2[%dma_wait3A_54, %dma_wait3A_55] : memref<10000x128xi32, #tpu.memory_space<hbm>> -> memref<10000x128xi32, #tpu.memory_space<hbm>>
    tpu.wait_indirect_dma semaphore(%arg13 : memref<!tpu.dma_semaphore, #tpu.memory_space<semaphore_mem>>) src(%dma_wait3A_56 : memref<10000x128xi32, #tpu.memory_space<hbm>>) dst(%arg9 : memref<128x128xi32, #tpu.memory_space<vmem>>)
    %mul3A_57 = arith.constant 128 : i32
    %mul3A_58 = arith.muli %sub3A_51, %mul3A_57 : i32
    %dma_wait3A_59 = tpu.memref_slice %arg8[%mul3A_58] : memref<5248xi32, #tpu.memory_space<vmem>> -> memref<128xi32, #tpu.memory_space<vmem>>
    %dma_wait3A_60 = arith.constant 0 : i32
    %dma_wait3A_61 = arith.constant 0 : i32
    %dma_wait3A_62 = tpu.memref_slice %arg3[%dma_wait3A_60, %dma_wait3A_61] : memref<10000x128xf32, #tpu.memory_space<hbm>> -> memref<10000x128xf32, #tpu.memory_space<hbm>>
    tpu.wait_indirect_dma semaphore(%arg15 : memref<!tpu.dma_semaphore, #tpu.memory_space<semaphore_mem>>) src(%dma_wait3A_62 : memref<10000x128xf32, #tpu.memory_space<hbm>>) dst(%arg11 : memref<128x128xf32, #tpu.memory_space<vmem>>)
    %mul3A_63 = arith.constant 128 : i32
    %mul3A_64 = arith.muli %sub3A_51, %mul3A_63 : i32
    %add3A_65 = arith.addi %mul3A_4, %mul3A_64 : i32
    "tpu.region"() ({
      %run_scoped3A_69 = tpu.sem_alloc : memref<!tpu.dma_semaphore, #tpu.memory_space<semaphore_mem>>
      %dma_start3A_70 = arith.constant 0 : i32
      %dma_start3A_71 = tpu.memref_slice %arg5[%add3A_65, %dma_start3A_70] : memref<160000x128xi32, #tpu.memory_space<hbm>> -> memref<128x128xi32, #tpu.memory_space<hbm>>
      %dma_start3A_72 = arith.constant 0 : i32
      %dma_start3A_73 = tpu.memref_slice %arg5[%add3A_65, %dma_start3A_72] : memref<160000x128xi32, #tpu.memory_space<hbm>> -> memref<128x128xi32, #tpu.memory_space<hbm>>
      tpu.enqueue_dma source(%arg9 : memref<128x128xi32, #tpu.memory_space<vmem>>) target(%dma_start3A_73 : memref<128x128xi32, #tpu.memory_space<hbm>>) target_semaphore(%run_scoped3A_69 : memref<!tpu.dma_semaphore, #tpu.memory_space<semaphore_mem>>)
      %dma_wait3A_74 = arith.constant 0 : i32
      %dma_wait3A_75 = tpu.memref_slice %arg5[%add3A_65, %dma_wait3A_74] : memref<160000x128xi32, #tpu.memory_space<hbm>> -> memref<128x128xi32, #tpu.memory_space<hbm>>
      %dma_wait3A_76 = arith.constant 0 : i32
      %dma_wait3A_77 = tpu.memref_slice %arg5[%add3A_65, %dma_wait3A_76] : memref<160000x128xi32, #tpu.memory_space<hbm>> -> memref<128x128xi32, #tpu.memory_space<hbm>>
      tpu.wait_dma2 semaphore(%run_scoped3A_69 : memref<!tpu.dma_semaphore, #tpu.memory_space<semaphore_mem>>) src(%arg9 : memref<128x128xi32, #tpu.memory_space<vmem>>) dst(%dma_wait3A_77 : memref<128x128xi32, #tpu.memory_space<hbm>>)
      tpu.yield
    }) : () -> ()
    %mul3A_66 = arith.constant 128 : i32
    %mul3A_67 = arith.muli %sub3A_51, %mul3A_66 : i32
    %add3A_68 = arith.addi %mul3A_4, %mul3A_67 : i32
    "tpu.region"() ({
      %run_scoped3A_69 = tpu.sem_alloc : memref<!tpu.dma_semaphore, #tpu.memory_space<semaphore_mem>>
      %dma_start3A_70 = arith.constant 0 : i32
      %dma_start3A_71 = tpu.memref_slice %arg6[%add3A_68, %dma_start3A_70] : memref<160000x128xf32, #tpu.memory_space<hbm>> -> memref<128x128xf32, #tpu.memory_space<hbm>>
      %dma_start3A_72 = arith.constant 0 : i32
      %dma_start3A_73 = tpu.memref_slice %arg6[%add3A_68, %dma_start3A_72] : memref<160000x128xf32, #tpu.memory_space<hbm>> -> memref<128x128xf32, #tpu.memory_space<hbm>>
      tpu.enqueue_dma source(%arg11 : memref<128x128xf32, #tpu.memory_space<vmem>>) target(%dma_start3A_73 : memref<128x128xf32, #tpu.memory_space<hbm>>) target_semaphore(%run_scoped3A_69 : memref<!tpu.dma_semaphore, #tpu.memory_space<semaphore_mem>>)
      %dma_wait3A_74 = arith.constant 0 : i32
      %dma_wait3A_75 = tpu.memref_slice %arg6[%add3A_68, %dma_wait3A_74] : memref<160000x128xf32, #tpu.memory_space<hbm>> -> memref<128x128xf32, #tpu.memory_space<hbm>>
      %dma_wait3A_76 = arith.constant 0 : i32
      %dma_wait3A_77 = tpu.memref_slice %arg6[%add3A_68, %dma_wait3A_76] : memref<160000x128xf32, #tpu.memory_space<hbm>> -> memref<128x128xf32, #tpu.memory_space<hbm>>
      tpu.wait_dma2 semaphore(%run_scoped3A_69 : memref<!tpu.dma_semaphore, #tpu.memory_space<semaphore_mem>>) src(%arg11 : memref<128x128xf32, #tpu.memory_space<vmem>>) dst(%dma_wait3A_77 : memref<128x128xf32, #tpu.memory_space<hbm>>)
      tpu.yield
    }) : () -> ()
    return
  }
}

#map = affine_map<(d0, d1) -> (0, 0)>
#map1 = affine_map<(d0, d1) -> (0, 0, 0)>
module attributes {stable_mosaic.version = 14 : i64} {
  func.func @k(%arg0: i32, %arg1: i32, %arg2: memref<160000x128xf32, #tpu.memory_space<hbm>>, %arg3: memref<2x320000xi32, #tpu.memory_space<hbm>>, %arg4: memref<2x10000x128xf32, #tpu.memory_space<hbm>>, %arg5: memref<2x10000x128xf32, #tpu.memory_space<hbm>>, %arg6: memref<128xi32, #tpu.memory_space<vmem>>, %arg7: memref<128xi32, #tpu.memory_space<vmem>>, %arg8: memref<16xi32, #tpu.memory_space<vmem>>, %arg9: memref<128x128xf32, #tpu.memory_space<vmem>>, %arg10: memref<128x128xf32, #tpu.memory_space<vmem>>, %arg11: memref<10000x128xf32, #tpu.memory_space<vmem_shared>>, %arg12: memref<!tpu.dma_semaphore, #tpu.memory_space<semaphore_mem>>, %arg13: memref<!tpu.dma_semaphore, #tpu.memory_space<semaphore_mem>>, %arg14: memref<!tpu.dma_semaphore, #tpu.memory_space<semaphore_mem>>, %arg15: memref<!tpu.dma_semaphore, #tpu.memory_space<semaphore_mem>>) attributes {dimension_semantics = [#tpu.dimension_semantics<core_parallel>, #tpu.dimension_semantics<subcore_parallel>], iteration_bounds = array<i64: 2, 16>, scalar_prefetch = 0 : i64, scratch_operands = 10 : i64, tpu.core_type = #tpu.core_type<sc_vector_subcore>, window_params = [{transform_indices = #map}, {transform_indices = #map}, {transform_indices = #map1}, {transform_indices = #map1}]} {
    %mul3A = arith.constant 640 : i32
    %mul3A_0 = arith.muli %arg1, %mul3A : i32
    %eq3A = arith.constant 15 : i32
    %eq3A_1 = arith.cmpi eq, %arg1, %eq3A : i32
    %jit3A = arith.constant 10 : i32
    %jit3A_2 = arith.constant 16 : i32
    %select_n3A = arith.select %eq3A_1, %jit3A, %jit3A_2 : i32
    %while3A = arith.constant 0 : i32
    %while3A_3 = arith.constant 0 : i32
    %while3A_4 = arith.subi %select_n3A, %while3A_3 : i32
    %while3A_5 = arith.addi %while3A_3, %while3A_4 : i32
    %while3A_6 = arith.constant 1 : i32
    %while3A_7 = arith.divsi %while3A_4, %while3A_6 : i32
    %while3A_8 = arith.muli %while3A_7, %while3A_6 : i32
    %while3A_9 = arith.addi %while3A_3, %while3A_8 : i32
    %while3A_10 = arith.constant 1 : i32
    scf.for %while3A_96 = %while3A_3 to %while3A_9 step %while3A_10  : i32 {
      %mul3A_97 = arith.constant 40 : i32
      %mul3A_98 = arith.muli %while3A_96, %mul3A_97 : i32
      %add3A_99 = arith.addi %mul3A_0, %mul3A_98 : i32
      "tpu.region"() ({
        %run_scoped3A = tpu.sem_alloc : memref<!tpu.dma_semaphore, #tpu.memory_space<semaphore_mem>>
        %dma_start3A_100 = arith.constant 0 : i32
        %dma_start3A_101 = tpu.memref_slice %arg11[%add3A_99, %dma_start3A_100] : memref<10000x128xf32, #tpu.memory_space<vmem_shared>> -> memref<40x128xf32, #tpu.memory_space<vmem_shared>>
        %dma_start3A_102 = arith.constant 0 : i32
        %dma_start3A_103 = tpu.memref_slice %arg4[%arg0, %add3A_99, %dma_start3A_102] : memref<2x10000x128xf32, #tpu.memory_space<hbm>> -> memref<1x40x128xf32, #tpu.memory_space<hbm>>
        %dma_start3A_104 = tpu.memref_squeeze %dma_start3A_103 : memref<1x40x128xf32, #tpu.memory_space<hbm>> -> memref<40x128xf32, #tpu.memory_space<hbm>>
        tpu.enqueue_dma source(%dma_start3A_104 : memref<40x128xf32, #tpu.memory_space<hbm>>) target(%dma_start3A_101 : memref<40x128xf32, #tpu.memory_space<vmem_shared>>) target_semaphore(%run_scoped3A : memref<!tpu.dma_semaphore, #tpu.memory_space<semaphore_mem>>)
        %dma_wait3A_105 = arith.constant 0 : i32
        %dma_wait3A_106 = tpu.memref_slice %arg11[%add3A_99, %dma_wait3A_105] : memref<10000x128xf32, #tpu.memory_space<vmem_shared>> -> memref<40x128xf32, #tpu.memory_space<vmem_shared>>
        %dma_wait3A_107 = arith.constant 0 : i32
        %dma_wait3A_108 = tpu.memref_slice %arg4[%arg0, %add3A_99, %dma_wait3A_107] : memref<2x10000x128xf32, #tpu.memory_space<hbm>> -> memref<1x40x128xf32, #tpu.memory_space<hbm>>
        %dma_wait3A_109 = tpu.memref_squeeze %dma_wait3A_108 : memref<1x40x128xf32, #tpu.memory_space<hbm>> -> memref<40x128xf32, #tpu.memory_space<hbm>>
        tpu.wait_dma2 semaphore(%run_scoped3A : memref<!tpu.dma_semaphore, #tpu.memory_space<semaphore_mem>>) src(%dma_wait3A_109 : memref<40x128xf32, #tpu.memory_space<hbm>>) dst(%dma_wait3A_106 : memref<40x128xf32, #tpu.memory_space<vmem_shared>>)
        tpu.yield
      }) : () -> ()
    }
    %while3A_11 = arith.constant 1 : i32
    scf.for %while3A_96 = %while3A_9 to %while3A_5 step %while3A_11  : i32 {
      %mul3A_97 = arith.constant 40 : i32
      %mul3A_98 = arith.muli %while3A_96, %mul3A_97 : i32
      %add3A_99 = arith.addi %mul3A_0, %mul3A_98 : i32
      "tpu.region"() ({
        %run_scoped3A = tpu.sem_alloc : memref<!tpu.dma_semaphore, #tpu.memory_space<semaphore_mem>>
        %dma_start3A_100 = arith.constant 0 : i32
        %dma_start3A_101 = tpu.memref_slice %arg11[%add3A_99, %dma_start3A_100] : memref<10000x128xf32, #tpu.memory_space<vmem_shared>> -> memref<40x128xf32, #tpu.memory_space<vmem_shared>>
        %dma_start3A_102 = arith.constant 0 : i32
        %dma_start3A_103 = tpu.memref_slice %arg4[%arg0, %add3A_99, %dma_start3A_102] : memref<2x10000x128xf32, #tpu.memory_space<hbm>> -> memref<1x40x128xf32, #tpu.memory_space<hbm>>
        %dma_start3A_104 = tpu.memref_squeeze %dma_start3A_103 : memref<1x40x128xf32, #tpu.memory_space<hbm>> -> memref<40x128xf32, #tpu.memory_space<hbm>>
        tpu.enqueue_dma source(%dma_start3A_104 : memref<40x128xf32, #tpu.memory_space<hbm>>) target(%dma_start3A_101 : memref<40x128xf32, #tpu.memory_space<vmem_shared>>) target_semaphore(%run_scoped3A : memref<!tpu.dma_semaphore, #tpu.memory_space<semaphore_mem>>)
        %dma_wait3A_105 = arith.constant 0 : i32
        %dma_wait3A_106 = tpu.memref_slice %arg11[%add3A_99, %dma_wait3A_105] : memref<10000x128xf32, #tpu.memory_space<vmem_shared>> -> memref<40x128xf32, #tpu.memory_space<vmem_shared>>
        %dma_wait3A_107 = arith.constant 0 : i32
        %dma_wait3A_108 = tpu.memref_slice %arg4[%arg0, %add3A_99, %dma_wait3A_107] : memref<2x10000x128xf32, #tpu.memory_space<hbm>> -> memref<1x40x128xf32, #tpu.memory_space<hbm>>
        %dma_wait3A_109 = tpu.memref_squeeze %dma_wait3A_108 : memref<1x40x128xf32, #tpu.memory_space<hbm>> -> memref<40x128xf32, #tpu.memory_space<hbm>>
        tpu.wait_dma2 semaphore(%run_scoped3A : memref<!tpu.dma_semaphore, #tpu.memory_space<semaphore_mem>>) src(%dma_wait3A_109 : memref<40x128xf32, #tpu.memory_space<hbm>>) dst(%dma_wait3A_106 : memref<40x128xf32, #tpu.memory_space<vmem_shared>>)
        tpu.yield
      }) : () -> ()
    }
    %mul3A_12 = arith.constant 16 : i32
    %mul3A_13 = arith.muli %arg0, %mul3A_12 : i32
    %add3A = arith.addi %mul3A_13, %arg1 : i32
    %mul3A_14 = arith.constant 39 : i32
    %mul3A_15 = arith.muli %add3A, %mul3A_14 : i32
    %mul3A_16 = arith.constant 128 : i32
    %mul3A_17 = arith.muli %mul3A_15, %mul3A_16 : i32
    %eq3A_18 = arith.constant 31 : i32
    %eq3A_19 = arith.cmpi eq, %add3A, %eq3A_18 : i32
    %jit3A_20 = arith.constant 2 : i32
    %jit3A_21 = arith.constant 0 : i32
    %select_n3A_22 = arith.select %eq3A_19, %jit3A_20, %jit3A_21 : i32
    %add3A_23 = arith.constant 39 : i32
    %add3A_24 = arith.addi %add3A_23, %select_n3A_22 : i32
    %barrier3A = arith.constant 0 : index
    tpu.barrier barrier_id(%barrier3A)
    %add3A_25 = arith.constant 160000 : i32
    %add3A_26 = arith.addi %add3A_25, %mul3A_17 : i32
    %add3A_27 = arith.constant 0 : i32
    %add3A_28 = arith.addi %add3A_26, %add3A_27 : i32
    %dma_start3A = arith.constant 1 : i32
    %dma_start3A_29 = tpu.memref_slice %arg3[%dma_start3A, %add3A_28] : memref<2x320000xi32, #tpu.memory_space<hbm>> -> memref<1x128xi32, #tpu.memory_space<hbm>>
    %dma_start3A_30 = tpu.memref_squeeze %dma_start3A_29 : memref<1x128xi32, #tpu.memory_space<hbm>> -> memref<128xi32, #tpu.memory_space<hbm>>
    %dma_start3A_31 = tpu.memref_slice %arg3[%dma_start3A, %add3A_28] : memref<2x320000xi32, #tpu.memory_space<hbm>> -> memref<1x128xi32, #tpu.memory_space<hbm>>
    %dma_start3A_32 = tpu.memref_squeeze %dma_start3A_31 : memref<1x128xi32, #tpu.memory_space<hbm>> -> memref<128xi32, #tpu.memory_space<hbm>>
    tpu.enqueue_dma source(%dma_start3A_32 : memref<128xi32, #tpu.memory_space<hbm>>) target(%arg6 : memref<128xi32, #tpu.memory_space<vmem>>) target_semaphore(%arg12 : memref<!tpu.dma_semaphore, #tpu.memory_space<semaphore_mem>>)
    %add3A_33 = arith.constant 0 : i32
    %add3A_34 = arith.addi %mul3A_17, %add3A_33 : i32
    %dma_start3A_35 = arith.constant 0 : i32
    %dma_start3A_36 = tpu.memref_slice %arg2[%add3A_34, %dma_start3A_35] : memref<160000x128xf32, #tpu.memory_space<hbm>> -> memref<128x128xf32, #tpu.memory_space<hbm>>
    %dma_start3A_37 = arith.constant 0 : i32
    %dma_start3A_38 = tpu.memref_slice %arg2[%add3A_34, %dma_start3A_37] : memref<160000x128xf32, #tpu.memory_space<hbm>> -> memref<128x128xf32, #tpu.memory_space<hbm>>
    tpu.enqueue_dma source(%dma_start3A_38 : memref<128x128xf32, #tpu.memory_space<hbm>>) target(%arg9 : memref<128x128xf32, #tpu.memory_space<vmem>>) target_semaphore(%arg14 : memref<!tpu.dma_semaphore, #tpu.memory_space<semaphore_mem>>)
    %jit3A_39 = arith.constant 2 : i32
    %div3A = arith.divsi %add3A_24, %jit3A_39 : i32
    %sign3A = arith.constant 0 : i32
    %sign3A_40 = arith.cmpi sgt, %add3A_24, %sign3A : i32
    %sign3A_41 = arith.extui %sign3A_40 : i1 to i32
    %sign3A_42 = arith.constant 0 : i32
    %sign3A_43 = arith.cmpi slt, %add3A_24, %sign3A_42 : i32
    %sign3A_44 = arith.extui %sign3A_43 : i1 to i32
    %sign3A_45 = arith.subi %sign3A_41, %sign3A_44 : i32
    %sign3A_46 = arith.constant 0 : i32
    %sign3A_47 = arith.cmpi sgt, %jit3A_39, %sign3A_46 : i32
    %sign3A_48 = arith.extui %sign3A_47 : i1 to i32
    %sign3A_49 = arith.constant 0 : i32
    %sign3A_50 = arith.cmpi slt, %jit3A_39, %sign3A_49 : i32
    %sign3A_51 = arith.extui %sign3A_50 : i1 to i32
    %sign3A_52 = arith.subi %sign3A_48, %sign3A_51 : i32
    %ne3A = arith.cmpi ne, %sign3A_45, %sign3A_52 : i32
    %rem3A = arith.remsi %add3A_24, %jit3A_39 : i32
    %ne3A_53 = arith.constant 0 : i32
    %ne3A_54 = arith.cmpi ne, %rem3A, %ne3A_53 : i32
    %and3A = arith.andi %ne3A, %ne3A_54 : i1
    %sub3A = arith.constant 1 : i32
    %sub3A_55 = arith.subi %div3A, %sub3A : i32
    %select_n3A_56 = arith.select %and3A, %sub3A_55, %div3A : i32
    %while3A_57 = arith.constant 0 : i32
    %while3A_58 = arith.constant 0 : i32
    %while3A_59 = arith.subi %select_n3A_56, %while3A_58 : i32
    %while3A_60 = arith.addi %while3A_58, %while3A_59 : i32
    %while3A_61 = arith.constant 1 : i32
    %while3A_62 = arith.divsi %while3A_59, %while3A_61 : i32
    %while3A_63 = arith.muli %while3A_62, %while3A_61 : i32
    %while3A_64 = arith.addi %while3A_58, %while3A_63 : i32
    %while3A_65 = arith.constant 1 : i32
    scf.for %while3A_96 = %while3A_58 to %while3A_64 step %while3A_65  : i32 {
      %mul3A_97 = arith.constant 2 : i32
      %mul3A_98 = arith.muli %while3A_96, %mul3A_97 : i32
      %add3A_99 = arith.constant 1 : i32
      %add3A_100 = arith.addi %mul3A_98, %add3A_99 : i32
      %add3A_101 = arith.constant 160000 : i32
      %add3A_102 = arith.addi %add3A_101, %mul3A_17 : i32
      %mul3A_103 = arith.constant 128 : i32
      %mul3A_104 = arith.muli %add3A_100, %mul3A_103 : i32
      %add3A_105 = arith.addi %add3A_102, %mul3A_104 : i32
      %dma_start3A_106 = arith.constant 1 : i32
      %dma_start3A_107 = tpu.memref_slice %arg3[%dma_start3A_106, %add3A_105] : memref<2x320000xi32, #tpu.memory_space<hbm>> -> memref<1x128xi32, #tpu.memory_space<hbm>>
      %dma_start3A_108 = tpu.memref_squeeze %dma_start3A_107 : memref<1x128xi32, #tpu.memory_space<hbm>> -> memref<128xi32, #tpu.memory_space<hbm>>
      %dma_start3A_109 = tpu.memref_slice %arg3[%dma_start3A_106, %add3A_105] : memref<2x320000xi32, #tpu.memory_space<hbm>> -> memref<1x128xi32, #tpu.memory_space<hbm>>
      %dma_start3A_110 = tpu.memref_squeeze %dma_start3A_109 : memref<1x128xi32, #tpu.memory_space<hbm>> -> memref<128xi32, #tpu.memory_space<hbm>>
      tpu.enqueue_dma source(%dma_start3A_110 : memref<128xi32, #tpu.memory_space<hbm>>) target(%arg7 : memref<128xi32, #tpu.memory_space<vmem>>) target_semaphore(%arg13 : memref<!tpu.dma_semaphore, #tpu.memory_space<semaphore_mem>>)
      %mul3A_111 = arith.constant 128 : i32
      %mul3A_112 = arith.muli %add3A_100, %mul3A_111 : i32
      %add3A_113 = arith.addi %mul3A_17, %mul3A_112 : i32
      %dma_start3A_114 = arith.constant 0 : i32
      %dma_start3A_115 = tpu.memref_slice %arg2[%add3A_113, %dma_start3A_114] : memref<160000x128xf32, #tpu.memory_space<hbm>> -> memref<128x128xf32, #tpu.memory_space<hbm>>
      %dma_start3A_116 = arith.constant 0 : i32
      %dma_start3A_117 = tpu.memref_slice %arg2[%add3A_113, %dma_start3A_116] : memref<160000x128xf32, #tpu.memory_space<hbm>> -> memref<128x128xf32, #tpu.memory_space<hbm>>
      tpu.enqueue_dma source(%dma_start3A_117 : memref<128x128xf32, #tpu.memory_space<hbm>>) target(%arg10 : memref<128x128xf32, #tpu.memory_space<vmem>>) target_semaphore(%arg15 : memref<!tpu.dma_semaphore, #tpu.memory_space<semaphore_mem>>)
      %add3A_118 = arith.constant 160000 : i32
      %add3A_119 = arith.addi %add3A_118, %mul3A_17 : i32
      %mul3A_120 = arith.constant 128 : i32
      %mul3A_121 = arith.muli %mul3A_98, %mul3A_120 : i32
      %add3A_122 = arith.addi %add3A_119, %mul3A_121 : i32
      %dma_wait3A_123 = arith.constant 1 : i32
      %dma_wait3A_124 = tpu.memref_slice %arg3[%dma_wait3A_123, %add3A_122] : memref<2x320000xi32, #tpu.memory_space<hbm>> -> memref<1x128xi32, #tpu.memory_space<hbm>>
      %dma_wait3A_125 = tpu.memref_squeeze %dma_wait3A_124 : memref<1x128xi32, #tpu.memory_space<hbm>> -> memref<128xi32, #tpu.memory_space<hbm>>
      %dma_wait3A_126 = tpu.memref_slice %arg3[%dma_wait3A_123, %add3A_122] : memref<2x320000xi32, #tpu.memory_space<hbm>> -> memref<1x128xi32, #tpu.memory_space<hbm>>
      %dma_wait3A_127 = tpu.memref_squeeze %dma_wait3A_126 : memref<1x128xi32, #tpu.memory_space<hbm>> -> memref<128xi32, #tpu.memory_space<hbm>>
      tpu.wait_dma2 semaphore(%arg12 : memref<!tpu.dma_semaphore, #tpu.memory_space<semaphore_mem>>) src(%dma_wait3A_127 : memref<128xi32, #tpu.memory_space<hbm>>) dst(%arg6 : memref<128xi32, #tpu.memory_space<vmem>>)
      %mul3A_128 = arith.constant 128 : i32
      %mul3A_129 = arith.muli %mul3A_98, %mul3A_128 : i32
      %add3A_130 = arith.addi %mul3A_17, %mul3A_129 : i32
      %dma_wait3A_131 = arith.constant 0 : i32
      %dma_wait3A_132 = tpu.memref_slice %arg2[%add3A_130, %dma_wait3A_131] : memref<160000x128xf32, #tpu.memory_space<hbm>> -> memref<128x128xf32, #tpu.memory_space<hbm>>
      %dma_wait3A_133 = arith.constant 0 : i32
      %dma_wait3A_134 = tpu.memref_slice %arg2[%add3A_130, %dma_wait3A_133] : memref<160000x128xf32, #tpu.memory_space<hbm>> -> memref<128x128xf32, #tpu.memory_space<hbm>>
      tpu.wait_dma2 semaphore(%arg14 : memref<!tpu.dma_semaphore, #tpu.memory_space<semaphore_mem>>) src(%dma_wait3A_134 : memref<128x128xf32, #tpu.memory_space<hbm>>) dst(%arg9 : memref<128x128xf32, #tpu.memory_space<vmem>>)
      "tpu.region"() ({
        %run_scoped3A = tpu.sem_alloc : memref<!tpu.dma_semaphore, #tpu.memory_space<semaphore_mem>>
        %dma_start3A_157 = arith.constant 0 : i32
        %dma_start3A_158 = arith.constant 0 : i32
        %dma_start3A_159 = tpu.memref_slice %arg11[%dma_start3A_157, %dma_start3A_158] : memref<10000x128xf32, #tpu.memory_space<vmem_shared>> -> memref<10000x128xf32, #tpu.memory_space<vmem_shared>>
        tpu.enqueue_indirect_dma source(%arg9 : memref<128x128xf32, #tpu.memory_space<vmem>>) target(%dma_start3A_159 : memref<10000x128xf32, #tpu.memory_space<vmem_shared>>) offsets(%arg6 : memref<128xi32, #tpu.memory_space<vmem>>) semaphore(%run_scoped3A : memref<!tpu.dma_semaphore, #tpu.memory_space<semaphore_mem>>) {add = true}
        %dma_wait3A_160 = arith.constant 0 : i32
        %dma_wait3A_161 = arith.constant 0 : i32
        %dma_wait3A_162 = tpu.memref_slice %arg11[%dma_wait3A_160, %dma_wait3A_161] : memref<10000x128xf32, #tpu.memory_space<vmem_shared>> -> memref<10000x128xf32, #tpu.memory_space<vmem_shared>>
        tpu.wait_indirect_dma semaphore(%run_scoped3A : memref<!tpu.dma_semaphore, #tpu.memory_space<semaphore_mem>>) src(%arg9 : memref<128x128xf32, #tpu.memory_space<vmem>>) dst(%dma_wait3A_162 : memref<10000x128xf32, #tpu.memory_space<vmem_shared>>)
        tpu.yield
      }) : () -> ()
      %add3A_135 = arith.constant 2 : i32
      %add3A_136 = arith.addi %mul3A_98, %add3A_135 : i32
      %lt3A = arith.cmpi slt, %add3A_136, %add3A_24 : i32
      %convert_element_type3A = arith.extui %lt3A : i1 to i32
      %cond3A = arith.constant 0 : i32
      %cond3A_137 = arith.cmpi ne, %convert_element_type3A, %cond3A : i32
      scf.if %cond3A_137 {
        %add3A_157 = arith.constant 2 : i32
        %add3A_158 = arith.addi %mul3A_98, %add3A_157 : i32
        %add3A_159 = arith.constant 160000 : i32
        %add3A_160 = arith.addi %add3A_159, %mul3A_17 : i32
        %mul3A_161 = arith.constant 128 : i32
        %mul3A_162 = arith.muli %add3A_158, %mul3A_161 : i32
        %add3A_163 = arith.addi %add3A_160, %mul3A_162 : i32
        %dma_start3A_164 = arith.constant 1 : i32
        %dma_start3A_165 = tpu.memref_slice %arg3[%dma_start3A_164, %add3A_163] : memref<2x320000xi32, #tpu.memory_space<hbm>> -> memref<1x128xi32, #tpu.memory_space<hbm>>
        %dma_start3A_166 = tpu.memref_squeeze %dma_start3A_165 : memref<1x128xi32, #tpu.memory_space<hbm>> -> memref<128xi32, #tpu.memory_space<hbm>>
        %dma_start3A_167 = tpu.memref_slice %arg3[%dma_start3A_164, %add3A_163] : memref<2x320000xi32, #tpu.memory_space<hbm>> -> memref<1x128xi32, #tpu.memory_space<hbm>>
        %dma_start3A_168 = tpu.memref_squeeze %dma_start3A_167 : memref<1x128xi32, #tpu.memory_space<hbm>> -> memref<128xi32, #tpu.memory_space<hbm>>
        tpu.enqueue_dma source(%dma_start3A_168 : memref<128xi32, #tpu.memory_space<hbm>>) target(%arg6 : memref<128xi32, #tpu.memory_space<vmem>>) target_semaphore(%arg12 : memref<!tpu.dma_semaphore, #tpu.memory_space<semaphore_mem>>)
        %mul3A_169 = arith.constant 128 : i32
        %mul3A_170 = arith.muli %add3A_158, %mul3A_169 : i32
        %add3A_171 = arith.addi %mul3A_17, %mul3A_170 : i32
        %dma_start3A_172 = arith.constant 0 : i32
        %dma_start3A_173 = tpu.memref_slice %arg2[%add3A_171, %dma_start3A_172] : memref<160000x128xf32, #tpu.memory_space<hbm>> -> memref<128x128xf32, #tpu.memory_space<hbm>>
        %dma_start3A_174 = arith.constant 0 : i32
        %dma_start3A_175 = tpu.memref_slice %arg2[%add3A_171, %dma_start3A_174] : memref<160000x128xf32, #tpu.memory_space<hbm>> -> memref<128x128xf32, #tpu.memory_space<hbm>>
        tpu.enqueue_dma source(%dma_start3A_175 : memref<128x128xf32, #tpu.memory_space<hbm>>) target(%arg9 : memref<128x128xf32, #tpu.memory_space<vmem>>) target_semaphore(%arg14 : memref<!tpu.dma_semaphore, #tpu.memory_space<semaphore_mem>>)
      } else {
      }
      %add3A_138 = arith.constant 1 : i32
      %add3A_139 = arith.addi %mul3A_98, %add3A_138 : i32
      %add3A_140 = arith.constant 160000 : i32
      %add3A_141 = arith.addi %add3A_140, %mul3A_17 : i32
      %mul3A_142 = arith.constant 128 : i32
      %mul3A_143 = arith.muli %add3A_139, %mul3A_142 : i32
      %add3A_144 = arith.addi %add3A_141, %mul3A_143 : i32
      %dma_wait3A_145 = arith.constant 1 : i32
      %dma_wait3A_146 = tpu.memref_slice %arg3[%dma_wait3A_145, %add3A_144] : memref<2x320000xi32, #tpu.memory_space<hbm>> -> memref<1x128xi32, #tpu.memory_space<hbm>>
      %dma_wait3A_147 = tpu.memref_squeeze %dma_wait3A_146 : memref<1x128xi32, #tpu.memory_space<hbm>> -> memref<128xi32, #tpu.memory_space<hbm>>
      %dma_wait3A_148 = tpu.memref_slice %arg3[%dma_wait3A_145, %add3A_144] : memref<2x320000xi32, #tpu.memory_space<hbm>> -> memref<1x128xi32, #tpu.memory_space<hbm>>
      %dma_wait3A_149 = tpu.memref_squeeze %dma_wait3A_148 : memref<1x128xi32, #tpu.memory_space<hbm>> -> memref<128xi32, #tpu.memory_space<hbm>>
      tpu.wait_dma2 semaphore(%arg13 : memref<!tpu.dma_semaphore, #tpu.memory_space<semaphore_mem>>) src(%dma_wait3A_149 : memref<128xi32, #tpu.memory_space<hbm>>) dst(%arg7 : memref<128xi32, #tpu.memory_space<vmem>>)
      %mul3A_150 = arith.constant 128 : i32
      %mul3A_151 = arith.muli %add3A_139, %mul3A_150 : i32
      %add3A_152 = arith.addi %mul3A_17, %mul3A_151 : i32
      %dma_wait3A_153 = arith.constant 0 : i32
      %dma_wait3A_154 = tpu.memref_slice %arg2[%add3A_152, %dma_wait3A_153] : memref<160000x128xf32, #tpu.memory_space<hbm>> -> memref<128x128xf32, #tpu.memory_space<hbm>>
      %dma_wait3A_155 = arith.constant 0 : i32
      %dma_wait3A_156 = tpu.memref_slice %arg2[%add3A_152, %dma_wait3A_155] : memref<160000x128xf32, #tpu.memory_space<hbm>> -> memref<128x128xf32, #tpu.memory_space<hbm>>
      tpu.wait_dma2 semaphore(%arg15 : memref<!tpu.dma_semaphore, #tpu.memory_space<semaphore_mem>>) src(%dma_wait3A_156 : memref<128x128xf32, #tpu.memory_space<hbm>>) dst(%arg10 : memref<128x128xf32, #tpu.memory_space<vmem>>)
      "tpu.region"() ({
        %run_scoped3A = tpu.sem_alloc : memref<!tpu.dma_semaphore, #tpu.memory_space<semaphore_mem>>
        %dma_start3A_157 = arith.constant 0 : i32
        %dma_start3A_158 = arith.constant 0 : i32
        %dma_start3A_159 = tpu.memref_slice %arg11[%dma_start3A_157, %dma_start3A_158] : memref<10000x128xf32, #tpu.memory_space<vmem_shared>> -> memref<10000x128xf32, #tpu.memory_space<vmem_shared>>
        tpu.enqueue_indirect_dma source(%arg10 : memref<128x128xf32, #tpu.memory_space<vmem>>) target(%dma_start3A_159 : memref<10000x128xf32, #tpu.memory_space<vmem_shared>>) offsets(%arg7 : memref<128xi32, #tpu.memory_space<vmem>>) semaphore(%run_scoped3A : memref<!tpu.dma_semaphore, #tpu.memory_space<semaphore_mem>>) {add = true}
        %dma_wait3A_160 = arith.constant 0 : i32
        %dma_wait3A_161 = arith.constant 0 : i32
        %dma_wait3A_162 = tpu.memref_slice %arg11[%dma_wait3A_160, %dma_wait3A_161] : memref<10000x128xf32, #tpu.memory_space<vmem_shared>> -> memref<10000x128xf32, #tpu.memory_space<vmem_shared>>
        tpu.wait_indirect_dma semaphore(%run_scoped3A : memref<!tpu.dma_semaphore, #tpu.memory_space<semaphore_mem>>) src(%arg10 : memref<128x128xf32, #tpu.memory_space<vmem>>) dst(%dma_wait3A_162 : memref<10000x128xf32, #tpu.memory_space<vmem_shared>>)
        tpu.yield
      }) : () -> ()
    }
    %while3A_66 = arith.constant 1 : i32
    scf.for %while3A_96 = %while3A_64 to %while3A_60 step %while3A_66  : i32 {
      %mul3A_97 = arith.constant 2 : i32
      %mul3A_98 = arith.muli %while3A_96, %mul3A_97 : i32
      %add3A_99 = arith.constant 1 : i32
      %add3A_100 = arith.addi %mul3A_98, %add3A_99 : i32
      %add3A_101 = arith.constant 160000 : i32
      %add3A_102 = arith.addi %add3A_101, %mul3A_17 : i32
      %mul3A_103 = arith.constant 128 : i32
      %mul3A_104 = arith.muli %add3A_100, %mul3A_103 : i32
      %add3A_105 = arith.addi %add3A_102, %mul3A_104 : i32
      %dma_start3A_106 = arith.constant 1 : i32
      %dma_start3A_107 = tpu.memref_slice %arg3[%dma_start3A_106, %add3A_105] : memref<2x320000xi32, #tpu.memory_space<hbm>> -> memref<1x128xi32, #tpu.memory_space<hbm>>
      %dma_start3A_108 = tpu.memref_squeeze %dma_start3A_107 : memref<1x128xi32, #tpu.memory_space<hbm>> -> memref<128xi32, #tpu.memory_space<hbm>>
      %dma_start3A_109 = tpu.memref_slice %arg3[%dma_start3A_106, %add3A_105] : memref<2x320000xi32, #tpu.memory_space<hbm>> -> memref<1x128xi32, #tpu.memory_space<hbm>>
      %dma_start3A_110 = tpu.memref_squeeze %dma_start3A_109 : memref<1x128xi32, #tpu.memory_space<hbm>> -> memref<128xi32, #tpu.memory_space<hbm>>
      tpu.enqueue_dma source(%dma_start3A_110 : memref<128xi32, #tpu.memory_space<hbm>>) target(%arg7 : memref<128xi32, #tpu.memory_space<vmem>>) target_semaphore(%arg13 : memref<!tpu.dma_semaphore, #tpu.memory_space<semaphore_mem>>)
      %mul3A_111 = arith.constant 128 : i32
      %mul3A_112 = arith.muli %add3A_100, %mul3A_111 : i32
      %add3A_113 = arith.addi %mul3A_17, %mul3A_112 : i32
      %dma_start3A_114 = arith.constant 0 : i32
      %dma_start3A_115 = tpu.memref_slice %arg2[%add3A_113, %dma_start3A_114] : memref<160000x128xf32, #tpu.memory_space<hbm>> -> memref<128x128xf32, #tpu.memory_space<hbm>>
      %dma_start3A_116 = arith.constant 0 : i32
      %dma_start3A_117 = tpu.memref_slice %arg2[%add3A_113, %dma_start3A_116] : memref<160000x128xf32, #tpu.memory_space<hbm>> -> memref<128x128xf32, #tpu.memory_space<hbm>>
      tpu.enqueue_dma source(%dma_start3A_117 : memref<128x128xf32, #tpu.memory_space<hbm>>) target(%arg10 : memref<128x128xf32, #tpu.memory_space<vmem>>) target_semaphore(%arg15 : memref<!tpu.dma_semaphore, #tpu.memory_space<semaphore_mem>>)
      %add3A_118 = arith.constant 160000 : i32
      %add3A_119 = arith.addi %add3A_118, %mul3A_17 : i32
      %mul3A_120 = arith.constant 128 : i32
      %mul3A_121 = arith.muli %mul3A_98, %mul3A_120 : i32
      %add3A_122 = arith.addi %add3A_119, %mul3A_121 : i32
      %dma_wait3A_123 = arith.constant 1 : i32
      %dma_wait3A_124 = tpu.memref_slice %arg3[%dma_wait3A_123, %add3A_122] : memref<2x320000xi32, #tpu.memory_space<hbm>> -> memref<1x128xi32, #tpu.memory_space<hbm>>
      %dma_wait3A_125 = tpu.memref_squeeze %dma_wait3A_124 : memref<1x128xi32, #tpu.memory_space<hbm>> -> memref<128xi32, #tpu.memory_space<hbm>>
      %dma_wait3A_126 = tpu.memref_slice %arg3[%dma_wait3A_123, %add3A_122] : memref<2x320000xi32, #tpu.memory_space<hbm>> -> memref<1x128xi32, #tpu.memory_space<hbm>>
      %dma_wait3A_127 = tpu.memref_squeeze %dma_wait3A_126 : memref<1x128xi32, #tpu.memory_space<hbm>> -> memref<128xi32, #tpu.memory_space<hbm>>
      tpu.wait_dma2 semaphore(%arg12 : memref<!tpu.dma_semaphore, #tpu.memory_space<semaphore_mem>>) src(%dma_wait3A_127 : memref<128xi32, #tpu.memory_space<hbm>>) dst(%arg6 : memref<128xi32, #tpu.memory_space<vmem>>)
      %mul3A_128 = arith.constant 128 : i32
      %mul3A_129 = arith.muli %mul3A_98, %mul3A_128 : i32
      %add3A_130 = arith.addi %mul3A_17, %mul3A_129 : i32
      %dma_wait3A_131 = arith.constant 0 : i32
      %dma_wait3A_132 = tpu.memref_slice %arg2[%add3A_130, %dma_wait3A_131] : memref<160000x128xf32, #tpu.memory_space<hbm>> -> memref<128x128xf32, #tpu.memory_space<hbm>>
      %dma_wait3A_133 = arith.constant 0 : i32
      %dma_wait3A_134 = tpu.memref_slice %arg2[%add3A_130, %dma_wait3A_133] : memref<160000x128xf32, #tpu.memory_space<hbm>> -> memref<128x128xf32, #tpu.memory_space<hbm>>
      tpu.wait_dma2 semaphore(%arg14 : memref<!tpu.dma_semaphore, #tpu.memory_space<semaphore_mem>>) src(%dma_wait3A_134 : memref<128x128xf32, #tpu.memory_space<hbm>>) dst(%arg9 : memref<128x128xf32, #tpu.memory_space<vmem>>)
      "tpu.region"() ({
        %run_scoped3A = tpu.sem_alloc : memref<!tpu.dma_semaphore, #tpu.memory_space<semaphore_mem>>
        %dma_start3A_157 = arith.constant 0 : i32
        %dma_start3A_158 = arith.constant 0 : i32
        %dma_start3A_159 = tpu.memref_slice %arg11[%dma_start3A_157, %dma_start3A_158] : memref<10000x128xf32, #tpu.memory_space<vmem_shared>> -> memref<10000x128xf32, #tpu.memory_space<vmem_shared>>
        tpu.enqueue_indirect_dma source(%arg9 : memref<128x128xf32, #tpu.memory_space<vmem>>) target(%dma_start3A_159 : memref<10000x128xf32, #tpu.memory_space<vmem_shared>>) offsets(%arg6 : memref<128xi32, #tpu.memory_space<vmem>>) semaphore(%run_scoped3A : memref<!tpu.dma_semaphore, #tpu.memory_space<semaphore_mem>>) {add = true}
        %dma_wait3A_160 = arith.constant 0 : i32
        %dma_wait3A_161 = arith.constant 0 : i32
        %dma_wait3A_162 = tpu.memref_slice %arg11[%dma_wait3A_160, %dma_wait3A_161] : memref<10000x128xf32, #tpu.memory_space<vmem_shared>> -> memref<10000x128xf32, #tpu.memory_space<vmem_shared>>
        tpu.wait_indirect_dma semaphore(%run_scoped3A : memref<!tpu.dma_semaphore, #tpu.memory_space<semaphore_mem>>) src(%arg9 : memref<128x128xf32, #tpu.memory_space<vmem>>) dst(%dma_wait3A_162 : memref<10000x128xf32, #tpu.memory_space<vmem_shared>>)
        tpu.yield
      }) : () -> ()
      %add3A_135 = arith.constant 2 : i32
      %add3A_136 = arith.addi %mul3A_98, %add3A_135 : i32
      %lt3A = arith.cmpi slt, %add3A_136, %add3A_24 : i32
      %convert_element_type3A = arith.extui %lt3A : i1 to i32
      %cond3A = arith.constant 0 : i32
      %cond3A_137 = arith.cmpi ne, %convert_element_type3A, %cond3A : i32
      scf.if %cond3A_137 {
        %add3A_157 = arith.constant 2 : i32
        %add3A_158 = arith.addi %mul3A_98, %add3A_157 : i32
        %add3A_159 = arith.constant 160000 : i32
        %add3A_160 = arith.addi %add3A_159, %mul3A_17 : i32
        %mul3A_161 = arith.constant 128 : i32
        %mul3A_162 = arith.muli %add3A_158, %mul3A_161 : i32
        %add3A_163 = arith.addi %add3A_160, %mul3A_162 : i32
        %dma_start3A_164 = arith.constant 1 : i32
        %dma_start3A_165 = tpu.memref_slice %arg3[%dma_start3A_164, %add3A_163] : memref<2x320000xi32, #tpu.memory_space<hbm>> -> memref<1x128xi32, #tpu.memory_space<hbm>>
        %dma_start3A_166 = tpu.memref_squeeze %dma_start3A_165 : memref<1x128xi32, #tpu.memory_space<hbm>> -> memref<128xi32, #tpu.memory_space<hbm>>
        %dma_start3A_167 = tpu.memref_slice %arg3[%dma_start3A_164, %add3A_163] : memref<2x320000xi32, #tpu.memory_space<hbm>> -> memref<1x128xi32, #tpu.memory_space<hbm>>
        %dma_start3A_168 = tpu.memref_squeeze %dma_start3A_167 : memref<1x128xi32, #tpu.memory_space<hbm>> -> memref<128xi32, #tpu.memory_space<hbm>>
        tpu.enqueue_dma source(%dma_start3A_168 : memref<128xi32, #tpu.memory_space<hbm>>) target(%arg6 : memref<128xi32, #tpu.memory_space<vmem>>) target_semaphore(%arg12 : memref<!tpu.dma_semaphore, #tpu.memory_space<semaphore_mem>>)
        %mul3A_169 = arith.constant 128 : i32
        %mul3A_170 = arith.muli %add3A_158, %mul3A_169 : i32
        %add3A_171 = arith.addi %mul3A_17, %mul3A_170 : i32
        %dma_start3A_172 = arith.constant 0 : i32
        %dma_start3A_173 = tpu.memref_slice %arg2[%add3A_171, %dma_start3A_172] : memref<160000x128xf32, #tpu.memory_space<hbm>> -> memref<128x128xf32, #tpu.memory_space<hbm>>
        %dma_start3A_174 = arith.constant 0 : i32
        %dma_start3A_175 = tpu.memref_slice %arg2[%add3A_171, %dma_start3A_174] : memref<160000x128xf32, #tpu.memory_space<hbm>> -> memref<128x128xf32, #tpu.memory_space<hbm>>
        tpu.enqueue_dma source(%dma_start3A_175 : memref<128x128xf32, #tpu.memory_space<hbm>>) target(%arg9 : memref<128x128xf32, #tpu.memory_space<vmem>>) target_semaphore(%arg14 : memref<!tpu.dma_semaphore, #tpu.memory_space<semaphore_mem>>)
      } else {
      }
      %add3A_138 = arith.constant 1 : i32
      %add3A_139 = arith.addi %mul3A_98, %add3A_138 : i32
      %add3A_140 = arith.constant 160000 : i32
      %add3A_141 = arith.addi %add3A_140, %mul3A_17 : i32
      %mul3A_142 = arith.constant 128 : i32
      %mul3A_143 = arith.muli %add3A_139, %mul3A_142 : i32
      %add3A_144 = arith.addi %add3A_141, %mul3A_143 : i32
      %dma_wait3A_145 = arith.constant 1 : i32
      %dma_wait3A_146 = tpu.memref_slice %arg3[%dma_wait3A_145, %add3A_144] : memref<2x320000xi32, #tpu.memory_space<hbm>> -> memref<1x128xi32, #tpu.memory_space<hbm>>
      %dma_wait3A_147 = tpu.memref_squeeze %dma_wait3A_146 : memref<1x128xi32, #tpu.memory_space<hbm>> -> memref<128xi32, #tpu.memory_space<hbm>>
      %dma_wait3A_148 = tpu.memref_slice %arg3[%dma_wait3A_145, %add3A_144] : memref<2x320000xi32, #tpu.memory_space<hbm>> -> memref<1x128xi32, #tpu.memory_space<hbm>>
      %dma_wait3A_149 = tpu.memref_squeeze %dma_wait3A_148 : memref<1x128xi32, #tpu.memory_space<hbm>> -> memref<128xi32, #tpu.memory_space<hbm>>
      tpu.wait_dma2 semaphore(%arg13 : memref<!tpu.dma_semaphore, #tpu.memory_space<semaphore_mem>>) src(%dma_wait3A_149 : memref<128xi32, #tpu.memory_space<hbm>>) dst(%arg7 : memref<128xi32, #tpu.memory_space<vmem>>)
      %mul3A_150 = arith.constant 128 : i32
      %mul3A_151 = arith.muli %add3A_139, %mul3A_150 : i32
      %add3A_152 = arith.addi %mul3A_17, %mul3A_151 : i32
      %dma_wait3A_153 = arith.constant 0 : i32
      %dma_wait3A_154 = tpu.memref_slice %arg2[%add3A_152, %dma_wait3A_153] : memref<160000x128xf32, #tpu.memory_space<hbm>> -> memref<128x128xf32, #tpu.memory_space<hbm>>
      %dma_wait3A_155 = arith.constant 0 : i32
      %dma_wait3A_156 = tpu.memref_slice %arg2[%add3A_152, %dma_wait3A_155] : memref<160000x128xf32, #tpu.memory_space<hbm>> -> memref<128x128xf32, #tpu.memory_space<hbm>>
      tpu.wait_dma2 semaphore(%arg15 : memref<!tpu.dma_semaphore, #tpu.memory_space<semaphore_mem>>) src(%dma_wait3A_156 : memref<128x128xf32, #tpu.memory_space<hbm>>) dst(%arg10 : memref<128x128xf32, #tpu.memory_space<vmem>>)
      "tpu.region"() ({
        %run_scoped3A = tpu.sem_alloc : memref<!tpu.dma_semaphore, #tpu.memory_space<semaphore_mem>>
        %dma_start3A_157 = arith.constant 0 : i32
        %dma_start3A_158 = arith.constant 0 : i32
        %dma_start3A_159 = tpu.memref_slice %arg11[%dma_start3A_157, %dma_start3A_158] : memref<10000x128xf32, #tpu.memory_space<vmem_shared>> -> memref<10000x128xf32, #tpu.memory_space<vmem_shared>>
        tpu.enqueue_indirect_dma source(%arg10 : memref<128x128xf32, #tpu.memory_space<vmem>>) target(%dma_start3A_159 : memref<10000x128xf32, #tpu.memory_space<vmem_shared>>) offsets(%arg7 : memref<128xi32, #tpu.memory_space<vmem>>) semaphore(%run_scoped3A : memref<!tpu.dma_semaphore, #tpu.memory_space<semaphore_mem>>) {add = true}
        %dma_wait3A_160 = arith.constant 0 : i32
        %dma_wait3A_161 = arith.constant 0 : i32
        %dma_wait3A_162 = tpu.memref_slice %arg11[%dma_wait3A_160, %dma_wait3A_161] : memref<10000x128xf32, #tpu.memory_space<vmem_shared>> -> memref<10000x128xf32, #tpu.memory_space<vmem_shared>>
        tpu.wait_indirect_dma semaphore(%run_scoped3A : memref<!tpu.dma_semaphore, #tpu.memory_space<semaphore_mem>>) src(%arg10 : memref<128x128xf32, #tpu.memory_space<vmem>>) dst(%dma_wait3A_162 : memref<10000x128xf32, #tpu.memory_space<vmem_shared>>)
        tpu.yield
      }) : () -> ()
    }
    %sub3A_67 = arith.constant 1 : i32
    %sub3A_68 = arith.subi %add3A_24, %sub3A_67 : i32
    %add3A_69 = arith.constant 160000 : i32
    %add3A_70 = arith.addi %add3A_69, %mul3A_17 : i32
    %mul3A_71 = arith.constant 128 : i32
    %mul3A_72 = arith.muli %sub3A_68, %mul3A_71 : i32
    %add3A_73 = arith.addi %add3A_70, %mul3A_72 : i32
    %dma_wait3A = arith.constant 1 : i32
    %dma_wait3A_74 = tpu.memref_slice %arg3[%dma_wait3A, %add3A_73] : memref<2x320000xi32, #tpu.memory_space<hbm>> -> memref<1x128xi32, #tpu.memory_space<hbm>>
    %dma_wait3A_75 = tpu.memref_squeeze %dma_wait3A_74 : memref<1x128xi32, #tpu.memory_space<hbm>> -> memref<128xi32, #tpu.memory_space<hbm>>
    %dma_wait3A_76 = tpu.memref_slice %arg3[%dma_wait3A, %add3A_73] : memref<2x320000xi32, #tpu.memory_space<hbm>> -> memref<1x128xi32, #tpu.memory_space<hbm>>
    %dma_wait3A_77 = tpu.memref_squeeze %dma_wait3A_76 : memref<1x128xi32, #tpu.memory_space<hbm>> -> memref<128xi32, #tpu.memory_space<hbm>>
    tpu.wait_dma2 semaphore(%arg12 : memref<!tpu.dma_semaphore, #tpu.memory_space<semaphore_mem>>) src(%dma_wait3A_77 : memref<128xi32, #tpu.memory_space<hbm>>) dst(%arg6 : memref<128xi32, #tpu.memory_space<vmem>>)
    %mul3A_78 = arith.constant 128 : i32
    %mul3A_79 = arith.muli %sub3A_68, %mul3A_78 : i32
    %add3A_80 = arith.addi %mul3A_17, %mul3A_79 : i32
    %dma_wait3A_81 = arith.constant 0 : i32
    %dma_wait3A_82 = tpu.memref_slice %arg2[%add3A_80, %dma_wait3A_81] : memref<160000x128xf32, #tpu.memory_space<hbm>> -> memref<128x128xf32, #tpu.memory_space<hbm>>
    %dma_wait3A_83 = arith.constant 0 : i32
    %dma_wait3A_84 = tpu.memref_slice %arg2[%add3A_80, %dma_wait3A_83] : memref<160000x128xf32, #tpu.memory_space<hbm>> -> memref<128x128xf32, #tpu.memory_space<hbm>>
    tpu.wait_dma2 semaphore(%arg14 : memref<!tpu.dma_semaphore, #tpu.memory_space<semaphore_mem>>) src(%dma_wait3A_84 : memref<128x128xf32, #tpu.memory_space<hbm>>) dst(%arg9 : memref<128x128xf32, #tpu.memory_space<vmem>>)
    "tpu.region"() ({
      %run_scoped3A = tpu.sem_alloc : memref<!tpu.dma_semaphore, #tpu.memory_space<semaphore_mem>>
      %dma_start3A_96 = arith.constant 0 : i32
      %dma_start3A_97 = arith.constant 0 : i32
      %dma_start3A_98 = tpu.memref_slice %arg11[%dma_start3A_96, %dma_start3A_97] : memref<10000x128xf32, #tpu.memory_space<vmem_shared>> -> memref<10000x128xf32, #tpu.memory_space<vmem_shared>>
      tpu.enqueue_indirect_dma source(%arg9 : memref<128x128xf32, #tpu.memory_space<vmem>>) target(%dma_start3A_98 : memref<10000x128xf32, #tpu.memory_space<vmem_shared>>) offsets(%arg6 : memref<128xi32, #tpu.memory_space<vmem>>) semaphore(%run_scoped3A : memref<!tpu.dma_semaphore, #tpu.memory_space<semaphore_mem>>) {add = true}
      %dma_wait3A_99 = arith.constant 0 : i32
      %dma_wait3A_100 = arith.constant 0 : i32
      %dma_wait3A_101 = tpu.memref_slice %arg11[%dma_wait3A_99, %dma_wait3A_100] : memref<10000x128xf32, #tpu.memory_space<vmem_shared>> -> memref<10000x128xf32, #tpu.memory_space<vmem_shared>>
      tpu.wait_indirect_dma semaphore(%run_scoped3A : memref<!tpu.dma_semaphore, #tpu.memory_space<semaphore_mem>>) src(%arg9 : memref<128x128xf32, #tpu.memory_space<vmem>>) dst(%dma_wait3A_101 : memref<10000x128xf32, #tpu.memory_space<vmem_shared>>)
      tpu.yield
    }) : () -> ()
    %barrier3A_85 = arith.constant 0 : index
    tpu.barrier barrier_id(%barrier3A_85)
    %while3A_86 = arith.constant 0 : i32
    %while3A_87 = arith.constant 0 : i32
    %while3A_88 = arith.subi %select_n3A, %while3A_87 : i32
    %while3A_89 = arith.addi %while3A_87, %while3A_88 : i32
    %while3A_90 = arith.constant 1 : i32
    %while3A_91 = arith.divsi %while3A_88, %while3A_90 : i32
    %while3A_92 = arith.muli %while3A_91, %while3A_90 : i32
    %while3A_93 = arith.addi %while3A_87, %while3A_92 : i32
    %while3A_94 = arith.constant 1 : i32
    scf.for %while3A_96 = %while3A_87 to %while3A_93 step %while3A_94  : i32 {
      %mul3A_97 = arith.constant 40 : i32
      %mul3A_98 = arith.muli %while3A_96, %mul3A_97 : i32
      %add3A_99 = arith.addi %mul3A_0, %mul3A_98 : i32
      "tpu.region"() ({
        %run_scoped3A = tpu.sem_alloc : memref<!tpu.dma_semaphore, #tpu.memory_space<semaphore_mem>>
        %dma_start3A_100 = arith.constant 0 : i32
        %dma_start3A_101 = tpu.memref_slice %arg5[%arg0, %add3A_99, %dma_start3A_100] : memref<2x10000x128xf32, #tpu.memory_space<hbm>> -> memref<1x40x128xf32, #tpu.memory_space<hbm>>
        %dma_start3A_102 = tpu.memref_squeeze %dma_start3A_101 : memref<1x40x128xf32, #tpu.memory_space<hbm>> -> memref<40x128xf32, #tpu.memory_space<hbm>>
        %dma_start3A_103 = arith.constant 0 : i32
        %dma_start3A_104 = tpu.memref_slice %arg11[%add3A_99, %dma_start3A_103] : memref<10000x128xf32, #tpu.memory_space<vmem_shared>> -> memref<40x128xf32, #tpu.memory_space<vmem_shared>>
        tpu.enqueue_dma source(%dma_start3A_104 : memref<40x128xf32, #tpu.memory_space<vmem_shared>>) target(%dma_start3A_102 : memref<40x128xf32, #tpu.memory_space<hbm>>) target_semaphore(%run_scoped3A : memref<!tpu.dma_semaphore, #tpu.memory_space<semaphore_mem>>)
        %dma_wait3A_105 = arith.constant 0 : i32
        %dma_wait3A_106 = tpu.memref_slice %arg5[%arg0, %add3A_99, %dma_wait3A_105] : memref<2x10000x128xf32, #tpu.memory_space<hbm>> -> memref<1x40x128xf32, #tpu.memory_space<hbm>>
        %dma_wait3A_107 = tpu.memref_squeeze %dma_wait3A_106 : memref<1x40x128xf32, #tpu.memory_space<hbm>> -> memref<40x128xf32, #tpu.memory_space<hbm>>
        %dma_wait3A_108 = arith.constant 0 : i32
        %dma_wait3A_109 = tpu.memref_slice %arg11[%add3A_99, %dma_wait3A_108] : memref<10000x128xf32, #tpu.memory_space<vmem_shared>> -> memref<40x128xf32, #tpu.memory_space<vmem_shared>>
        tpu.wait_dma2 semaphore(%run_scoped3A : memref<!tpu.dma_semaphore, #tpu.memory_space<semaphore_mem>>) src(%dma_wait3A_109 : memref<40x128xf32, #tpu.memory_space<vmem_shared>>) dst(%dma_wait3A_107 : memref<40x128xf32, #tpu.memory_space<hbm>>)
        tpu.yield
      }) : () -> ()
    }
    %while3A_95 = arith.constant 1 : i32
    scf.for %while3A_96 = %while3A_93 to %while3A_89 step %while3A_95  : i32 {
      %mul3A_97 = arith.constant 40 : i32
      %mul3A_98 = arith.muli %while3A_96, %mul3A_97 : i32
      %add3A_99 = arith.addi %mul3A_0, %mul3A_98 : i32
      "tpu.region"() ({
        %run_scoped3A = tpu.sem_alloc : memref<!tpu.dma_semaphore, #tpu.memory_space<semaphore_mem>>
        %dma_start3A_100 = arith.constant 0 : i32
        %dma_start3A_101 = tpu.memref_slice %arg5[%arg0, %add3A_99, %dma_start3A_100] : memref<2x10000x128xf32, #tpu.memory_space<hbm>> -> memref<1x40x128xf32, #tpu.memory_space<hbm>>
        %dma_start3A_102 = tpu.memref_squeeze %dma_start3A_101 : memref<1x40x128xf32, #tpu.memory_space<hbm>> -> memref<40x128xf32, #tpu.memory_space<hbm>>
        %dma_start3A_103 = arith.constant 0 : i32
        %dma_start3A_104 = tpu.memref_slice %arg11[%add3A_99, %dma_start3A_103] : memref<10000x128xf32, #tpu.memory_space<vmem_shared>> -> memref<40x128xf32, #tpu.memory_space<vmem_shared>>
        tpu.enqueue_dma source(%dma_start3A_104 : memref<40x128xf32, #tpu.memory_space<vmem_shared>>) target(%dma_start3A_102 : memref<40x128xf32, #tpu.memory_space<hbm>>) target_semaphore(%run_scoped3A : memref<!tpu.dma_semaphore, #tpu.memory_space<semaphore_mem>>)
        %dma_wait3A_105 = arith.constant 0 : i32
        %dma_wait3A_106 = tpu.memref_slice %arg5[%arg0, %add3A_99, %dma_wait3A_105] : memref<2x10000x128xf32, #tpu.memory_space<hbm>> -> memref<1x40x128xf32, #tpu.memory_space<hbm>>
        %dma_wait3A_107 = tpu.memref_squeeze %dma_wait3A_106 : memref<1x40x128xf32, #tpu.memory_space<hbm>> -> memref<40x128xf32, #tpu.memory_space<hbm>>
        %dma_wait3A_108 = arith.constant 0 : i32
        %dma_wait3A_109 = tpu.memref_slice %arg11[%add3A_99, %dma_wait3A_108] : memref<10000x128xf32, #tpu.memory_space<vmem_shared>> -> memref<40x128xf32, #tpu.memory_space<vmem_shared>>
        tpu.wait_dma2 semaphore(%run_scoped3A : memref<!tpu.dma_semaphore, #tpu.memory_space<semaphore_mem>>) src(%dma_wait3A_109 : memref<40x128xf32, #tpu.memory_space<vmem_shared>>) dst(%dma_wait3A_107 : memref<40x128xf32, #tpu.memory_space<hbm>>)
        tpu.yield
      }) : () -> ()
    }
    return
  }
}

#map = affine_map<(d0, d1) -> (0, 0)>
module attributes {stable_mosaic.version = 14 : i64} {
  func.func @k(%arg0: i32, %arg1: i32, %arg2: memref<10000x128xi32, #tpu.memory_space<hbm>>, %arg3: memref<10000x128xf32, #tpu.memory_space<hbm>>, %arg4: memref<2x320000xi32, #tpu.memory_space<hbm>>, %arg5: memref<160000x128xi32, #tpu.memory_space<hbm>>, %arg6: memref<160000x128xf32, #tpu.memory_space<hbm>>, %arg7: memref<5248xi32, #tpu.memory_space<vmem>>, %arg8: memref<5248xi32, #tpu.memory_space<vmem>>, %arg9: memref<128x128xi32, #tpu.memory_space<vmem>>, %arg10: memref<128x128xi32, #tpu.memory_space<vmem>>, %arg11: memref<128x128xf32, #tpu.memory_space<vmem>>, %arg12: memref<128x128xf32, #tpu.memory_space<vmem>>, %arg13: memref<!tpu.dma_semaphore, #tpu.memory_space<semaphore_mem>>, %arg14: memref<!tpu.dma_semaphore, #tpu.memory_space<semaphore_mem>>, %arg15: memref<!tpu.dma_semaphore, #tpu.memory_space<semaphore_mem>>, %arg16: memref<!tpu.dma_semaphore, #tpu.memory_space<semaphore_mem>>) attributes {dimension_semantics = [#tpu.dimension_semantics<core_parallel>, #tpu.dimension_semantics<subcore_parallel>], iteration_bounds = array<i64: 2, 16>, scalar_prefetch = 0 : i64, scratch_operands = 10 : i64, tpu.core_type = #tpu.core_type<sc_vector_subcore>, window_params = [{transform_indices = #map}, {transform_indices = #map}, {transform_indices = #map}, {transform_indices = #map}, {transform_indices = #map}]} {
    %mul3A = arith.constant 2 : i32
    %mul3A_0 = arith.muli %arg1, %mul3A : i32
    %add3A = arith.addi %mul3A_0, %arg0 : i32
    %mul3A_1 = arith.constant 39 : i32
    %mul3A_2 = arith.muli %add3A, %mul3A_1 : i32
    %mul3A_3 = arith.constant 128 : i32
    %mul3A_4 = arith.muli %mul3A_2, %mul3A_3 : i32
    %eq3A = arith.constant 31 : i32
    %eq3A_5 = arith.cmpi eq, %add3A, %eq3A : i32
    %jit3A = arith.constant 2 : i32
    %jit3A_6 = arith.constant 0 : i32
    %select_n3A = arith.select %eq3A_5, %jit3A, %jit3A_6 : i32
    %add3A_7 = arith.constant 39 : i32
    %add3A_8 = arith.addi %add3A_7, %select_n3A : i32
    %add3A_9 = arith.constant 160000 : i32
    %add3A_10 = arith.addi %add3A_9, %mul3A_4 : i32
    %run_scoped3A = arith.constant 0 : i32
    "tpu.region"() ({
      %run_scoped3A_69 = tpu.sem_alloc : memref<!tpu.dma_semaphore, #tpu.memory_space<semaphore_mem>>
      %dma_start3A_70 = tpu.memref_slice %arg4[%run_scoped3A, %add3A_10] : memref<2x320000xi32, #tpu.memory_space<hbm>> -> memref<1x5248xi32, #tpu.memory_space<hbm>>
      %dma_start3A_71 = tpu.memref_squeeze %dma_start3A_70 : memref<1x5248xi32, #tpu.memory_space<hbm>> -> memref<5248xi32, #tpu.memory_space<hbm>>
      %dma_start3A_72 = tpu.memref_slice %arg4[%run_scoped3A, %add3A_10] : memref<2x320000xi32, #tpu.memory_space<hbm>> -> memref<1x5248xi32, #tpu.memory_space<hbm>>
      %dma_start3A_73 = tpu.memref_squeeze %dma_start3A_72 : memref<1x5248xi32, #tpu.memory_space<hbm>> -> memref<5248xi32, #tpu.memory_space<hbm>>
      tpu.enqueue_dma source(%dma_start3A_73 : memref<5248xi32, #tpu.memory_space<hbm>>) target(%arg7 : memref<5248xi32, #tpu.memory_space<vmem>>) target_semaphore(%run_scoped3A_69 : memref<!tpu.dma_semaphore, #tpu.memory_space<semaphore_mem>>)
      %dma_wait3A_74 = tpu.memref_slice %arg4[%run_scoped3A, %add3A_10] : memref<2x320000xi32, #tpu.memory_space<hbm>> -> memref<1x5248xi32, #tpu.memory_space<hbm>>
      %dma_wait3A_75 = tpu.memref_squeeze %dma_wait3A_74 : memref<1x5248xi32, #tpu.memory_space<hbm>> -> memref<5248xi32, #tpu.memory_space<hbm>>
      %dma_wait3A_76 = tpu.memref_slice %arg4[%run_scoped3A, %add3A_10] : memref<2x320000xi32, #tpu.memory_space<hbm>> -> memref<1x5248xi32, #tpu.memory_space<hbm>>
      %dma_wait3A_77 = tpu.memref_squeeze %dma_wait3A_76 : memref<1x5248xi32, #tpu.memory_space<hbm>> -> memref<5248xi32, #tpu.memory_space<hbm>>
      tpu.wait_dma2 semaphore(%run_scoped3A_69 : memref<!tpu.dma_semaphore, #tpu.memory_space<semaphore_mem>>) src(%dma_wait3A_77 : memref<5248xi32, #tpu.memory_space<hbm>>) dst(%arg7 : memref<5248xi32, #tpu.memory_space<vmem>>)
      tpu.yield
    }) : () -> ()
    %add3A_11 = arith.constant 160000 : i32
    %add3A_12 = arith.addi %add3A_11, %mul3A_4 : i32
    %run_scoped3A_13 = arith.constant 1 : i32
    "tpu.region"() ({
      %run_scoped3A_69 = tpu.sem_alloc : memref<!tpu.dma_semaphore, #tpu.memory_space<semaphore_mem>>
      %dma_start3A_70 = tpu.memref_slice %arg4[%run_scoped3A_13, %add3A_12] : memref<2x320000xi32, #tpu.memory_space<hbm>> -> memref<1x5248xi32, #tpu.memory_space<hbm>>
      %dma_start3A_71 = tpu.memref_squeeze %dma_start3A_70 : memref<1x5248xi32, #tpu.memory_space<hbm>> -> memref<5248xi32, #tpu.memory_space<hbm>>
      %dma_start3A_72 = tpu.memref_slice %arg4[%run_scoped3A_13, %add3A_12] : memref<2x320000xi32, #tpu.memory_space<hbm>> -> memref<1x5248xi32, #tpu.memory_space<hbm>>
      %dma_start3A_73 = tpu.memref_squeeze %dma_start3A_72 : memref<1x5248xi32, #tpu.memory_space<hbm>> -> memref<5248xi32, #tpu.memory_space<hbm>>
      tpu.enqueue_dma source(%dma_start3A_73 : memref<5248xi32, #tpu.memory_space<hbm>>) target(%arg8 : memref<5248xi32, #tpu.memory_space<vmem>>) target_semaphore(%run_scoped3A_69 : memref<!tpu.dma_semaphore, #tpu.memory_space<semaphore_mem>>)
      %dma_wait3A_74 = tpu.memref_slice %arg4[%run_scoped3A_13, %add3A_12] : memref<2x320000xi32, #tpu.memory_space<hbm>> -> memref<1x5248xi32, #tpu.memory_space<hbm>>
      %dma_wait3A_75 = tpu.memref_squeeze %dma_wait3A_74 : memref<1x5248xi32, #tpu.memory_space<hbm>> -> memref<5248xi32, #tpu.memory_space<hbm>>
      %dma_wait3A_76 = tpu.memref_slice %arg4[%run_scoped3A_13, %add3A_12] : memref<2x320000xi32, #tpu.memory_space<hbm>> -> memref<1x5248xi32, #tpu.memory_space<hbm>>
      %dma_wait3A_77 = tpu.memref_squeeze %dma_wait3A_76 : memref<1x5248xi32, #tpu.memory_space<hbm>> -> memref<5248xi32, #tpu.memory_space<hbm>>
      tpu.wait_dma2 semaphore(%run_scoped3A_69 : memref<!tpu.dma_semaphore, #tpu.memory_space<semaphore_mem>>) src(%dma_wait3A_77 : memref<5248xi32, #tpu.memory_space<hbm>>) dst(%arg8 : memref<5248xi32, #tpu.memory_space<vmem>>)
      tpu.yield
    }) : () -> ()
    %dma_start3A = arith.constant 0 : i32
    %dma_start3A_14 = tpu.memref_slice %arg7[%dma_start3A] : memref<5248xi32, #tpu.memory_space<vmem>> -> memref<128xi32, #tpu.memory_space<vmem>>
    %dma_start3A_15 = arith.constant 0 : i32
    %dma_start3A_16 = arith.constant 0 : i32
    %dma_start3A_17 = tpu.memref_slice %arg2[%dma_start3A_15, %dma_start3A_16] : memref<10000x128xi32, #tpu.memory_space<hbm>> -> memref<10000x128xi32, #tpu.memory_space<hbm>>
    tpu.enqueue_indirect_dma source(%dma_start3A_17 : memref<10000x128xi32, #tpu.memory_space<hbm>>) target(%arg9 : memref<128x128xi32, #tpu.memory_space<vmem>>) offsets(%dma_start3A_14 : memref<128xi32, #tpu.memory_space<vmem>>) semaphore(%arg13 : memref<!tpu.dma_semaphore, #tpu.memory_space<semaphore_mem>>)
    %dma_start3A_18 = arith.constant 0 : i32
    %dma_start3A_19 = tpu.memref_slice %arg8[%dma_start3A_18] : memref<5248xi32, #tpu.memory_space<vmem>> -> memref<128xi32, #tpu.memory_space<vmem>>
    %dma_start3A_20 = arith.constant 0 : i32
    %dma_start3A_21 = arith.constant 0 : i32
    %dma_start3A_22 = tpu.memref_slice %arg3[%dma_start3A_20, %dma_start3A_21] : memref<10000x128xf32, #tpu.memory_space<hbm>> -> memref<10000x128xf32, #tpu.memory_space<hbm>>
    tpu.enqueue_indirect_dma source(%dma_start3A_22 : memref<10000x128xf32, #tpu.memory_space<hbm>>) target(%arg11 : memref<128x128xf32, #tpu.memory_space<vmem>>) offsets(%dma_start3A_19 : memref<128xi32, #tpu.memory_space<vmem>>) semaphore(%arg15 : memref<!tpu.dma_semaphore, #tpu.memory_space<semaphore_mem>>)
    %jit3A_23 = arith.constant 2 : i32
    %div3A = arith.divsi %add3A_8, %jit3A_23 : i32
    %sign3A = arith.constant 0 : i32
    %sign3A_24 = arith.cmpi sgt, %add3A_8, %sign3A : i32
    %sign3A_25 = arith.extui %sign3A_24 : i1 to i32
    %sign3A_26 = arith.constant 0 : i32
    %sign3A_27 = arith.cmpi slt, %add3A_8, %sign3A_26 : i32
    %sign3A_28 = arith.extui %sign3A_27 : i1 to i32
    %sign3A_29 = arith.subi %sign3A_25, %sign3A_28 : i32
    %sign3A_30 = arith.constant 0 : i32
    %sign3A_31 = arith.cmpi sgt, %jit3A_23, %sign3A_30 : i32
    %sign3A_32 = arith.extui %sign3A_31 : i1 to i32
    %sign3A_33 = arith.constant 0 : i32
    %sign3A_34 = arith.cmpi slt, %jit3A_23, %sign3A_33 : i32
    %sign3A_35 = arith.extui %sign3A_34 : i1 to i32
    %sign3A_36 = arith.subi %sign3A_32, %sign3A_35 : i32
    %ne3A = arith.cmpi ne, %sign3A_29, %sign3A_36 : i32
    %rem3A = arith.remsi %add3A_8, %jit3A_23 : i32
    %ne3A_37 = arith.constant 0 : i32
    %ne3A_38 = arith.cmpi ne, %rem3A, %ne3A_37 : i32
    %and3A = arith.andi %ne3A, %ne3A_38 : i1
    %sub3A = arith.constant 1 : i32
    %sub3A_39 = arith.subi %div3A, %sub3A : i32
    %select_n3A_40 = arith.select %and3A, %sub3A_39, %div3A : i32
    %while3A = arith.constant 0 : i32
    %while3A_41 = arith.constant 0 : i32
    %while3A_42 = arith.subi %select_n3A_40, %while3A_41 : i32
    %while3A_43 = arith.addi %while3A_41, %while3A_42 : i32
    %while3A_44 = arith.constant 1 : i32
    %while3A_45 = arith.divsi %while3A_42, %while3A_44 : i32
    %while3A_46 = arith.muli %while3A_45, %while3A_44 : i32
    %while3A_47 = arith.addi %while3A_41, %while3A_46 : i32
    %while3A_48 = arith.constant 1 : i32
    scf.for %while3A_69 = %while3A_41 to %while3A_47 step %while3A_48  : i32 {
      %mul3A_70 = arith.constant 2 : i32
      %mul3A_71 = arith.muli %while3A_69, %mul3A_70 : i32
      %add3A_72 = arith.constant 1 : i32
      %add3A_73 = arith.addi %mul3A_71, %add3A_72 : i32
      %mul3A_74 = arith.constant 128 : i32
      %mul3A_75 = arith.muli %add3A_73, %mul3A_74 : i32
      %dma_start3A_76 = tpu.memref_slice %arg7[%mul3A_75] : memref<5248xi32, #tpu.memory_space<vmem>> -> memref<128xi32, #tpu.memory_space<vmem>>
      %dma_start3A_77 = arith.constant 0 : i32
      %dma_start3A_78 = arith.constant 0 : i32
      %dma_start3A_79 = tpu.memref_slice %arg2[%dma_start3A_77, %dma_start3A_78] : memref<10000x128xi32, #tpu.memory_space<hbm>> -> memref<10000x128xi32, #tpu.memory_space<hbm>>
      tpu.enqueue_indirect_dma source(%dma_start3A_79 : memref<10000x128xi32, #tpu.memory_space<hbm>>) target(%arg10 : memref<128x128xi32, #tpu.memory_space<vmem>>) offsets(%dma_start3A_76 : memref<128xi32, #tpu.memory_space<vmem>>) semaphore(%arg14 : memref<!tpu.dma_semaphore, #tpu.memory_space<semaphore_mem>>)
      %mul3A_80 = arith.constant 128 : i32
      %mul3A_81 = arith.muli %add3A_73, %mul3A_80 : i32
      %dma_start3A_82 = tpu.memref_slice %arg8[%mul3A_81] : memref<5248xi32, #tpu.memory_space<vmem>> -> memref<128xi32, #tpu.memory_space<vmem>>
      %dma_start3A_83 = arith.constant 0 : i32
      %dma_start3A_84 = arith.constant 0 : i32
      %dma_start3A_85 = tpu.memref_slice %arg3[%dma_start3A_83, %dma_start3A_84] : memref<10000x128xf32, #tpu.memory_space<hbm>> -> memref<10000x128xf32, #tpu.memory_space<hbm>>
      tpu.enqueue_indirect_dma source(%dma_start3A_85 : memref<10000x128xf32, #tpu.memory_space<hbm>>) target(%arg12 : memref<128x128xf32, #tpu.memory_space<vmem>>) offsets(%dma_start3A_82 : memref<128xi32, #tpu.memory_space<vmem>>) semaphore(%arg16 : memref<!tpu.dma_semaphore, #tpu.memory_space<semaphore_mem>>)
      %mul3A_86 = arith.constant 128 : i32
      %mul3A_87 = arith.muli %mul3A_71, %mul3A_86 : i32
      %dma_wait3A_88 = tpu.memref_slice %arg7[%mul3A_87] : memref<5248xi32, #tpu.memory_space<vmem>> -> memref<128xi32, #tpu.memory_space<vmem>>
      %dma_wait3A_89 = arith.constant 0 : i32
      %dma_wait3A_90 = arith.constant 0 : i32
      %dma_wait3A_91 = tpu.memref_slice %arg2[%dma_wait3A_89, %dma_wait3A_90] : memref<10000x128xi32, #tpu.memory_space<hbm>> -> memref<10000x128xi32, #tpu.memory_space<hbm>>
      tpu.wait_indirect_dma semaphore(%arg13 : memref<!tpu.dma_semaphore, #tpu.memory_space<semaphore_mem>>) src(%dma_wait3A_91 : memref<10000x128xi32, #tpu.memory_space<hbm>>) dst(%arg9 : memref<128x128xi32, #tpu.memory_space<vmem>>)
      %mul3A_92 = arith.constant 128 : i32
      %mul3A_93 = arith.muli %mul3A_71, %mul3A_92 : i32
      %dma_wait3A_94 = tpu.memref_slice %arg8[%mul3A_93] : memref<5248xi32, #tpu.memory_space<vmem>> -> memref<128xi32, #tpu.memory_space<vmem>>
      %dma_wait3A_95 = arith.constant 0 : i32
      %dma_wait3A_96 = arith.constant 0 : i32
      %dma_wait3A_97 = tpu.memref_slice %arg3[%dma_wait3A_95, %dma_wait3A_96] : memref<10000x128xf32, #tpu.memory_space<hbm>> -> memref<10000x128xf32, #tpu.memory_space<hbm>>
      tpu.wait_indirect_dma semaphore(%arg15 : memref<!tpu.dma_semaphore, #tpu.memory_space<semaphore_mem>>) src(%dma_wait3A_97 : memref<10000x128xf32, #tpu.memory_space<hbm>>) dst(%arg11 : memref<128x128xf32, #tpu.memory_space<vmem>>)
      %mul3A_98 = arith.constant 128 : i32
      %mul3A_99 = arith.muli %mul3A_71, %mul3A_98 : i32
      %add3A_100 = arith.addi %mul3A_4, %mul3A_99 : i32
      "tpu.region"() ({
        %run_scoped3A_127 = tpu.sem_alloc : memref<!tpu.dma_semaphore, #tpu.memory_space<semaphore_mem>>
        %dma_start3A_128 = arith.constant 0 : i32
        %dma_start3A_129 = tpu.memref_slice %arg5[%add3A_100, %dma_start3A_128] : memref<160000x128xi32, #tpu.memory_space<hbm>> -> memref<128x128xi32, #tpu.memory_space<hbm>>
        %dma_start3A_130 = arith.constant 0 : i32
        %dma_start3A_131 = tpu.memref_slice %arg5[%add3A_100, %dma_start3A_130] : memref<160000x128xi32, #tpu.memory_space<hbm>> -> memref<128x128xi32, #tpu.memory_space<hbm>>
        tpu.enqueue_dma source(%arg9 : memref<128x128xi32, #tpu.memory_space<vmem>>) target(%dma_start3A_131 : memref<128x128xi32, #tpu.memory_space<hbm>>) target_semaphore(%run_scoped3A_127 : memref<!tpu.dma_semaphore, #tpu.memory_space<semaphore_mem>>)
        %dma_wait3A_132 = arith.constant 0 : i32
        %dma_wait3A_133 = tpu.memref_slice %arg5[%add3A_100, %dma_wait3A_132] : memref<160000x128xi32, #tpu.memory_space<hbm>> -> memref<128x128xi32, #tpu.memory_space<hbm>>
        %dma_wait3A_134 = arith.constant 0 : i32
        %dma_wait3A_135 = tpu.memref_slice %arg5[%add3A_100, %dma_wait3A_134] : memref<160000x128xi32, #tpu.memory_space<hbm>> -> memref<128x128xi32, #tpu.memory_space<hbm>>
        tpu.wait_dma2 semaphore(%run_scoped3A_127 : memref<!tpu.dma_semaphore, #tpu.memory_space<semaphore_mem>>) src(%arg9 : memref<128x128xi32, #tpu.memory_space<vmem>>) dst(%dma_wait3A_135 : memref<128x128xi32, #tpu.memory_space<hbm>>)
        tpu.yield
      }) : () -> ()
      %mul3A_101 = arith.constant 128 : i32
      %mul3A_102 = arith.muli %mul3A_71, %mul3A_101 : i32
      %add3A_103 = arith.addi %mul3A_4, %mul3A_102 : i32
      "tpu.region"() ({
        %run_scoped3A_127 = tpu.sem_alloc : memref<!tpu.dma_semaphore, #tpu.memory_space<semaphore_mem>>
        %dma_start3A_128 = arith.constant 0 : i32
        %dma_start3A_129 = tpu.memref_slice %arg6[%add3A_103, %dma_start3A_128] : memref<160000x128xf32, #tpu.memory_space<hbm>> -> memref<128x128xf32, #tpu.memory_space<hbm>>
        %dma_start3A_130 = arith.constant 0 : i32
        %dma_start3A_131 = tpu.memref_slice %arg6[%add3A_103, %dma_start3A_130] : memref<160000x128xf32, #tpu.memory_space<hbm>> -> memref<128x128xf32, #tpu.memory_space<hbm>>
        tpu.enqueue_dma source(%arg11 : memref<128x128xf32, #tpu.memory_space<vmem>>) target(%dma_start3A_131 : memref<128x128xf32, #tpu.memory_space<hbm>>) target_semaphore(%run_scoped3A_127 : memref<!tpu.dma_semaphore, #tpu.memory_space<semaphore_mem>>)
        %dma_wait3A_132 = arith.constant 0 : i32
        %dma_wait3A_133 = tpu.memref_slice %arg6[%add3A_103, %dma_wait3A_132] : memref<160000x128xf32, #tpu.memory_space<hbm>> -> memref<128x128xf32, #tpu.memory_space<hbm>>
        %dma_wait3A_134 = arith.constant 0 : i32
        %dma_wait3A_135 = tpu.memref_slice %arg6[%add3A_103, %dma_wait3A_134] : memref<160000x128xf32, #tpu.memory_space<hbm>> -> memref<128x128xf32, #tpu.memory_space<hbm>>
        tpu.wait_dma2 semaphore(%run_scoped3A_127 : memref<!tpu.dma_semaphore, #tpu.memory_space<semaphore_mem>>) src(%arg11 : memref<128x128xf32, #tpu.memory_space<vmem>>) dst(%dma_wait3A_135 : memref<128x128xf32, #tpu.memory_space<hbm>>)
        tpu.yield
      }) : () -> ()
      %add3A_104 = arith.constant 2 : i32
      %add3A_105 = arith.addi %mul3A_71, %add3A_104 : i32
      %lt3A = arith.cmpi slt, %add3A_105, %add3A_8 : i32
      %convert_element_type3A = arith.extui %lt3A : i1 to i32
      %cond3A = arith.constant 0 : i32
      %cond3A_106 = arith.cmpi ne, %convert_element_type3A, %cond3A : i32
      scf.if %cond3A_106 {
        %add3A_127 = arith.constant 2 : i32
        %add3A_128 = arith.addi %mul3A_71, %add3A_127 : i32
        %mul3A_129 = arith.constant 128 : i32
        %mul3A_130 = arith.muli %add3A_128, %mul3A_129 : i32
        %dma_start3A_131 = tpu.memref_slice %arg7[%mul3A_130] : memref<5248xi32, #tpu.memory_space<vmem>> -> memref<128xi32, #tpu.memory_space<vmem>>
        %dma_start3A_132 = arith.constant 0 : i32
        %dma_start3A_133 = arith.constant 0 : i32
        %dma_start3A_134 = tpu.memref_slice %arg2[%dma_start3A_132, %dma_start3A_133] : memref<10000x128xi32, #tpu.memory_space<hbm>> -> memref<10000x128xi32, #tpu.memory_space<hbm>>
        tpu.enqueue_indirect_dma source(%dma_start3A_134 : memref<10000x128xi32, #tpu.memory_space<hbm>>) target(%arg9 : memref<128x128xi32, #tpu.memory_space<vmem>>) offsets(%dma_start3A_131 : memref<128xi32, #tpu.memory_space<vmem>>) semaphore(%arg13 : memref<!tpu.dma_semaphore, #tpu.memory_space<semaphore_mem>>)
        %mul3A_135 = arith.constant 128 : i32
        %mul3A_136 = arith.muli %add3A_128, %mul3A_135 : i32
        %dma_start3A_137 = tpu.memref_slice %arg8[%mul3A_136] : memref<5248xi32, #tpu.memory_space<vmem>> -> memref<128xi32, #tpu.memory_space<vmem>>
        %dma_start3A_138 = arith.constant 0 : i32
        %dma_start3A_139 = arith.constant 0 : i32
        %dma_start3A_140 = tpu.memref_slice %arg3[%dma_start3A_138, %dma_start3A_139] : memref<10000x128xf32, #tpu.memory_space<hbm>> -> memref<10000x128xf32, #tpu.memory_space<hbm>>
        tpu.enqueue_indirect_dma source(%dma_start3A_140 : memref<10000x128xf32, #tpu.memory_space<hbm>>) target(%arg11 : memref<128x128xf32, #tpu.memory_space<vmem>>) offsets(%dma_start3A_137 : memref<128xi32, #tpu.memory_space<vmem>>) semaphore(%arg15 : memref<!tpu.dma_semaphore, #tpu.memory_space<semaphore_mem>>)
      } else {
      }
      %add3A_107 = arith.constant 1 : i32
      %add3A_108 = arith.addi %mul3A_71, %add3A_107 : i32
      %mul3A_109 = arith.constant 128 : i32
      %mul3A_110 = arith.muli %add3A_108, %mul3A_109 : i32
      %dma_wait3A_111 = tpu.memref_slice %arg7[%mul3A_110] : memref<5248xi32, #tpu.memory_space<vmem>> -> memref<128xi32, #tpu.memory_space<vmem>>
      %dma_wait3A_112 = arith.constant 0 : i32
      %dma_wait3A_113 = arith.constant 0 : i32
      %dma_wait3A_114 = tpu.memref_slice %arg2[%dma_wait3A_112, %dma_wait3A_113] : memref<10000x128xi32, #tpu.memory_space<hbm>> -> memref<10000x128xi32, #tpu.memory_space<hbm>>
      tpu.wait_indirect_dma semaphore(%arg14 : memref<!tpu.dma_semaphore, #tpu.memory_space<semaphore_mem>>) src(%dma_wait3A_114 : memref<10000x128xi32, #tpu.memory_space<hbm>>) dst(%arg10 : memref<128x128xi32, #tpu.memory_space<vmem>>)
      %mul3A_115 = arith.constant 128 : i32
      %mul3A_116 = arith.muli %add3A_108, %mul3A_115 : i32
      %dma_wait3A_117 = tpu.memref_slice %arg8[%mul3A_116] : memref<5248xi32, #tpu.memory_space<vmem>> -> memref<128xi32, #tpu.memory_space<vmem>>
      %dma_wait3A_118 = arith.constant 0 : i32
      %dma_wait3A_119 = arith.constant 0 : i32
      %dma_wait3A_120 = tpu.memref_slice %arg3[%dma_wait3A_118, %dma_wait3A_119] : memref<10000x128xf32, #tpu.memory_space<hbm>> -> memref<10000x128xf32, #tpu.memory_space<hbm>>
      tpu.wait_indirect_dma semaphore(%arg16 : memref<!tpu.dma_semaphore, #tpu.memory_space<semaphore_mem>>) src(%dma_wait3A_120 : memref<10000x128xf32, #tpu.memory_space<hbm>>) dst(%arg12 : memref<128x128xf32, #tpu.memory_space<vmem>>)
      %mul3A_121 = arith.constant 128 : i32
      %mul3A_122 = arith.muli %add3A_108, %mul3A_121 : i32
      %add3A_123 = arith.addi %mul3A_4, %mul3A_122 : i32
      "tpu.region"() ({
        %run_scoped3A_127 = tpu.sem_alloc : memref<!tpu.dma_semaphore, #tpu.memory_space<semaphore_mem>>
        %dma_start3A_128 = arith.constant 0 : i32
        %dma_start3A_129 = tpu.memref_slice %arg5[%add3A_123, %dma_start3A_128] : memref<160000x128xi32, #tpu.memory_space<hbm>> -> memref<128x128xi32, #tpu.memory_space<hbm>>
        %dma_start3A_130 = arith.constant 0 : i32
        %dma_start3A_131 = tpu.memref_slice %arg5[%add3A_123, %dma_start3A_130] : memref<160000x128xi32, #tpu.memory_space<hbm>> -> memref<128x128xi32, #tpu.memory_space<hbm>>
        tpu.enqueue_dma source(%arg10 : memref<128x128xi32, #tpu.memory_space<vmem>>) target(%dma_start3A_131 : memref<128x128xi32, #tpu.memory_space<hbm>>) target_semaphore(%run_scoped3A_127 : memref<!tpu.dma_semaphore, #tpu.memory_space<semaphore_mem>>)
        %dma_wait3A_132 = arith.constant 0 : i32
        %dma_wait3A_133 = tpu.memref_slice %arg5[%add3A_123, %dma_wait3A_132] : memref<160000x128xi32, #tpu.memory_space<hbm>> -> memref<128x128xi32, #tpu.memory_space<hbm>>
        %dma_wait3A_134 = arith.constant 0 : i32
        %dma_wait3A_135 = tpu.memref_slice %arg5[%add3A_123, %dma_wait3A_134] : memref<160000x128xi32, #tpu.memory_space<hbm>> -> memref<128x128xi32, #tpu.memory_space<hbm>>
        tpu.wait_dma2 semaphore(%run_scoped3A_127 : memref<!tpu.dma_semaphore, #tpu.memory_space<semaphore_mem>>) src(%arg10 : memref<128x128xi32, #tpu.memory_space<vmem>>) dst(%dma_wait3A_135 : memref<128x128xi32, #tpu.memory_space<hbm>>)
        tpu.yield
      }) : () -> ()
      %mul3A_124 = arith.constant 128 : i32
      %mul3A_125 = arith.muli %add3A_108, %mul3A_124 : i32
      %add3A_126 = arith.addi %mul3A_4, %mul3A_125 : i32
      "tpu.region"() ({
        %run_scoped3A_127 = tpu.sem_alloc : memref<!tpu.dma_semaphore, #tpu.memory_space<semaphore_mem>>
        %dma_start3A_128 = arith.constant 0 : i32
        %dma_start3A_129 = tpu.memref_slice %arg6[%add3A_126, %dma_start3A_128] : memref<160000x128xf32, #tpu.memory_space<hbm>> -> memref<128x128xf32, #tpu.memory_space<hbm>>
        %dma_start3A_130 = arith.constant 0 : i32
        %dma_start3A_131 = tpu.memref_slice %arg6[%add3A_126, %dma_start3A_130] : memref<160000x128xf32, #tpu.memory_space<hbm>> -> memref<128x128xf32, #tpu.memory_space<hbm>>
        tpu.enqueue_dma source(%arg12 : memref<128x128xf32, #tpu.memory_space<vmem>>) target(%dma_start3A_131 : memref<128x128xf32, #tpu.memory_space<hbm>>) target_semaphore(%run_scoped3A_127 : memref<!tpu.dma_semaphore, #tpu.memory_space<semaphore_mem>>)
        %dma_wait3A_132 = arith.constant 0 : i32
        %dma_wait3A_133 = tpu.memref_slice %arg6[%add3A_126, %dma_wait3A_132] : memref<160000x128xf32, #tpu.memory_space<hbm>> -> memref<128x128xf32, #tpu.memory_space<hbm>>
        %dma_wait3A_134 = arith.constant 0 : i32
        %dma_wait3A_135 = tpu.memref_slice %arg6[%add3A_126, %dma_wait3A_134] : memref<160000x128xf32, #tpu.memory_space<hbm>> -> memref<128x128xf32, #tpu.memory_space<hbm>>
        tpu.wait_dma2 semaphore(%run_scoped3A_127 : memref<!tpu.dma_semaphore, #tpu.memory_space<semaphore_mem>>) src(%arg12 : memref<128x128xf32, #tpu.memory_space<vmem>>) dst(%dma_wait3A_135 : memref<128x128xf32, #tpu.memory_space<hbm>>)
        tpu.yield
      }) : () -> ()
    }
    %while3A_49 = arith.constant 1 : i32
    scf.for %while3A_69 = %while3A_47 to %while3A_43 step %while3A_49  : i32 {
      %mul3A_70 = arith.constant 2 : i32
      %mul3A_71 = arith.muli %while3A_69, %mul3A_70 : i32
      %add3A_72 = arith.constant 1 : i32
      %add3A_73 = arith.addi %mul3A_71, %add3A_72 : i32
      %mul3A_74 = arith.constant 128 : i32
      %mul3A_75 = arith.muli %add3A_73, %mul3A_74 : i32
      %dma_start3A_76 = tpu.memref_slice %arg7[%mul3A_75] : memref<5248xi32, #tpu.memory_space<vmem>> -> memref<128xi32, #tpu.memory_space<vmem>>
      %dma_start3A_77 = arith.constant 0 : i32
      %dma_start3A_78 = arith.constant 0 : i32
      %dma_start3A_79 = tpu.memref_slice %arg2[%dma_start3A_77, %dma_start3A_78] : memref<10000x128xi32, #tpu.memory_space<hbm>> -> memref<10000x128xi32, #tpu.memory_space<hbm>>
      tpu.enqueue_indirect_dma source(%dma_start3A_79 : memref<10000x128xi32, #tpu.memory_space<hbm>>) target(%arg10 : memref<128x128xi32, #tpu.memory_space<vmem>>) offsets(%dma_start3A_76 : memref<128xi32, #tpu.memory_space<vmem>>) semaphore(%arg14 : memref<!tpu.dma_semaphore, #tpu.memory_space<semaphore_mem>>)
      %mul3A_80 = arith.constant 128 : i32
      %mul3A_81 = arith.muli %add3A_73, %mul3A_80 : i32
      %dma_start3A_82 = tpu.memref_slice %arg8[%mul3A_81] : memref<5248xi32, #tpu.memory_space<vmem>> -> memref<128xi32, #tpu.memory_space<vmem>>
      %dma_start3A_83 = arith.constant 0 : i32
      %dma_start3A_84 = arith.constant 0 : i32
      %dma_start3A_85 = tpu.memref_slice %arg3[%dma_start3A_83, %dma_start3A_84] : memref<10000x128xf32, #tpu.memory_space<hbm>> -> memref<10000x128xf32, #tpu.memory_space<hbm>>
      tpu.enqueue_indirect_dma source(%dma_start3A_85 : memref<10000x128xf32, #tpu.memory_space<hbm>>) target(%arg12 : memref<128x128xf32, #tpu.memory_space<vmem>>) offsets(%dma_start3A_82 : memref<128xi32, #tpu.memory_space<vmem>>) semaphore(%arg16 : memref<!tpu.dma_semaphore, #tpu.memory_space<semaphore_mem>>)
      %mul3A_86 = arith.constant 128 : i32
      %mul3A_87 = arith.muli %mul3A_71, %mul3A_86 : i32
      %dma_wait3A_88 = tpu.memref_slice %arg7[%mul3A_87] : memref<5248xi32, #tpu.memory_space<vmem>> -> memref<128xi32, #tpu.memory_space<vmem>>
      %dma_wait3A_89 = arith.constant 0 : i32
      %dma_wait3A_90 = arith.constant 0 : i32
      %dma_wait3A_91 = tpu.memref_slice %arg2[%dma_wait3A_89, %dma_wait3A_90] : memref<10000x128xi32, #tpu.memory_space<hbm>> -> memref<10000x128xi32, #tpu.memory_space<hbm>>
      tpu.wait_indirect_dma semaphore(%arg13 : memref<!tpu.dma_semaphore, #tpu.memory_space<semaphore_mem>>) src(%dma_wait3A_91 : memref<10000x128xi32, #tpu.memory_space<hbm>>) dst(%arg9 : memref<128x128xi32, #tpu.memory_space<vmem>>)
      %mul3A_92 = arith.constant 128 : i32
      %mul3A_93 = arith.muli %mul3A_71, %mul3A_92 : i32
      %dma_wait3A_94 = tpu.memref_slice %arg8[%mul3A_93] : memref<5248xi32, #tpu.memory_space<vmem>> -> memref<128xi32, #tpu.memory_space<vmem>>
      %dma_wait3A_95 = arith.constant 0 : i32
      %dma_wait3A_96 = arith.constant 0 : i32
      %dma_wait3A_97 = tpu.memref_slice %arg3[%dma_wait3A_95, %dma_wait3A_96] : memref<10000x128xf32, #tpu.memory_space<hbm>> -> memref<10000x128xf32, #tpu.memory_space<hbm>>
      tpu.wait_indirect_dma semaphore(%arg15 : memref<!tpu.dma_semaphore, #tpu.memory_space<semaphore_mem>>) src(%dma_wait3A_97 : memref<10000x128xf32, #tpu.memory_space<hbm>>) dst(%arg11 : memref<128x128xf32, #tpu.memory_space<vmem>>)
      %mul3A_98 = arith.constant 128 : i32
      %mul3A_99 = arith.muli %mul3A_71, %mul3A_98 : i32
      %add3A_100 = arith.addi %mul3A_4, %mul3A_99 : i32
      "tpu.region"() ({
        %run_scoped3A_127 = tpu.sem_alloc : memref<!tpu.dma_semaphore, #tpu.memory_space<semaphore_mem>>
        %dma_start3A_128 = arith.constant 0 : i32
        %dma_start3A_129 = tpu.memref_slice %arg5[%add3A_100, %dma_start3A_128] : memref<160000x128xi32, #tpu.memory_space<hbm>> -> memref<128x128xi32, #tpu.memory_space<hbm>>
        %dma_start3A_130 = arith.constant 0 : i32
        %dma_start3A_131 = tpu.memref_slice %arg5[%add3A_100, %dma_start3A_130] : memref<160000x128xi32, #tpu.memory_space<hbm>> -> memref<128x128xi32, #tpu.memory_space<hbm>>
        tpu.enqueue_dma source(%arg9 : memref<128x128xi32, #tpu.memory_space<vmem>>) target(%dma_start3A_131 : memref<128x128xi32, #tpu.memory_space<hbm>>) target_semaphore(%run_scoped3A_127 : memref<!tpu.dma_semaphore, #tpu.memory_space<semaphore_mem>>)
        %dma_wait3A_132 = arith.constant 0 : i32
        %dma_wait3A_133 = tpu.memref_slice %arg5[%add3A_100, %dma_wait3A_132] : memref<160000x128xi32, #tpu.memory_space<hbm>> -> memref<128x128xi32, #tpu.memory_space<hbm>>
        %dma_wait3A_134 = arith.constant 0 : i32
        %dma_wait3A_135 = tpu.memref_slice %arg5[%add3A_100, %dma_wait3A_134] : memref<160000x128xi32, #tpu.memory_space<hbm>> -> memref<128x128xi32, #tpu.memory_space<hbm>>
        tpu.wait_dma2 semaphore(%run_scoped3A_127 : memref<!tpu.dma_semaphore, #tpu.memory_space<semaphore_mem>>) src(%arg9 : memref<128x128xi32, #tpu.memory_space<vmem>>) dst(%dma_wait3A_135 : memref<128x128xi32, #tpu.memory_space<hbm>>)
        tpu.yield
      }) : () -> ()
      %mul3A_101 = arith.constant 128 : i32
      %mul3A_102 = arith.muli %mul3A_71, %mul3A_101 : i32
      %add3A_103 = arith.addi %mul3A_4, %mul3A_102 : i32
      "tpu.region"() ({
        %run_scoped3A_127 = tpu.sem_alloc : memref<!tpu.dma_semaphore, #tpu.memory_space<semaphore_mem>>
        %dma_start3A_128 = arith.constant 0 : i32
        %dma_start3A_129 = tpu.memref_slice %arg6[%add3A_103, %dma_start3A_128] : memref<160000x128xf32, #tpu.memory_space<hbm>> -> memref<128x128xf32, #tpu.memory_space<hbm>>
        %dma_start3A_130 = arith.constant 0 : i32
        %dma_start3A_131 = tpu.memref_slice %arg6[%add3A_103, %dma_start3A_130] : memref<160000x128xf32, #tpu.memory_space<hbm>> -> memref<128x128xf32, #tpu.memory_space<hbm>>
        tpu.enqueue_dma source(%arg11 : memref<128x128xf32, #tpu.memory_space<vmem>>) target(%dma_start3A_131 : memref<128x128xf32, #tpu.memory_space<hbm>>) target_semaphore(%run_scoped3A_127 : memref<!tpu.dma_semaphore, #tpu.memory_space<semaphore_mem>>)
        %dma_wait3A_132 = arith.constant 0 : i32
        %dma_wait3A_133 = tpu.memref_slice %arg6[%add3A_103, %dma_wait3A_132] : memref<160000x128xf32, #tpu.memory_space<hbm>> -> memref<128x128xf32, #tpu.memory_space<hbm>>
        %dma_wait3A_134 = arith.constant 0 : i32
        %dma_wait3A_135 = tpu.memref_slice %arg6[%add3A_103, %dma_wait3A_134] : memref<160000x128xf32, #tpu.memory_space<hbm>> -> memref<128x128xf32, #tpu.memory_space<hbm>>
        tpu.wait_dma2 semaphore(%run_scoped3A_127 : memref<!tpu.dma_semaphore, #tpu.memory_space<semaphore_mem>>) src(%arg11 : memref<128x128xf32, #tpu.memory_space<vmem>>) dst(%dma_wait3A_135 : memref<128x128xf32, #tpu.memory_space<hbm>>)
        tpu.yield
      }) : () -> ()
      %add3A_104 = arith.constant 2 : i32
      %add3A_105 = arith.addi %mul3A_71, %add3A_104 : i32
      %lt3A = arith.cmpi slt, %add3A_105, %add3A_8 : i32
      %convert_element_type3A = arith.extui %lt3A : i1 to i32
      %cond3A = arith.constant 0 : i32
      %cond3A_106 = arith.cmpi ne, %convert_element_type3A, %cond3A : i32
      scf.if %cond3A_106 {
        %add3A_127 = arith.constant 2 : i32
        %add3A_128 = arith.addi %mul3A_71, %add3A_127 : i32
        %mul3A_129 = arith.constant 128 : i32
        %mul3A_130 = arith.muli %add3A_128, %mul3A_129 : i32
        %dma_start3A_131 = tpu.memref_slice %arg7[%mul3A_130] : memref<5248xi32, #tpu.memory_space<vmem>> -> memref<128xi32, #tpu.memory_space<vmem>>
        %dma_start3A_132 = arith.constant 0 : i32
        %dma_start3A_133 = arith.constant 0 : i32
        %dma_start3A_134 = tpu.memref_slice %arg2[%dma_start3A_132, %dma_start3A_133] : memref<10000x128xi32, #tpu.memory_space<hbm>> -> memref<10000x128xi32, #tpu.memory_space<hbm>>
        tpu.enqueue_indirect_dma source(%dma_start3A_134 : memref<10000x128xi32, #tpu.memory_space<hbm>>) target(%arg9 : memref<128x128xi32, #tpu.memory_space<vmem>>) offsets(%dma_start3A_131 : memref<128xi32, #tpu.memory_space<vmem>>) semaphore(%arg13 : memref<!tpu.dma_semaphore, #tpu.memory_space<semaphore_mem>>)
        %mul3A_135 = arith.constant 128 : i32
        %mul3A_136 = arith.muli %add3A_128, %mul3A_135 : i32
        %dma_start3A_137 = tpu.memref_slice %arg8[%mul3A_136] : memref<5248xi32, #tpu.memory_space<vmem>> -> memref<128xi32, #tpu.memory_space<vmem>>
        %dma_start3A_138 = arith.constant 0 : i32
        %dma_start3A_139 = arith.constant 0 : i32
        %dma_start3A_140 = tpu.memref_slice %arg3[%dma_start3A_138, %dma_start3A_139] : memref<10000x128xf32, #tpu.memory_space<hbm>> -> memref<10000x128xf32, #tpu.memory_space<hbm>>
        tpu.enqueue_indirect_dma source(%dma_start3A_140 : memref<10000x128xf32, #tpu.memory_space<hbm>>) target(%arg11 : memref<128x128xf32, #tpu.memory_space<vmem>>) offsets(%dma_start3A_137 : memref<128xi32, #tpu.memory_space<vmem>>) semaphore(%arg15 : memref<!tpu.dma_semaphore, #tpu.memory_space<semaphore_mem>>)
      } else {
      }
      %add3A_107 = arith.constant 1 : i32
      %add3A_108 = arith.addi %mul3A_71, %add3A_107 : i32
      %mul3A_109 = arith.constant 128 : i32
      %mul3A_110 = arith.muli %add3A_108, %mul3A_109 : i32
      %dma_wait3A_111 = tpu.memref_slice %arg7[%mul3A_110] : memref<5248xi32, #tpu.memory_space<vmem>> -> memref<128xi32, #tpu.memory_space<vmem>>
      %dma_wait3A_112 = arith.constant 0 : i32
      %dma_wait3A_113 = arith.constant 0 : i32
      %dma_wait3A_114 = tpu.memref_slice %arg2[%dma_wait3A_112, %dma_wait3A_113] : memref<10000x128xi32, #tpu.memory_space<hbm>> -> memref<10000x128xi32, #tpu.memory_space<hbm>>
      tpu.wait_indirect_dma semaphore(%arg14 : memref<!tpu.dma_semaphore, #tpu.memory_space<semaphore_mem>>) src(%dma_wait3A_114 : memref<10000x128xi32, #tpu.memory_space<hbm>>) dst(%arg10 : memref<128x128xi32, #tpu.memory_space<vmem>>)
      %mul3A_115 = arith.constant 128 : i32
      %mul3A_116 = arith.muli %add3A_108, %mul3A_115 : i32
      %dma_wait3A_117 = tpu.memref_slice %arg8[%mul3A_116] : memref<5248xi32, #tpu.memory_space<vmem>> -> memref<128xi32, #tpu.memory_space<vmem>>
      %dma_wait3A_118 = arith.constant 0 : i32
      %dma_wait3A_119 = arith.constant 0 : i32
      %dma_wait3A_120 = tpu.memref_slice %arg3[%dma_wait3A_118, %dma_wait3A_119] : memref<10000x128xf32, #tpu.memory_space<hbm>> -> memref<10000x128xf32, #tpu.memory_space<hbm>>
      tpu.wait_indirect_dma semaphore(%arg16 : memref<!tpu.dma_semaphore, #tpu.memory_space<semaphore_mem>>) src(%dma_wait3A_120 : memref<10000x128xf32, #tpu.memory_space<hbm>>) dst(%arg12 : memref<128x128xf32, #tpu.memory_space<vmem>>)
      %mul3A_121 = arith.constant 128 : i32
      %mul3A_122 = arith.muli %add3A_108, %mul3A_121 : i32
      %add3A_123 = arith.addi %mul3A_4, %mul3A_122 : i32
      "tpu.region"() ({
        %run_scoped3A_127 = tpu.sem_alloc : memref<!tpu.dma_semaphore, #tpu.memory_space<semaphore_mem>>
        %dma_start3A_128 = arith.constant 0 : i32
        %dma_start3A_129 = tpu.memref_slice %arg5[%add3A_123, %dma_start3A_128] : memref<160000x128xi32, #tpu.memory_space<hbm>> -> memref<128x128xi32, #tpu.memory_space<hbm>>
        %dma_start3A_130 = arith.constant 0 : i32
        %dma_start3A_131 = tpu.memref_slice %arg5[%add3A_123, %dma_start3A_130] : memref<160000x128xi32, #tpu.memory_space<hbm>> -> memref<128x128xi32, #tpu.memory_space<hbm>>
        tpu.enqueue_dma source(%arg10 : memref<128x128xi32, #tpu.memory_space<vmem>>) target(%dma_start3A_131 : memref<128x128xi32, #tpu.memory_space<hbm>>) target_semaphore(%run_scoped3A_127 : memref<!tpu.dma_semaphore, #tpu.memory_space<semaphore_mem>>)
        %dma_wait3A_132 = arith.constant 0 : i32
        %dma_wait3A_133 = tpu.memref_slice %arg5[%add3A_123, %dma_wait3A_132] : memref<160000x128xi32, #tpu.memory_space<hbm>> -> memref<128x128xi32, #tpu.memory_space<hbm>>
        %dma_wait3A_134 = arith.constant 0 : i32
        %dma_wait3A_135 = tpu.memref_slice %arg5[%add3A_123, %dma_wait3A_134] : memref<160000x128xi32, #tpu.memory_space<hbm>> -> memref<128x128xi32, #tpu.memory_space<hbm>>
        tpu.wait_dma2 semaphore(%run_scoped3A_127 : memref<!tpu.dma_semaphore, #tpu.memory_space<semaphore_mem>>) src(%arg10 : memref<128x128xi32, #tpu.memory_space<vmem>>) dst(%dma_wait3A_135 : memref<128x128xi32, #tpu.memory_space<hbm>>)
        tpu.yield
      }) : () -> ()
      %mul3A_124 = arith.constant 128 : i32
      %mul3A_125 = arith.muli %add3A_108, %mul3A_124 : i32
      %add3A_126 = arith.addi %mul3A_4, %mul3A_125 : i32
      "tpu.region"() ({
        %run_scoped3A_127 = tpu.sem_alloc : memref<!tpu.dma_semaphore, #tpu.memory_space<semaphore_mem>>
        %dma_start3A_128 = arith.constant 0 : i32
        %dma_start3A_129 = tpu.memref_slice %arg6[%add3A_126, %dma_start3A_128] : memref<160000x128xf32, #tpu.memory_space<hbm>> -> memref<128x128xf32, #tpu.memory_space<hbm>>
        %dma_start3A_130 = arith.constant 0 : i32
        %dma_start3A_131 = tpu.memref_slice %arg6[%add3A_126, %dma_start3A_130] : memref<160000x128xf32, #tpu.memory_space<hbm>> -> memref<128x128xf32, #tpu.memory_space<hbm>>
        tpu.enqueue_dma source(%arg12 : memref<128x128xf32, #tpu.memory_space<vmem>>) target(%dma_start3A_131 : memref<128x128xf32, #tpu.memory_space<hbm>>) target_semaphore(%run_scoped3A_127 : memref<!tpu.dma_semaphore, #tpu.memory_space<semaphore_mem>>)
        %dma_wait3A_132 = arith.constant 0 : i32
        %dma_wait3A_133 = tpu.memref_slice %arg6[%add3A_126, %dma_wait3A_132] : memref<160000x128xf32, #tpu.memory_space<hbm>> -> memref<128x128xf32, #tpu.memory_space<hbm>>
        %dma_wait3A_134 = arith.constant 0 : i32
        %dma_wait3A_135 = tpu.memref_slice %arg6[%add3A_126, %dma_wait3A_134] : memref<160000x128xf32, #tpu.memory_space<hbm>> -> memref<128x128xf32, #tpu.memory_space<hbm>>
        tpu.wait_dma2 semaphore(%run_scoped3A_127 : memref<!tpu.dma_semaphore, #tpu.memory_space<semaphore_mem>>) src(%arg12 : memref<128x128xf32, #tpu.memory_space<vmem>>) dst(%dma_wait3A_135 : memref<128x128xf32, #tpu.memory_space<hbm>>)
        tpu.yield
      }) : () -> ()
    }
    %sub3A_50 = arith.constant 1 : i32
    %sub3A_51 = arith.subi %add3A_8, %sub3A_50 : i32
    %mul3A_52 = arith.constant 128 : i32
    %mul3A_53 = arith.muli %sub3A_51, %mul3A_52 : i32
    %dma_wait3A = tpu.memref_slice %arg7[%mul3A_53] : memref<5248xi32, #tpu.memory_space<vmem>> -> memref<128xi32, #tpu.memory_space<vmem>>
    %dma_wait3A_54 = arith.constant 0 : i32
    %dma_wait3A_55 = arith.constant 0 : i32
    %dma_wait3A_56 = tpu.memref_slice %arg2[%dma_wait3A_54, %dma_wait3A_55] : memref<10000x128xi32, #tpu.memory_space<hbm>> -> memref<10000x128xi32, #tpu.memory_space<hbm>>
    tpu.wait_indirect_dma semaphore(%arg13 : memref<!tpu.dma_semaphore, #tpu.memory_space<semaphore_mem>>) src(%dma_wait3A_56 : memref<10000x128xi32, #tpu.memory_space<hbm>>) dst(%arg9 : memref<128x128xi32, #tpu.memory_space<vmem>>)
    %mul3A_57 = arith.constant 128 : i32
    %mul3A_58 = arith.muli %sub3A_51, %mul3A_57 : i32
    %dma_wait3A_59 = tpu.memref_slice %arg8[%mul3A_58] : memref<5248xi32, #tpu.memory_space<vmem>> -> memref<128xi32, #tpu.memory_space<vmem>>
    %dma_wait3A_60 = arith.constant 0 : i32
    %dma_wait3A_61 = arith.constant 0 : i32
    %dma_wait3A_62 = tpu.memref_slice %arg3[%dma_wait3A_60, %dma_wait3A_61] : memref<10000x128xf32, #tpu.memory_space<hbm>> -> memref<10000x128xf32, #tpu.memory_space<hbm>>
    tpu.wait_indirect_dma semaphore(%arg15 : memref<!tpu.dma_semaphore, #tpu.memory_space<semaphore_mem>>) src(%dma_wait3A_62 : memref<10000x128xf32, #tpu.memory_space<hbm>>) dst(%arg11 : memref<128x128xf32, #tpu.memory_space<vmem>>)
    %mul3A_63 = arith.constant 128 : i32
    %mul3A_64 = arith.muli %sub3A_51, %mul3A_63 : i32
    %add3A_65 = arith.addi %mul3A_4, %mul3A_64 : i32
    "tpu.region"() ({
      %run_scoped3A_69 = tpu.sem_alloc : memref<!tpu.dma_semaphore, #tpu.memory_space<semaphore_mem>>
      %dma_start3A_70 = arith.constant 0 : i32
      %dma_start3A_71 = tpu.memref_slice %arg5[%add3A_65, %dma_start3A_70] : memref<160000x128xi32, #tpu.memory_space<hbm>> -> memref<128x128xi32, #tpu.memory_space<hbm>>
      %dma_start3A_72 = arith.constant 0 : i32
      %dma_start3A_73 = tpu.memref_slice %arg5[%add3A_65, %dma_start3A_72] : memref<160000x128xi32, #tpu.memory_space<hbm>> -> memref<128x128xi32, #tpu.memory_space<hbm>>
      tpu.enqueue_dma source(%arg9 : memref<128x128xi32, #tpu.memory_space<vmem>>) target(%dma_start3A_73 : memref<128x128xi32, #tpu.memory_space<hbm>>) target_semaphore(%run_scoped3A_69 : memref<!tpu.dma_semaphore, #tpu.memory_space<semaphore_mem>>)
      %dma_wait3A_74 = arith.constant 0 : i32
      %dma_wait3A_75 = tpu.memref_slice %arg5[%add3A_65, %dma_wait3A_74] : memref<160000x128xi32, #tpu.memory_space<hbm>> -> memref<128x128xi32, #tpu.memory_space<hbm>>
      %dma_wait3A_76 = arith.constant 0 : i32
      %dma_wait3A_77 = tpu.memref_slice %arg5[%add3A_65, %dma_wait3A_76] : memref<160000x128xi32, #tpu.memory_space<hbm>> -> memref<128x128xi32, #tpu.memory_space<hbm>>
      tpu.wait_dma2 semaphore(%run_scoped3A_69 : memref<!tpu.dma_semaphore, #tpu.memory_space<semaphore_mem>>) src(%arg9 : memref<128x128xi32, #tpu.memory_space<vmem>>) dst(%dma_wait3A_77 : memref<128x128xi32, #tpu.memory_space<hbm>>)
      tpu.yield
    }) : () -> ()
    %mul3A_66 = arith.constant 128 : i32
    %mul3A_67 = arith.muli %sub3A_51, %mul3A_66 : i32
    %add3A_68 = arith.addi %mul3A_4, %mul3A_67 : i32
    "tpu.region"() ({
      %run_scoped3A_69 = tpu.sem_alloc : memref<!tpu.dma_semaphore, #tpu.memory_space<semaphore_mem>>
      %dma_start3A_70 = arith.constant 0 : i32
      %dma_start3A_71 = tpu.memref_slice %arg6[%add3A_68, %dma_start3A_70] : memref<160000x128xf32, #tpu.memory_space<hbm>> -> memref<128x128xf32, #tpu.memory_space<hbm>>
      %dma_start3A_72 = arith.constant 0 : i32
      %dma_start3A_73 = tpu.memref_slice %arg6[%add3A_68, %dma_start3A_72] : memref<160000x128xf32, #tpu.memory_space<hbm>> -> memref<128x128xf32, #tpu.memory_space<hbm>>
      tpu.enqueue_dma source(%arg11 : memref<128x128xf32, #tpu.memory_space<vmem>>) target(%dma_start3A_73 : memref<128x128xf32, #tpu.memory_space<hbm>>) target_semaphore(%run_scoped3A_69 : memref<!tpu.dma_semaphore, #tpu.memory_space<semaphore_mem>>)
      %dma_wait3A_74 = arith.constant 0 : i32
      %dma_wait3A_75 = tpu.memref_slice %arg6[%add3A_68, %dma_wait3A_74] : memref<160000x128xf32, #tpu.memory_space<hbm>> -> memref<128x128xf32, #tpu.memory_space<hbm>>
      %dma_wait3A_76 = arith.constant 0 : i32
      %dma_wait3A_77 = tpu.memref_slice %arg6[%add3A_68, %dma_wait3A_76] : memref<160000x128xf32, #tpu.memory_space<hbm>> -> memref<128x128xf32, #tpu.memory_space<hbm>>
      tpu.wait_dma2 semaphore(%run_scoped3A_69 : memref<!tpu.dma_semaphore, #tpu.memory_space<semaphore_mem>>) src(%arg11 : memref<128x128xf32, #tpu.memory_space<vmem>>) dst(%dma_wait3A_77 : memref<128x128xf32, #tpu.memory_space<hbm>>)
      tpu.yield
    }) : () -> ()
    return
  }
}

#map = affine_map<(d0, d1) -> (0, 0)>
#map1 = affine_map<(d0, d1) -> (0, 0, 0)>
module attributes {stable_mosaic.version = 14 : i64} {
  func.func @k(%arg0: i32, %arg1: i32, %arg2: memref<160000x128xf32, #tpu.memory_space<hbm>>, %arg3: memref<2x320000xi32, #tpu.memory_space<hbm>>, %arg4: memref<2x10000x128xf32, #tpu.memory_space<hbm>>, %arg5: memref<2x10000x128xf32, #tpu.memory_space<hbm>>, %arg6: memref<128xi32, #tpu.memory_space<vmem>>, %arg7: memref<128xi32, #tpu.memory_space<vmem>>, %arg8: memref<16xi32, #tpu.memory_space<vmem>>, %arg9: memref<128x128xf32, #tpu.memory_space<vmem>>, %arg10: memref<128x128xf32, #tpu.memory_space<vmem>>, %arg11: memref<10000x128xf32, #tpu.memory_space<vmem_shared>>, %arg12: memref<!tpu.dma_semaphore, #tpu.memory_space<semaphore_mem>>, %arg13: memref<!tpu.dma_semaphore, #tpu.memory_space<semaphore_mem>>, %arg14: memref<!tpu.dma_semaphore, #tpu.memory_space<semaphore_mem>>, %arg15: memref<!tpu.dma_semaphore, #tpu.memory_space<semaphore_mem>>) attributes {dimension_semantics = [#tpu.dimension_semantics<core_parallel>, #tpu.dimension_semantics<subcore_parallel>], iteration_bounds = array<i64: 2, 16>, scalar_prefetch = 0 : i64, scratch_operands = 10 : i64, tpu.core_type = #tpu.core_type<sc_vector_subcore>, window_params = [{transform_indices = #map}, {transform_indices = #map}, {transform_indices = #map1}, {transform_indices = #map1}]} {
    %mul3A = arith.constant 640 : i32
    %mul3A_0 = arith.muli %arg1, %mul3A : i32
    %eq3A = arith.constant 15 : i32
    %eq3A_1 = arith.cmpi eq, %arg1, %eq3A : i32
    %jit3A = arith.constant 10 : i32
    %jit3A_2 = arith.constant 16 : i32
    %select_n3A = arith.select %eq3A_1, %jit3A, %jit3A_2 : i32
    %while3A = arith.constant 0 : i32
    %while3A_3 = arith.constant 0 : i32
    %while3A_4 = arith.subi %select_n3A, %while3A_3 : i32
    %while3A_5 = arith.addi %while3A_3, %while3A_4 : i32
    %while3A_6 = arith.constant 1 : i32
    %while3A_7 = arith.divsi %while3A_4, %while3A_6 : i32
    %while3A_8 = arith.muli %while3A_7, %while3A_6 : i32
    %while3A_9 = arith.addi %while3A_3, %while3A_8 : i32
    %while3A_10 = arith.constant 1 : i32
    scf.for %while3A_96 = %while3A_3 to %while3A_9 step %while3A_10  : i32 {
      %mul3A_97 = arith.constant 40 : i32
      %mul3A_98 = arith.muli %while3A_96, %mul3A_97 : i32
      %add3A_99 = arith.addi %mul3A_0, %mul3A_98 : i32
      "tpu.region"() ({
        %run_scoped3A = tpu.sem_alloc : memref<!tpu.dma_semaphore, #tpu.memory_space<semaphore_mem>>
        %dma_start3A_100 = arith.constant 0 : i32
        %dma_start3A_101 = tpu.memref_slice %arg11[%add3A_99, %dma_start3A_100] : memref<10000x128xf32, #tpu.memory_space<vmem_shared>> -> memref<40x128xf32, #tpu.memory_space<vmem_shared>>
        %dma_start3A_102 = arith.constant 0 : i32
        %dma_start3A_103 = tpu.memref_slice %arg4[%arg0, %add3A_99, %dma_start3A_102] : memref<2x10000x128xf32, #tpu.memory_space<hbm>> -> memref<1x40x128xf32, #tpu.memory_space<hbm>>
        %dma_start3A_104 = tpu.memref_squeeze %dma_start3A_103 : memref<1x40x128xf32, #tpu.memory_space<hbm>> -> memref<40x128xf32, #tpu.memory_space<hbm>>
        tpu.enqueue_dma source(%dma_start3A_104 : memref<40x128xf32, #tpu.memory_space<hbm>>) target(%dma_start3A_101 : memref<40x128xf32, #tpu.memory_space<vmem_shared>>) target_semaphore(%run_scoped3A : memref<!tpu.dma_semaphore, #tpu.memory_space<semaphore_mem>>)
        %dma_wait3A_105 = arith.constant 0 : i32
        %dma_wait3A_106 = tpu.memref_slice %arg11[%add3A_99, %dma_wait3A_105] : memref<10000x128xf32, #tpu.memory_space<vmem_shared>> -> memref<40x128xf32, #tpu.memory_space<vmem_shared>>
        %dma_wait3A_107 = arith.constant 0 : i32
        %dma_wait3A_108 = tpu.memref_slice %arg4[%arg0, %add3A_99, %dma_wait3A_107] : memref<2x10000x128xf32, #tpu.memory_space<hbm>> -> memref<1x40x128xf32, #tpu.memory_space<hbm>>
        %dma_wait3A_109 = tpu.memref_squeeze %dma_wait3A_108 : memref<1x40x128xf32, #tpu.memory_space<hbm>> -> memref<40x128xf32, #tpu.memory_space<hbm>>
        tpu.wait_dma2 semaphore(%run_scoped3A : memref<!tpu.dma_semaphore, #tpu.memory_space<semaphore_mem>>) src(%dma_wait3A_109 : memref<40x128xf32, #tpu.memory_space<hbm>>) dst(%dma_wait3A_106 : memref<40x128xf32, #tpu.memory_space<vmem_shared>>)
        tpu.yield
      }) : () -> ()
    }
    %while3A_11 = arith.constant 1 : i32
    scf.for %while3A_96 = %while3A_9 to %while3A_5 step %while3A_11  : i32 {
      %mul3A_97 = arith.constant 40 : i32
      %mul3A_98 = arith.muli %while3A_96, %mul3A_97 : i32
      %add3A_99 = arith.addi %mul3A_0, %mul3A_98 : i32
      "tpu.region"() ({
        %run_scoped3A = tpu.sem_alloc : memref<!tpu.dma_semaphore, #tpu.memory_space<semaphore_mem>>
        %dma_start3A_100 = arith.constant 0 : i32
        %dma_start3A_101 = tpu.memref_slice %arg11[%add3A_99, %dma_start3A_100] : memref<10000x128xf32, #tpu.memory_space<vmem_shared>> -> memref<40x128xf32, #tpu.memory_space<vmem_shared>>
        %dma_start3A_102 = arith.constant 0 : i32
        %dma_start3A_103 = tpu.memref_slice %arg4[%arg0, %add3A_99, %dma_start3A_102] : memref<2x10000x128xf32, #tpu.memory_space<hbm>> -> memref<1x40x128xf32, #tpu.memory_space<hbm>>
        %dma_start3A_104 = tpu.memref_squeeze %dma_start3A_103 : memref<1x40x128xf32, #tpu.memory_space<hbm>> -> memref<40x128xf32, #tpu.memory_space<hbm>>
        tpu.enqueue_dma source(%dma_start3A_104 : memref<40x128xf32, #tpu.memory_space<hbm>>) target(%dma_start3A_101 : memref<40x128xf32, #tpu.memory_space<vmem_shared>>) target_semaphore(%run_scoped3A : memref<!tpu.dma_semaphore, #tpu.memory_space<semaphore_mem>>)
        %dma_wait3A_105 = arith.constant 0 : i32
        %dma_wait3A_106 = tpu.memref_slice %arg11[%add3A_99, %dma_wait3A_105] : memref<10000x128xf32, #tpu.memory_space<vmem_shared>> -> memref<40x128xf32, #tpu.memory_space<vmem_shared>>
        %dma_wait3A_107 = arith.constant 0 : i32
        %dma_wait3A_108 = tpu.memref_slice %arg4[%arg0, %add3A_99, %dma_wait3A_107] : memref<2x10000x128xf32, #tpu.memory_space<hbm>> -> memref<1x40x128xf32, #tpu.memory_space<hbm>>
        %dma_wait3A_109 = tpu.memref_squeeze %dma_wait3A_108 : memref<1x40x128xf32, #tpu.memory_space<hbm>> -> memref<40x128xf32, #tpu.memory_space<hbm>>
        tpu.wait_dma2 semaphore(%run_scoped3A : memref<!tpu.dma_semaphore, #tpu.memory_space<semaphore_mem>>) src(%dma_wait3A_109 : memref<40x128xf32, #tpu.memory_space<hbm>>) dst(%dma_wait3A_106 : memref<40x128xf32, #tpu.memory_space<vmem_shared>>)
        tpu.yield
      }) : () -> ()
    }
    %mul3A_12 = arith.constant 16 : i32
    %mul3A_13 = arith.muli %arg0, %mul3A_12 : i32
    %add3A = arith.addi %mul3A_13, %arg1 : i32
    %mul3A_14 = arith.constant 39 : i32
    %mul3A_15 = arith.muli %add3A, %mul3A_14 : i32
    %mul3A_16 = arith.constant 128 : i32
    %mul3A_17 = arith.muli %mul3A_15, %mul3A_16 : i32
    %eq3A_18 = arith.constant 31 : i32
    %eq3A_19 = arith.cmpi eq, %add3A, %eq3A_18 : i32
    %jit3A_20 = arith.constant 2 : i32
    %jit3A_21 = arith.constant 0 : i32
    %select_n3A_22 = arith.select %eq3A_19, %jit3A_20, %jit3A_21 : i32
    %add3A_23 = arith.constant 39 : i32
    %add3A_24 = arith.addi %add3A_23, %select_n3A_22 : i32
    %barrier3A = arith.constant 0 : index
    tpu.barrier barrier_id(%barrier3A)
    %add3A_25 = arith.constant 0 : i32
    %add3A_26 = arith.addi %add3A_25, %mul3A_17 : i32
    %add3A_27 = arith.constant 0 : i32
    %add3A_28 = arith.addi %add3A_26, %add3A_27 : i32
    %dma_start3A = arith.constant 1 : i32
    %dma_start3A_29 = tpu.memref_slice %arg3[%dma_start3A, %add3A_28] : memref<2x320000xi32, #tpu.memory_space<hbm>> -> memref<1x128xi32, #tpu.memory_space<hbm>>
    %dma_start3A_30 = tpu.memref_squeeze %dma_start3A_29 : memref<1x128xi32, #tpu.memory_space<hbm>> -> memref<128xi32, #tpu.memory_space<hbm>>
    %dma_start3A_31 = tpu.memref_slice %arg3[%dma_start3A, %add3A_28] : memref<2x320000xi32, #tpu.memory_space<hbm>> -> memref<1x128xi32, #tpu.memory_space<hbm>>
    %dma_start3A_32 = tpu.memref_squeeze %dma_start3A_31 : memref<1x128xi32, #tpu.memory_space<hbm>> -> memref<128xi32, #tpu.memory_space<hbm>>
    tpu.enqueue_dma source(%dma_start3A_32 : memref<128xi32, #tpu.memory_space<hbm>>) target(%arg6 : memref<128xi32, #tpu.memory_space<vmem>>) target_semaphore(%arg12 : memref<!tpu.dma_semaphore, #tpu.memory_space<semaphore_mem>>)
    %add3A_33 = arith.constant 0 : i32
    %add3A_34 = arith.addi %mul3A_17, %add3A_33 : i32
    %dma_start3A_35 = arith.constant 0 : i32
    %dma_start3A_36 = tpu.memref_slice %arg2[%add3A_34, %dma_start3A_35] : memref<160000x128xf32, #tpu.memory_space<hbm>> -> memref<128x128xf32, #tpu.memory_space<hbm>>
    %dma_start3A_37 = arith.constant 0 : i32
    %dma_start3A_38 = tpu.memref_slice %arg2[%add3A_34, %dma_start3A_37] : memref<160000x128xf32, #tpu.memory_space<hbm>> -> memref<128x128xf32, #tpu.memory_space<hbm>>
    tpu.enqueue_dma source(%dma_start3A_38 : memref<128x128xf32, #tpu.memory_space<hbm>>) target(%arg9 : memref<128x128xf32, #tpu.memory_space<vmem>>) target_semaphore(%arg14 : memref<!tpu.dma_semaphore, #tpu.memory_space<semaphore_mem>>)
    %jit3A_39 = arith.constant 2 : i32
    %div3A = arith.divsi %add3A_24, %jit3A_39 : i32
    %sign3A = arith.constant 0 : i32
    %sign3A_40 = arith.cmpi sgt, %add3A_24, %sign3A : i32
    %sign3A_41 = arith.extui %sign3A_40 : i1 to i32
    %sign3A_42 = arith.constant 0 : i32
    %sign3A_43 = arith.cmpi slt, %add3A_24, %sign3A_42 : i32
    %sign3A_44 = arith.extui %sign3A_43 : i1 to i32
    %sign3A_45 = arith.subi %sign3A_41, %sign3A_44 : i32
    %sign3A_46 = arith.constant 0 : i32
    %sign3A_47 = arith.cmpi sgt, %jit3A_39, %sign3A_46 : i32
    %sign3A_48 = arith.extui %sign3A_47 : i1 to i32
    %sign3A_49 = arith.constant 0 : i32
    %sign3A_50 = arith.cmpi slt, %jit3A_39, %sign3A_49 : i32
    %sign3A_51 = arith.extui %sign3A_50 : i1 to i32
    %sign3A_52 = arith.subi %sign3A_48, %sign3A_51 : i32
    %ne3A = arith.cmpi ne, %sign3A_45, %sign3A_52 : i32
    %rem3A = arith.remsi %add3A_24, %jit3A_39 : i32
    %ne3A_53 = arith.constant 0 : i32
    %ne3A_54 = arith.cmpi ne, %rem3A, %ne3A_53 : i32
    %and3A = arith.andi %ne3A, %ne3A_54 : i1
    %sub3A = arith.constant 1 : i32
    %sub3A_55 = arith.subi %div3A, %sub3A : i32
    %select_n3A_56 = arith.select %and3A, %sub3A_55, %div3A : i32
    %while3A_57 = arith.constant 0 : i32
    %while3A_58 = arith.constant 0 : i32
    %while3A_59 = arith.subi %select_n3A_56, %while3A_58 : i32
    %while3A_60 = arith.addi %while3A_58, %while3A_59 : i32
    %while3A_61 = arith.constant 1 : i32
    %while3A_62 = arith.divsi %while3A_59, %while3A_61 : i32
    %while3A_63 = arith.muli %while3A_62, %while3A_61 : i32
    %while3A_64 = arith.addi %while3A_58, %while3A_63 : i32
    %while3A_65 = arith.constant 1 : i32
    scf.for %while3A_96 = %while3A_58 to %while3A_64 step %while3A_65  : i32 {
      %mul3A_97 = arith.constant 2 : i32
      %mul3A_98 = arith.muli %while3A_96, %mul3A_97 : i32
      %add3A_99 = arith.constant 1 : i32
      %add3A_100 = arith.addi %mul3A_98, %add3A_99 : i32
      %add3A_101 = arith.constant 0 : i32
      %add3A_102 = arith.addi %add3A_101, %mul3A_17 : i32
      %mul3A_103 = arith.constant 128 : i32
      %mul3A_104 = arith.muli %add3A_100, %mul3A_103 : i32
      %add3A_105 = arith.addi %add3A_102, %mul3A_104 : i32
      %dma_start3A_106 = arith.constant 1 : i32
      %dma_start3A_107 = tpu.memref_slice %arg3[%dma_start3A_106, %add3A_105] : memref<2x320000xi32, #tpu.memory_space<hbm>> -> memref<1x128xi32, #tpu.memory_space<hbm>>
      %dma_start3A_108 = tpu.memref_squeeze %dma_start3A_107 : memref<1x128xi32, #tpu.memory_space<hbm>> -> memref<128xi32, #tpu.memory_space<hbm>>
      %dma_start3A_109 = tpu.memref_slice %arg3[%dma_start3A_106, %add3A_105] : memref<2x320000xi32, #tpu.memory_space<hbm>> -> memref<1x128xi32, #tpu.memory_space<hbm>>
      %dma_start3A_110 = tpu.memref_squeeze %dma_start3A_109 : memref<1x128xi32, #tpu.memory_space<hbm>> -> memref<128xi32, #tpu.memory_space<hbm>>
      tpu.enqueue_dma source(%dma_start3A_110 : memref<128xi32, #tpu.memory_space<hbm>>) target(%arg7 : memref<128xi32, #tpu.memory_space<vmem>>) target_semaphore(%arg13 : memref<!tpu.dma_semaphore, #tpu.memory_space<semaphore_mem>>)
      %mul3A_111 = arith.constant 128 : i32
      %mul3A_112 = arith.muli %add3A_100, %mul3A_111 : i32
      %add3A_113 = arith.addi %mul3A_17, %mul3A_112 : i32
      %dma_start3A_114 = arith.constant 0 : i32
      %dma_start3A_115 = tpu.memref_slice %arg2[%add3A_113, %dma_start3A_114] : memref<160000x128xf32, #tpu.memory_space<hbm>> -> memref<128x128xf32, #tpu.memory_space<hbm>>
      %dma_start3A_116 = arith.constant 0 : i32
      %dma_start3A_117 = tpu.memref_slice %arg2[%add3A_113, %dma_start3A_116] : memref<160000x128xf32, #tpu.memory_space<hbm>> -> memref<128x128xf32, #tpu.memory_space<hbm>>
      tpu.enqueue_dma source(%dma_start3A_117 : memref<128x128xf32, #tpu.memory_space<hbm>>) target(%arg10 : memref<128x128xf32, #tpu.memory_space<vmem>>) target_semaphore(%arg15 : memref<!tpu.dma_semaphore, #tpu.memory_space<semaphore_mem>>)
      %add3A_118 = arith.constant 0 : i32
      %add3A_119 = arith.addi %add3A_118, %mul3A_17 : i32
      %mul3A_120 = arith.constant 128 : i32
      %mul3A_121 = arith.muli %mul3A_98, %mul3A_120 : i32
      %add3A_122 = arith.addi %add3A_119, %mul3A_121 : i32
      %dma_wait3A_123 = arith.constant 1 : i32
      %dma_wait3A_124 = tpu.memref_slice %arg3[%dma_wait3A_123, %add3A_122] : memref<2x320000xi32, #tpu.memory_space<hbm>> -> memref<1x128xi32, #tpu.memory_space<hbm>>
      %dma_wait3A_125 = tpu.memref_squeeze %dma_wait3A_124 : memref<1x128xi32, #tpu.memory_space<hbm>> -> memref<128xi32, #tpu.memory_space<hbm>>
      %dma_wait3A_126 = tpu.memref_slice %arg3[%dma_wait3A_123, %add3A_122] : memref<2x320000xi32, #tpu.memory_space<hbm>> -> memref<1x128xi32, #tpu.memory_space<hbm>>
      %dma_wait3A_127 = tpu.memref_squeeze %dma_wait3A_126 : memref<1x128xi32, #tpu.memory_space<hbm>> -> memref<128xi32, #tpu.memory_space<hbm>>
      tpu.wait_dma2 semaphore(%arg12 : memref<!tpu.dma_semaphore, #tpu.memory_space<semaphore_mem>>) src(%dma_wait3A_127 : memref<128xi32, #tpu.memory_space<hbm>>) dst(%arg6 : memref<128xi32, #tpu.memory_space<vmem>>)
      %mul3A_128 = arith.constant 128 : i32
      %mul3A_129 = arith.muli %mul3A_98, %mul3A_128 : i32
      %add3A_130 = arith.addi %mul3A_17, %mul3A_129 : i32
      %dma_wait3A_131 = arith.constant 0 : i32
      %dma_wait3A_132 = tpu.memref_slice %arg2[%add3A_130, %dma_wait3A_131] : memref<160000x128xf32, #tpu.memory_space<hbm>> -> memref<128x128xf32, #tpu.memory_space<hbm>>
      %dma_wait3A_133 = arith.constant 0 : i32
      %dma_wait3A_134 = tpu.memref_slice %arg2[%add3A_130, %dma_wait3A_133] : memref<160000x128xf32, #tpu.memory_space<hbm>> -> memref<128x128xf32, #tpu.memory_space<hbm>>
      tpu.wait_dma2 semaphore(%arg14 : memref<!tpu.dma_semaphore, #tpu.memory_space<semaphore_mem>>) src(%dma_wait3A_134 : memref<128x128xf32, #tpu.memory_space<hbm>>) dst(%arg9 : memref<128x128xf32, #tpu.memory_space<vmem>>)
      "tpu.region"() ({
        %run_scoped3A = tpu.sem_alloc : memref<!tpu.dma_semaphore, #tpu.memory_space<semaphore_mem>>
        %dma_start3A_157 = arith.constant 0 : i32
        %dma_start3A_158 = arith.constant 0 : i32
        %dma_start3A_159 = tpu.memref_slice %arg11[%dma_start3A_157, %dma_start3A_158] : memref<10000x128xf32, #tpu.memory_space<vmem_shared>> -> memref<10000x128xf32, #tpu.memory_space<vmem_shared>>
        tpu.enqueue_indirect_dma source(%arg9 : memref<128x128xf32, #tpu.memory_space<vmem>>) target(%dma_start3A_159 : memref<10000x128xf32, #tpu.memory_space<vmem_shared>>) offsets(%arg6 : memref<128xi32, #tpu.memory_space<vmem>>) semaphore(%run_scoped3A : memref<!tpu.dma_semaphore, #tpu.memory_space<semaphore_mem>>) {add = true}
        %dma_wait3A_160 = arith.constant 0 : i32
        %dma_wait3A_161 = arith.constant 0 : i32
        %dma_wait3A_162 = tpu.memref_slice %arg11[%dma_wait3A_160, %dma_wait3A_161] : memref<10000x128xf32, #tpu.memory_space<vmem_shared>> -> memref<10000x128xf32, #tpu.memory_space<vmem_shared>>
        tpu.wait_indirect_dma semaphore(%run_scoped3A : memref<!tpu.dma_semaphore, #tpu.memory_space<semaphore_mem>>) src(%arg9 : memref<128x128xf32, #tpu.memory_space<vmem>>) dst(%dma_wait3A_162 : memref<10000x128xf32, #tpu.memory_space<vmem_shared>>)
        tpu.yield
      }) : () -> ()
      %add3A_135 = arith.constant 2 : i32
      %add3A_136 = arith.addi %mul3A_98, %add3A_135 : i32
      %lt3A = arith.cmpi slt, %add3A_136, %add3A_24 : i32
      %convert_element_type3A = arith.extui %lt3A : i1 to i32
      %cond3A = arith.constant 0 : i32
      %cond3A_137 = arith.cmpi ne, %convert_element_type3A, %cond3A : i32
      scf.if %cond3A_137 {
        %add3A_157 = arith.constant 2 : i32
        %add3A_158 = arith.addi %mul3A_98, %add3A_157 : i32
        %add3A_159 = arith.constant 0 : i32
        %add3A_160 = arith.addi %add3A_159, %mul3A_17 : i32
        %mul3A_161 = arith.constant 128 : i32
        %mul3A_162 = arith.muli %add3A_158, %mul3A_161 : i32
        %add3A_163 = arith.addi %add3A_160, %mul3A_162 : i32
        %dma_start3A_164 = arith.constant 1 : i32
        %dma_start3A_165 = tpu.memref_slice %arg3[%dma_start3A_164, %add3A_163] : memref<2x320000xi32, #tpu.memory_space<hbm>> -> memref<1x128xi32, #tpu.memory_space<hbm>>
        %dma_start3A_166 = tpu.memref_squeeze %dma_start3A_165 : memref<1x128xi32, #tpu.memory_space<hbm>> -> memref<128xi32, #tpu.memory_space<hbm>>
        %dma_start3A_167 = tpu.memref_slice %arg3[%dma_start3A_164, %add3A_163] : memref<2x320000xi32, #tpu.memory_space<hbm>> -> memref<1x128xi32, #tpu.memory_space<hbm>>
        %dma_start3A_168 = tpu.memref_squeeze %dma_start3A_167 : memref<1x128xi32, #tpu.memory_space<hbm>> -> memref<128xi32, #tpu.memory_space<hbm>>
        tpu.enqueue_dma source(%dma_start3A_168 : memref<128xi32, #tpu.memory_space<hbm>>) target(%arg6 : memref<128xi32, #tpu.memory_space<vmem>>) target_semaphore(%arg12 : memref<!tpu.dma_semaphore, #tpu.memory_space<semaphore_mem>>)
        %mul3A_169 = arith.constant 128 : i32
        %mul3A_170 = arith.muli %add3A_158, %mul3A_169 : i32
        %add3A_171 = arith.addi %mul3A_17, %mul3A_170 : i32
        %dma_start3A_172 = arith.constant 0 : i32
        %dma_start3A_173 = tpu.memref_slice %arg2[%add3A_171, %dma_start3A_172] : memref<160000x128xf32, #tpu.memory_space<hbm>> -> memref<128x128xf32, #tpu.memory_space<hbm>>
        %dma_start3A_174 = arith.constant 0 : i32
        %dma_start3A_175 = tpu.memref_slice %arg2[%add3A_171, %dma_start3A_174] : memref<160000x128xf32, #tpu.memory_space<hbm>> -> memref<128x128xf32, #tpu.memory_space<hbm>>
        tpu.enqueue_dma source(%dma_start3A_175 : memref<128x128xf32, #tpu.memory_space<hbm>>) target(%arg9 : memref<128x128xf32, #tpu.memory_space<vmem>>) target_semaphore(%arg14 : memref<!tpu.dma_semaphore, #tpu.memory_space<semaphore_mem>>)
      } else {
      }
      %add3A_138 = arith.constant 1 : i32
      %add3A_139 = arith.addi %mul3A_98, %add3A_138 : i32
      %add3A_140 = arith.constant 0 : i32
      %add3A_141 = arith.addi %add3A_140, %mul3A_17 : i32
      %mul3A_142 = arith.constant 128 : i32
      %mul3A_143 = arith.muli %add3A_139, %mul3A_142 : i32
      %add3A_144 = arith.addi %add3A_141, %mul3A_143 : i32
      %dma_wait3A_145 = arith.constant 1 : i32
      %dma_wait3A_146 = tpu.memref_slice %arg3[%dma_wait3A_145, %add3A_144] : memref<2x320000xi32, #tpu.memory_space<hbm>> -> memref<1x128xi32, #tpu.memory_space<hbm>>
      %dma_wait3A_147 = tpu.memref_squeeze %dma_wait3A_146 : memref<1x128xi32, #tpu.memory_space<hbm>> -> memref<128xi32, #tpu.memory_space<hbm>>
      %dma_wait3A_148 = tpu.memref_slice %arg3[%dma_wait3A_145, %add3A_144] : memref<2x320000xi32, #tpu.memory_space<hbm>> -> memref<1x128xi32, #tpu.memory_space<hbm>>
      %dma_wait3A_149 = tpu.memref_squeeze %dma_wait3A_148 : memref<1x128xi32, #tpu.memory_space<hbm>> -> memref<128xi32, #tpu.memory_space<hbm>>
      tpu.wait_dma2 semaphore(%arg13 : memref<!tpu.dma_semaphore, #tpu.memory_space<semaphore_mem>>) src(%dma_wait3A_149 : memref<128xi32, #tpu.memory_space<hbm>>) dst(%arg7 : memref<128xi32, #tpu.memory_space<vmem>>)
      %mul3A_150 = arith.constant 128 : i32
      %mul3A_151 = arith.muli %add3A_139, %mul3A_150 : i32
      %add3A_152 = arith.addi %mul3A_17, %mul3A_151 : i32
      %dma_wait3A_153 = arith.constant 0 : i32
      %dma_wait3A_154 = tpu.memref_slice %arg2[%add3A_152, %dma_wait3A_153] : memref<160000x128xf32, #tpu.memory_space<hbm>> -> memref<128x128xf32, #tpu.memory_space<hbm>>
      %dma_wait3A_155 = arith.constant 0 : i32
      %dma_wait3A_156 = tpu.memref_slice %arg2[%add3A_152, %dma_wait3A_155] : memref<160000x128xf32, #tpu.memory_space<hbm>> -> memref<128x128xf32, #tpu.memory_space<hbm>>
      tpu.wait_dma2 semaphore(%arg15 : memref<!tpu.dma_semaphore, #tpu.memory_space<semaphore_mem>>) src(%dma_wait3A_156 : memref<128x128xf32, #tpu.memory_space<hbm>>) dst(%arg10 : memref<128x128xf32, #tpu.memory_space<vmem>>)
      "tpu.region"() ({
        %run_scoped3A = tpu.sem_alloc : memref<!tpu.dma_semaphore, #tpu.memory_space<semaphore_mem>>
        %dma_start3A_157 = arith.constant 0 : i32
        %dma_start3A_158 = arith.constant 0 : i32
        %dma_start3A_159 = tpu.memref_slice %arg11[%dma_start3A_157, %dma_start3A_158] : memref<10000x128xf32, #tpu.memory_space<vmem_shared>> -> memref<10000x128xf32, #tpu.memory_space<vmem_shared>>
        tpu.enqueue_indirect_dma source(%arg10 : memref<128x128xf32, #tpu.memory_space<vmem>>) target(%dma_start3A_159 : memref<10000x128xf32, #tpu.memory_space<vmem_shared>>) offsets(%arg7 : memref<128xi32, #tpu.memory_space<vmem>>) semaphore(%run_scoped3A : memref<!tpu.dma_semaphore, #tpu.memory_space<semaphore_mem>>) {add = true}
        %dma_wait3A_160 = arith.constant 0 : i32
        %dma_wait3A_161 = arith.constant 0 : i32
        %dma_wait3A_162 = tpu.memref_slice %arg11[%dma_wait3A_160, %dma_wait3A_161] : memref<10000x128xf32, #tpu.memory_space<vmem_shared>> -> memref<10000x128xf32, #tpu.memory_space<vmem_shared>>
        tpu.wait_indirect_dma semaphore(%run_scoped3A : memref<!tpu.dma_semaphore, #tpu.memory_space<semaphore_mem>>) src(%arg10 : memref<128x128xf32, #tpu.memory_space<vmem>>) dst(%dma_wait3A_162 : memref<10000x128xf32, #tpu.memory_space<vmem_shared>>)
        tpu.yield
      }) : () -> ()
    }
    %while3A_66 = arith.constant 1 : i32
    scf.for %while3A_96 = %while3A_64 to %while3A_60 step %while3A_66  : i32 {
      %mul3A_97 = arith.constant 2 : i32
      %mul3A_98 = arith.muli %while3A_96, %mul3A_97 : i32
      %add3A_99 = arith.constant 1 : i32
      %add3A_100 = arith.addi %mul3A_98, %add3A_99 : i32
      %add3A_101 = arith.constant 0 : i32
      %add3A_102 = arith.addi %add3A_101, %mul3A_17 : i32
      %mul3A_103 = arith.constant 128 : i32
      %mul3A_104 = arith.muli %add3A_100, %mul3A_103 : i32
      %add3A_105 = arith.addi %add3A_102, %mul3A_104 : i32
      %dma_start3A_106 = arith.constant 1 : i32
      %dma_start3A_107 = tpu.memref_slice %arg3[%dma_start3A_106, %add3A_105] : memref<2x320000xi32, #tpu.memory_space<hbm>> -> memref<1x128xi32, #tpu.memory_space<hbm>>
      %dma_start3A_108 = tpu.memref_squeeze %dma_start3A_107 : memref<1x128xi32, #tpu.memory_space<hbm>> -> memref<128xi32, #tpu.memory_space<hbm>>
      %dma_start3A_109 = tpu.memref_slice %arg3[%dma_start3A_106, %add3A_105] : memref<2x320000xi32, #tpu.memory_space<hbm>> -> memref<1x128xi32, #tpu.memory_space<hbm>>
      %dma_start3A_110 = tpu.memref_squeeze %dma_start3A_109 : memref<1x128xi32, #tpu.memory_space<hbm>> -> memref<128xi32, #tpu.memory_space<hbm>>
      tpu.enqueue_dma source(%dma_start3A_110 : memref<128xi32, #tpu.memory_space<hbm>>) target(%arg7 : memref<128xi32, #tpu.memory_space<vmem>>) target_semaphore(%arg13 : memref<!tpu.dma_semaphore, #tpu.memory_space<semaphore_mem>>)
      %mul3A_111 = arith.constant 128 : i32
      %mul3A_112 = arith.muli %add3A_100, %mul3A_111 : i32
      %add3A_113 = arith.addi %mul3A_17, %mul3A_112 : i32
      %dma_start3A_114 = arith.constant 0 : i32
      %dma_start3A_115 = tpu.memref_slice %arg2[%add3A_113, %dma_start3A_114] : memref<160000x128xf32, #tpu.memory_space<hbm>> -> memref<128x128xf32, #tpu.memory_space<hbm>>
      %dma_start3A_116 = arith.constant 0 : i32
      %dma_start3A_117 = tpu.memref_slice %arg2[%add3A_113, %dma_start3A_116] : memref<160000x128xf32, #tpu.memory_space<hbm>> -> memref<128x128xf32, #tpu.memory_space<hbm>>
      tpu.enqueue_dma source(%dma_start3A_117 : memref<128x128xf32, #tpu.memory_space<hbm>>) target(%arg10 : memref<128x128xf32, #tpu.memory_space<vmem>>) target_semaphore(%arg15 : memref<!tpu.dma_semaphore, #tpu.memory_space<semaphore_mem>>)
      %add3A_118 = arith.constant 0 : i32
      %add3A_119 = arith.addi %add3A_118, %mul3A_17 : i32
      %mul3A_120 = arith.constant 128 : i32
      %mul3A_121 = arith.muli %mul3A_98, %mul3A_120 : i32
      %add3A_122 = arith.addi %add3A_119, %mul3A_121 : i32
      %dma_wait3A_123 = arith.constant 1 : i32
      %dma_wait3A_124 = tpu.memref_slice %arg3[%dma_wait3A_123, %add3A_122] : memref<2x320000xi32, #tpu.memory_space<hbm>> -> memref<1x128xi32, #tpu.memory_space<hbm>>
      %dma_wait3A_125 = tpu.memref_squeeze %dma_wait3A_124 : memref<1x128xi32, #tpu.memory_space<hbm>> -> memref<128xi32, #tpu.memory_space<hbm>>
      %dma_wait3A_126 = tpu.memref_slice %arg3[%dma_wait3A_123, %add3A_122] : memref<2x320000xi32, #tpu.memory_space<hbm>> -> memref<1x128xi32, #tpu.memory_space<hbm>>
      %dma_wait3A_127 = tpu.memref_squeeze %dma_wait3A_126 : memref<1x128xi32, #tpu.memory_space<hbm>> -> memref<128xi32, #tpu.memory_space<hbm>>
      tpu.wait_dma2 semaphore(%arg12 : memref<!tpu.dma_semaphore, #tpu.memory_space<semaphore_mem>>) src(%dma_wait3A_127 : memref<128xi32, #tpu.memory_space<hbm>>) dst(%arg6 : memref<128xi32, #tpu.memory_space<vmem>>)
      %mul3A_128 = arith.constant 128 : i32
      %mul3A_129 = arith.muli %mul3A_98, %mul3A_128 : i32
      %add3A_130 = arith.addi %mul3A_17, %mul3A_129 : i32
      %dma_wait3A_131 = arith.constant 0 : i32
      %dma_wait3A_132 = tpu.memref_slice %arg2[%add3A_130, %dma_wait3A_131] : memref<160000x128xf32, #tpu.memory_space<hbm>> -> memref<128x128xf32, #tpu.memory_space<hbm>>
      %dma_wait3A_133 = arith.constant 0 : i32
      %dma_wait3A_134 = tpu.memref_slice %arg2[%add3A_130, %dma_wait3A_133] : memref<160000x128xf32, #tpu.memory_space<hbm>> -> memref<128x128xf32, #tpu.memory_space<hbm>>
      tpu.wait_dma2 semaphore(%arg14 : memref<!tpu.dma_semaphore, #tpu.memory_space<semaphore_mem>>) src(%dma_wait3A_134 : memref<128x128xf32, #tpu.memory_space<hbm>>) dst(%arg9 : memref<128x128xf32, #tpu.memory_space<vmem>>)
      "tpu.region"() ({
        %run_scoped3A = tpu.sem_alloc : memref<!tpu.dma_semaphore, #tpu.memory_space<semaphore_mem>>
        %dma_start3A_157 = arith.constant 0 : i32
        %dma_start3A_158 = arith.constant 0 : i32
        %dma_start3A_159 = tpu.memref_slice %arg11[%dma_start3A_157, %dma_start3A_158] : memref<10000x128xf32, #tpu.memory_space<vmem_shared>> -> memref<10000x128xf32, #tpu.memory_space<vmem_shared>>
        tpu.enqueue_indirect_dma source(%arg9 : memref<128x128xf32, #tpu.memory_space<vmem>>) target(%dma_start3A_159 : memref<10000x128xf32, #tpu.memory_space<vmem_shared>>) offsets(%arg6 : memref<128xi32, #tpu.memory_space<vmem>>) semaphore(%run_scoped3A : memref<!tpu.dma_semaphore, #tpu.memory_space<semaphore_mem>>) {add = true}
        %dma_wait3A_160 = arith.constant 0 : i32
        %dma_wait3A_161 = arith.constant 0 : i32
        %dma_wait3A_162 = tpu.memref_slice %arg11[%dma_wait3A_160, %dma_wait3A_161] : memref<10000x128xf32, #tpu.memory_space<vmem_shared>> -> memref<10000x128xf32, #tpu.memory_space<vmem_shared>>
        tpu.wait_indirect_dma semaphore(%run_scoped3A : memref<!tpu.dma_semaphore, #tpu.memory_space<semaphore_mem>>) src(%arg9 : memref<128x128xf32, #tpu.memory_space<vmem>>) dst(%dma_wait3A_162 : memref<10000x128xf32, #tpu.memory_space<vmem_shared>>)
        tpu.yield
      }) : () -> ()
      %add3A_135 = arith.constant 2 : i32
      %add3A_136 = arith.addi %mul3A_98, %add3A_135 : i32
      %lt3A = arith.cmpi slt, %add3A_136, %add3A_24 : i32
      %convert_element_type3A = arith.extui %lt3A : i1 to i32
      %cond3A = arith.constant 0 : i32
      %cond3A_137 = arith.cmpi ne, %convert_element_type3A, %cond3A : i32
      scf.if %cond3A_137 {
        %add3A_157 = arith.constant 2 : i32
        %add3A_158 = arith.addi %mul3A_98, %add3A_157 : i32
        %add3A_159 = arith.constant 0 : i32
        %add3A_160 = arith.addi %add3A_159, %mul3A_17 : i32
        %mul3A_161 = arith.constant 128 : i32
        %mul3A_162 = arith.muli %add3A_158, %mul3A_161 : i32
        %add3A_163 = arith.addi %add3A_160, %mul3A_162 : i32
        %dma_start3A_164 = arith.constant 1 : i32
        %dma_start3A_165 = tpu.memref_slice %arg3[%dma_start3A_164, %add3A_163] : memref<2x320000xi32, #tpu.memory_space<hbm>> -> memref<1x128xi32, #tpu.memory_space<hbm>>
        %dma_start3A_166 = tpu.memref_squeeze %dma_start3A_165 : memref<1x128xi32, #tpu.memory_space<hbm>> -> memref<128xi32, #tpu.memory_space<hbm>>
        %dma_start3A_167 = tpu.memref_slice %arg3[%dma_start3A_164, %add3A_163] : memref<2x320000xi32, #tpu.memory_space<hbm>> -> memref<1x128xi32, #tpu.memory_space<hbm>>
        %dma_start3A_168 = tpu.memref_squeeze %dma_start3A_167 : memref<1x128xi32, #tpu.memory_space<hbm>> -> memref<128xi32, #tpu.memory_space<hbm>>
        tpu.enqueue_dma source(%dma_start3A_168 : memref<128xi32, #tpu.memory_space<hbm>>) target(%arg6 : memref<128xi32, #tpu.memory_space<vmem>>) target_semaphore(%arg12 : memref<!tpu.dma_semaphore, #tpu.memory_space<semaphore_mem>>)
        %mul3A_169 = arith.constant 128 : i32
        %mul3A_170 = arith.muli %add3A_158, %mul3A_169 : i32
        %add3A_171 = arith.addi %mul3A_17, %mul3A_170 : i32
        %dma_start3A_172 = arith.constant 0 : i32
        %dma_start3A_173 = tpu.memref_slice %arg2[%add3A_171, %dma_start3A_172] : memref<160000x128xf32, #tpu.memory_space<hbm>> -> memref<128x128xf32, #tpu.memory_space<hbm>>
        %dma_start3A_174 = arith.constant 0 : i32
        %dma_start3A_175 = tpu.memref_slice %arg2[%add3A_171, %dma_start3A_174] : memref<160000x128xf32, #tpu.memory_space<hbm>> -> memref<128x128xf32, #tpu.memory_space<hbm>>
        tpu.enqueue_dma source(%dma_start3A_175 : memref<128x128xf32, #tpu.memory_space<hbm>>) target(%arg9 : memref<128x128xf32, #tpu.memory_space<vmem>>) target_semaphore(%arg14 : memref<!tpu.dma_semaphore, #tpu.memory_space<semaphore_mem>>)
      } else {
      }
      %add3A_138 = arith.constant 1 : i32
      %add3A_139 = arith.addi %mul3A_98, %add3A_138 : i32
      %add3A_140 = arith.constant 0 : i32
      %add3A_141 = arith.addi %add3A_140, %mul3A_17 : i32
      %mul3A_142 = arith.constant 128 : i32
      %mul3A_143 = arith.muli %add3A_139, %mul3A_142 : i32
      %add3A_144 = arith.addi %add3A_141, %mul3A_143 : i32
      %dma_wait3A_145 = arith.constant 1 : i32
      %dma_wait3A_146 = tpu.memref_slice %arg3[%dma_wait3A_145, %add3A_144] : memref<2x320000xi32, #tpu.memory_space<hbm>> -> memref<1x128xi32, #tpu.memory_space<hbm>>
      %dma_wait3A_147 = tpu.memref_squeeze %dma_wait3A_146 : memref<1x128xi32, #tpu.memory_space<hbm>> -> memref<128xi32, #tpu.memory_space<hbm>>
      %dma_wait3A_148 = tpu.memref_slice %arg3[%dma_wait3A_145, %add3A_144] : memref<2x320000xi32, #tpu.memory_space<hbm>> -> memref<1x128xi32, #tpu.memory_space<hbm>>
      %dma_wait3A_149 = tpu.memref_squeeze %dma_wait3A_148 : memref<1x128xi32, #tpu.memory_space<hbm>> -> memref<128xi32, #tpu.memory_space<hbm>>
      tpu.wait_dma2 semaphore(%arg13 : memref<!tpu.dma_semaphore, #tpu.memory_space<semaphore_mem>>) src(%dma_wait3A_149 : memref<128xi32, #tpu.memory_space<hbm>>) dst(%arg7 : memref<128xi32, #tpu.memory_space<vmem>>)
      %mul3A_150 = arith.constant 128 : i32
      %mul3A_151 = arith.muli %add3A_139, %mul3A_150 : i32
      %add3A_152 = arith.addi %mul3A_17, %mul3A_151 : i32
      %dma_wait3A_153 = arith.constant 0 : i32
      %dma_wait3A_154 = tpu.memref_slice %arg2[%add3A_152, %dma_wait3A_153] : memref<160000x128xf32, #tpu.memory_space<hbm>> -> memref<128x128xf32, #tpu.memory_space<hbm>>
      %dma_wait3A_155 = arith.constant 0 : i32
      %dma_wait3A_156 = tpu.memref_slice %arg2[%add3A_152, %dma_wait3A_155] : memref<160000x128xf32, #tpu.memory_space<hbm>> -> memref<128x128xf32, #tpu.memory_space<hbm>>
      tpu.wait_dma2 semaphore(%arg15 : memref<!tpu.dma_semaphore, #tpu.memory_space<semaphore_mem>>) src(%dma_wait3A_156 : memref<128x128xf32, #tpu.memory_space<hbm>>) dst(%arg10 : memref<128x128xf32, #tpu.memory_space<vmem>>)
      "tpu.region"() ({
        %run_scoped3A = tpu.sem_alloc : memref<!tpu.dma_semaphore, #tpu.memory_space<semaphore_mem>>
        %dma_start3A_157 = arith.constant 0 : i32
        %dma_start3A_158 = arith.constant 0 : i32
        %dma_start3A_159 = tpu.memref_slice %arg11[%dma_start3A_157, %dma_start3A_158] : memref<10000x128xf32, #tpu.memory_space<vmem_shared>> -> memref<10000x128xf32, #tpu.memory_space<vmem_shared>>
        tpu.enqueue_indirect_dma source(%arg10 : memref<128x128xf32, #tpu.memory_space<vmem>>) target(%dma_start3A_159 : memref<10000x128xf32, #tpu.memory_space<vmem_shared>>) offsets(%arg7 : memref<128xi32, #tpu.memory_space<vmem>>) semaphore(%run_scoped3A : memref<!tpu.dma_semaphore, #tpu.memory_space<semaphore_mem>>) {add = true}
        %dma_wait3A_160 = arith.constant 0 : i32
        %dma_wait3A_161 = arith.constant 0 : i32
        %dma_wait3A_162 = tpu.memref_slice %arg11[%dma_wait3A_160, %dma_wait3A_161] : memref<10000x128xf32, #tpu.memory_space<vmem_shared>> -> memref<10000x128xf32, #tpu.memory_space<vmem_shared>>
        tpu.wait_indirect_dma semaphore(%run_scoped3A : memref<!tpu.dma_semaphore, #tpu.memory_space<semaphore_mem>>) src(%arg10 : memref<128x128xf32, #tpu.memory_space<vmem>>) dst(%dma_wait3A_162 : memref<10000x128xf32, #tpu.memory_space<vmem_shared>>)
        tpu.yield
      }) : () -> ()
    }
    %sub3A_67 = arith.constant 1 : i32
    %sub3A_68 = arith.subi %add3A_24, %sub3A_67 : i32
    %add3A_69 = arith.constant 0 : i32
    %add3A_70 = arith.addi %add3A_69, %mul3A_17 : i32
    %mul3A_71 = arith.constant 128 : i32
    %mul3A_72 = arith.muli %sub3A_68, %mul3A_71 : i32
    %add3A_73 = arith.addi %add3A_70, %mul3A_72 : i32
    %dma_wait3A = arith.constant 1 : i32
    %dma_wait3A_74 = tpu.memref_slice %arg3[%dma_wait3A, %add3A_73] : memref<2x320000xi32, #tpu.memory_space<hbm>> -> memref<1x128xi32, #tpu.memory_space<hbm>>
    %dma_wait3A_75 = tpu.memref_squeeze %dma_wait3A_74 : memref<1x128xi32, #tpu.memory_space<hbm>> -> memref<128xi32, #tpu.memory_space<hbm>>
    %dma_wait3A_76 = tpu.memref_slice %arg3[%dma_wait3A, %add3A_73] : memref<2x320000xi32, #tpu.memory_space<hbm>> -> memref<1x128xi32, #tpu.memory_space<hbm>>
    %dma_wait3A_77 = tpu.memref_squeeze %dma_wait3A_76 : memref<1x128xi32, #tpu.memory_space<hbm>> -> memref<128xi32, #tpu.memory_space<hbm>>
    tpu.wait_dma2 semaphore(%arg12 : memref<!tpu.dma_semaphore, #tpu.memory_space<semaphore_mem>>) src(%dma_wait3A_77 : memref<128xi32, #tpu.memory_space<hbm>>) dst(%arg6 : memref<128xi32, #tpu.memory_space<vmem>>)
    %mul3A_78 = arith.constant 128 : i32
    %mul3A_79 = arith.muli %sub3A_68, %mul3A_78 : i32
    %add3A_80 = arith.addi %mul3A_17, %mul3A_79 : i32
    %dma_wait3A_81 = arith.constant 0 : i32
    %dma_wait3A_82 = tpu.memref_slice %arg2[%add3A_80, %dma_wait3A_81] : memref<160000x128xf32, #tpu.memory_space<hbm>> -> memref<128x128xf32, #tpu.memory_space<hbm>>
    %dma_wait3A_83 = arith.constant 0 : i32
    %dma_wait3A_84 = tpu.memref_slice %arg2[%add3A_80, %dma_wait3A_83] : memref<160000x128xf32, #tpu.memory_space<hbm>> -> memref<128x128xf32, #tpu.memory_space<hbm>>
    tpu.wait_dma2 semaphore(%arg14 : memref<!tpu.dma_semaphore, #tpu.memory_space<semaphore_mem>>) src(%dma_wait3A_84 : memref<128x128xf32, #tpu.memory_space<hbm>>) dst(%arg9 : memref<128x128xf32, #tpu.memory_space<vmem>>)
    "tpu.region"() ({
      %run_scoped3A = tpu.sem_alloc : memref<!tpu.dma_semaphore, #tpu.memory_space<semaphore_mem>>
      %dma_start3A_96 = arith.constant 0 : i32
      %dma_start3A_97 = arith.constant 0 : i32
      %dma_start3A_98 = tpu.memref_slice %arg11[%dma_start3A_96, %dma_start3A_97] : memref<10000x128xf32, #tpu.memory_space<vmem_shared>> -> memref<10000x128xf32, #tpu.memory_space<vmem_shared>>
      tpu.enqueue_indirect_dma source(%arg9 : memref<128x128xf32, #tpu.memory_space<vmem>>) target(%dma_start3A_98 : memref<10000x128xf32, #tpu.memory_space<vmem_shared>>) offsets(%arg6 : memref<128xi32, #tpu.memory_space<vmem>>) semaphore(%run_scoped3A : memref<!tpu.dma_semaphore, #tpu.memory_space<semaphore_mem>>) {add = true}
      %dma_wait3A_99 = arith.constant 0 : i32
      %dma_wait3A_100 = arith.constant 0 : i32
      %dma_wait3A_101 = tpu.memref_slice %arg11[%dma_wait3A_99, %dma_wait3A_100] : memref<10000x128xf32, #tpu.memory_space<vmem_shared>> -> memref<10000x128xf32, #tpu.memory_space<vmem_shared>>
      tpu.wait_indirect_dma semaphore(%run_scoped3A : memref<!tpu.dma_semaphore, #tpu.memory_space<semaphore_mem>>) src(%arg9 : memref<128x128xf32, #tpu.memory_space<vmem>>) dst(%dma_wait3A_101 : memref<10000x128xf32, #tpu.memory_space<vmem_shared>>)
      tpu.yield
    }) : () -> ()
    %barrier3A_85 = arith.constant 0 : index
    tpu.barrier barrier_id(%barrier3A_85)
    %while3A_86 = arith.constant 0 : i32
    %while3A_87 = arith.constant 0 : i32
    %while3A_88 = arith.subi %select_n3A, %while3A_87 : i32
    %while3A_89 = arith.addi %while3A_87, %while3A_88 : i32
    %while3A_90 = arith.constant 1 : i32
    %while3A_91 = arith.divsi %while3A_88, %while3A_90 : i32
    %while3A_92 = arith.muli %while3A_91, %while3A_90 : i32
    %while3A_93 = arith.addi %while3A_87, %while3A_92 : i32
    %while3A_94 = arith.constant 1 : i32
    scf.for %while3A_96 = %while3A_87 to %while3A_93 step %while3A_94  : i32 {
      %mul3A_97 = arith.constant 40 : i32
      %mul3A_98 = arith.muli %while3A_96, %mul3A_97 : i32
      %add3A_99 = arith.addi %mul3A_0, %mul3A_98 : i32
      "tpu.region"() ({
        %run_scoped3A = tpu.sem_alloc : memref<!tpu.dma_semaphore, #tpu.memory_space<semaphore_mem>>
        %dma_start3A_100 = arith.constant 0 : i32
        %dma_start3A_101 = tpu.memref_slice %arg5[%arg0, %add3A_99, %dma_start3A_100] : memref<2x10000x128xf32, #tpu.memory_space<hbm>> -> memref<1x40x128xf32, #tpu.memory_space<hbm>>
        %dma_start3A_102 = tpu.memref_squeeze %dma_start3A_101 : memref<1x40x128xf32, #tpu.memory_space<hbm>> -> memref<40x128xf32, #tpu.memory_space<hbm>>
        %dma_start3A_103 = arith.constant 0 : i32
        %dma_start3A_104 = tpu.memref_slice %arg11[%add3A_99, %dma_start3A_103] : memref<10000x128xf32, #tpu.memory_space<vmem_shared>> -> memref<40x128xf32, #tpu.memory_space<vmem_shared>>
        tpu.enqueue_dma source(%dma_start3A_104 : memref<40x128xf32, #tpu.memory_space<vmem_shared>>) target(%dma_start3A_102 : memref<40x128xf32, #tpu.memory_space<hbm>>) target_semaphore(%run_scoped3A : memref<!tpu.dma_semaphore, #tpu.memory_space<semaphore_mem>>)
        %dma_wait3A_105 = arith.constant 0 : i32
        %dma_wait3A_106 = tpu.memref_slice %arg5[%arg0, %add3A_99, %dma_wait3A_105] : memref<2x10000x128xf32, #tpu.memory_space<hbm>> -> memref<1x40x128xf32, #tpu.memory_space<hbm>>
        %dma_wait3A_107 = tpu.memref_squeeze %dma_wait3A_106 : memref<1x40x128xf32, #tpu.memory_space<hbm>> -> memref<40x128xf32, #tpu.memory_space<hbm>>
        %dma_wait3A_108 = arith.constant 0 : i32
        %dma_wait3A_109 = tpu.memref_slice %arg11[%add3A_99, %dma_wait3A_108] : memref<10000x128xf32, #tpu.memory_space<vmem_shared>> -> memref<40x128xf32, #tpu.memory_space<vmem_shared>>
        tpu.wait_dma2 semaphore(%run_scoped3A : memref<!tpu.dma_semaphore, #tpu.memory_space<semaphore_mem>>) src(%dma_wait3A_109 : memref<40x128xf32, #tpu.memory_space<vmem_shared>>) dst(%dma_wait3A_107 : memref<40x128xf32, #tpu.memory_space<hbm>>)
        tpu.yield
      }) : () -> ()
    }
    %while3A_95 = arith.constant 1 : i32
    scf.for %while3A_96 = %while3A_93 to %while3A_89 step %while3A_95  : i32 {
      %mul3A_97 = arith.constant 40 : i32
      %mul3A_98 = arith.muli %while3A_96, %mul3A_97 : i32
      %add3A_99 = arith.addi %mul3A_0, %mul3A_98 : i32
      "tpu.region"() ({
        %run_scoped3A = tpu.sem_alloc : memref<!tpu.dma_semaphore, #tpu.memory_space<semaphore_mem>>
        %dma_start3A_100 = arith.constant 0 : i32
        %dma_start3A_101 = tpu.memref_slice %arg5[%arg0, %add3A_99, %dma_start3A_100] : memref<2x10000x128xf32, #tpu.memory_space<hbm>> -> memref<1x40x128xf32, #tpu.memory_space<hbm>>
        %dma_start3A_102 = tpu.memref_squeeze %dma_start3A_101 : memref<1x40x128xf32, #tpu.memory_space<hbm>> -> memref<40x128xf32, #tpu.memory_space<hbm>>
        %dma_start3A_103 = arith.constant 0 : i32
        %dma_start3A_104 = tpu.memref_slice %arg11[%add3A_99, %dma_start3A_103] : memref<10000x128xf32, #tpu.memory_space<vmem_shared>> -> memref<40x128xf32, #tpu.memory_space<vmem_shared>>
        tpu.enqueue_dma source(%dma_start3A_104 : memref<40x128xf32, #tpu.memory_space<vmem_shared>>) target(%dma_start3A_102 : memref<40x128xf32, #tpu.memory_space<hbm>>) target_semaphore(%run_scoped3A : memref<!tpu.dma_semaphore, #tpu.memory_space<semaphore_mem>>)
        %dma_wait3A_105 = arith.constant 0 : i32
        %dma_wait3A_106 = tpu.memref_slice %arg5[%arg0, %add3A_99, %dma_wait3A_105] : memref<2x10000x128xf32, #tpu.memory_space<hbm>> -> memref<1x40x128xf32, #tpu.memory_space<hbm>>
        %dma_wait3A_107 = tpu.memref_squeeze %dma_wait3A_106 : memref<1x40x128xf32, #tpu.memory_space<hbm>> -> memref<40x128xf32, #tpu.memory_space<hbm>>
        %dma_wait3A_108 = arith.constant 0 : i32
        %dma_wait3A_109 = tpu.memref_slice %arg11[%add3A_99, %dma_wait3A_108] : memref<10000x128xf32, #tpu.memory_space<vmem_shared>> -> memref<40x128xf32, #tpu.memory_space<vmem_shared>>
        tpu.wait_dma2 semaphore(%run_scoped3A : memref<!tpu.dma_semaphore, #tpu.memory_space<semaphore_mem>>) src(%dma_wait3A_109 : memref<40x128xf32, #tpu.memory_space<vmem_shared>>) dst(%dma_wait3A_107 : memref<40x128xf32, #tpu.memory_space<hbm>>)
        tpu.yield
      }) : () -> ()
    }
    return
  }
}

module attributes {stable_mosaic.version = 14 : i64} {
  func.func @_prep_body(%arg0: i32, %arg1: memref<2000x128xf32, #tpu.memory_space<vmem>>, %arg2: memref<128x128xf32, #tpu.memory_space<vmem>>, %arg3: memref<128x128xf32, #tpu.memory_space<vmem>>, %arg4: memref<128x128xf32, #tpu.memory_space<vmem>>, %arg5: memref<1x128xf32, #tpu.memory_space<vmem>>, %arg6: memref<2000x128xi32, #tpu.memory_space<vmem>>, %arg7: memref<2000x128xf32, #tpu.memory_space<vmem>>, %arg8: memref<2000x128xf32, #tpu.memory_space<vmem>>) attributes {dimension_semantics = [#tpu.dimension_semantics<arbitrary>], iteration_bounds = array<i64: 5>, scalar_prefetch = 0 : i64, scratch_operands = 0 : i64, tpu.core_type = #tpu.core_type<tc>, window_params = [{transform_indices = @transform_0, window_bounds = array<i64: 2000, 128>}, {pipeline_mode = #tpu.pipeline_mode<synchronous>, transform_indices = @transform_1, window_bounds = array<i64: 128, 128>}, {pipeline_mode = #tpu.pipeline_mode<synchronous>, transform_indices = @transform_2, window_bounds = array<i64: 128, 128>}, {pipeline_mode = #tpu.pipeline_mode<synchronous>, transform_indices = @transform_3, window_bounds = array<i64: 128, 128>}, {pipeline_mode = #tpu.pipeline_mode<synchronous>, transform_indices = @transform_4, window_bounds = array<i64: 1, 128>}, {transform_indices = @transform_5, window_bounds = array<i64: 2000, 128>}, {transform_indices = @transform_6, window_bounds = array<i64: 2000, 128>}, {transform_indices = @transform_7, window_bounds = array<i64: 2000, 128>}]} {
    %get3A = arith.constant 0 : index
    %get3A_0 = arith.constant 0 : index
    %get3A_1 = vector.load %arg1[%get3A, %get3A_0] : memref<2000x128xf32, #tpu.memory_space<vmem>>, vector<2000x128xf32>
    %get3A_2 = arith.constant 0 : index
    %get3A_3 = arith.constant 0 : index
    %get3A_4 = vector.load %arg4[%get3A_2, %get3A_3] : memref<128x128xf32, #tpu.memory_space<vmem>>, vector<128x128xf32>
    %dot_general3A = arith.constant dense<0.000000e+00> : vector<2000x128xf32>
    %dot_general3A_5 = tpu.matmul %get3A_1, %get3A_4, %dot_general3A {dimension_numbers = #tpu.dot_dimension_numbers<[1], [0], [0], [1], [0, 0, 1, 1], [], []>, transpose_lhs_hint = false} : vector<2000x128xf32>, vector<128x128xf32>, vector<2000x128xf32> -> vector<2000x128xf32>
    %get3A_6 = arith.constant 0 : index
    %get3A_7 = arith.constant 0 : index
    %get3A_8 = vector.load %arg5[%get3A_6, %get3A_7] : memref<1x128xf32, #tpu.memory_space<vmem>>, vector<1x128xf32>
    %add3A = vector.broadcast %get3A_8 : vector<1x128xf32> to vector<2000x128xf32>
    %add3A_9 = arith.addf %dot_general3A_5, %add3A : vector<2000x128xf32>
    %get3A_10 = arith.constant 0 : index
    %get3A_11 = arith.constant 0 : index
    %get3A_12 = vector.load %arg2[%get3A_10, %get3A_11] : memref<128x128xf32, #tpu.memory_space<vmem>>, vector<128x128xf32>
    %dot_general3A_13 = arith.constant dense<0.000000e+00> : vector<2000x128xf32>
    %dot_general3A_14 = tpu.matmul %get3A_1, %get3A_12, %dot_general3A_13 {dimension_numbers = #tpu.dot_dimension_numbers<[1], [0], [0], [1], [0, 0, 1, 1], [], []>, transpose_lhs_hint = false} : vector<2000x128xf32>, vector<128x128xf32>, vector<2000x128xf32> -> vector<2000x128xf32>
    %bitcast_convert_type3A = tpu.bitcast %dot_general3A_14 : vector<2000x128xf32> -> vector<2000x128xi32>
    %add3A_15 = arith.constant 32767 : i32
    %add3A_16 = vector.broadcast %add3A_15 : i32 to vector<2000x128xi32>
    %add3A_17 = arith.addi %bitcast_convert_type3A, %add3A_16 : vector<2000x128xi32>
    %shift_right_arithmetic3A = arith.constant 16 : i32
    %shift_right_arithmetic3A_18 = vector.broadcast %shift_right_arithmetic3A : i32 to vector<2000x128xi32>
    %shift_right_arithmetic3A_19 = arith.shrsi %bitcast_convert_type3A, %shift_right_arithmetic3A_18 : vector<2000x128xi32>
    %and3A = arith.constant 1 : i32
    %and3A_20 = vector.broadcast %and3A : i32 to vector<2000x128xi32>
    %and3A_21 = arith.andi %shift_right_arithmetic3A_19, %and3A_20 : vector<2000x128xi32>
    %add3A_22 = arith.addi %add3A_17, %and3A_21 : vector<2000x128xi32>
    %shift_right_arithmetic3A_23 = arith.constant 16 : i32
    %shift_right_arithmetic3A_24 = vector.broadcast %shift_right_arithmetic3A_23 : i32 to vector<2000x128xi32>
    %shift_right_arithmetic3A_25 = arith.shrsi %add3A_22, %shift_right_arithmetic3A_24 : vector<2000x128xi32>
    %and3A_26 = arith.constant 65535 : i32
    %and3A_27 = vector.broadcast %and3A_26 : i32 to vector<2000x128xi32>
    %and3A_28 = arith.andi %shift_right_arithmetic3A_25, %and3A_27 : vector<2000x128xi32>
    %bitcast_convert_type3A_29 = tpu.bitcast %add3A_9 : vector<2000x128xf32> -> vector<2000x128xi32>
    %add3A_30 = arith.constant 32767 : i32
    %add3A_31 = vector.broadcast %add3A_30 : i32 to vector<2000x128xi32>
    %add3A_32 = arith.addi %bitcast_convert_type3A_29, %add3A_31 : vector<2000x128xi32>
    %shift_right_arithmetic3A_33 = arith.constant 16 : i32
    %shift_right_arithmetic3A_34 = vector.broadcast %shift_right_arithmetic3A_33 : i32 to vector<2000x128xi32>
    %shift_right_arithmetic3A_35 = arith.shrsi %bitcast_convert_type3A_29, %shift_right_arithmetic3A_34 : vector<2000x128xi32>
    %and3A_36 = arith.constant 1 : i32
    %and3A_37 = vector.broadcast %and3A_36 : i32 to vector<2000x128xi32>
    %and3A_38 = arith.andi %shift_right_arithmetic3A_35, %and3A_37 : vector<2000x128xi32>
    %add3A_39 = arith.addi %add3A_32, %and3A_38 : vector<2000x128xi32>
    %and3A_40 = arith.constant -65536 : i32
    %and3A_41 = vector.broadcast %and3A_40 : i32 to vector<2000x128xi32>
    %and3A_42 = arith.andi %add3A_39, %and3A_41 : vector<2000x128xi32>
    %or3A = arith.ori %and3A_28, %and3A_42 : vector<2000x128xi32>
    %swap3A = arith.constant 0 : index
    %swap3A_43 = arith.constant 0 : index
    %swap3A_44 = vector.load %arg6[%swap3A, %swap3A_43] : memref<2000x128xi32, #tpu.memory_space<vmem>>, vector<2000x128xi32>
    tpu.vector_store %arg6[%swap3A, %swap3A_43], %or3A {strides = array<i32>} : memref<2000x128xi32, #tpu.memory_space<vmem>>, vector<2000x128xi32>,
    %get3A_45 = arith.constant 0 : index
    %get3A_46 = arith.constant 0 : index
    %get3A_47 = vector.load %arg3[%get3A_45, %get3A_46] : memref<128x128xf32, #tpu.memory_space<vmem>>, vector<128x128xf32>
    %dot_general3A_48 = arith.constant dense<0.000000e+00> : vector<2000x128xf32>
    %dot_general3A_49 = tpu.matmul %get3A_1, %get3A_47, %dot_general3A_48 {dimension_numbers = #tpu.dot_dimension_numbers<[1], [0], [0], [1], [0, 0, 1, 1], [], []>, transpose_lhs_hint = false} : vector<2000x128xf32>, vector<128x128xf32>, vector<2000x128xf32> -> vector<2000x128xf32>
    %swap3A_50 = arith.constant 0 : index
    %swap3A_51 = arith.constant 0 : index
    %swap3A_52 = vector.load %arg7[%swap3A_50, %swap3A_51] : memref<2000x128xf32, #tpu.memory_space<vmem>>, vector<2000x128xf32>
    tpu.vector_store %arg7[%swap3A_50, %swap3A_51], %dot_general3A_49 {strides = array<i32>} : memref<2000x128xf32, #tpu.memory_space<vmem>>, vector<2000x128xf32>,
    %swap3A_53 = arith.constant 0 : index
    %swap3A_54 = arith.constant 0 : index
    %swap3A_55 = vector.load %arg8[%swap3A_53, %swap3A_54] : memref<2000x128xf32, #tpu.memory_space<vmem>>, vector<2000x128xf32>
    tpu.vector_store %arg8[%swap3A_53, %swap3A_54], %add3A_9 {strides = array<i32>} : memref<2000x128xf32, #tpu.memory_space<vmem>>, vector<2000x128xf32>,
    return
  }
  func.func @transform_0(%arg0: i32) -> (i32, i32) {
    %c0_i32 = arith.constant 0 : i32
    %c0_i32_0 = arith.constant 0 : i32
    return %arg0, %c0_i32 : i32, i32
  }
  func.func @transform_1(%arg0: i32) -> (i32, i32) {
    %c0_i32 = arith.constant 0 : i32
    %c0_i32_0 = arith.constant 0 : i32
    %c0_i32_1 = arith.constant 0 : i32
    return %c0_i32, %c0_i32_0 : i32, i32
  }
  func.func @transform_2(%arg0: i32) -> (i32, i32) {
    %c0_i32 = arith.constant 0 : i32
    %c0_i32_0 = arith.constant 0 : i32
    %c0_i32_1 = arith.constant 0 : i32
    return %c0_i32, %c0_i32_0 : i32, i32
  }
  func.func @transform_3(%arg0: i32) -> (i32, i32) {
    %c0_i32 = arith.constant 0 : i32
    %c0_i32_0 = arith.constant 0 : i32
    %c0_i32_1 = arith.constant 0 : i32
    return %c0_i32, %c0_i32_0 : i32, i32
  }
  func.func @transform_4(%arg0: i32) -> (i32, i32) {
    %c0_i32 = arith.constant 0 : i32
    %c0_i32_0 = arith.constant 0 : i32
    %c0_i32_1 = arith.constant 0 : i32
    return %c0_i32, %c0_i32_0 : i32, i32
  }
  func.func @transform_5(%arg0: i32) -> (i32, i32) {
    %c0_i32 = arith.constant 0 : i32
    %c0_i32_0 = arith.constant 0 : i32
    return %arg0, %c0_i32 : i32, i32
  }
  func.func @transform_6(%arg0: i32) -> (i32, i32) {
    %c0_i32 = arith.constant 0 : i32
    %c0_i32_0 = arith.constant 0 : i32
    return %arg0, %c0_i32 : i32, i32
  }
  func.func @transform_7(%arg0: i32) -> (i32, i32) {
    %c0_i32 = arith.constant 0 : i32
    %c0_i32_0 = arith.constant 0 : i32
    return %arg0, %c0_i32 : i32, i32
  }
}

module attributes {stable_mosaic.version = 14 : i64} {
  func.func @_pass1_body(%arg0: i32, %arg1: memref<4x3200xf32, #tpu.memory_space<vmem>>, %arg2: memref<3200x128xi32, #tpu.memory_space<vmem>>, %arg3: memref<3200x128xf32, #tpu.memory_space<vmem>>, %arg4: memref<4x200xf32, #tpu.memory_space<vmem>>, %arg5: memref<1x200xf32, #tpu.memory_space<vmem>>, %arg6: memref<200x128xbf16, #tpu.memory_space<vmem>>, %arg7: memref<1x128xf32, #tpu.memory_space<vmem>>, %arg8: memref<128x128xbf16, #tpu.memory_space<vmem>>, %arg9: memref<1x128xf32, #tpu.memory_space<vmem>>, %arg10: memref<3200x128xbf16, #tpu.memory_space<vmem>>, %arg11: memref<8x128xf32, #tpu.memory_space<vmem>>, %arg12: memref<8x128xf32, #tpu.memory_space<vmem>>) attributes {dimension_semantics = [#tpu.dimension_semantics<arbitrary>], iteration_bounds = array<i64: 50>, scalar_prefetch = 0 : i64, scratch_operands = 1 : i64, tpu.core_type = #tpu.core_type<tc>, window_params = [{transform_indices = @transform_0, window_bounds = array<i64: 4, 3200>}, {transform_indices = @transform_1, window_bounds = array<i64: 3200, 128>}, {transform_indices = @transform_2, window_bounds = array<i64: 3200, 128>}, {pipeline_mode = #tpu.pipeline_mode<synchronous>, transform_indices = @transform_3, window_bounds = array<i64: 4, 200>}, {pipeline_mode = #tpu.pipeline_mode<synchronous>, transform_indices = @transform_4, window_bounds = array<i64: 1, 200>}, {pipeline_mode = #tpu.pipeline_mode<synchronous>, transform_indices = @transform_5, window_bounds = array<i64: 200, 128>}, {pipeline_mode = #tpu.pipeline_mode<synchronous>, transform_indices = @transform_6, window_bounds = array<i64: 1, 128>}, {pipeline_mode = #tpu.pipeline_mode<synchronous>, transform_indices = @transform_7, window_bounds = array<i64: 128, 128>}, {pipeline_mode = #tpu.pipeline_mode<synchronous>, transform_indices = @transform_8, window_bounds = array<i64: 1, 128>}, {transform_indices = @transform_9, window_bounds = array<i64: 3200, 128>}, {pipeline_mode = #tpu.pipeline_mode<synchronous>, transform_indices = @transform_10, window_bounds = array<i64: 8, 128>}]} {
    %get3A = arith.constant 0 : index
    %get3A_0 = arith.constant 0 : index
    %get3A_1 = vector.load %arg1[%get3A, %get3A_0] : memref<4x3200xf32, #tpu.memory_space<vmem>>, vector<4x3200xf32>
    %get3A_2 = arith.constant 0 : index
    %get3A_3 = arith.constant 0 : index
    %get3A_4 = vector.load %arg4[%get3A_2, %get3A_3] : memref<4x200xf32, #tpu.memory_space<vmem>>, vector<4x200xf32>
    %dot_general3A = arith.constant dense<0.000000e+00> : vector<3200x200xf32>
    %dot_general3A_5 = tpu.matmul %get3A_1, %get3A_4, %dot_general3A {dimension_numbers = #tpu.dot_dimension_numbers<[0], [0], [1], [1], [0, 1, 1, 1], [], []>, transpose_lhs_hint = false} : vector<4x3200xf32>, vector<4x200xf32>, vector<3200x200xf32> -> vector<3200x200xf32>
    %get3A_6 = arith.constant 0 : index
    %get3A_7 = arith.constant 0 : index
    %get3A_8 = vector.load %arg5[%get3A_6, %get3A_7] : memref<1x200xf32, #tpu.memory_space<vmem>>, vector<1x200xf32>
    %sub3A = vector.broadcast %get3A_8 : vector<1x200xf32> to vector<3200x200xf32>
    %sub3A_9 = arith.subf %dot_general3A_5, %sub3A : vector<3200x200xf32>
    %mul3A = arith.mulf %sub3A_9, %sub3A_9 : vector<3200x200xf32>
    %neg3A = arith.constant 0.000000e+00 : f32
    %neg3A_10 = vector.broadcast %neg3A : f32 to vector<3200x200xf32>
    %neg3A_11 = arith.subf %neg3A_10, %mul3A : vector<3200x200xf32>
    %exp3A = math.exp %neg3A_11 : vector<3200x200xf32>
    %get3A_12 = arith.constant 0 : index
    %get3A_13 = arith.constant 0 : index
    %get3A_14 = vector.load %arg6[%get3A_12, %get3A_13] : memref<200x128xbf16, #tpu.memory_space<vmem>>, vector<200x128xbf16>
    %convert_element_type3A = arith.truncf %exp3A : vector<3200x200xf32> to vector<3200x200xbf16>
    %dot_general3A_15 = arith.constant dense<0.000000e+00> : vector<3200x128xf32>
    %dot_general3A_16 = tpu.matmul %convert_element_type3A, %get3A_14, %dot_general3A_15 {dimension_numbers = #tpu.dot_dimension_numbers<[1], [0], [0], [1], [0, 0, 1, 1], [], []>, transpose_lhs_hint = false} : vector<3200x200xbf16>, vector<200x128xbf16>, vector<3200x128xf32> -> vector<3200x128xf32>
    %get3A_17 = arith.constant 0 : index
    %get3A_18 = arith.constant 0 : index
    %get3A_19 = vector.load %arg7[%get3A_17, %get3A_18] : memref<1x128xf32, #tpu.memory_space<vmem>>, vector<1x128xf32>
    %add3A = vector.broadcast %get3A_19 : vector<1x128xf32> to vector<3200x128xf32>
    %add3A_20 = arith.addf %dot_general3A_16, %add3A : vector<3200x128xf32>
    %ge3A = arith.constant 0.000000e+00 : f32
    %ge3A_21 = vector.broadcast %ge3A : f32 to vector<3200x128xf32>
    %ge3A_22 = arith.cmpf oge, %add3A_20, %ge3A_21 : vector<3200x128xf32>
    %mul3A_23 = arith.constant 0.00999999977 : f32
    %mul3A_24 = vector.broadcast %mul3A_23 : f32 to vector<3200x128xf32>
    %mul3A_25 = arith.mulf %mul3A_24, %add3A_20 : vector<3200x128xf32>
    %select_n3A = arith.select %ge3A_22, %add3A_20, %mul3A_25 : vector<3200x128xi1>, vector<3200x128xf32>
    %get3A_26 = arith.constant 0 : index
    %get3A_27 = arith.constant 0 : index
    %get3A_28 = vector.load %arg2[%get3A_26, %get3A_27] : memref<3200x128xi32, #tpu.memory_space<vmem>>, vector<3200x128xi32>
    %shift_left3A = arith.constant 16 : i32
    %shift_left3A_29 = vector.broadcast %shift_left3A : i32 to vector<3200x128xi32>
    %shift_left3A_30 = arith.shli %get3A_28, %shift_left3A_29 : vector<3200x128xi32>
    %bitcast_convert_type3A = tpu.bitcast %shift_left3A_30 : vector<3200x128xi32> -> vector<3200x128xf32>
    %get3A_31 = arith.constant 0 : index
    %get3A_32 = arith.constant 0 : index
    %get3A_33 = vector.load %arg3[%get3A_31, %get3A_32] : memref<3200x128xf32, #tpu.memory_space<vmem>>, vector<3200x128xf32>
    %add3A_34 = arith.addf %bitcast_convert_type3A, %get3A_33 : vector<3200x128xf32>
    %get3A_35 = arith.constant 0 : index
    %get3A_36 = arith.constant 0 : index
    %get3A_37 = vector.load %arg8[%get3A_35, %get3A_36] : memref<128x128xbf16, #tpu.memory_space<vmem>>, vector<128x128xbf16>
    %convert_element_type3A_38 = arith.truncf %select_n3A : vector<3200x128xf32> to vector<3200x128xbf16>
    %dot_general3A_39 = arith.constant dense<0.000000e+00> : vector<3200x128xf32>
    %dot_general3A_40 = tpu.matmul %convert_element_type3A_38, %get3A_37, %dot_general3A_39 {dimension_numbers = #tpu.dot_dimension_numbers<[1], [0], [0], [1], [0, 0, 1, 1], [], []>, transpose_lhs_hint = false} : vector<3200x128xbf16>, vector<128x128xbf16>, vector<3200x128xf32> -> vector<3200x128xf32>
    %add3A_41 = arith.addf %add3A_34, %dot_general3A_40 : vector<3200x128xf32>
    %get3A_42 = arith.constant 0 : index
    %get3A_43 = arith.constant 0 : index
    %get3A_44 = vector.load %arg9[%get3A_42, %get3A_43] : memref<1x128xf32, #tpu.memory_space<vmem>>, vector<1x128xf32>
    %add3A_45 = vector.broadcast %get3A_44 : vector<1x128xf32> to vector<3200x128xf32>
    %add3A_46 = arith.addf %add3A_41, %add3A_45 : vector<3200x128xf32>
    %ge3A_47 = arith.constant 0.000000e+00 : f32
    %ge3A_48 = vector.broadcast %ge3A_47 : f32 to vector<3200x128xf32>
    %ge3A_49 = arith.cmpf oge, %add3A_46, %ge3A_48 : vector<3200x128xf32>
    %mul3A_50 = arith.constant 0.00999999977 : f32
    %mul3A_51 = vector.broadcast %mul3A_50 : f32 to vector<3200x128xf32>
    %mul3A_52 = arith.mulf %mul3A_51, %add3A_46 : vector<3200x128xf32>
    %select_n3A_53 = arith.select %ge3A_49, %add3A_46, %mul3A_52 : vector<3200x128xi1>, vector<3200x128xf32>
    %convert_element_type3A_54 = arith.truncf %select_n3A_53 : vector<3200x128xf32> to vector<3200x128xbf16>
    %swap3A = arith.constant 0 : index
    %swap3A_55 = arith.constant 0 : index
    %swap3A_56 = vector.load %arg10[%swap3A, %swap3A_55] : memref<3200x128xbf16, #tpu.memory_space<vmem>>, vector<3200x128xbf16>
    tpu.vector_store %arg10[%swap3A, %swap3A_55], %convert_element_type3A_54 {strides = array<i32>} : memref<3200x128xbf16, #tpu.memory_space<vmem>>, vector<3200x128xbf16>,
    %eq3A = arith.constant 0 : i32
    %eq3A_57 = arith.cmpi eq, %arg0, %eq3A : i32
    %convert_element_type3A_58 = arith.extui %eq3A_57 : i1 to i32
    %cond3A = arith.constant 0 : i32
    %cond3A_59 = arith.cmpi ne, %convert_element_type3A_58, %cond3A : i32
    scf.if %cond3A_59 {
      %broadcast_in_dim3A_84 = arith.constant 0.000000e+00 : f32
      %broadcast_in_dim3A_85 = vector.broadcast %broadcast_in_dim3A_84 : f32 to vector<8x128xf32>
      %swap3A_86 = arith.constant 0 : index
      %swap3A_87 = arith.constant 0 : index
      %swap3A_88 = vector.load %arg12[%swap3A_86, %swap3A_87] : memref<8x128xf32, #tpu.memory_space<vmem>>, vector<8x128xf32>
      tpu.vector_store %arg12[%swap3A_86, %swap3A_87], %broadcast_in_dim3A_85 {strides = array<i32>} : memref<8x128xf32, #tpu.memory_space<vmem>>, vector<8x128xf32>,
    } else {
    }
    %get3A_60 = arith.constant 0 : index
    %get3A_61 = arith.constant 0 : index
    %get3A_62 = vector.load %arg12[%get3A_60, %get3A_61] : memref<8x128xf32, #tpu.memory_space<vmem>>, vector<1x128xf32>
    %reduce_sum3A = arith.constant dense<0.000000e+00> : vector<128xf32>
    %reduce_sum3A_63 = vector.multi_reduction <add>, %select_n3A_53, %reduce_sum3A [0] : vector<3200x128xf32> to vector<128xf32>
    %broadcast_in_dim3A = vector.shape_cast %reduce_sum3A_63 : vector<128xf32> to vector<1x128xf32>
    %add3A_64 = arith.addf %get3A_62, %broadcast_in_dim3A : vector<1x128xf32>
    %swap3A_65 = arith.constant 0 : index
    %swap3A_66 = arith.constant 0 : index
    %swap3A_67 = vector.load %arg12[%swap3A_65, %swap3A_66] : memref<8x128xf32, #tpu.memory_space<vmem>>, vector<1x128xf32>
    tpu.vector_store %arg12[%swap3A_65, %swap3A_66], %add3A_64 {strides = array<i32>} : memref<8x128xf32, #tpu.memory_space<vmem>>, vector<1x128xf32>,
    %get3A_68 = arith.constant 1 : index
    %get3A_69 = arith.constant 0 : index
    %get3A_70 = vector.load %arg12[%get3A_68, %get3A_69] : memref<8x128xf32, #tpu.memory_space<vmem>>, vector<1x128xf32>
    %mul3A_71 = arith.mulf %select_n3A_53, %select_n3A_53 : vector<3200x128xf32>
    %reduce_sum3A_72 = arith.constant dense<0.000000e+00> : vector<128xf32>
    %reduce_sum3A_73 = vector.multi_reduction <add>, %mul3A_71, %reduce_sum3A_72 [0] : vector<3200x128xf32> to vector<128xf32>
    %broadcast_in_dim3A_74 = vector.shape_cast %reduce_sum3A_73 : vector<128xf32> to vector<1x128xf32>
    %add3A_75 = arith.addf %get3A_70, %broadcast_in_dim3A_74 : vector<1x128xf32>
    %swap3A_76 = arith.constant 1 : index
    %swap3A_77 = arith.constant 0 : index
    %swap3A_78 = vector.load %arg12[%swap3A_76, %swap3A_77] : memref<8x128xf32, #tpu.memory_space<vmem>>, vector<1x128xf32>
    tpu.vector_store %arg12[%swap3A_76, %swap3A_77], %add3A_75 {strides = array<i32>} : memref<8x128xf32, #tpu.memory_space<vmem>>, vector<1x128xf32>,
    %eq3A_79 = arith.constant 49 : i32
    %eq3A_80 = arith.cmpi eq, %arg0, %eq3A_79 : i32
    %convert_element_type3A_81 = arith.extui %eq3A_80 : i1 to i32
    %cond3A_82 = arith.constant 0 : i32
    %cond3A_83 = arith.cmpi ne, %convert_element_type3A_81, %cond3A_82 : i32
    scf.if %cond3A_83 {
      %get3A_84 = arith.constant 0 : index
      %get3A_85 = arith.constant 0 : index
      %get3A_86 = vector.load %arg12[%get3A_84, %get3A_85] : memref<8x128xf32, #tpu.memory_space<vmem>>, vector<8x128xf32>
      %swap3A_87 = arith.constant 0 : index
      %swap3A_88 = arith.constant 0 : index
      %swap3A_89 = vector.load %arg11[%swap3A_87, %swap3A_88] : memref<8x128xf32, #tpu.memory_space<vmem>>, vector<8x128xf32>
      tpu.vector_store %arg11[%swap3A_87, %swap3A_88], %get3A_86 {strides = array<i32>} : memref<8x128xf32, #tpu.memory_space<vmem>>, vector<8x128xf32>,
    } else {
    }
    return
  }
  func.func @transform_0(%arg0: i32) -> (i32, i32) {
    %add3A = arith.constant 50 : i32
    %add3A_0 = arith.addi %add3A, %arg0 : i32
    %c0_i32 = arith.constant 0 : i32
    %c0_i32_1 = arith.constant 0 : i32
    return %c0_i32, %add3A_0 : i32, i32
  }
  func.func @transform_1(%arg0: i32) -> (i32, i32) {
    %c0_i32 = arith.constant 0 : i32
    %c0_i32_0 = arith.constant 0 : i32
    return %arg0, %c0_i32 : i32, i32
  }
  func.func @transform_2(%arg0: i32) -> (i32, i32) {
    %c0_i32 = arith.constant 0 : i32
    %c0_i32_0 = arith.constant 0 : i32
    return %arg0, %c0_i32 : i32, i32
  }
  func.func @transform_3(%arg0: i32) -> (i32, i32) {
    %c0_i32 = arith.constant 0 : i32
    %c0_i32_0 = arith.constant 0 : i32
    %c0_i32_1 = arith.constant 0 : i32
    return %c0_i32, %c0_i32_0 : i32, i32
  }
  func.func @transform_4(%arg0: i32) -> (i32, i32) {
    %c0_i32 = arith.constant 0 : i32
    %c0_i32_0 = arith.constant 0 : i32
    %c0_i32_1 = arith.constant 0 : i32
    return %c0_i32, %c0_i32_0 : i32, i32
  }
  func.func @transform_5(%arg0: i32) -> (i32, i32) {
    %c0_i32 = arith.constant 0 : i32
    %c0_i32_0 = arith.constant 0 : i32
    %c0_i32_1 = arith.constant 0 : i32
    return %c0_i32, %c0_i32_0 : i32, i32
  }
  func.func @transform_6(%arg0: i32) -> (i32, i32) {
    %c0_i32 = arith.constant 0 : i32
    %c0_i32_0 = arith.constant 0 : i32
    %c0_i32_1 = arith.constant 0 : i32
    return %c0_i32, %c0_i32_0 : i32, i32
  }
  func.func @transform_7(%arg0: i32) -> (i32, i32) {
    %c0_i32 = arith.constant 0 : i32
    %c0_i32_0 = arith.constant 0 : i32
    %c0_i32_1 = arith.constant 0 : i32
    return %c0_i32, %c0_i32_0 : i32, i32
  }
  func.func @transform_8(%arg0: i32) -> (i32, i32) {
    %c0_i32 = arith.constant 0 : i32
    %c0_i32_0 = arith.constant 0 : i32
    %c0_i32_1 = arith.constant 0 : i32
    return %c0_i32, %c0_i32_0 : i32, i32
  }
  func.func @transform_9(%arg0: i32) -> (i32, i32) {
    %c0_i32 = arith.constant 0 : i32
    %c0_i32_0 = arith.constant 0 : i32
    return %arg0, %c0_i32 : i32, i32
  }
  func.func @transform_10(%arg0: i32) -> (i32, i32) {
    %c0_i32 = arith.constant 0 : i32
    %c0_i32_0 = arith.constant 0 : i32
    %c0_i32_1 = arith.constant 0 : i32
    return %c0_i32, %c0_i32_0 : i32, i32
  }
}

module attributes {stable_mosaic.version = 14 : i64} {
  func.func @_pass1_body(%arg0: i32, %arg1: memref<4x3200xf32, #tpu.memory_space<vmem>>, %arg2: memref<3200x128xi32, #tpu.memory_space<vmem>>, %arg3: memref<3200x128xf32, #tpu.memory_space<vmem>>, %arg4: memref<4x200xf32, #tpu.memory_space<vmem>>, %arg5: memref<1x200xf32, #tpu.memory_space<vmem>>, %arg6: memref<200x128xbf16, #tpu.memory_space<vmem>>, %arg7: memref<1x128xf32, #tpu.memory_space<vmem>>, %arg8: memref<128x128xbf16, #tpu.memory_space<vmem>>, %arg9: memref<1x128xf32, #tpu.memory_space<vmem>>, %arg10: memref<3200x128xbf16, #tpu.memory_space<vmem>>, %arg11: memref<8x128xf32, #tpu.memory_space<vmem>>, %arg12: memref<8x128xf32, #tpu.memory_space<vmem>>) attributes {dimension_semantics = [#tpu.dimension_semantics<arbitrary>], iteration_bounds = array<i64: 50>, scalar_prefetch = 0 : i64, scratch_operands = 1 : i64, tpu.core_type = #tpu.core_type<tc>, window_params = [{transform_indices = @transform_0, window_bounds = array<i64: 4, 3200>}, {transform_indices = @transform_1, window_bounds = array<i64: 3200, 128>}, {transform_indices = @transform_2, window_bounds = array<i64: 3200, 128>}, {pipeline_mode = #tpu.pipeline_mode<synchronous>, transform_indices = @transform_3, window_bounds = array<i64: 4, 200>}, {pipeline_mode = #tpu.pipeline_mode<synchronous>, transform_indices = @transform_4, window_bounds = array<i64: 1, 200>}, {pipeline_mode = #tpu.pipeline_mode<synchronous>, transform_indices = @transform_5, window_bounds = array<i64: 200, 128>}, {pipeline_mode = #tpu.pipeline_mode<synchronous>, transform_indices = @transform_6, window_bounds = array<i64: 1, 128>}, {pipeline_mode = #tpu.pipeline_mode<synchronous>, transform_indices = @transform_7, window_bounds = array<i64: 128, 128>}, {pipeline_mode = #tpu.pipeline_mode<synchronous>, transform_indices = @transform_8, window_bounds = array<i64: 1, 128>}, {transform_indices = @transform_9, window_bounds = array<i64: 3200, 128>}, {pipeline_mode = #tpu.pipeline_mode<synchronous>, transform_indices = @transform_10, window_bounds = array<i64: 8, 128>}]} {
    %get3A = arith.constant 0 : index
    %get3A_0 = arith.constant 0 : index
    %get3A_1 = vector.load %arg1[%get3A, %get3A_0] : memref<4x3200xf32, #tpu.memory_space<vmem>>, vector<4x3200xf32>
    %get3A_2 = arith.constant 0 : index
    %get3A_3 = arith.constant 0 : index
    %get3A_4 = vector.load %arg4[%get3A_2, %get3A_3] : memref<4x200xf32, #tpu.memory_space<vmem>>, vector<4x200xf32>
    %dot_general3A = arith.constant dense<0.000000e+00> : vector<3200x200xf32>
    %dot_general3A_5 = tpu.matmul %get3A_1, %get3A_4, %dot_general3A {dimension_numbers = #tpu.dot_dimension_numbers<[0], [0], [1], [1], [0, 1, 1, 1], [], []>, transpose_lhs_hint = false} : vector<4x3200xf32>, vector<4x200xf32>, vector<3200x200xf32> -> vector<3200x200xf32>
    %get3A_6 = arith.constant 0 : index
    %get3A_7 = arith.constant 0 : index
    %get3A_8 = vector.load %arg5[%get3A_6, %get3A_7] : memref<1x200xf32, #tpu.memory_space<vmem>>, vector<1x200xf32>
    %sub3A = vector.broadcast %get3A_8 : vector<1x200xf32> to vector<3200x200xf32>
    %sub3A_9 = arith.subf %dot_general3A_5, %sub3A : vector<3200x200xf32>
    %mul3A = arith.mulf %sub3A_9, %sub3A_9 : vector<3200x200xf32>
    %neg3A = arith.constant 0.000000e+00 : f32
    %neg3A_10 = vector.broadcast %neg3A : f32 to vector<3200x200xf32>
    %neg3A_11 = arith.subf %neg3A_10, %mul3A : vector<3200x200xf32>
    %exp3A = math.exp %neg3A_11 : vector<3200x200xf32>
    %get3A_12 = arith.constant 0 : index
    %get3A_13 = arith.constant 0 : index
    %get3A_14 = vector.load %arg6[%get3A_12, %get3A_13] : memref<200x128xbf16, #tpu.memory_space<vmem>>, vector<200x128xbf16>
    %convert_element_type3A = arith.truncf %exp3A : vector<3200x200xf32> to vector<3200x200xbf16>
    %dot_general3A_15 = arith.constant dense<0.000000e+00> : vector<3200x128xf32>
    %dot_general3A_16 = tpu.matmul %convert_element_type3A, %get3A_14, %dot_general3A_15 {dimension_numbers = #tpu.dot_dimension_numbers<[1], [0], [0], [1], [0, 0, 1, 1], [], []>, transpose_lhs_hint = false} : vector<3200x200xbf16>, vector<200x128xbf16>, vector<3200x128xf32> -> vector<3200x128xf32>
    %get3A_17 = arith.constant 0 : index
    %get3A_18 = arith.constant 0 : index
    %get3A_19 = vector.load %arg7[%get3A_17, %get3A_18] : memref<1x128xf32, #tpu.memory_space<vmem>>, vector<1x128xf32>
    %add3A = vector.broadcast %get3A_19 : vector<1x128xf32> to vector<3200x128xf32>
    %add3A_20 = arith.addf %dot_general3A_16, %add3A : vector<3200x128xf32>
    %ge3A = arith.constant 0.000000e+00 : f32
    %ge3A_21 = vector.broadcast %ge3A : f32 to vector<3200x128xf32>
    %ge3A_22 = arith.cmpf oge, %add3A_20, %ge3A_21 : vector<3200x128xf32>
    %mul3A_23 = arith.constant 0.00999999977 : f32
    %mul3A_24 = vector.broadcast %mul3A_23 : f32 to vector<3200x128xf32>
    %mul3A_25 = arith.mulf %mul3A_24, %add3A_20 : vector<3200x128xf32>
    %select_n3A = arith.select %ge3A_22, %add3A_20, %mul3A_25 : vector<3200x128xi1>, vector<3200x128xf32>
    %get3A_26 = arith.constant 0 : index
    %get3A_27 = arith.constant 0 : index
    %get3A_28 = vector.load %arg2[%get3A_26, %get3A_27] : memref<3200x128xi32, #tpu.memory_space<vmem>>, vector<3200x128xi32>
    %shift_left3A = arith.constant 16 : i32
    %shift_left3A_29 = vector.broadcast %shift_left3A : i32 to vector<3200x128xi32>
    %shift_left3A_30 = arith.shli %get3A_28, %shift_left3A_29 : vector<3200x128xi32>
    %bitcast_convert_type3A = tpu.bitcast %shift_left3A_30 : vector<3200x128xi32> -> vector<3200x128xf32>
    %get3A_31 = arith.constant 0 : index
    %get3A_32 = arith.constant 0 : index
    %get3A_33 = vector.load %arg3[%get3A_31, %get3A_32] : memref<3200x128xf32, #tpu.memory_space<vmem>>, vector<3200x128xf32>
    %add3A_34 = arith.addf %bitcast_convert_type3A, %get3A_33 : vector<3200x128xf32>
    %get3A_35 = arith.constant 0 : index
    %get3A_36 = arith.constant 0 : index
    %get3A_37 = vector.load %arg8[%get3A_35, %get3A_36] : memref<128x128xbf16, #tpu.memory_space<vmem>>, vector<128x128xbf16>
    %convert_element_type3A_38 = arith.truncf %select_n3A : vector<3200x128xf32> to vector<3200x128xbf16>
    %dot_general3A_39 = arith.constant dense<0.000000e+00> : vector<3200x128xf32>
    %dot_general3A_40 = tpu.matmul %convert_element_type3A_38, %get3A_37, %dot_general3A_39 {dimension_numbers = #tpu.dot_dimension_numbers<[1], [0], [0], [1], [0, 0, 1, 1], [], []>, transpose_lhs_hint = false} : vector<3200x128xbf16>, vector<128x128xbf16>, vector<3200x128xf32> -> vector<3200x128xf32>
    %add3A_41 = arith.addf %add3A_34, %dot_general3A_40 : vector<3200x128xf32>
    %get3A_42 = arith.constant 0 : index
    %get3A_43 = arith.constant 0 : index
    %get3A_44 = vector.load %arg9[%get3A_42, %get3A_43] : memref<1x128xf32, #tpu.memory_space<vmem>>, vector<1x128xf32>
    %add3A_45 = vector.broadcast %get3A_44 : vector<1x128xf32> to vector<3200x128xf32>
    %add3A_46 = arith.addf %add3A_41, %add3A_45 : vector<3200x128xf32>
    %ge3A_47 = arith.constant 0.000000e+00 : f32
    %ge3A_48 = vector.broadcast %ge3A_47 : f32 to vector<3200x128xf32>
    %ge3A_49 = arith.cmpf oge, %add3A_46, %ge3A_48 : vector<3200x128xf32>
    %mul3A_50 = arith.constant 0.00999999977 : f32
    %mul3A_51 = vector.broadcast %mul3A_50 : f32 to vector<3200x128xf32>
    %mul3A_52 = arith.mulf %mul3A_51, %add3A_46 : vector<3200x128xf32>
    %select_n3A_53 = arith.select %ge3A_49, %add3A_46, %mul3A_52 : vector<3200x128xi1>, vector<3200x128xf32>
    %convert_element_type3A_54 = arith.truncf %select_n3A_53 : vector<3200x128xf32> to vector<3200x128xbf16>
    %swap3A = arith.constant 0 : index
    %swap3A_55 = arith.constant 0 : index
    %swap3A_56 = vector.load %arg10[%swap3A, %swap3A_55] : memref<3200x128xbf16, #tpu.memory_space<vmem>>, vector<3200x128xbf16>
    tpu.vector_store %arg10[%swap3A, %swap3A_55], %convert_element_type3A_54 {strides = array<i32>} : memref<3200x128xbf16, #tpu.memory_space<vmem>>, vector<3200x128xbf16>,
    %eq3A = arith.constant 0 : i32
    %eq3A_57 = arith.cmpi eq, %arg0, %eq3A : i32
    %convert_element_type3A_58 = arith.extui %eq3A_57 : i1 to i32
    %cond3A = arith.constant 0 : i32
    %cond3A_59 = arith.cmpi ne, %convert_element_type3A_58, %cond3A : i32
    scf.if %cond3A_59 {
      %broadcast_in_dim3A_84 = arith.constant 0.000000e+00 : f32
      %broadcast_in_dim3A_85 = vector.broadcast %broadcast_in_dim3A_84 : f32 to vector<8x128xf32>
      %swap3A_86 = arith.constant 0 : index
      %swap3A_87 = arith.constant 0 : index
      %swap3A_88 = vector.load %arg12[%swap3A_86, %swap3A_87] : memref<8x128xf32, #tpu.memory_space<vmem>>, vector<8x128xf32>
      tpu.vector_store %arg12[%swap3A_86, %swap3A_87], %broadcast_in_dim3A_85 {strides = array<i32>} : memref<8x128xf32, #tpu.memory_space<vmem>>, vector<8x128xf32>,
    } else {
    }
    %get3A_60 = arith.constant 0 : index
    %get3A_61 = arith.constant 0 : index
    %get3A_62 = vector.load %arg12[%get3A_60, %get3A_61] : memref<8x128xf32, #tpu.memory_space<vmem>>, vector<1x128xf32>
    %reduce_sum3A = arith.constant dense<0.000000e+00> : vector<128xf32>
    %reduce_sum3A_63 = vector.multi_reduction <add>, %select_n3A_53, %reduce_sum3A [0] : vector<3200x128xf32> to vector<128xf32>
    %broadcast_in_dim3A = vector.shape_cast %reduce_sum3A_63 : vector<128xf32> to vector<1x128xf32>
    %add3A_64 = arith.addf %get3A_62, %broadcast_in_dim3A : vector<1x128xf32>
    %swap3A_65 = arith.constant 0 : index
    %swap3A_66 = arith.constant 0 : index
    %swap3A_67 = vector.load %arg12[%swap3A_65, %swap3A_66] : memref<8x128xf32, #tpu.memory_space<vmem>>, vector<1x128xf32>
    tpu.vector_store %arg12[%swap3A_65, %swap3A_66], %add3A_64 {strides = array<i32>} : memref<8x128xf32, #tpu.memory_space<vmem>>, vector<1x128xf32>,
    %get3A_68 = arith.constant 1 : index
    %get3A_69 = arith.constant 0 : index
    %get3A_70 = vector.load %arg12[%get3A_68, %get3A_69] : memref<8x128xf32, #tpu.memory_space<vmem>>, vector<1x128xf32>
    %mul3A_71 = arith.mulf %select_n3A_53, %select_n3A_53 : vector<3200x128xf32>
    %reduce_sum3A_72 = arith.constant dense<0.000000e+00> : vector<128xf32>
    %reduce_sum3A_73 = vector.multi_reduction <add>, %mul3A_71, %reduce_sum3A_72 [0] : vector<3200x128xf32> to vector<128xf32>
    %broadcast_in_dim3A_74 = vector.shape_cast %reduce_sum3A_73 : vector<128xf32> to vector<1x128xf32>
    %add3A_75 = arith.addf %get3A_70, %broadcast_in_dim3A_74 : vector<1x128xf32>
    %swap3A_76 = arith.constant 1 : index
    %swap3A_77 = arith.constant 0 : index
    %swap3A_78 = vector.load %arg12[%swap3A_76, %swap3A_77] : memref<8x128xf32, #tpu.memory_space<vmem>>, vector<1x128xf32>
    tpu.vector_store %arg12[%swap3A_76, %swap3A_77], %add3A_75 {strides = array<i32>} : memref<8x128xf32, #tpu.memory_space<vmem>>, vector<1x128xf32>,
    %eq3A_79 = arith.constant 49 : i32
    %eq3A_80 = arith.cmpi eq, %arg0, %eq3A_79 : i32
    %convert_element_type3A_81 = arith.extui %eq3A_80 : i1 to i32
    %cond3A_82 = arith.constant 0 : i32
    %cond3A_83 = arith.cmpi ne, %convert_element_type3A_81, %cond3A_82 : i32
    scf.if %cond3A_83 {
      %get3A_84 = arith.constant 0 : index
      %get3A_85 = arith.constant 0 : index
      %get3A_86 = vector.load %arg12[%get3A_84, %get3A_85] : memref<8x128xf32, #tpu.memory_space<vmem>>, vector<8x128xf32>
      %swap3A_87 = arith.constant 0 : index
      %swap3A_88 = arith.constant 0 : index
      %swap3A_89 = vector.load %arg11[%swap3A_87, %swap3A_88] : memref<8x128xf32, #tpu.memory_space<vmem>>, vector<8x128xf32>
      tpu.vector_store %arg11[%swap3A_87, %swap3A_88], %get3A_86 {strides = array<i32>} : memref<8x128xf32, #tpu.memory_space<vmem>>, vector<8x128xf32>,
    } else {
    }
    return
  }
  func.func @transform_0(%arg0: i32) -> (i32, i32) {
    %add3A = arith.constant 0 : i32
    %add3A_0 = arith.addi %add3A, %arg0 : i32
    %c0_i32 = arith.constant 0 : i32
    %c0_i32_1 = arith.constant 0 : i32
    return %c0_i32, %add3A_0 : i32, i32
  }
  func.func @transform_1(%arg0: i32) -> (i32, i32) {
    %c0_i32 = arith.constant 0 : i32
    %c0_i32_0 = arith.constant 0 : i32
    return %arg0, %c0_i32 : i32, i32
  }
  func.func @transform_2(%arg0: i32) -> (i32, i32) {
    %c0_i32 = arith.constant 0 : i32
    %c0_i32_0 = arith.constant 0 : i32
    return %arg0, %c0_i32 : i32, i32
  }
  func.func @transform_3(%arg0: i32) -> (i32, i32) {
    %c0_i32 = arith.constant 0 : i32
    %c0_i32_0 = arith.constant 0 : i32
    %c0_i32_1 = arith.constant 0 : i32
    return %c0_i32, %c0_i32_0 : i32, i32
  }
  func.func @transform_4(%arg0: i32) -> (i32, i32) {
    %c0_i32 = arith.constant 0 : i32
    %c0_i32_0 = arith.constant 0 : i32
    %c0_i32_1 = arith.constant 0 : i32
    return %c0_i32, %c0_i32_0 : i32, i32
  }
  func.func @transform_5(%arg0: i32) -> (i32, i32) {
    %c0_i32 = arith.constant 0 : i32
    %c0_i32_0 = arith.constant 0 : i32
    %c0_i32_1 = arith.constant 0 : i32
    return %c0_i32, %c0_i32_0 : i32, i32
  }
  func.func @transform_6(%arg0: i32) -> (i32, i32) {
    %c0_i32 = arith.constant 0 : i32
    %c0_i32_0 = arith.constant 0 : i32
    %c0_i32_1 = arith.constant 0 : i32
    return %c0_i32, %c0_i32_0 : i32, i32
  }
  func.func @transform_7(%arg0: i32) -> (i32, i32) {
    %c0_i32 = arith.constant 0 : i32
    %c0_i32_0 = arith.constant 0 : i32
    %c0_i32_1 = arith.constant 0 : i32
    return %c0_i32, %c0_i32_0 : i32, i32
  }
  func.func @transform_8(%arg0: i32) -> (i32, i32) {
    %c0_i32 = arith.constant 0 : i32
    %c0_i32_0 = arith.constant 0 : i32
    %c0_i32_1 = arith.constant 0 : i32
    return %c0_i32, %c0_i32_0 : i32, i32
  }
  func.func @transform_9(%arg0: i32) -> (i32, i32) {
    %c0_i32 = arith.constant 0 : i32
    %c0_i32_0 = arith.constant 0 : i32
    return %arg0, %c0_i32 : i32, i32
  }
  func.func @transform_10(%arg0: i32) -> (i32, i32) {
    %c0_i32 = arith.constant 0 : i32
    %c0_i32_0 = arith.constant 0 : i32
    %c0_i32_1 = arith.constant 0 : i32
    return %c0_i32, %c0_i32_0 : i32, i32
  }
}

module attributes {stable_mosaic.version = 14 : i64} {
  func.func @_stats2_body(%arg0: i32, %arg1: memref<3200x128xbf16, #tpu.memory_space<vmem>>, %arg2: memref<128x128xbf16, #tpu.memory_space<vmem>>, %arg3: memref<1x128xf32, #tpu.memory_space<vmem>>, %arg4: memref<8x128xf32, #tpu.memory_space<vmem>>, %arg5: memref<8x128xf32, #tpu.memory_space<vmem>>) attributes {dimension_semantics = [#tpu.dimension_semantics<arbitrary>], iteration_bounds = array<i64: 50>, scalar_prefetch = 0 : i64, scratch_operands = 1 : i64, tpu.core_type = #tpu.core_type<tc>, window_params = [{transform_indices = @transform_0, window_bounds = array<i64: 3200, 128>}, {pipeline_mode = #tpu.pipeline_mode<synchronous>, transform_indices = @transform_1, window_bounds = array<i64: 128, 128>}, {pipeline_mode = #tpu.pipeline_mode<synchronous>, transform_indices = @transform_2, window_bounds = array<i64: 1, 128>}, {pipeline_mode = #tpu.pipeline_mode<synchronous>, transform_indices = @transform_3, window_bounds = array<i64: 8, 128>}]} {
    %get3A = arith.constant 0 : index
    %get3A_0 = arith.constant 0 : index
    %get3A_1 = vector.load %arg1[%get3A, %get3A_0] : memref<3200x128xbf16, #tpu.memory_space<vmem>>, vector<3200x128xbf16>
    %get3A_2 = arith.constant 0 : index
    %get3A_3 = arith.constant 0 : index
    %get3A_4 = vector.load %arg2[%get3A_2, %get3A_3] : memref<128x128xbf16, #tpu.memory_space<vmem>>, vector<128x128xbf16>
    %dot_general3A = arith.constant dense<0.000000e+00> : vector<3200x128xf32>
    %dot_general3A_5 = tpu.matmul %get3A_1, %get3A_4, %dot_general3A {dimension_numbers = #tpu.dot_dimension_numbers<[1], [0], [0], [1], [0, 0, 1, 1], [], []>, transpose_lhs_hint = false} : vector<3200x128xbf16>, vector<128x128xbf16>, vector<3200x128xf32> -> vector<3200x128xf32>
    %get3A_6 = arith.constant 0 : index
    %get3A_7 = arith.constant 0 : index
    %get3A_8 = vector.load %arg3[%get3A_6, %get3A_7] : memref<1x128xf32, #tpu.memory_space<vmem>>, vector<1x128xf32>
    %add3A = vector.broadcast %get3A_8 : vector<1x128xf32> to vector<3200x128xf32>
    %add3A_9 = arith.addf %dot_general3A_5, %add3A : vector<3200x128xf32>
    %ge3A = arith.constant 0.000000e+00 : f32
    %ge3A_10 = vector.broadcast %ge3A : f32 to vector<3200x128xf32>
    %ge3A_11 = arith.cmpf oge, %add3A_9, %ge3A_10 : vector<3200x128xf32>
    %mul3A = arith.constant 0.00999999977 : f32
    %mul3A_12 = vector.broadcast %mul3A : f32 to vector<3200x128xf32>
    %mul3A_13 = arith.mulf %mul3A_12, %add3A_9 : vector<3200x128xf32>
    %select_n3A = arith.select %ge3A_11, %add3A_9, %mul3A_13 : vector<3200x128xi1>, vector<3200x128xf32>
    %eq3A = arith.constant 0 : i32
    %eq3A_14 = arith.cmpi eq, %arg0, %eq3A : i32
    %convert_element_type3A = arith.extui %eq3A_14 : i1 to i32
    %cond3A = arith.constant 0 : i32
    %cond3A_15 = arith.cmpi ne, %convert_element_type3A, %cond3A : i32
    scf.if %cond3A_15 {
      %broadcast_in_dim3A_39 = arith.constant 0.000000e+00 : f32
      %broadcast_in_dim3A_40 = vector.broadcast %broadcast_in_dim3A_39 : f32 to vector<8x128xf32>
      %swap3A_41 = arith.constant 0 : index
      %swap3A_42 = arith.constant 0 : index
      %swap3A_43 = vector.load %arg5[%swap3A_41, %swap3A_42] : memref<8x128xf32, #tpu.memory_space<vmem>>, vector<8x128xf32>
      tpu.vector_store %arg5[%swap3A_41, %swap3A_42], %broadcast_in_dim3A_40 {strides = array<i32>} : memref<8x128xf32, #tpu.memory_space<vmem>>, vector<8x128xf32>,
    } else {
    }
    %get3A_16 = arith.constant 0 : index
    %get3A_17 = arith.constant 0 : index
    %get3A_18 = vector.load %arg5[%get3A_16, %get3A_17] : memref<8x128xf32, #tpu.memory_space<vmem>>, vector<1x128xf32>
    %reduce_sum3A = arith.constant dense<0.000000e+00> : vector<128xf32>
    %reduce_sum3A_19 = vector.multi_reduction <add>, %select_n3A, %reduce_sum3A [0] : vector<3200x128xf32> to vector<128xf32>
    %broadcast_in_dim3A = vector.shape_cast %reduce_sum3A_19 : vector<128xf32> to vector<1x128xf32>
    %add3A_20 = arith.addf %get3A_18, %broadcast_in_dim3A : vector<1x128xf32>
    %swap3A = arith.constant 0 : index
    %swap3A_21 = arith.constant 0 : index
    %swap3A_22 = vector.load %arg5[%swap3A, %swap3A_21] : memref<8x128xf32, #tpu.memory_space<vmem>>, vector<1x128xf32>
    tpu.vector_store %arg5[%swap3A, %swap3A_21], %add3A_20 {strides = array<i32>} : memref<8x128xf32, #tpu.memory_space<vmem>>, vector<1x128xf32>,
    %get3A_23 = arith.constant 1 : index
    %get3A_24 = arith.constant 0 : index
    %get3A_25 = vector.load %arg5[%get3A_23, %get3A_24] : memref<8x128xf32, #tpu.memory_space<vmem>>, vector<1x128xf32>
    %mul3A_26 = arith.mulf %select_n3A, %select_n3A : vector<3200x128xf32>
    %reduce_sum3A_27 = arith.constant dense<0.000000e+00> : vector<128xf32>
    %reduce_sum3A_28 = vector.multi_reduction <add>, %mul3A_26, %reduce_sum3A_27 [0] : vector<3200x128xf32> to vector<128xf32>
    %broadcast_in_dim3A_29 = vector.shape_cast %reduce_sum3A_28 : vector<128xf32> to vector<1x128xf32>
    %add3A_30 = arith.addf %get3A_25, %broadcast_in_dim3A_29 : vector<1x128xf32>
    %swap3A_31 = arith.constant 1 : index
    %swap3A_32 = arith.constant 0 : index
    %swap3A_33 = vector.load %arg5[%swap3A_31, %swap3A_32] : memref<8x128xf32, #tpu.memory_space<vmem>>, vector<1x128xf32>
    tpu.vector_store %arg5[%swap3A_31, %swap3A_32], %add3A_30 {strides = array<i32>} : memref<8x128xf32, #tpu.memory_space<vmem>>, vector<1x128xf32>,
    %eq3A_34 = arith.constant 49 : i32
    %eq3A_35 = arith.cmpi eq, %arg0, %eq3A_34 : i32
    %convert_element_type3A_36 = arith.extui %eq3A_35 : i1 to i32
    %cond3A_37 = arith.constant 0 : i32
    %cond3A_38 = arith.cmpi ne, %convert_element_type3A_36, %cond3A_37 : i32
    scf.if %cond3A_38 {
      %get3A_39 = arith.constant 0 : index
      %get3A_40 = arith.constant 0 : index
      %get3A_41 = vector.load %arg5[%get3A_39, %get3A_40] : memref<8x128xf32, #tpu.memory_space<vmem>>, vector<8x128xf32>
      %swap3A_42 = arith.constant 0 : index
      %swap3A_43 = arith.constant 0 : index
      %swap3A_44 = vector.load %arg4[%swap3A_42, %swap3A_43] : memref<8x128xf32, #tpu.memory_space<vmem>>, vector<8x128xf32>
      tpu.vector_store %arg4[%swap3A_42, %swap3A_43], %get3A_41 {strides = array<i32>} : memref<8x128xf32, #tpu.memory_space<vmem>>, vector<8x128xf32>,
    } else {
    }
    return
  }
  func.func @transform_0(%arg0: i32) -> (i32, i32) {
    %c0_i32 = arith.constant 0 : i32
    %c0_i32_0 = arith.constant 0 : i32
    return %arg0, %c0_i32 : i32, i32
  }
  func.func @transform_1(%arg0: i32) -> (i32, i32) {
    %c0_i32 = arith.constant 0 : i32
    %c0_i32_0 = arith.constant 0 : i32
    %c0_i32_1 = arith.constant 0 : i32
    return %c0_i32, %c0_i32_0 : i32, i32
  }
  func.func @transform_2(%arg0: i32) -> (i32, i32) {
    %c0_i32 = arith.constant 0 : i32
    %c0_i32_0 = arith.constant 0 : i32
    %c0_i32_1 = arith.constant 0 : i32
    return %c0_i32, %c0_i32_0 : i32, i32
  }
  func.func @transform_3(%arg0: i32) -> (i32, i32) {
    %c0_i32 = arith.constant 0 : i32
    %c0_i32_0 = arith.constant 0 : i32
    %c0_i32_1 = arith.constant 0 : i32
    return %c0_i32, %c0_i32_0 : i32, i32
  }
}

module attributes {stable_mosaic.version = 14 : i64} {
  func.func @_msgs_body(%arg0: i32, %arg1: memref<3200x128xbf16, #tpu.memory_space<vmem>>, %arg2: memref<3200x128xi32, #tpu.memory_space<vmem>>, %arg3: memref<4x3200xf32, #tpu.memory_space<vmem>>, %arg4: memref<1x8xf32, #tpu.memory_space<vmem>>, %arg5: memref<128x128xbf16, #tpu.memory_space<vmem>>, %arg6: memref<1x128xf32, #tpu.memory_space<vmem>>, %arg7: memref<128x128xbf16, #tpu.memory_space<vmem>>, %arg8: memref<1x128xf32, #tpu.memory_space<vmem>>, %arg9: memref<3200x128xf32, #tpu.memory_space<vmem>>) attributes {dimension_semantics = [#tpu.dimension_semantics<arbitrary>], iteration_bounds = array<i64: 50>, scalar_prefetch = 0 : i64, scratch_operands = 0 : i64, tpu.core_type = #tpu.core_type<tc>, window_params = [{transform_indices = @transform_0, window_bounds = array<i64: 3200, 128>}, {transform_indices = @transform_1, window_bounds = array<i64: 3200, 128>}, {transform_indices = @transform_2, window_bounds = array<i64: 4, 3200>}, {pipeline_mode = #tpu.pipeline_mode<synchronous>, transform_indices = @transform_3, window_bounds = array<i64: 1, 8>}, {pipeline_mode = #tpu.pipeline_mode<synchronous>, transform_indices = @transform_4, window_bounds = array<i64: 128, 128>}, {pipeline_mode = #tpu.pipeline_mode<synchronous>, transform_indices = @transform_5, window_bounds = array<i64: 1, 128>}, {pipeline_mode = #tpu.pipeline_mode<synchronous>, transform_indices = @transform_6, window_bounds = array<i64: 128, 128>}, {pipeline_mode = #tpu.pipeline_mode<synchronous>, transform_indices = @transform_7, window_bounds = array<i64: 1, 128>}, {transform_indices = @transform_8, window_bounds = array<i64: 3200, 128>}]} {
    %get3A = arith.constant 0 : index
    %get3A_0 = arith.constant 0 : index
    %get3A_1 = vector.load %arg1[%get3A, %get3A_0] : memref<3200x128xbf16, #tpu.memory_space<vmem>>, vector<3200x128xbf16>
    %get3A_2 = arith.constant 0 : index
    %get3A_3 = arith.constant 0 : index
    %get3A_4 = vector.load %arg5[%get3A_2, %get3A_3] : memref<128x128xbf16, #tpu.memory_space<vmem>>, vector<128x128xbf16>
    %dot_general3A = arith.constant dense<0.000000e+00> : vector<3200x128xf32>
    %dot_general3A_5 = tpu.matmul %get3A_1, %get3A_4, %dot_general3A {dimension_numbers = #tpu.dot_dimension_numbers<[1], [0], [0], [1], [0, 0, 1, 1], [], []>, transpose_lhs_hint = false} : vector<3200x128xbf16>, vector<128x128xbf16>, vector<3200x128xf32> -> vector<3200x128xf32>
    %get3A_6 = arith.constant 0 : index
    %get3A_7 = arith.constant 0 : index
    %get3A_8 = vector.load %arg6[%get3A_6, %get3A_7] : memref<1x128xf32, #tpu.memory_space<vmem>>, vector<1x128xf32>
    %add3A = vector.broadcast %get3A_8 : vector<1x128xf32> to vector<3200x128xf32>
    %add3A_9 = arith.addf %dot_general3A_5, %add3A : vector<3200x128xf32>
    %ge3A = arith.constant 0.000000e+00 : f32
    %ge3A_10 = vector.broadcast %ge3A : f32 to vector<3200x128xf32>
    %ge3A_11 = arith.cmpf oge, %add3A_9, %ge3A_10 : vector<3200x128xf32>
    %mul3A = arith.constant 0.00999999977 : f32
    %mul3A_12 = vector.broadcast %mul3A : f32 to vector<3200x128xf32>
    %mul3A_13 = arith.mulf %mul3A_12, %add3A_9 : vector<3200x128xf32>
    %select_n3A = arith.select %ge3A_11, %add3A_9, %mul3A_13 : vector<3200x128xi1>, vector<3200x128xf32>
    %get3A_14 = arith.constant 0 : index
    %get3A_15 = arith.constant 0 : index
    %get3A_16 = vector.load %arg7[%get3A_14, %get3A_15] : memref<128x128xbf16, #tpu.memory_space<vmem>>, vector<128x128xbf16>
    %convert_element_type3A = arith.truncf %select_n3A : vector<3200x128xf32> to vector<3200x128xbf16>
    %dot_general3A_17 = arith.constant dense<0.000000e+00> : vector<3200x128xf32>
    %dot_general3A_18 = tpu.matmul %convert_element_type3A, %get3A_16, %dot_general3A_17 {dimension_numbers = #tpu.dot_dimension_numbers<[1], [0], [0], [1], [0, 0, 1, 1], [], []>, transpose_lhs_hint = false} : vector<3200x128xbf16>, vector<128x128xbf16>, vector<3200x128xf32> -> vector<3200x128xf32>
    %get3A_19 = arith.constant 0 : index
    %get3A_20 = arith.constant 0 : index
    %get3A_21 = vector.load %arg8[%get3A_19, %get3A_20] : memref<1x128xf32, #tpu.memory_space<vmem>>, vector<1x128xf32>
    %add3A_22 = vector.broadcast %get3A_21 : vector<1x128xf32> to vector<3200x128xf32>
    %add3A_23 = arith.addf %dot_general3A_18, %add3A_22 : vector<3200x128xf32>
    %get3A_24 = arith.constant 3 : index
    %get3A_25 = arith.constant 0 : index
    %get3A_26 = vector.load %arg3[%get3A_24, %get3A_25] : memref<4x3200xf32, #tpu.memory_space<vmem>>, vector<1x3200xf32>
    %mul3A_27 = arith.constant 1.57079637 : f32
    %mul3A_28 = vector.broadcast %mul3A_27 : f32 to vector<1x3200xf32>
    %mul3A_29 = arith.mulf %mul3A_28, %get3A_26 : vector<1x3200xf32>
    %cos3A = math.cos %mul3A_29 : vector<1x3200xf32>
    %get3A_30 = arith.constant 0 : index
    %get3A_31 = arith.constant 0 : index
    %get3A_32 = vector.load %arg4[%get3A_30, %get3A_31] : memref<1x8xf32, #tpu.memory_space<vmem>>, vector<1x8xf32>
    %dot_general3A_33 = arith.constant dense<0.000000e+00> : vector<3200x8xf32>
    %dot_general3A_34 = tpu.matmul %cos3A, %get3A_32, %dot_general3A_33 {dimension_numbers = #tpu.dot_dimension_numbers<[0], [0], [1], [1], [0, 1, 1, 1], [], []>, transpose_lhs_hint = false} : vector<1x3200xf32>, vector<1x8xf32>, vector<3200x8xf32> -> vector<3200x8xf32>
    %slice3A = vector.extract_strided_slice %dot_general3A_34 {offsets = [0, 0], sizes = [3200, 1], strides = [1, 1]} : vector<3200x8xf32> to vector<3200x1xf32>
    %mul3A_35 = vector.broadcast %slice3A : vector<3200x1xf32> to vector<3200x128xf32>
    %mul3A_36 = arith.mulf %mul3A_35, %add3A_23 : vector<3200x128xf32>
    %get3A_37 = arith.constant 0 : index
    %get3A_38 = arith.constant 0 : index
    %get3A_39 = vector.load %arg2[%get3A_37, %get3A_38] : memref<3200x128xi32, #tpu.memory_space<vmem>>, vector<3200x128xi32>
    %and3A = arith.constant -65536 : i32
    %and3A_40 = vector.broadcast %and3A : i32 to vector<3200x128xi32>
    %and3A_41 = arith.andi %get3A_39, %and3A_40 : vector<3200x128xi32>
    %bitcast_convert_type3A = tpu.bitcast %and3A_41 : vector<3200x128xi32> -> vector<3200x128xf32>
    %mul3A_42 = arith.mulf %mul3A_36, %bitcast_convert_type3A : vector<3200x128xf32>
    %swap3A = arith.constant 0 : index
    %swap3A_43 = arith.constant 0 : index
    %swap3A_44 = vector.load %arg9[%swap3A, %swap3A_43] : memref<3200x128xf32, #tpu.memory_space<vmem>>, vector<3200x128xf32>
    tpu.vector_store %arg9[%swap3A, %swap3A_43], %mul3A_42 {strides = array<i32>} : memref<3200x128xf32, #tpu.memory_space<vmem>>, vector<3200x128xf32>,
    return
  }
  func.func @transform_0(%arg0: i32) -> (i32, i32) {
    %c0_i32 = arith.constant 0 : i32
    %c0_i32_0 = arith.constant 0 : i32
    return %arg0, %c0_i32 : i32, i32
  }
  func.func @transform_1(%arg0: i32) -> (i32, i32) {
    %c0_i32 = arith.constant 0 : i32
    %c0_i32_0 = arith.constant 0 : i32
    return %arg0, %c0_i32 : i32, i32
  }
  func.func @transform_2(%arg0: i32) -> (i32, i32) {
    %add3A = arith.constant 0 : i32
    %add3A_0 = arith.addi %add3A, %arg0 : i32
    %c0_i32 = arith.constant 0 : i32
    %c0_i32_1 = arith.constant 0 : i32
    return %c0_i32, %add3A_0 : i32, i32
  }
  func.func @transform_3(%arg0: i32) -> (i32, i32) {
    %c0_i32 = arith.constant 0 : i32
    %c0_i32_0 = arith.constant 0 : i32
    %c0_i32_1 = arith.constant 0 : i32
    return %c0_i32, %c0_i32_0 : i32, i32
  }
  func.func @transform_4(%arg0: i32) -> (i32, i32) {
    %c0_i32 = arith.constant 0 : i32
    %c0_i32_0 = arith.constant 0 : i32
    %c0_i32_1 = arith.constant 0 : i32
    return %c0_i32, %c0_i32_0 : i32, i32
  }
  func.func @transform_5(%arg0: i32) -> (i32, i32) {
    %c0_i32 = arith.constant 0 : i32
    %c0_i32_0 = arith.constant 0 : i32
    %c0_i32_1 = arith.constant 0 : i32
    return %c0_i32, %c0_i32_0 : i32, i32
  }
  func.func @transform_6(%arg0: i32) -> (i32, i32) {
    %c0_i32 = arith.constant 0 : i32
    %c0_i32_0 = arith.constant 0 : i32
    %c0_i32_1 = arith.constant 0 : i32
    return %c0_i32, %c0_i32_0 : i32, i32
  }
  func.func @transform_7(%arg0: i32) -> (i32, i32) {
    %c0_i32 = arith.constant 0 : i32
    %c0_i32_0 = arith.constant 0 : i32
    %c0_i32_1 = arith.constant 0 : i32
    return %c0_i32, %c0_i32_0 : i32, i32
  }
  func.func @transform_8(%arg0: i32) -> (i32, i32) {
    %c0_i32 = arith.constant 0 : i32
    %c0_i32_0 = arith.constant 0 : i32
    return %arg0, %c0_i32 : i32, i32
  }
}

module attributes {stable_mosaic.version = 14 : i64} {
  func.func @_msgs_body(%arg0: i32, %arg1: memref<3200x128xbf16, #tpu.memory_space<vmem>>, %arg2: memref<3200x128xi32, #tpu.memory_space<vmem>>, %arg3: memref<4x3200xf32, #tpu.memory_space<vmem>>, %arg4: memref<1x8xf32, #tpu.memory_space<vmem>>, %arg5: memref<128x128xbf16, #tpu.memory_space<vmem>>, %arg6: memref<1x128xf32, #tpu.memory_space<vmem>>, %arg7: memref<128x128xbf16, #tpu.memory_space<vmem>>, %arg8: memref<1x128xf32, #tpu.memory_space<vmem>>, %arg9: memref<3200x128xf32, #tpu.memory_space<vmem>>) attributes {dimension_semantics = [#tpu.dimension_semantics<arbitrary>], iteration_bounds = array<i64: 50>, scalar_prefetch = 0 : i64, scratch_operands = 0 : i64, tpu.core_type = #tpu.core_type<tc>, window_params = [{transform_indices = @transform_0, window_bounds = array<i64: 3200, 128>}, {transform_indices = @transform_1, window_bounds = array<i64: 3200, 128>}, {transform_indices = @transform_2, window_bounds = array<i64: 4, 3200>}, {pipeline_mode = #tpu.pipeline_mode<synchronous>, transform_indices = @transform_3, window_bounds = array<i64: 1, 8>}, {pipeline_mode = #tpu.pipeline_mode<synchronous>, transform_indices = @transform_4, window_bounds = array<i64: 128, 128>}, {pipeline_mode = #tpu.pipeline_mode<synchronous>, transform_indices = @transform_5, window_bounds = array<i64: 1, 128>}, {pipeline_mode = #tpu.pipeline_mode<synchronous>, transform_indices = @transform_6, window_bounds = array<i64: 128, 128>}, {pipeline_mode = #tpu.pipeline_mode<synchronous>, transform_indices = @transform_7, window_bounds = array<i64: 1, 128>}, {transform_indices = @transform_8, window_bounds = array<i64: 3200, 128>}]} {
    %get3A = arith.constant 0 : index
    %get3A_0 = arith.constant 0 : index
    %get3A_1 = vector.load %arg1[%get3A, %get3A_0] : memref<3200x128xbf16, #tpu.memory_space<vmem>>, vector<3200x128xbf16>
    %get3A_2 = arith.constant 0 : index
    %get3A_3 = arith.constant 0 : index
    %get3A_4 = vector.load %arg5[%get3A_2, %get3A_3] : memref<128x128xbf16, #tpu.memory_space<vmem>>, vector<128x128xbf16>
    %dot_general3A = arith.constant dense<0.000000e+00> : vector<3200x128xf32>
    %dot_general3A_5 = tpu.matmul %get3A_1, %get3A_4, %dot_general3A {dimension_numbers = #tpu.dot_dimension_numbers<[1], [0], [0], [1], [0, 0, 1, 1], [], []>, transpose_lhs_hint = false} : vector<3200x128xbf16>, vector<128x128xbf16>, vector<3200x128xf32> -> vector<3200x128xf32>
    %get3A_6 = arith.constant 0 : index
    %get3A_7 = arith.constant 0 : index
    %get3A_8 = vector.load %arg6[%get3A_6, %get3A_7] : memref<1x128xf32, #tpu.memory_space<vmem>>, vector<1x128xf32>
    %add3A = vector.broadcast %get3A_8 : vector<1x128xf32> to vector<3200x128xf32>
    %add3A_9 = arith.addf %dot_general3A_5, %add3A : vector<3200x128xf32>
    %ge3A = arith.constant 0.000000e+00 : f32
    %ge3A_10 = vector.broadcast %ge3A : f32 to vector<3200x128xf32>
    %ge3A_11 = arith.cmpf oge, %add3A_9, %ge3A_10 : vector<3200x128xf32>
    %mul3A = arith.constant 0.00999999977 : f32
    %mul3A_12 = vector.broadcast %mul3A : f32 to vector<3200x128xf32>
    %mul3A_13 = arith.mulf %mul3A_12, %add3A_9 : vector<3200x128xf32>
    %select_n3A = arith.select %ge3A_11, %add3A_9, %mul3A_13 : vector<3200x128xi1>, vector<3200x128xf32>
    %get3A_14 = arith.constant 0 : index
    %get3A_15 = arith.constant 0 : index
    %get3A_16 = vector.load %arg7[%get3A_14, %get3A_15] : memref<128x128xbf16, #tpu.memory_space<vmem>>, vector<128x128xbf16>
    %convert_element_type3A = arith.truncf %select_n3A : vector<3200x128xf32> to vector<3200x128xbf16>
    %dot_general3A_17 = arith.constant dense<0.000000e+00> : vector<3200x128xf32>
    %dot_general3A_18 = tpu.matmul %convert_element_type3A, %get3A_16, %dot_general3A_17 {dimension_numbers = #tpu.dot_dimension_numbers<[1], [0], [0], [1], [0, 0, 1, 1], [], []>, transpose_lhs_hint = false} : vector<3200x128xbf16>, vector<128x128xbf16>, vector<3200x128xf32> -> vector<3200x128xf32>
    %get3A_19 = arith.constant 0 : index
    %get3A_20 = arith.constant 0 : index
    %get3A_21 = vector.load %arg8[%get3A_19, %get3A_20] : memref<1x128xf32, #tpu.memory_space<vmem>>, vector<1x128xf32>
    %add3A_22 = vector.broadcast %get3A_21 : vector<1x128xf32> to vector<3200x128xf32>
    %add3A_23 = arith.addf %dot_general3A_18, %add3A_22 : vector<3200x128xf32>
    %get3A_24 = arith.constant 3 : index
    %get3A_25 = arith.constant 0 : index
    %get3A_26 = vector.load %arg3[%get3A_24, %get3A_25] : memref<4x3200xf32, #tpu.memory_space<vmem>>, vector<1x3200xf32>
    %mul3A_27 = arith.constant 1.57079637 : f32
    %mul3A_28 = vector.broadcast %mul3A_27 : f32 to vector<1x3200xf32>
    %mul3A_29 = arith.mulf %mul3A_28, %get3A_26 : vector<1x3200xf32>
    %cos3A = math.cos %mul3A_29 : vector<1x3200xf32>
    %get3A_30 = arith.constant 0 : index
    %get3A_31 = arith.constant 0 : index
    %get3A_32 = vector.load %arg4[%get3A_30, %get3A_31] : memref<1x8xf32, #tpu.memory_space<vmem>>, vector<1x8xf32>
    %dot_general3A_33 = arith.constant dense<0.000000e+00> : vector<3200x8xf32>
    %dot_general3A_34 = tpu.matmul %cos3A, %get3A_32, %dot_general3A_33 {dimension_numbers = #tpu.dot_dimension_numbers<[0], [0], [1], [1], [0, 1, 1, 1], [], []>, transpose_lhs_hint = false} : vector<1x3200xf32>, vector<1x8xf32>, vector<3200x8xf32> -> vector<3200x8xf32>
    %slice3A = vector.extract_strided_slice %dot_general3A_34 {offsets = [0, 0], sizes = [3200, 1], strides = [1, 1]} : vector<3200x8xf32> to vector<3200x1xf32>
    %mul3A_35 = vector.broadcast %slice3A : vector<3200x1xf32> to vector<3200x128xf32>
    %mul3A_36 = arith.mulf %mul3A_35, %add3A_23 : vector<3200x128xf32>
    %get3A_37 = arith.constant 0 : index
    %get3A_38 = arith.constant 0 : index
    %get3A_39 = vector.load %arg2[%get3A_37, %get3A_38] : memref<3200x128xi32, #tpu.memory_space<vmem>>, vector<3200x128xi32>
    %and3A = arith.constant -65536 : i32
    %and3A_40 = vector.broadcast %and3A : i32 to vector<3200x128xi32>
    %and3A_41 = arith.andi %get3A_39, %and3A_40 : vector<3200x128xi32>
    %bitcast_convert_type3A = tpu.bitcast %and3A_41 : vector<3200x128xi32> -> vector<3200x128xf32>
    %mul3A_42 = arith.mulf %mul3A_36, %bitcast_convert_type3A : vector<3200x128xf32>
    %swap3A = arith.constant 0 : index
    %swap3A_43 = arith.constant 0 : index
    %swap3A_44 = vector.load %arg9[%swap3A, %swap3A_43] : memref<3200x128xf32, #tpu.memory_space<vmem>>, vector<3200x128xf32>
    tpu.vector_store %arg9[%swap3A, %swap3A_43], %mul3A_42 {strides = array<i32>} : memref<3200x128xf32, #tpu.memory_space<vmem>>, vector<3200x128xf32>,
    return
  }
  func.func @transform_0(%arg0: i32) -> (i32, i32) {
    %c0_i32 = arith.constant 0 : i32
    %c0_i32_0 = arith.constant 0 : i32
    return %arg0, %c0_i32 : i32, i32
  }
  func.func @transform_1(%arg0: i32) -> (i32, i32) {
    %c0_i32 = arith.constant 0 : i32
    %c0_i32_0 = arith.constant 0 : i32
    return %arg0, %c0_i32 : i32, i32
  }
  func.func @transform_2(%arg0: i32) -> (i32, i32) {
    %add3A = arith.constant 50 : i32
    %add3A_0 = arith.addi %add3A, %arg0 : i32
    %c0_i32 = arith.constant 0 : i32
    %c0_i32_1 = arith.constant 0 : i32
    return %c0_i32, %add3A_0 : i32, i32
  }
  func.func @transform_3(%arg0: i32) -> (i32, i32) {
    %c0_i32 = arith.constant 0 : i32
    %c0_i32_0 = arith.constant 0 : i32
    %c0_i32_1 = arith.constant 0 : i32
    return %c0_i32, %c0_i32_0 : i32, i32
  }
  func.func @transform_4(%arg0: i32) -> (i32, i32) {
    %c0_i32 = arith.constant 0 : i32
    %c0_i32_0 = arith.constant 0 : i32
    %c0_i32_1 = arith.constant 0 : i32
    return %c0_i32, %c0_i32_0 : i32, i32
  }
  func.func @transform_5(%arg0: i32) -> (i32, i32) {
    %c0_i32 = arith.constant 0 : i32
    %c0_i32_0 = arith.constant 0 : i32
    %c0_i32_1 = arith.constant 0 : i32
    return %c0_i32, %c0_i32_0 : i32, i32
  }
  func.func @transform_6(%arg0: i32) -> (i32, i32) {
    %c0_i32 = arith.constant 0 : i32
    %c0_i32_0 = arith.constant 0 : i32
    %c0_i32_1 = arith.constant 0 : i32
    return %c0_i32, %c0_i32_0 : i32, i32
  }
  func.func @transform_7(%arg0: i32) -> (i32, i32) {
    %c0_i32 = arith.constant 0 : i32
    %c0_i32_0 = arith.constant 0 : i32
    %c0_i32_1 = arith.constant 0 : i32
    return %c0_i32, %c0_i32_0 : i32, i32
  }
  func.func @transform_8(%arg0: i32) -> (i32, i32) {
    %c0_i32 = arith.constant 0 : i32
    %c0_i32_0 = arith.constant 0 : i32
    return %arg0, %c0_i32 : i32, i32
  }
}

module attributes {stable_mosaic.version = 14 : i64} {
  func.func @_node_stats_body(%arg0: i32, %arg1: memref<2000x128xf32, #tpu.memory_space<vmem>>, %arg2: memref<1x2000x128xf32, #tpu.memory_space<vmem>>, %arg3: memref<1x2000x128xf32, #tpu.memory_space<vmem>>, %arg4: memref<1x128xf32, #tpu.memory_space<vmem>>, %arg5: memref<128x128xf32, #tpu.memory_space<vmem>>, %arg6: memref<1x128xf32, #tpu.memory_space<vmem>>, %arg7: memref<8x128xf32, #tpu.memory_space<vmem>>, %arg8: memref<8x128xf32, #tpu.memory_space<vmem>>) attributes {dimension_semantics = [#tpu.dimension_semantics<arbitrary>], iteration_bounds = array<i64: 5>, scalar_prefetch = 0 : i64, scratch_operands = 1 : i64, tpu.core_type = #tpu.core_type<tc>, window_params = [{transform_indices = @transform_0, window_bounds = array<i64: 2000, 128>}, {transform_indices = @transform_1, window_bounds = array<i64: 1, 2000, 128>}, {transform_indices = @transform_2, window_bounds = array<i64: 1, 2000, 128>}, {pipeline_mode = #tpu.pipeline_mode<synchronous>, transform_indices = @transform_3, window_bounds = array<i64: 1, 128>}, {pipeline_mode = #tpu.pipeline_mode<synchronous>, transform_indices = @transform_4, window_bounds = array<i64: 128, 128>}, {pipeline_mode = #tpu.pipeline_mode<synchronous>, transform_indices = @transform_5, window_bounds = array<i64: 1, 128>}, {pipeline_mode = #tpu.pipeline_mode<synchronous>, transform_indices = @transform_6, window_bounds = array<i64: 8, 128>}]} {
    %get3A = arith.constant 0 : index
    %get3A_0 = arith.constant 0 : index
    %get3A_1 = vector.load %arg4[%get3A, %get3A_0] : memref<1x128xf32, #tpu.memory_space<vmem>>, vector<1x128xf32>
    %get3A_2 = arith.constant 0 : index
    %get3A_3 = arith.constant 0 : index
    %get3A_4 = vector.load %arg1[%get3A_2, %get3A_3] : memref<2000x128xf32, #tpu.memory_space<vmem>>, vector<2000x128xf32>
    %mul3A = vector.broadcast %get3A_1 : vector<1x128xf32> to vector<2000x128xf32>
    %mul3A_5 = arith.mulf %mul3A, %get3A_4 : vector<2000x128xf32>
    %get3A_6 = arith.constant 0 : index
    %get3A_7 = arith.constant 0 : index
    %get3A_8 = arith.constant 0 : index
    %get3A_9 = vector.load %arg2[%get3A_6, %get3A_7, %get3A_8] : memref<1x2000x128xf32, #tpu.memory_space<vmem>>, vector<1x2000x128xf32>
    %get3A_10 = vector.shape_cast %get3A_9 : vector<1x2000x128xf32> to vector<2000x128xf32>
    %add3A = arith.addf %mul3A_5, %get3A_10 : vector<2000x128xf32>
    %get3A_11 = arith.constant 0 : index
    %get3A_12 = arith.constant 0 : index
    %get3A_13 = arith.constant 0 : index
    %get3A_14 = vector.load %arg3[%get3A_11, %get3A_12, %get3A_13] : memref<1x2000x128xf32, #tpu.memory_space<vmem>>, vector<1x2000x128xf32>
    %get3A_15 = vector.shape_cast %get3A_14 : vector<1x2000x128xf32> to vector<2000x128xf32>
    %add3A_16 = arith.addf %add3A, %get3A_15 : vector<2000x128xf32>
    %get3A_17 = arith.constant 0 : index
    %get3A_18 = arith.constant 0 : index
    %get3A_19 = vector.load %arg5[%get3A_17, %get3A_18] : memref<128x128xf32, #tpu.memory_space<vmem>>, vector<128x128xf32>
    %dot_general3A = arith.constant dense<0.000000e+00> : vector<2000x128xf32>
    %dot_general3A_20 = tpu.matmul %add3A_16, %get3A_19, %dot_general3A {dimension_numbers = #tpu.dot_dimension_numbers<[1], [0], [0], [1], [0, 0, 1, 1], [], []>, transpose_lhs_hint = false} : vector<2000x128xf32>, vector<128x128xf32>, vector<2000x128xf32> -> vector<2000x128xf32>
    %get3A_21 = arith.constant 0 : index
    %get3A_22 = arith.constant 0 : index
    %get3A_23 = vector.load %arg6[%get3A_21, %get3A_22] : memref<1x128xf32, #tpu.memory_space<vmem>>, vector<1x128xf32>
    %add3A_24 = vector.broadcast %get3A_23 : vector<1x128xf32> to vector<2000x128xf32>
    %add3A_25 = arith.addf %dot_general3A_20, %add3A_24 : vector<2000x128xf32>
    %ge3A = arith.constant 0.000000e+00 : f32
    %ge3A_26 = vector.broadcast %ge3A : f32 to vector<2000x128xf32>
    %ge3A_27 = arith.cmpf oge, %add3A_25, %ge3A_26 : vector<2000x128xf32>
    %mul3A_28 = arith.constant 0.00999999977 : f32
    %mul3A_29 = vector.broadcast %mul3A_28 : f32 to vector<2000x128xf32>
    %mul3A_30 = arith.mulf %mul3A_29, %add3A_25 : vector<2000x128xf32>
    %select_n3A = arith.select %ge3A_27, %add3A_25, %mul3A_30 : vector<2000x128xi1>, vector<2000x128xf32>
    %eq3A = arith.constant 0 : i32
    %eq3A_31 = arith.cmpi eq, %arg0, %eq3A : i32
    %convert_element_type3A = arith.extui %eq3A_31 : i1 to i32
    %cond3A = arith.constant 0 : i32
    %cond3A_32 = arith.cmpi ne, %convert_element_type3A, %cond3A : i32
    scf.if %cond3A_32 {
      %broadcast_in_dim3A_56 = arith.constant 0.000000e+00 : f32
      %broadcast_in_dim3A_57 = vector.broadcast %broadcast_in_dim3A_56 : f32 to vector<8x128xf32>
      %swap3A_58 = arith.constant 0 : index
      %swap3A_59 = arith.constant 0 : index
      %swap3A_60 = vector.load %arg8[%swap3A_58, %swap3A_59] : memref<8x128xf32, #tpu.memory_space<vmem>>, vector<8x128xf32>
      tpu.vector_store %arg8[%swap3A_58, %swap3A_59], %broadcast_in_dim3A_57 {strides = array<i32>} : memref<8x128xf32, #tpu.memory_space<vmem>>, vector<8x128xf32>,
    } else {
    }
    %get3A_33 = arith.constant 0 : index
    %get3A_34 = arith.constant 0 : index
    %get3A_35 = vector.load %arg8[%get3A_33, %get3A_34] : memref<8x128xf32, #tpu.memory_space<vmem>>, vector<1x128xf32>
    %reduce_sum3A = arith.constant dense<0.000000e+00> : vector<128xf32>
    %reduce_sum3A_36 = vector.multi_reduction <add>, %select_n3A, %reduce_sum3A [0] : vector<2000x128xf32> to vector<128xf32>
    %broadcast_in_dim3A = vector.shape_cast %reduce_sum3A_36 : vector<128xf32> to vector<1x128xf32>
    %add3A_37 = arith.addf %get3A_35, %broadcast_in_dim3A : vector<1x128xf32>
    %swap3A = arith.constant 0 : index
    %swap3A_38 = arith.constant 0 : index
    %swap3A_39 = vector.load %arg8[%swap3A, %swap3A_38] : memref<8x128xf32, #tpu.memory_space<vmem>>, vector<1x128xf32>
    tpu.vector_store %arg8[%swap3A, %swap3A_38], %add3A_37 {strides = array<i32>} : memref<8x128xf32, #tpu.memory_space<vmem>>, vector<1x128xf32>,
    %get3A_40 = arith.constant 1 : index
    %get3A_41 = arith.constant 0 : index
    %get3A_42 = vector.load %arg8[%get3A_40, %get3A_41] : memref<8x128xf32, #tpu.memory_space<vmem>>, vector<1x128xf32>
    %mul3A_43 = arith.mulf %select_n3A, %select_n3A : vector<2000x128xf32>
    %reduce_sum3A_44 = arith.constant dense<0.000000e+00> : vector<128xf32>
    %reduce_sum3A_45 = vector.multi_reduction <add>, %mul3A_43, %reduce_sum3A_44 [0] : vector<2000x128xf32> to vector<128xf32>
    %broadcast_in_dim3A_46 = vector.shape_cast %reduce_sum3A_45 : vector<128xf32> to vector<1x128xf32>
    %add3A_47 = arith.addf %get3A_42, %broadcast_in_dim3A_46 : vector<1x128xf32>
    %swap3A_48 = arith.constant 1 : index
    %swap3A_49 = arith.constant 0 : index
    %swap3A_50 = vector.load %arg8[%swap3A_48, %swap3A_49] : memref<8x128xf32, #tpu.memory_space<vmem>>, vector<1x128xf32>
    tpu.vector_store %arg8[%swap3A_48, %swap3A_49], %add3A_47 {strides = array<i32>} : memref<8x128xf32, #tpu.memory_space<vmem>>, vector<1x128xf32>,
    %eq3A_51 = arith.constant 4 : i32
    %eq3A_52 = arith.cmpi eq, %arg0, %eq3A_51 : i32
    %convert_element_type3A_53 = arith.extui %eq3A_52 : i1 to i32
    %cond3A_54 = arith.constant 0 : i32
    %cond3A_55 = arith.cmpi ne, %convert_element_type3A_53, %cond3A_54 : i32
    scf.if %cond3A_55 {
      %get3A_56 = arith.constant 0 : index
      %get3A_57 = arith.constant 0 : index
      %get3A_58 = vector.load %arg8[%get3A_56, %get3A_57] : memref<8x128xf32, #tpu.memory_space<vmem>>, vector<8x128xf32>
      %swap3A_59 = arith.constant 0 : index
      %swap3A_60 = arith.constant 0 : index
      %swap3A_61 = vector.load %arg7[%swap3A_59, %swap3A_60] : memref<8x128xf32, #tpu.memory_space<vmem>>, vector<8x128xf32>
      tpu.vector_store %arg7[%swap3A_59, %swap3A_60], %get3A_58 {strides = array<i32>} : memref<8x128xf32, #tpu.memory_space<vmem>>, vector<8x128xf32>,
    } else {
    }
    return
  }
  func.func @transform_0(%arg0: i32) -> (i32, i32) {
    %c0_i32 = arith.constant 0 : i32
    %c0_i32_0 = arith.constant 0 : i32
    return %arg0, %c0_i32 : i32, i32
  }
  func.func @transform_1(%arg0: i32) -> (i32, i32, i32) {
    %c0_i32 = arith.constant 0 : i32
    %c0_i32_0 = arith.constant 0 : i32
    %c0_i32_1 = arith.constant 0 : i32
    return %c0_i32, %arg0, %c0_i32_0 : i32, i32, i32
  }
  func.func @transform_2(%arg0: i32) -> (i32, i32, i32) {
    %c1_i32 = arith.constant 1 : i32
    %c0_i32 = arith.constant 0 : i32
    %c0_i32_0 = arith.constant 0 : i32
    return %c1_i32, %arg0, %c0_i32 : i32, i32, i32
  }
  func.func @transform_3(%arg0: i32) -> (i32, i32) {
    %c0_i32 = arith.constant 0 : i32
    %c0_i32_0 = arith.constant 0 : i32
    %c0_i32_1 = arith.constant 0 : i32
    return %c0_i32, %c0_i32_0 : i32, i32
  }
  func.func @transform_4(%arg0: i32) -> (i32, i32) {
    %c0_i32 = arith.constant 0 : i32
    %c0_i32_0 = arith.constant 0 : i32
    %c0_i32_1 = arith.constant 0 : i32
    return %c0_i32, %c0_i32_0 : i32, i32
  }
  func.func @transform_5(%arg0: i32) -> (i32, i32) {
    %c0_i32 = arith.constant 0 : i32
    %c0_i32_0 = arith.constant 0 : i32
    %c0_i32_1 = arith.constant 0 : i32
    return %c0_i32, %c0_i32_0 : i32, i32
  }
  func.func @transform_6(%arg0: i32) -> (i32, i32) {
    %c0_i32 = arith.constant 0 : i32
    %c0_i32_0 = arith.constant 0 : i32
    %c0_i32_1 = arith.constant 0 : i32
    return %c0_i32, %c0_i32_0 : i32, i32
  }
}

module attributes {stable_mosaic.version = 14 : i64} {
  func.func @_node_apply_body(%arg0: i32, %arg1: memref<2000x128xf32, #tpu.memory_space<vmem>>, %arg2: memref<1x2000x128xf32, #tpu.memory_space<vmem>>, %arg3: memref<1x2000x128xf32, #tpu.memory_space<vmem>>, %arg4: memref<2000x128xf32, #tpu.memory_space<vmem>>, %arg5: memref<1x128xf32, #tpu.memory_space<vmem>>, %arg6: memref<128x128xf32, #tpu.memory_space<vmem>>, %arg7: memref<1x128xf32, #tpu.memory_space<vmem>>, %arg8: memref<128x128xf32, #tpu.memory_space<vmem>>, %arg9: memref<1x128xf32, #tpu.memory_space<vmem>>, %arg10: memref<2000x128xf32, #tpu.memory_space<vmem>>) attributes {dimension_semantics = [#tpu.dimension_semantics<arbitrary>], iteration_bounds = array<i64: 5>, scalar_prefetch = 0 : i64, scratch_operands = 0 : i64, tpu.core_type = #tpu.core_type<tc>, window_params = [{transform_indices = @transform_0, window_bounds = array<i64: 2000, 128>}, {transform_indices = @transform_1, window_bounds = array<i64: 1, 2000, 128>}, {transform_indices = @transform_2, window_bounds = array<i64: 1, 2000, 128>}, {transform_indices = @transform_3, window_bounds = array<i64: 2000, 128>}, {pipeline_mode = #tpu.pipeline_mode<synchronous>, transform_indices = @transform_4, window_bounds = array<i64: 1, 128>}, {pipeline_mode = #tpu.pipeline_mode<synchronous>, transform_indices = @transform_5, window_bounds = array<i64: 128, 128>}, {pipeline_mode = #tpu.pipeline_mode<synchronous>, transform_indices = @transform_6, window_bounds = array<i64: 1, 128>}, {pipeline_mode = #tpu.pipeline_mode<synchronous>, transform_indices = @transform_7, window_bounds = array<i64: 128, 128>}, {pipeline_mode = #tpu.pipeline_mode<synchronous>, transform_indices = @transform_8, window_bounds = array<i64: 1, 128>}, {transform_indices = @transform_9, window_bounds = array<i64: 2000, 128>}]} {
    %get3A = arith.constant 0 : index
    %get3A_0 = arith.constant 0 : index
    %get3A_1 = vector.load %arg5[%get3A, %get3A_0] : memref<1x128xf32, #tpu.memory_space<vmem>>, vector<1x128xf32>
    %get3A_2 = arith.constant 0 : index
    %get3A_3 = arith.constant 0 : index
    %get3A_4 = vector.load %arg1[%get3A_2, %get3A_3] : memref<2000x128xf32, #tpu.memory_space<vmem>>, vector<2000x128xf32>
    %mul3A = vector.broadcast %get3A_1 : vector<1x128xf32> to vector<2000x128xf32>
    %mul3A_5 = arith.mulf %mul3A, %get3A_4 : vector<2000x128xf32>
    %get3A_6 = arith.constant 0 : index
    %get3A_7 = arith.constant 0 : index
    %get3A_8 = arith.constant 0 : index
    %get3A_9 = vector.load %arg2[%get3A_6, %get3A_7, %get3A_8] : memref<1x2000x128xf32, #tpu.memory_space<vmem>>, vector<1x2000x128xf32>
    %get3A_10 = vector.shape_cast %get3A_9 : vector<1x2000x128xf32> to vector<2000x128xf32>
    %add3A = arith.addf %mul3A_5, %get3A_10 : vector<2000x128xf32>
    %get3A_11 = arith.constant 0 : index
    %get3A_12 = arith.constant 0 : index
    %get3A_13 = arith.constant 0 : index
    %get3A_14 = vector.load %arg3[%get3A_11, %get3A_12, %get3A_13] : memref<1x2000x128xf32, #tpu.memory_space<vmem>>, vector<1x2000x128xf32>
    %get3A_15 = vector.shape_cast %get3A_14 : vector<1x2000x128xf32> to vector<2000x128xf32>
    %add3A_16 = arith.addf %add3A, %get3A_15 : vector<2000x128xf32>
    %get3A_17 = arith.constant 0 : index
    %get3A_18 = arith.constant 0 : index
    %get3A_19 = vector.load %arg6[%get3A_17, %get3A_18] : memref<128x128xf32, #tpu.memory_space<vmem>>, vector<128x128xf32>
    %dot_general3A = arith.constant dense<0.000000e+00> : vector<2000x128xf32>
    %dot_general3A_20 = tpu.matmul %add3A_16, %get3A_19, %dot_general3A {dimension_numbers = #tpu.dot_dimension_numbers<[1], [0], [0], [1], [0, 0, 1, 1], [], []>, transpose_lhs_hint = false} : vector<2000x128xf32>, vector<128x128xf32>, vector<2000x128xf32> -> vector<2000x128xf32>
    %get3A_21 = arith.constant 0 : index
    %get3A_22 = arith.constant 0 : index
    %get3A_23 = vector.load %arg7[%get3A_21, %get3A_22] : memref<1x128xf32, #tpu.memory_space<vmem>>, vector<1x128xf32>
    %add3A_24 = vector.broadcast %get3A_23 : vector<1x128xf32> to vector<2000x128xf32>
    %add3A_25 = arith.addf %dot_general3A_20, %add3A_24 : vector<2000x128xf32>
    %ge3A = arith.constant 0.000000e+00 : f32
    %ge3A_26 = vector.broadcast %ge3A : f32 to vector<2000x128xf32>
    %ge3A_27 = arith.cmpf oge, %add3A_25, %ge3A_26 : vector<2000x128xf32>
    %mul3A_28 = arith.constant 0.00999999977 : f32
    %mul3A_29 = vector.broadcast %mul3A_28 : f32 to vector<2000x128xf32>
    %mul3A_30 = arith.mulf %mul3A_29, %add3A_25 : vector<2000x128xf32>
    %select_n3A = arith.select %ge3A_27, %add3A_25, %mul3A_30 : vector<2000x128xi1>, vector<2000x128xf32>
    %get3A_31 = arith.constant 0 : index
    %get3A_32 = arith.constant 0 : index
    %get3A_33 = vector.load %arg8[%get3A_31, %get3A_32] : memref<128x128xf32, #tpu.memory_space<vmem>>, vector<128x128xf32>
    %dot_general3A_34 = arith.constant dense<0.000000e+00> : vector<2000x128xf32>
    %dot_general3A_35 = tpu.matmul %select_n3A, %get3A_33, %dot_general3A_34 {dimension_numbers = #tpu.dot_dimension_numbers<[1], [0], [0], [1], [0, 0, 1, 1], [], []>, transpose_lhs_hint = false} : vector<2000x128xf32>, vector<128x128xf32>, vector<2000x128xf32> -> vector<2000x128xf32>
    %get3A_36 = arith.constant 0 : index
    %get3A_37 = arith.constant 0 : index
    %get3A_38 = vector.load %arg9[%get3A_36, %get3A_37] : memref<1x128xf32, #tpu.memory_space<vmem>>, vector<1x128xf32>
    %add3A_39 = vector.broadcast %get3A_38 : vector<1x128xf32> to vector<2000x128xf32>
    %add3A_40 = arith.addf %dot_general3A_35, %add3A_39 : vector<2000x128xf32>
    %get3A_41 = arith.constant 0 : index
    %get3A_42 = arith.constant 0 : index
    %get3A_43 = vector.load %arg4[%get3A_41, %get3A_42] : memref<2000x128xf32, #tpu.memory_space<vmem>>, vector<2000x128xf32>
    %add3A_44 = arith.addf %add3A_40, %get3A_43 : vector<2000x128xf32>
    %swap3A = arith.constant 0 : index
    %swap3A_45 = arith.constant 0 : index
    %swap3A_46 = vector.load %arg10[%swap3A, %swap3A_45] : memref<2000x128xf32, #tpu.memory_space<vmem>>, vector<2000x128xf32>
    tpu.vector_store %arg10[%swap3A, %swap3A_45], %add3A_44 {strides = array<i32>} : memref<2000x128xf32, #tpu.memory_space<vmem>>, vector<2000x128xf32>,
    return
  }
  func.func @transform_0(%arg0: i32) -> (i32, i32) {
    %c0_i32 = arith.constant 0 : i32
    %c0_i32_0 = arith.constant 0 : i32
    return %arg0, %c0_i32 : i32, i32
  }
  func.func @transform_1(%arg0: i32) -> (i32, i32, i32) {
    %c0_i32 = arith.constant 0 : i32
    %c0_i32_0 = arith.constant 0 : i32
    %c0_i32_1 = arith.constant 0 : i32
    return %c0_i32, %arg0, %c0_i32_0 : i32, i32, i32
  }
  func.func @transform_2(%arg0: i32) -> (i32, i32, i32) {
    %c1_i32 = arith.constant 1 : i32
    %c0_i32 = arith.constant 0 : i32
    %c0_i32_0 = arith.constant 0 : i32
    return %c1_i32, %arg0, %c0_i32 : i32, i32, i32
  }
  func.func @transform_3(%arg0: i32) -> (i32, i32) {
    %c0_i32 = arith.constant 0 : i32
    %c0_i32_0 = arith.constant 0 : i32
    return %arg0, %c0_i32 : i32, i32
  }
  func.func @transform_4(%arg0: i32) -> (i32, i32) {
    %c0_i32 = arith.constant 0 : i32
    %c0_i32_0 = arith.constant 0 : i32
    %c0_i32_1 = arith.constant 0 : i32
    return %c0_i32, %c0_i32_0 : i32, i32
  }
  func.func @transform_5(%arg0: i32) -> (i32, i32) {
    %c0_i32 = arith.constant 0 : i32
    %c0_i32_0 = arith.constant 0 : i32
    %c0_i32_1 = arith.constant 0 : i32
    return %c0_i32, %c0_i32_0 : i32, i32
  }
  func.func @transform_6(%arg0: i32) -> (i32, i32) {
    %c0_i32 = arith.constant 0 : i32
    %c0_i32_0 = arith.constant 0 : i32
    %c0_i32_1 = arith.constant 0 : i32
    return %c0_i32, %c0_i32_0 : i32, i32
  }
  func.func @transform_7(%arg0: i32) -> (i32, i32) {
    %c0_i32 = arith.constant 0 : i32
    %c0_i32_0 = arith.constant 0 : i32
    %c0_i32_1 = arith.constant 0 : i32
    return %c0_i32, %c0_i32_0 : i32, i32
  }
  func.func @transform_8(%arg0: i32) -> (i32, i32) {
    %c0_i32 = arith.constant 0 : i32
    %c0_i32_0 = arith.constant 0 : i32
    %c0_i32_1 = arith.constant 0 : i32
    return %c0_i32, %c0_i32_0 : i32, i32
  }
  func.func @transform_9(%arg0: i32) -> (i32, i32) {
    %c0_i32 = arith.constant 0 : i32
    %c0_i32_0 = arith.constant 0 : i32
    return %arg0, %c0_i32 : i32, i32
  }
}

</mosaic_0001>

<sc_bundles>
// kernel: kernel.15.cloned.1.call-start
scs
__scs_entry_jumppad:
0x0: {  	(pc) =	sbr.rel $0x88, $3  }
0x1: {  	(tag) =	ssettag $0x0;
	lr =	simm.s32 $0x1  }
0x2: {  	[smem:$0x3F89] =	sst lr;
	_ =	strace $0xD0000000  }
0x3: {  	_ = 	snop  }
0x4: {  	_ = 	snop  }
0x5: {  	_ = 	snop  }
0x6: {  	_ = 	snop  }
0x7: {  	_ = 	snop  }
__scs_overlays_trampoline_lowered:
0x8: {  	[smem:$0x3F98] =	sst s0  }
0x9: {  	[smem:$0x3F99] =	sst s1  }
0xa: {  	[smem:$0x3F9A] =	sst s2  }
0xb: {  	[smem:$0x3F9B] =	sst s3  }
0xc: {  	[smem:$0x3F9C] =	sst s4  }
0xd: {  	[smem:$0x3F9D] =	sst s5  }
0xe: {  	[smem:$0x3F9E] =	sst s6  }
0xf: {  	[smem:$0x3F9F] =	sst s7  }
0x10: {  	[smem:$0x3FA0] =	sst s8  }
0x11: {  	[smem:$0x3FA1] =	sst s9;
	s0 =	simm.s32 @!p0 $0x0  }
0x12: {  	s1 =	sld [smem:$0x3F87];
	s0 =	simm.s32 @p0 $0x1  }
0x13: {  	[smem:$0x3FA2] =	sst s0;
	s0 =	simm.s32 @!p1 $0x0  }
0x14: {  	s2 =	sld [smem:$0x3F86];
	s0 =	simm.s32 @p1 $0x1  }
0x15: {  	[smem:$0x3FA3] =	sst s0;
	s0 =	simm.s32 @!p2 $0x0  }
0x16: {  	s3 =	sld [smem:$0x3FDB];
	s0 =	simm.s32 @p2 $0x1  }
0x17: {  	s4 =	simm.s32 $0x1BF5;
	[smem:$0x3FA5] =	sst s0  }
0x18: {  	s0 =	sld [smem:$0x3F88];
	_ =	swait.ge [sflag:s4], $0x0  }
0x19: {  	s7 =	sld [smem:$0x3F89]  }
0x1a: {  	s8 =	sadd.s32 $0xFFFFE003, lr  }
0x1b: {  	s9 =	sadd.s32 $0xFFFFFEF7, lr;
	s5 =	simm.s32 $0xFFFFFFFF;
	p2 =	slt.u32 s8, $0xFFFFF086  }
0x1c: {  	p1 =	slt.u32 s9, $0xF7A;
	s5 =	simm.s32 @!p2 $0x0  }
0x1d: {  	s5 =	simm.s32 @p1 $0x1;
	p0 =	seq.s32 s7, s2  }
0x1e: {  	s7 =	smul.u32 @!p0 $0xF7A, s2;
	p2 =	seq.s32 @!p0 s5, $0x0  }
0x1f: {  	s9 =	smul.u32 $0xF7A, s1;
	s8 =	simm.s32 @!p0 $0x1BF5;
	p2 =	por !p2, p0  }
0x20: {  	[sflag:s8] =	ssyncset.s32 @!p0 $0xFFFFF086;
	s6 =	sadd.s32 @!p0 s3, s7;
	s7 =	simm.s32 @!p0 $0x108  }
0x21: {  	s3 =	sadd.s32 s3, s9;
	s6 =	sadd.s32 @!p0 $0x88, s6;
	s7 =	simm.s32 @p2 $0x1082  }
0x22: {  	[simem:s7], [sflag:s8] =	dma.local @!p0 [hbm:s6], $0xF7A  }
0x23: {  	s9 =	sor.u32 $0xD0000000, s2;
	s6 =	simm.s32 $0x108;
	_ =	swait.ge @!p0 [sflag:s8], $0x0  }
0x24: {  	s3 =	sadd.s32 $0x88, s3;
	s6 =	simm.s32 @!p1 $0x1082;
	[sflag:s4] =	ssyncset.s32 $0xFFFFF086  }
0x25: {  	[simem:s6], [sflag:s4] =	dma.local [hbm:s3], $0xF7A  }
0x26: {  	[smem:$0x3F89] =	sst s1;
	(tag) =	ssettag s2;
	_ =	strace s9  }
0x27: {  	s1 =	sld [smem:$0x3F99]  }
0x28: {  	s2 =	sld [smem:$0x3F9A]  }
0x29: {  	s4 =	sld [smem:$0x3F9C]  }
0x2a: {  	p0 =	seq.s32 s5, $0x0;
	s5 =	sld [smem:$0x3F9D]  }
0x2b: {  	s6 =	sld [smem:$0x3F9E]  }
0x2c: {  	s7 =	sld [smem:$0x3F9F]  }
0x2d: {  	s3 =	simm.s32 $0x108;
	s8 =	sld [smem:$0x3FA0]  }
0x2e: {  	s3 =	simm.s32 @!p0 $0x1082;
	s9 =	sld [smem:$0x3FA1]  }
0x2f: {  	lr =	sadd.s32 s0, s3;
	s0 =	sld [smem:$0x3F98]  }
0x30: {  	s3 =	sld [smem:$0x3F9B]  }
0x31: {  	[smem:$0x3FA4] =	sst s10  }
0x32: {  	s10 =	sld [smem:$0x3FA2];
	_ =	sdelay $0x3  }
0x33: {  	p0 =	seq.s32 s10, $0x1;
	s10 =	sld [smem:$0x3FA4];
	_ =	sdelay $0x3  }
0x34: {  	[smem:$0x3FA4] =	sst s10  }
0x35: {  	s10 =	sld [smem:$0x3FA3];
	_ =	sdelay $0x3  }
0x36: {  	p1 =	seq.s32 s10, $0x1;
	s10 =	sld [smem:$0x3FA4];
	_ =	sdelay $0x3  }
0x37: {  	[smem:$0x3FA4] =	sst s10  }
0x38: {  	s10 =	sld [smem:$0x3FA5]  }
0x39: {  	_ = 	snop;
	(pc) =	sbr.ind lr, $3  }
0x3a: {  	_ = 	snop  }
0x3b: {  	_ = 	snop  }
0x3c: {  	p2 =	seq.s32 s10, $0x1;
	s10 =	sld [smem:$0x3FA4]  }
0x3d: {  	_ =	shalt  }
0x3e: {  	_ =	shalt  }
0x3f: {  	_ =	shalt  }
0x40: {  	_ =	shalt  }
0x41: {  	_ =	shalt  }
0x42: {  	_ =	shalt  }
0x43: {  	_ =	shalt  }
0x44: {  	_ =	shalt  }
0x45: {  	_ =	shalt  }
0x46: {  	_ =	shalt  }
0x47: {  	_ =	shalt  }
0x48: {  	_ =	shalt  }
0x49: {  	_ =	shalt  }
0x4a: {  	_ =	shalt  }
0x4b: {  	_ =	shalt  }
0x4c: {  	_ =	shalt  }
0x4d: {  	_ =	shalt  }
0x4e: {  	_ =	shalt  }
0x4f: {  	_ =	shalt  }
0x50: {  	_ =	shalt  }
0x51: {  	_ =	shalt  }
0x52: {  	_ =	shalt  }
0x53: {  	_ =	shalt  }
0x54: {  	_ =	shalt  }
0x55: {  	_ =	shalt  }
0x56: {  	_ =	shalt  }
0x57: {  	_ =	shalt  }
0x58: {  	_ =	shalt  }
0x59: {  	_ =	shalt  }
0x5a: {  	_ =	shalt  }
0x5b: {  	_ =	shalt  }
0x5c: {  	_ =	shalt  }
0x5d: {  	_ =	shalt  }
0x5e: {  	_ =	shalt  }
0x5f: {  	_ =	shalt  }
0x60: {  	_ =	shalt  }
0x61: {  	_ =	shalt  }
0x62: {  	_ =	shalt  }
0x63: {  	_ =	shalt  }
0x64: {  	_ =	shalt  }
0x65: {  	_ =	shalt  }
0x66: {  	_ =	shalt  }
0x67: {  	_ =	shalt  }
0x68: {  	_ =	shalt  }
0x69: {  	_ =	shalt  }
0x6a: {  	_ =	shalt  }
0x6b: {  	_ =	shalt  }
0x6c: {  	_ =	shalt  }
0x6d: {  	_ =	shalt  }
0x6e: {  	_ =	shalt  }
0x6f: {  	_ =	shalt  }
0x70: {  	_ =	shalt  }
0x71: {  	_ =	shalt  }
0x72: {  	_ =	shalt  }
0x73: {  	_ =	shalt  }
0x74: {  	_ =	shalt  }
0x75: {  	_ =	shalt  }
0x76: {  	_ =	shalt  }
0x77: {  	_ =	shalt  }
0x78: {  	_ =	shalt  }
0x79: {  	_ =	shalt  }
0x7a: {  	_ =	shalt  }
0x7b: {  	_ =	shalt  }
0x7c: {  	_ =	shalt  }
0x7d: {  	_ =	shalt  }
0x7e: {  	_ =	shalt  }
0x7f: {  	_ =	shalt  }
0x80: {  	_ =	shalt  }
0x81: {  	_ =	shalt  }
0x82: {  	_ =	shalt  }
0x83: {  	_ =	shalt  }
0x84: {  	_ =	shalt  }
0x85: {  	_ =	shalt  }
0x86: {  	_ =	shalt  }
0x87: {  	_ =	shalt  }
.Lfunc_end0:
.L_simem_size_0:
called_computation_lowered:
.L_overlay_start_0:
0x88: {  	s2 =	sld [smem:$0x3FD9]  }
0x89: {  	s3 =	sld [smem:$0x3FFE];
	_ =	sdelay $0x1  }
0x8a: {  	s1 =	srdreg.scid  }
0x8b: {  	s0 =	sand.u32 $0x1, s1  }
0x8c: {  	s17 =	sshll.u32 s0, $0xA;
	s2 =	sadd.s32 s3, s2  }
0x8d: {  	s2 =	sadd.s32 s2, s17  }
0x8e: {  	[smem:$0x3FB0] =	sst s2  }
0x8f: {  	_ = 	snop  }
0x90: {  	s2 =	sld [smem:$0x3FC7];
	(tm) =	ssettm $0x1  }
0x91: {  	s18 =	sld [smem:$0x3FFB];
	_ =	sdelay $0x3  }
0x92: {  	_ =	strace s18  }
0x93: {  	s3 =	sld [smem:$0x3FFC];
	_ =	sdelay $0x3  }
0x94: {  	_ =	strace s3  }
0x95: {  	s3 =	sld [smem:$0x3FFD];
	_ =	sdelay $0x3  }
0x96: {  	_ =	strace s3  }
0x97: {  	_ =	strace $0x8FFFFFFF  }
0x98: {  	s19 =	sld [smem:$0x3FDB];
	_ =	sdelay $0x1  }
0x99: {  	s4 =	simm.s32 $_scs_section_size  }
0x9a: {  	s5 =	simm.s32 $_size__tile_overlayer_lowered;
	s6 =	simm.s32 $_tile_overlayer_lowered  }
0x9b: {  	s22 =	simm.s32 $0x1BFF;
	s21 =	sshll.u32 s6, $0x1;
	s3 =	sadd.s32 s4, s19  }
0x9c: {  	s7 =	simm.s32 $0x0;
	s20 =	sshll.u32 s5, $0x1;
	s5 =	sadd.s32 s21, s3  }
0x9d: {  	[timem:s7], [sflag:s22] =	dma.local [hbm:s5], s20  }
0x9e: {  	_ =	swait.ge [sflag:s22], s20  }
0x9f: {  	s4 =	ssub.s32 $0x0, s20;
	[sflag:s22] =	ssyncset.done $0x0  }
0xa0: {  	[sflag:s22] =	ssyncadd.s32 s4;
	_ =	sdelay $0x1  }
0xa1: {  	s23 =	simm.s32 $0x1B8B  }
0xa2: {  	_ =	swait.ge [sflag:s23], $0x1  }
0xa3: {  	[sflag:s23] =	ssyncset.done $0x0  }
0xa4: {  	s25 =	simm.s32 $0x1B8E;
	s24 =	sld [smem:$0x3FFE];
	[sflag:s23] =	ssyncadd.s32 $0xFFFFFFFF  }
0xa5: {  	s26 =	simm.s32 $execute0_lowered;
	[smem:$0x3FD2] =	sst s25  }
0xa6: {  	s5 =	sshll.u32 s26, $0x1;
	_ =	strace $0x80000046;
	[dreg:$0x1] =	wrdreg $0xFFFFFFFF  }
0xa7: {  	s28 =	simm.s32 $_size_execute0_lowered;
	s3 =	sadd.s32 s3, s5;
	[dreg:$0x0] =	wrdreg $0x0  }
0xa8: {  	s5 =	sshll.u32 s28, $0x1;
	[dreg:$0x2] =	wrdreg s3  }
0xa9: {  	[dreg:$0x3] =	wrdreg s5  }
0xaa: {  	[dreg:$0x4] =	wrdreg $0xC0  }
0xab: {  	_ =	task [dreg:s7], $0x5FFFF  }
0xac: {  	[dreg:$0x1] =	wrdreg $0xFFFFFFFF  }
0xad: {  	[dreg:$0x0] =	wrdreg $0x60  }
0xae: {  	[dreg:$0x2] =	wrdreg s24  }
0xaf: {  	[dreg:$0x3] =	wrdreg s2  }
0xb0: {  	[dreg:$0x4] =	wrdreg $0x9  }
0xb1: {  	_ =	task.clear_ibuf [dreg:s7], $0x5FFFF;
	_ =	strace $0x90000046  }
0xb2: {  	s29 =	simm.s32 $0x9;
	_ =	strace $0x80000048  }
0xb3: {  	_ =	swait.ge [sflag:s29], $0x1  }
0xb4: {  	[sflag:s29] =	ssyncadd.s32 $0xFFFFFFFF  }
0xb5: {  	_ =	strace $0x90000048  }
0xb6: {  	_ =	sfence  }
0xb7: {  	s30 =	sld [smem:$0x0];
	_ =	sdelay $0x2  }
0xb8: {  	s31 =	sshll.u32 s1, $0xD;
	s1 =	sshrl.u32 s1, $0x2  }
0xb9: {  	s3 =	sand.u32 $0x4000, s31;
	s1 =	sadd.s32 s1, s30  }
0xba: {  	s0 =	sor.u32 s3, s0;
	s1 =	sshll.u32 s1, $0x11  }
0xbb: {  	s0 =	sor.u32 s1, s0  }
0xbc: {  	s0 =	sadd.s32 $0x8F2B, s0  }
0xbd: {  	[sflag:s0] =	ssyncadd.remote.s32 $0x1  }
0xbe: {  	_ =	sfence.sel $0xFFFF  }
0xbf: {  	[dreg:$0x0] =	wrdreg $0xFFFFFFFF;
	(pc) =	sbr.abs _section_cstart, $3  }
0xc0: {  	[dreg:$0x1] =	wrdreg $0xFFFFFFFF  }
0xc1: {  	_ =	task.clear_ibuf [dreg:s7], $0x2FFFF;
	_ =	strace $0x9FFFFFFF  }
0xc2: {  	(tm) =	ssettm $0x7FFFFFFF  }
0xc3: {  	_ =	shalt  }
tec
execute0_lowered:
.L_overlay_start_1:
0x0: {  	(tag) =	ssettag $0x1  }
0x1: {  	s5 =	rddreg [dreg:$0x0]  }
0x2: {  	s7 =	rddreg [dreg:$0x1];
	s2 =	simm.s32 $0x0  }
0x3: {  	s3 =	srdreg.scid;
	s0 =	stileid.u32;
	s11 =	simm.s32 $0x2  }
0x4: {  	s18 =	simm.s32 $0xA900;
	s19 =	simm.s32 $0x80;
	s20 =	simm.s32 $0x6900  }
0x5: {  	s21 =	simm.s32 $0xE900;
	s22 =	simm.s32 $0x1;
	s23 =	simm.s32 $0x3  }
0x6: {  	s24 =	simm.s32 $0x4;
	[smem:$0x7FF] =	sst s2;
	s12 =	sand.u32 $0x1, s3  }
0x7: {  	s6 =	sshll.u32 s0, $0x1;
	s3 =	sadd.s32 $0x6000, s5;
	s15 =	smul.u32 $0x138000, s0  }
0x8: {  	s4 =	sadd.s32 $0x2D200, s5;
	s13 =	sadd.s32 $0x2C5400, s5;
	s17 =	smul.u32 $0x27000, s0  }
0x9: {  	s14 =	sadd.s32 $0x54400, s5;
	s5 =	simm.s32 $0x2;
	s26 =	smul.u32 $0x9C000, s12  }
0xa: {  	s6 =	sor.u32 s12, s6;
	s8 =	ssub.s32 $0x2, s12;
	s12 =	smul.u32 $0x13800, s12  }
0xb: {  	_ =	strace $0x80000047;
	s9 =	smul.u32 $0x4E0, s6;
	s25 =	sshrl.u32 s8, $0x1  }
0xc: {  	s10 =	smul.u32 $0x13800, s6;
	p0 =	seq.s32 s6, $0x1F;
	s16 =	ssub.s32 s8, s25  }
0xd: {  	s11 =	simm.s32 @!p0 $0x0;
	s29 =	sadd.s32 s26, s15;
	s25 =	simm.s32 $0x0  }
0xe: {  	s6 =	sadd.s32 $0x27, s11;
	s11 =	sshll.u32 s11, $0xB;
	s15 =	sshrl.u32 s29, $0x3  }
0xf: {  	s7 =	sadd.s32 s7, s9;
	s28 =	sadd.s32 s11, s10;
	s30 =	sadd.s32 s15, s14  }
0x10: {  	s8 =	sadd.s32 $0x10, s7;
	s15 =	sadd.s32 s15, s13;
	[dreg:$0x3] =	wrdreg s30  }
0x11: {  	s31 =	sshll.u32 s6, $0xB;
	s11 =	sadd.s32 $0x13000, s28;
	[dreg:$0x4] =	wrdreg s15  }
0x12: {  	s15 =	sand.u32 $0x17000, s31;
	s9 =	sadd.s32 s13, s11;
	s10 =	sadd.s32 s14, s11  }
0x13: {  	s11 =	smax.u32 s16, $0x1;
	s13 =	sadd.s32 s17, s13;
	s14 =	sadd.s32 s17, s14  }
0x14: {  	[dreg:$0x5] =	wrdreg s15;
	s15 =	simm.s32 $0x5;
	s16 =	simm.s32 $0x1480  }
0x15: {  	s17 =	simm.s32 $0x2900;
	s13 =	sadd.s32 s12, s13;
	s14 =	sadd.s32 s12, s14  }
0x16: {  	s12 =	sadd.s32 $0x800, s13;
	s13 =	sadd.s32 $0x800, s14;
	s14 =	simm.s32 $0x100  }
.LBB2_1:
0x17: {  	[tilespmem:s2], [sflag:$0x5] =	stream.strided.gather [hbm4b:s7+s19], $0x1480, s14, s19, $0x38;
	[tilespmem:$0x12900] =	vst v63  }
0x18: {  	_ =	swait.ge [sflag:s15], $0x1480  }
0x19: {  	[sflag:s15] =	ssyncset.done $0x0  }
0x1a: {  	[sflag:s15] =	ssyncadd.s32 $0xFFFFEB80  }
0x1b: {  	[tilespmem:s16], [sflag:$0x5] =	stream.strided.gather [hbm4b:s8+s19], $0x1480, s14, s19, $0x38;
	[tilespmem:$0x12900] =	vst v63  }
0x1c: {  	_ =	swait.ge [sflag:s15], $0x1480  }
0x1d: {  	[sflag:s15] =	ssyncset.done $0x0  }
0x1e: {  	s26 =	simm.s32 $0x1500;
	[sflag:s15] =	ssyncadd.s32 $0xFFFFEB80  }
0x1f: {  	[tilespmem:s17], [sflag:$0x1] =	stream.indirect.gather [hbm4b:s3+s19], $0x80, s2, s19, $0xb8;
	[tilespmem:$0x12900] =	vst v63  }
0x20: {  	s28 =	simm.s32 $0x2;
	s29 =	simm.s32 $0x80;
	s30 =	simm.s32 $0x0  }
0x21: {  	[tilespmem:s18], [sflag:$0x3] =	stream.indirect.gather [hbm4b:s4+s19], $0x80, s16, s19, $0xb8;
	[tilespmem:$0x12900] =	vst v63  }
.LBB2_2:
0x22: {  	[tilespmem:s20], [sflag:$0x2] =	stream.indirect.gather [hbm4b:s3+s19], $0x80, s29, s19, $0xb8;
	[tilespmem:$0x12900] =	vst v63  }
0x23: {  	_ = 	snop  }
0x24: {  	[tilespmem:s21], [sflag:$0x4] =	stream.indirect.gather [hbm4b:s4+s19], $0x80, s26, s19, $0xb8;
	[tilespmem:$0x12900] =	vst v63  }
0x25: {  	_ =	swait.ge [sflag:s22], $0x4000  }
0x26: {  	[sflag:s22] =	ssyncset.done $0x0  }
0x27: {  	[sflag:s22] =	ssyncadd.s32 $0xFFFFC000  }
0x28: {  	_ =	swait.ge [sflag:s23], $0x4000  }
0x29: {  	s31 =	rddreg [dreg:$0x4];
	[sflag:s23] =	ssyncset.done $0x0  }
0x2a: {  	[sflag:s23] =	ssyncadd.s32 $0xFFFFC000;
	s31 =	sadd.s32 s30, s31  }
0x2b: {  	[hbm4b:s31+s2] =	stream.linear.scatter [tilespmem:s17], [sflag:$0x5], $0x4000, $0x38;
	[tilespmem:$0x12900] =	vst v63  }
0x2c: {  	_ =	swait.ge [sflag:s15], $0x4000  }
0x2d: {  	s1 =	rddreg [dreg:$0x3];
	[sflag:s15] =	ssyncset.done $0x0  }
0x2e: {  	[sflag:s15] =	ssyncadd.s32 $0xFFFFC000;
	s31 =	sadd.s32 s30, s1  }
0x2f: {  	[hbm4b:s31+s2] =	stream.linear.scatter [tilespmem:s18], [sflag:$0x5], $0x4000, $0x38;
	[tilespmem:$0x12900] =	vst v63  }
0x30: {  	p0 =	sge.u32 s28, s6;
	_ =	swait.ge [sflag:s15], $0x4000  }
0x31: {  	s0 =	simm.s32 @!p0 $0x80;
	[sflag:s15] =	ssyncset.done $0x0  }
0x32: {  	s1 =	simm.s32 @!p0 $0x2900;
	s31 =	sadd.s32 @!p0 $0x80, s29;
	[sflag:s15] =	ssyncadd.s32 $0xFFFFC000  }
0x33: {  	[tilespmem:s1], [sflag:$0x1] =	stream.indirect.gather @!p0 [hbm4b:s3+s0], $0x80, s31, s0, $0xb8;
	[tilespmem:$0x12900] =	vst v63  }
0x34: {  	s1 =	sadd.s32 @!p0 $0x80, s26;
	s31 =	simm.s32 @!p0 $0xA900  }
0x35: {  	[tilespmem:s31], [sflag:$0x3] =	stream.indirect.gather @!p0 [hbm4b:s4+s0], $0x80, s1, s0, $0xb8;
	[tilespmem:$0x12900] =	vst v63  }
0x36: {  	_ =	swait.ge [sflag:s5], $0x4000  }
0x37: {  	[sflag:s5] =	ssyncset.done $0x0  }
0x38: {  	[sflag:s5] =	ssyncadd.s32 $0xFFFFC000  }
0x39: {  	_ =	swait.ge [sflag:s24], $0x4000  }
0x3a: {  	[sflag:s24] =	ssyncset.done $0x0  }
0x3b: {  	s31 =	sadd.s32 s30, s12;
	[sflag:s24] =	ssyncadd.s32 $0xFFFFC000  }
0x3c: {  	[hbm4b:s31+s2] =	stream.linear.scatter [tilespmem:s20], [sflag:$0x5], $0x4000, $0x38;
	[tilespmem:$0x12900] =	vst v63  }
0x3d: {  	_ =	swait.ge [sflag:s15], $0x4000  }
0x3e: {  	[sflag:s15] =	ssyncset.done $0x0  }
0x3f: {  	s1 =	sadd.s32 s30, s13;
	[sflag:s15] =	ssyncadd.s32 $0xFFFFC000  }
0x40: {  	[hbm4b:s1+s2] =	stream.linear.scatter [tilespmem:s21], [sflag:$0x5], $0x4000, $0x38;
	[tilespmem:$0x12900] =	vst v63  }
0x41: {  	_ =	swait.ge [sflag:s15], $0x4000  }
0x42: {  	s30 =	sadd.s32 $0x1000, s30;
	s31 =	rddreg [dreg:$0x5]  }
0x43: {  	p0 =	sne.s32 s31, s30  }
.Ltmp0:
0x44: {  	_ = 	snop;
	(pc) =	sbr.rel @p0 .LBB2_2-.Ltmp0, $3  }
0x45: {  	_ =	sdelay $0x1  }
0x46: {  	s28 =	sadd.s32 $0x2, s28;
	[sflag:s15] =	ssyncset.done $0x0  }
0x47: {  	s29 =	sadd.s32 $0x100, s29;
	s26 =	sadd.s32 $0x100, s26;
	[sflag:s15] =	ssyncadd.s32 $0xFFFFC000  }
0x48: {  	_ =	swait.ge [sflag:s22], $0x4000  }
0x49: {  	[sflag:s22] =	ssyncset.done $0x0  }
0x4a: {  	[sflag:s22] =	ssyncadd.s32 $0xFFFFC000  }
0x4b: {  	_ =	swait.ge [sflag:s23], $0x4000  }
0x4c: {  	[sflag:s23] =	ssyncset.done $0x0  }
0x4d: {  	[sflag:s23] =	ssyncadd.s32 $0xFFFFC000  }
0x4e: {  	[hbm4b:s9+s2] =	stream.linear.scatter [tilespmem:s17], [sflag:$0x5], $0x4000, $0x38;
	[tilespmem:$0x12900] =	vst v63  }
0x4f: {  	s25 =	sadd.s32 $0x1, s25;
	_ =	swait.ge [sflag:s15], $0x4000  }
0x50: {  	p0 =	sne.s32 s25, s11;
	[sflag:s15] =	ssyncset.done $0x0  }
.Ltmp1:
0x51: {  	[sflag:s15] =	ssyncadd.s32 $0xFFFFC000;
	(pc) =	sbr.rel @p0 .LBB2_1-.Ltmp1, $4  }
0x52: {  	[hbm4b:s10+s2] =	stream.linear.scatter [tilespmem:s18], [sflag:$0x5], $0x4000, $0x38;
	[tilespmem:$0x12900] =	vst v63  }
0x53: {  	_ =	swait.ge [sflag:s15], $0x4000  }
0x54: {  	[sflag:s15] =	ssyncset.done $0x0  }
0x55: {  	[sflag:s15] =	ssyncadd.s32 $0xFFFFC000  }
0x56: {  	_ =	sfence.sel $0x180000  }
0x57: {  	[bflag:$0x0] =	sbarrier.arrive $0xFFFF  }
0x58: {  	_ =	strace $0x90000047  }
0x59: {  	s0 =	stileid.u32;
	[bflag:$0x2] =	sbarrier.arrive $0xFFFF  }
0x5a: {  	p0 =	sne.s32 s0, $0x0;
	s0 =	rddreg [dreg:$0x2]  }
0x5b: {  	s0 =	sadd.s32 @!p0 $0x100000, s0  }
0x5c: {  	[sflag:s0] =	ssyncadd.tile.s32 @!p0 $0x1;
	_ =	shalt  }
.Lfunc_end2:
_tile_overlayer_lowered:
.L_overlay_start_2:
0x5d: {  	(tag) =	ssettag $0x2  }
0x5e: {  	s0 =	rddreg [dreg:$0x0];
	s2 =	stileid.u32  }
0x5f: {  	s1 =	rddreg [dreg:$0x1];
	p0 =	sne.s32 s2, $0x0  }
0x60: {  	s3 =	rddreg [dreg:$0x2];
	[bflag:$0x3] =	sbarrier.arrive $0xFFFF;
	s2 =	simm.s32 @!p0 $0x1C05  }
0x61: {  	[timem:s3], [sflag:s2] =	dma.local @!p0 [hbm:s0], s1  }
0x62: {  	s0 =	simm.s32 @!p0 $0x5  }
0x63: {  	_ =	swait.ge @!p0 [sflag:s0], s1  }
0x64: {  	s1 =	ssub.s32 @!p0 $0x0, s1;
	[sflag:s0] =	ssyncset.done @!p0 $0x0  }
0x65: {  	[sflag:s0] =	ssyncadd.s32 @!p0 s1  }
0x66: {  	[bflag:$0x3] =	sbarrier.arrive $0xFFFF  }
0x67: {  	_ =	shalt  }

// kernel: kernel.18.cloned.1.call-start
scs
__scs_entry_jumppad:
0x0: {  	(pc) =	sbr.rel $0x88, $3  }
0x1: {  	(tag) =	ssettag $0x0;
	lr =	simm.s32 $0x1  }
0x2: {  	[smem:$0x3F89] =	sst lr;
	_ =	strace $0xD0000000  }
0x3: {  	_ = 	snop  }
0x4: {  	_ = 	snop  }
0x5: {  	_ = 	snop  }
0x6: {  	_ = 	snop  }
0x7: {  	_ = 	snop  }
__scs_overlays_trampoline_lowered:
0x8: {  	[smem:$0x3F98] =	sst s0  }
0x9: {  	[smem:$0x3F99] =	sst s1  }
0xa: {  	[smem:$0x3F9A] =	sst s2  }
0xb: {  	[smem:$0x3F9B] =	sst s3  }
0xc: {  	[smem:$0x3F9C] =	sst s4  }
0xd: {  	[smem:$0x3F9D] =	sst s5  }
0xe: {  	[smem:$0x3F9E] =	sst s6  }
0xf: {  	[smem:$0x3F9F] =	sst s7  }
0x10: {  	[smem:$0x3FA0] =	sst s8  }
0x11: {  	[smem:$0x3FA1] =	sst s9;
	s0 =	simm.s32 @!p0 $0x0  }
0x12: {  	s1 =	sld [smem:$0x3F87];
	s0 =	simm.s32 @p0 $0x1  }
0x13: {  	[smem:$0x3FA2] =	sst s0;
	s0 =	simm.s32 @!p1 $0x0  }
0x14: {  	s2 =	sld [smem:$0x3F86];
	s0 =	simm.s32 @p1 $0x1  }
0x15: {  	[smem:$0x3FA3] =	sst s0;
	s0 =	simm.s32 @!p2 $0x0  }
0x16: {  	s3 =	sld [smem:$0x3FDB];
	s0 =	simm.s32 @p2 $0x1  }
0x17: {  	s4 =	simm.s32 $0x1BF5;
	[smem:$0x3FA5] =	sst s0  }
0x18: {  	s0 =	sld [smem:$0x3F88];
	_ =	swait.ge [sflag:s4], $0x0  }
0x19: {  	s7 =	sld [smem:$0x3F89]  }
0x1a: {  	s8 =	sadd.s32 $0xFFFFE003, lr  }
0x1b: {  	s9 =	sadd.s32 $0xFFFFFEF7, lr;
	s5 =	simm.s32 $0xFFFFFFFF;
	p2 =	slt.u32 s8, $0xFFFFF086  }
0x1c: {  	p1 =	slt.u32 s9, $0xF7A;
	s5 =	simm.s32 @!p2 $0x0  }
0x1d: {  	s5 =	simm.s32 @p1 $0x1;
	p0 =	seq.s32 s7, s2  }
0x1e: {  	s7 =	smul.u32 @!p0 $0xF7A, s2;
	p2 =	seq.s32 @!p0 s5, $0x0  }
0x1f: {  	s9 =	smul.u32 $0xF7A, s1;
	s8 =	simm.s32 @!p0 $0x1BF5;
	p2 =	por !p2, p0  }
0x20: {  	[sflag:s8] =	ssyncset.s32 @!p0 $0xFFFFF086;
	s6 =	sadd.s32 @!p0 s3, s7;
	s7 =	simm.s32 @!p0 $0x108  }
0x21: {  	s3 =	sadd.s32 s3, s9;
	s6 =	sadd.s32 @!p0 $0x88, s6;
	s7 =	simm.s32 @p2 $0x1082  }
0x22: {  	[simem:s7], [sflag:s8] =	dma.local @!p0 [hbm:s6], $0xF7A  }
0x23: {  	s9 =	sor.u32 $0xD0000000, s2;
	s6 =	simm.s32 $0x108;
	_ =	swait.ge @!p0 [sflag:s8], $0x0  }
0x24: {  	s3 =	sadd.s32 $0x88, s3;
	s6 =	simm.s32 @!p1 $0x1082;
	[sflag:s4] =	ssyncset.s32 $0xFFFFF086  }
0x25: {  	[simem:s6], [sflag:s4] =	dma.local [hbm:s3], $0xF7A  }
0x26: {  	[smem:$0x3F89] =	sst s1;
	(tag) =	ssettag s2;
	_ =	strace s9  }
0x27: {  	s1 =	sld [smem:$0x3F99]  }
0x28: {  	s2 =	sld [smem:$0x3F9A]  }
0x29: {  	s4 =	sld [smem:$0x3F9C]  }
0x2a: {  	p0 =	seq.s32 s5, $0x0;
	s5 =	sld [smem:$0x3F9D]  }
0x2b: {  	s6 =	sld [smem:$0x3F9E]  }
0x2c: {  	s7 =	sld [smem:$0x3F9F]  }
0x2d: {  	s3 =	simm.s32 $0x108;
	s8 =	sld [smem:$0x3FA0]  }
0x2e: {  	s3 =	simm.s32 @!p0 $0x1082;
	s9 =	sld [smem:$0x3FA1]  }
0x2f: {  	lr =	sadd.s32 s0, s3;
	s0 =	sld [smem:$0x3F98]  }
0x30: {  	s3 =	sld [smem:$0x3F9B]  }
0x31: {  	[smem:$0x3FA4] =	sst s10  }
0x32: {  	s10 =	sld [smem:$0x3FA2];
	_ =	sdelay $0x3  }
0x33: {  	p0 =	seq.s32 s10, $0x1;
	s10 =	sld [smem:$0x3FA4];
	_ =	sdelay $0x3  }
0x34: {  	[smem:$0x3FA4] =	sst s10  }
0x35: {  	s10 =	sld [smem:$0x3FA3];
	_ =	sdelay $0x3  }
0x36: {  	p1 =	seq.s32 s10, $0x1;
	s10 =	sld [smem:$0x3FA4];
	_ =	sdelay $0x3  }
0x37: {  	[smem:$0x3FA4] =	sst s10  }
0x38: {  	s10 =	sld [smem:$0x3FA5]  }
0x39: {  	_ = 	snop;
	(pc) =	sbr.ind lr, $3  }
0x3a: {  	_ = 	snop  }
0x3b: {  	_ = 	snop  }
0x3c: {  	p2 =	seq.s32 s10, $0x1;
	s10 =	sld [smem:$0x3FA4]  }
0x3d: {  	_ =	shalt  }
0x3e: {  	_ =	shalt  }
0x3f: {  	_ =	shalt  }
0x40: {  	_ =	shalt  }
0x41: {  	_ =	shalt  }
0x42: {  	_ =	shalt  }
0x43: {  	_ =	shalt  }
0x44: {  	_ =	shalt  }
0x45: {  	_ =	shalt  }
0x46: {  	_ =	shalt  }
0x47: {  	_ =	shalt  }
0x48: {  	_ =	shalt  }
0x49: {  	_ =	shalt  }
0x4a: {  	_ =	shalt  }
0x4b: {  	_ =	shalt  }
0x4c: {  	_ =	shalt  }
0x4d: {  	_ =	shalt  }
0x4e: {  	_ =	shalt  }
0x4f: {  	_ =	shalt  }
0x50: {  	_ =	shalt  }
0x51: {  	_ =	shalt  }
0x52: {  	_ =	shalt  }
0x53: {  	_ =	shalt  }
0x54: {  	_ =	shalt  }
0x55: {  	_ =	shalt  }
0x56: {  	_ =	shalt  }
0x57: {  	_ =	shalt  }
0x58: {  	_ =	shalt  }
0x59: {  	_ =	shalt  }
0x5a: {  	_ =	shalt  }
0x5b: {  	_ =	shalt  }
0x5c: {  	_ =	shalt  }
0x5d: {  	_ =	shalt  }
0x5e: {  	_ =	shalt  }
0x5f: {  	_ =	shalt  }
0x60: {  	_ =	shalt  }
0x61: {  	_ =	shalt  }
0x62: {  	_ =	shalt  }
0x63: {  	_ =	shalt  }
0x64: {  	_ =	shalt  }
0x65: {  	_ =	shalt  }
0x66: {  	_ =	shalt  }
0x67: {  	_ =	shalt  }
0x68: {  	_ =	shalt  }
0x69: {  	_ =	shalt  }
0x6a: {  	_ =	shalt  }
0x6b: {  	_ =	shalt  }
0x6c: {  	_ =	shalt  }
0x6d: {  	_ =	shalt  }
0x6e: {  	_ =	shalt  }
0x6f: {  	_ =	shalt  }
0x70: {  	_ =	shalt  }
0x71: {  	_ =	shalt  }
0x72: {  	_ =	shalt  }
0x73: {  	_ =	shalt  }
0x74: {  	_ =	shalt  }
0x75: {  	_ =	shalt  }
0x76: {  	_ =	shalt  }
0x77: {  	_ =	shalt  }
0x78: {  	_ =	shalt  }
0x79: {  	_ =	shalt  }
0x7a: {  	_ =	shalt  }
0x7b: {  	_ =	shalt  }
0x7c: {  	_ =	shalt  }
0x7d: {  	_ =	shalt  }
0x7e: {  	_ =	shalt  }
0x7f: {  	_ =	shalt  }
0x80: {  	_ =	shalt  }
0x81: {  	_ =	shalt  }
0x82: {  	_ =	shalt  }
0x83: {  	_ =	shalt  }
0x84: {  	_ =	shalt  }
0x85: {  	_ =	shalt  }
0x86: {  	_ =	shalt  }
0x87: {  	_ =	shalt  }
.Lfunc_end0:
.L_simem_size_0:
called_computation.1_lowered:
.L_overlay_start_0:
0x88: {  	s2 =	sld [smem:$0x3FD9]  }
0x89: {  	s3 =	sld [smem:$0x3FFE];
	_ =	sdelay $0x1  }
0x8a: {  	s1 =	srdreg.scid  }
0x8b: {  	s0 =	sand.u32 $0x1, s1  }
0x8c: {  	s17 =	sshll.u32 s0, $0xA;
	s2 =	sadd.s32 s3, s2  }
0x8d: {  	s2 =	sadd.s32 s2, s17  }
0x8e: {  	[smem:$0x3FB0] =	sst s2  }
0x8f: {  	_ = 	snop  }
0x90: {  	s18 =	sld [smem:$0x3FC7];
	(tm) =	ssettm $0x1  }
0x91: {  	s19 =	sld [smem:$0x3FFB];
	_ =	sdelay $0x3  }
0x92: {  	_ =	strace s19  }
0x93: {  	s2 =	sld [smem:$0x3FFC];
	_ =	sdelay $0x3  }
0x94: {  	_ =	strace s2  }
0x95: {  	s2 =	sld [smem:$0x3FFD];
	_ =	sdelay $0x3  }
0x96: {  	_ =	strace s2  }
0x97: {  	_ =	strace $0x8FFFFFFF  }
0x98: {  	s20 =	sld [smem:$0x3FDB];
	_ =	sdelay $0x1  }
0x99: {  	s4 =	simm.s32 $_scs_section_size  }
0x9a: {  	s5 =	simm.s32 $_size__tile_overlayer_lowered;
	s6 =	simm.s32 $_tile_overlayer_lowered  }
0x9b: {  	s7 =	simm.s32 $0x1BFF;
	s21 =	sshll.u32 s6, $0x1;
	s4 =	sadd.s32 s4, s20  }
0x9c: {  	s22 =	simm.s32 $0x0;
	s5 =	sshll.u32 s5, $0x1;
	s6 =	sadd.s32 s21, s4  }
0x9d: {  	[timem:s22], [sflag:s7] =	dma.local [hbm:s6], s5  }
0x9e: {  	_ =	swait.ge [sflag:s7], s5  }
0x9f: {  	s5 =	ssub.s32 $0x0, s5;
	[sflag:s7] =	ssyncset.done $0x0  }
0xa0: {  	[sflag:s7] =	ssyncadd.s32 s5;
	_ =	sdelay $0x1  }
0xa1: {  	s23 =	simm.s32 $0x1B8B  }
0xa2: {  	_ =	swait.ge [sflag:s23], $0x1  }
0xa3: {  	[sflag:s23] =	ssyncset.done $0x0  }
0xa4: {  	[sflag:s23] =	ssyncadd.s32 $0xFFFFFFFF  }
0xa5: {  	s5 =	sld [smem:$0x0]  }
0xa6: {  	s6 =	sand.u32 $0xFFFFFFFE, s1  }
0xa7: {  	p0 =	sne.s32 s1, s6  }
0xa8: {  	s6 =	sshll.u32 @p0 s6, $0xE  }
0xa9: {  	s6 =	sadd.s32 @p0 $0x11B8D, s6;
	s7 =	sshll.u32 @p0 s5, $0x11  }
0xaa: {  	s6 =	sor.u32 @p0 s7, s6  }
0xab: {  	[sflag:s6] =	ssyncadd.remote.s32 @p0 $0x1;
	_ =	sdelay $0x1  }
0xac: {  	s6 =	simm.s32 @p0 $0x1B8D  }
0xad: {  	_ =	swait.eq @p0 [sflag:s6], $0x1  }
0xae: {  	[sflag:s6] =	ssyncadd.s32 @p0 $0xFFFFFFFF  }
0xaf: {  	s7 =	sshll.u32 @!p0 s1, $0xE  }
0xb0: {  	s7 =	sor.u32 @!p0 $0x4000, s7;
	s6 =	simm.s32 @!p0 $0x1B8D  }
0xb1: {  	s5 =	sshll.u32 @!p0 s5, $0x11;
	s7 =	sadd.s32 @!p0 $0x11B8D, s7;
	_ =	swait.eq @!p0 [sflag:s6], $0x1  }
0xb2: {  	s5 =	sor.u32 @!p0 s5, s7;
	[sflag:s6] =	ssyncadd.s32 @!p0 $0xFFFFFFFF  }
0xb3: {  	s25 =	simm.s32 $0x1B8E;
	s24 =	sld [smem:$0x3FFE];
	[sflag:s5] =	ssyncadd.remote.s32 @!p0 $0x1  }
0xb4: {  	s26 =	simm.s32 $execute0_lowered;
	[smem:$0x3FD2] =	sst s25  }
0xb5: {  	s6 =	sshll.u32 s26, $0x1;
	_ =	strace $0x80000049;
	[dreg:$0x1] =	wrdreg $0xFFFFFFFF  }
0xb6: {  	s28 =	simm.s32 $_size_execute0_lowered;
	s4 =	sadd.s32 s4, s6;
	[dreg:$0x0] =	wrdreg $0x0  }
0xb7: {  	s6 =	sshll.u32 s28, $0x1;
	[dreg:$0x2] =	wrdreg s4  }
0xb8: {  	[dreg:$0x3] =	wrdreg s6  }
0xb9: {  	[dreg:$0x4] =	wrdreg $0xC0  }
0xba: {  	_ =	task [dreg:s22], $0x5FFFF  }
0xbb: {  	[dreg:$0x1] =	wrdreg $0xFFFFFFFF  }
0xbc: {  	[dreg:$0x0] =	wrdreg $0x60  }
0xbd: {  	[dreg:$0x2] =	wrdreg s24  }
0xbe: {  	[dreg:$0x3] =	wrdreg s18  }
0xbf: {  	[dreg:$0x4] =	wrdreg $0xA  }
0xc0: {  	_ =	task.clear_ibuf [dreg:s22], $0x5FFFF;
	_ =	strace $0x90000049  }
0xc1: {  	s29 =	simm.s32 $0xA;
	_ =	strace $0x8000004B  }
0xc2: {  	_ =	swait.ge [sflag:s29], $0x1  }
0xc3: {  	[sflag:s29] =	ssyncadd.s32 $0xFFFFFFFF  }
0xc4: {  	_ =	strace $0x9000004B  }
0xc5: {  	_ =	sfence  }
0xc6: {  	s30 =	sld [smem:$0x0];
	_ =	sdelay $0x2  }
0xc7: {  	s31 =	sshll.u32 s1, $0xD;
	s1 =	sshrl.u32 s1, $0x2  }
0xc8: {  	s4 =	sand.u32 $0x4000, s31;
	s1 =	sadd.s32 s1, s30  }
0xc9: {  	s0 =	sor.u32 s4, s0;
	s1 =	sshll.u32 s1, $0x11  }
0xca: {  	s0 =	sor.u32 s1, s0  }
0xcb: {  	s0 =	sadd.s32 $0x8F2B, s0  }
0xcc: {  	[sflag:s0] =	ssyncadd.remote.s32 $0x1  }
0xcd: {  	_ =	sfence.sel $0xFFFF  }
0xce: {  	[dreg:$0x0] =	wrdreg $0xFFFFFFFF;
	(pc) =	sbr.abs _section_cstart, $3  }
0xcf: {  	[dreg:$0x1] =	wrdreg $0xFFFFFFFF  }
0xd0: {  	_ =	task.clear_ibuf [dreg:s22], $0x2FFFF;
	_ =	strace $0x9FFFFFFF  }
0xd1: {  	(tm) =	ssettm $0x7FFFFFFF  }
tec
execute0_lowered:
.L_overlay_start_1:
0x0: {  	(tag) =	ssettag $0x1  }
0x1: {  	s5 =	rddreg [dreg:$0x0]  }
0x2: {  	s7 =	rddreg [dreg:$0x1]  }
0x3: {  	s1 =	simm.s32 $0x0;
	s6 =	srdreg.scid;
	s0 =	stileid.u32  }
0x4: {  	s10 =	simm.s32 $0x2;
	s17 =	simm.s32 $0x2900;
	s18 =	simm.s32 $0xA900  }
0x5: {  	s19 =	simm.s32 $0x80;
	s20 =	simm.s32 $0x6900;
	s21 =	simm.s32 $0xE900  }
0x6: {  	s22 =	simm.s32 $0x1;
	s23 =	simm.s32 $0x3;
	s24 =	simm.s32 $0x4  }
0x7: {  	[smem:$0x7FF] =	sst s1;
	s3 =	sadd.s32 $0x6000, s5;
	s4 =	sadd.s32 $0x2D200, s5  }
0x8: {  	s12 =	sand.u32 $0x1, s6;
	s13 =	sadd.s32 $0x7A7400, s5;
	s15 =	smul.u32 $0x138000, s0  }
0x9: {  	s25 =	sshll.u32 s0, $0x1;
	s14 =	sadd.s32 $0x536400, s5;
	s30 =	smul.u32 $0x27000, s0  }
0xa: {  	s5 =	simm.s32 $0x2;
	_ =	strace $0x8000004A;
	s16 =	smul.u32 $0x9C000, s12  }
0xb: {  	s8 =	ssub.s32 $0x2, s12;
	s6 =	sor.u32 s12, s25;
	s12 =	smul.u32 $0x13800, s12  }
0xc: {  	s25 =	simm.s32 $0x0;
	s26 =	sshrl.u32 s8, $0x1;
	s9 =	smul.u32 $0x2700, s6  }
0xd: {  	p0 =	seq.s32 s6, $0x1F;
	s28 =	smul.u32 $0x13800, s6;
	s11 =	ssub.s32 s8, s26  }
0xe: {  	s10 =	simm.s32 @!p0 $0x0;
	s15 =	sadd.s32 s16, s15;
	s16 =	simm.s32 $0x1480  }
0xf: {  	s9 =	sshrl.u32 s9, $0x3;
	s6 =	sadd.s32 $0x27, s10;
	s10 =	sshll.u32 s10, $0xB  }
0x10: {  	s15 =	sshrl.u32 s15, $0x3;
	s11 =	smax.u32 s11, $0x1;
	s9 =	sadd.s32 s7, s9  }
0x11: {  	s10 =	sadd.s32 s10, s28;
	s29 =	sadd.s32 s15, s14;
	s15 =	sadd.s32 s15, s13  }
0x12: {  	s31 =	sshll.u32 s6, $0xB;
	s7 =	sadd.s32 $0x9C40, s9;
	[dreg:$0x3] =	wrdreg s29  }
0x13: {  	s8 =	sadd.s32 $0x9C50, s9;
	s10 =	sadd.s32 $0x13000, s10;
	[dreg:$0x4] =	wrdreg s15  }
0x14: {  	s15 =	sand.u32 $0x17000, s31;
	s9 =	sadd.s32 s13, s10;
	s10 =	sadd.s32 s14, s10  }
0x15: {  	s13 =	sadd.s32 s30, s13;
	s14 =	sadd.s32 s30, s14;
	[dreg:$0x5] =	wrdreg s15  }
0x16: {  	s15 =	simm.s32 $0x5;
	s13 =	sadd.s32 s12, s13;
	s14 =	sadd.s32 s12, s14  }
0x17: {  	s12 =	sadd.s32 $0x800, s13;
	s13 =	sadd.s32 $0x800, s14;
	s14 =	simm.s32 $0x100  }
.LBB2_1:
0x18: {  	[tilespmem:s1], [sflag:$0x5] =	stream.strided.gather [hbm4b:s7+s19], $0x1480, s14, s19, $0x38;
	[tilespmem:$0x12900] =	vst v63  }
0x19: {  	_ =	swait.ge [sflag:s15], $0x1480  }
0x1a: {  	[sflag:s15] =	ssyncset.done $0x0  }
0x1b: {  	[sflag:s15] =	ssyncadd.s32 $0xFFFFEB80  }
0x1c: {  	[tilespmem:s16], [sflag:$0x5] =	stream.strided.gather [hbm4b:s8+s19], $0x1480, s14, s19, $0x38;
	[tilespmem:$0x12900] =	vst v63  }
0x1d: {  	_ =	swait.ge [sflag:s15], $0x1480  }
0x1e: {  	[sflag:s15] =	ssyncset.done $0x0  }
0x1f: {  	s26 =	simm.s32 $0x1500;
	[sflag:s15] =	ssyncadd.s32 $0xFFFFEB80  }
0x20: {  	[tilespmem:s17], [sflag:$0x1] =	stream.indirect.gather [hbm4b:s3+s19], $0x80, s1, s19, $0xb8;
	[tilespmem:$0x12900] =	vst v63  }
0x21: {  	s28 =	simm.s32 $0x2;
	s29 =	simm.s32 $0x80;
	s30 =	simm.s32 $0x0  }
0x22: {  	[tilespmem:s18], [sflag:$0x3] =	stream.indirect.gather [hbm4b:s4+s19], $0x80, s16, s19, $0xb8;
	[tilespmem:$0x12900] =	vst v63  }
.LBB2_2:
0x23: {  	[tilespmem:s20], [sflag:$0x2] =	stream.indirect.gather [hbm4b:s3+s19], $0x80, s29, s19, $0xb8;
	[tilespmem:$0x12900] =	vst v63  }
0x24: {  	_ = 	snop  }
0x25: {  	[tilespmem:s21], [sflag:$0x4] =	stream.indirect.gather [hbm4b:s4+s19], $0x80, s26, s19, $0xb8;
	[tilespmem:$0x12900] =	vst v63  }
0x26: {  	_ =	swait.ge [sflag:s22], $0x4000  }
0x27: {  	[sflag:s22] =	ssyncset.done $0x0  }
0x28: {  	[sflag:s22] =	ssyncadd.s32 $0xFFFFC000  }
0x29: {  	_ =	swait.ge [sflag:s23], $0x4000  }
0x2a: {  	s31 =	rddreg [dreg:$0x4];
	[sflag:s23] =	ssyncset.done $0x0  }
0x2b: {  	[sflag:s23] =	ssyncadd.s32 $0xFFFFC000;
	s31 =	sadd.s32 s30, s31  }
0x2c: {  	[hbm4b:s31+s1] =	stream.linear.scatter [tilespmem:s17], [sflag:$0x5], $0x4000, $0x38;
	[tilespmem:$0x12900] =	vst v63  }
0x2d: {  	_ =	swait.ge [sflag:s15], $0x4000  }
0x2e: {  	s2 =	rddreg [dreg:$0x3];
	[sflag:s15] =	ssyncset.done $0x0  }
0x2f: {  	[sflag:s15] =	ssyncadd.s32 $0xFFFFC000;
	s31 =	sadd.s32 s30, s2  }
0x30: {  	[hbm4b:s31+s1] =	stream.linear.scatter [tilespmem:s18], [sflag:$0x5], $0x4000, $0x38;
	[tilespmem:$0x12900] =	vst v63  }
0x31: {  	p0 =	sge.u32 s28, s6;
	_ =	swait.ge [sflag:s15], $0x4000  }
0x32: {  	s0 =	simm.s32 @!p0 $0x80;
	[sflag:s15] =	ssyncset.done $0x0  }
0x33: {  	s2 =	simm.s32 @!p0 $0x2900;
	s31 =	sadd.s32 @!p0 $0x80, s29;
	[sflag:s15] =	ssyncadd.s32 $0xFFFFC000  }
0x34: {  	[tilespmem:s2], [sflag:$0x1] =	stream.indirect.gather @!p0 [hbm4b:s3+s0], $0x80, s31, s0, $0xb8;
	[tilespmem:$0x12900] =	vst v63  }
0x35: {  	s2 =	sadd.s32 @!p0 $0x80, s26;
	s31 =	simm.s32 @!p0 $0xA900  }
0x36: {  	[tilespmem:s31], [sflag:$0x3] =	stream.indirect.gather @!p0 [hbm4b:s4+s0], $0x80, s2, s0, $0xb8;
	[tilespmem:$0x12900] =	vst v63  }
0x37: {  	_ =	swait.ge [sflag:s5], $0x4000  }
0x38: {  	[sflag:s5] =	ssyncset.done $0x0  }
0x39: {  	[sflag:s5] =	ssyncadd.s32 $0xFFFFC000  }
0x3a: {  	_ =	swait.ge [sflag:s24], $0x4000  }
0x3b: {  	[sflag:s24] =	ssyncset.done $0x0  }
0x3c: {  	s31 =	sadd.s32 s30, s12;
	[sflag:s24] =	ssyncadd.s32 $0xFFFFC000  }
0x3d: {  	[hbm4b:s31+s1] =	stream.linear.scatter [tilespmem:s20], [sflag:$0x5], $0x4000, $0x38;
	[tilespmem:$0x12900] =	vst v63  }
0x3e: {  	_ =	swait.ge [sflag:s15], $0x4000  }
0x3f: {  	[sflag:s15] =	ssyncset.done $0x0  }
0x40: {  	s2 =	sadd.s32 s30, s13;
	[sflag:s15] =	ssyncadd.s32 $0xFFFFC000  }
0x41: {  	[hbm4b:s2+s1] =	stream.linear.scatter [tilespmem:s21], [sflag:$0x5], $0x4000, $0x38;
	[tilespmem:$0x12900] =	vst v63  }
0x42: {  	_ =	swait.ge [sflag:s15], $0x4000  }
0x43: {  	s30 =	sadd.s32 $0x1000, s30;
	s31 =	rddreg [dreg:$0x5]  }
0x44: {  	p0 =	sne.s32 s31, s30  }
.Ltmp0:
0x45: {  	_ = 	snop;
	(pc) =	sbr.rel @p0 .LBB2_2-.Ltmp0, $3  }
0x46: {  	_ =	sdelay $0x1  }
0x47: {  	s28 =	sadd.s32 $0x2, s28;
	[sflag:s15] =	ssyncset.done $0x0  }
0x48: {  	s29 =	sadd.s32 $0x100, s29;
	s26 =	sadd.s32 $0x100, s26;
	[sflag:s15] =	ssyncadd.s32 $0xFFFFC000  }
0x49: {  	_ =	swait.ge [sflag:s22], $0x4000  }
0x4a: {  	[sflag:s22] =	ssyncset.done $0x0  }
0x4b: {  	[sflag:s22] =	ssyncadd.s32 $0xFFFFC000  }
0x4c: {  	_ =	swait.ge [sflag:s23], $0x4000  }
0x4d: {  	[sflag:s23] =	ssyncset.done $0x0  }
0x4e: {  	[sflag:s23] =	ssyncadd.s32 $0xFFFFC000  }
0x4f: {  	[hbm4b:s9+s1] =	stream.linear.scatter [tilespmem:s17], [sflag:$0x5], $0x4000, $0x38;
	[tilespmem:$0x12900] =	vst v63  }
0x50: {  	s25 =	sadd.s32 $0x1, s25;
	_ =	swait.ge [sflag:s15], $0x4000  }
0x51: {  	p0 =	sne.s32 s25, s11;
	[sflag:s15] =	ssyncset.done $0x0  }
.Ltmp1:
0x52: {  	[sflag:s15] =	ssyncadd.s32 $0xFFFFC000;
	(pc) =	sbr.rel @p0 .LBB2_1-.Ltmp1, $4  }
0x53: {  	[hbm4b:s10+s1] =	stream.linear.scatter [tilespmem:s18], [sflag:$0x5], $0x4000, $0x38;
	[tilespmem:$0x12900] =	vst v63  }
0x54: {  	_ =	swait.ge [sflag:s15], $0x4000  }
0x55: {  	[sflag:s15] =	ssyncset.done $0x0  }
0x56: {  	[sflag:s15] =	ssyncadd.s32 $0xFFFFC000  }
0x57: {  	_ =	sfence.sel $0x180000  }
0x58: {  	[bflag:$0x0] =	sbarrier.arrive $0xFFFF  }
0x59: {  	_ =	strace $0x9000004A  }
0x5a: {  	s0 =	stileid.u32;
	[bflag:$0x2] =	sbarrier.arrive $0xFFFF  }
0x5b: {  	p0 =	sne.s32 s0, $0x0;
	s0 =	rddreg [dreg:$0x2]  }
0x5c: {  	s0 =	sadd.s32 @!p0 $0x100000, s0  }
0x5d: {  	[sflag:s0] =	ssyncadd.tile.s32 @!p0 $0x1;
	_ =	shalt  }
.Lfunc_end2:
_tile_overlayer_lowered:
.L_overlay_start_2:
0x5e: {  	(tag) =	ssettag $0x2  }
0x5f: {  	s0 =	rddreg [dreg:$0x0];
	s2 =	stileid.u32  }
0x60: {  	s1 =	rddreg [dreg:$0x1];
	p0 =	sne.s32 s2, $0x0  }
0x61: {  	s3 =	rddreg [dreg:$0x2];
	[bflag:$0x3] =	sbarrier.arrive $0xFFFF;
	s2 =	simm.s32 @!p0 $0x1C05  }
0x62: {  	[timem:s3], [sflag:s2] =	dma.local @!p0 [hbm:s0], s1  }
0x63: {  	s0 =	simm.s32 @!p0 $0x5  }
0x64: {  	_ =	swait.ge @!p0 [sflag:s0], s1  }
0x65: {  	s1 =	ssub.s32 @!p0 $0x0, s1;
	[sflag:s0] =	ssyncset.done @!p0 $0x0  }
0x66: {  	[sflag:s0] =	ssyncadd.s32 @!p0 s1  }
0x67: {  	[bflag:$0x3] =	sbarrier.arrive $0xFFFF  }
0x68: {  	_ =	shalt  }

// kernel: kernel.21.cloned.1.call-start
scs
__scs_entry_jumppad:
0x0: {  	(pc) =	sbr.rel $0x88, $3  }
0x1: {  	(tag) =	ssettag $0x0;
	lr =	simm.s32 $0x1  }
0x2: {  	[smem:$0x3F89] =	sst lr;
	_ =	strace $0xD0000000  }
0x3: {  	_ = 	snop  }
0x4: {  	_ = 	snop  }
0x5: {  	_ = 	snop  }
0x6: {  	_ = 	snop  }
0x7: {  	_ = 	snop  }
__scs_overlays_trampoline_lowered:
0x8: {  	[smem:$0x3F98] =	sst s0  }
0x9: {  	[smem:$0x3F99] =	sst s1  }
0xa: {  	[smem:$0x3F9A] =	sst s2  }
0xb: {  	[smem:$0x3F9B] =	sst s3  }
0xc: {  	[smem:$0x3F9C] =	sst s4  }
0xd: {  	[smem:$0x3F9D] =	sst s5  }
0xe: {  	[smem:$0x3F9E] =	sst s6  }
0xf: {  	[smem:$0x3F9F] =	sst s7  }
0x10: {  	[smem:$0x3FA0] =	sst s8  }
0x11: {  	[smem:$0x3FA1] =	sst s9;
	s0 =	simm.s32 @!p0 $0x0  }
0x12: {  	s1 =	sld [smem:$0x3F87];
	s0 =	simm.s32 @p0 $0x1  }
0x13: {  	[smem:$0x3FA2] =	sst s0;
	s0 =	simm.s32 @!p1 $0x0  }
0x14: {  	s2 =	sld [smem:$0x3F86];
	s0 =	simm.s32 @p1 $0x1  }
0x15: {  	[smem:$0x3FA3] =	sst s0;
	s0 =	simm.s32 @!p2 $0x0  }
0x16: {  	s3 =	sld [smem:$0x3FDB];
	s0 =	simm.s32 @p2 $0x1  }
0x17: {  	s4 =	simm.s32 $0x1BF5;
	[smem:$0x3FA5] =	sst s0  }
0x18: {  	s0 =	sld [smem:$0x3F88];
	_ =	swait.ge [sflag:s4], $0x0  }
0x19: {  	s7 =	sld [smem:$0x3F89]  }
0x1a: {  	s8 =	sadd.s32 $0xFFFFE003, lr  }
0x1b: {  	s9 =	sadd.s32 $0xFFFFFEF7, lr;
	s5 =	simm.s32 $0xFFFFFFFF;
	p2 =	slt.u32 s8, $0xFFFFF086  }
0x1c: {  	p1 =	slt.u32 s9, $0xF7A;
	s5 =	simm.s32 @!p2 $0x0  }
0x1d: {  	s5 =	simm.s32 @p1 $0x1;
	p0 =	seq.s32 s7, s2  }
0x1e: {  	s7 =	smul.u32 @!p0 $0xF7A, s2;
	p2 =	seq.s32 @!p0 s5, $0x0  }
0x1f: {  	s9 =	smul.u32 $0xF7A, s1;
	s8 =	simm.s32 @!p0 $0x1BF5;
	p2 =	por !p2, p0  }
0x20: {  	[sflag:s8] =	ssyncset.s32 @!p0 $0xFFFFF086;
	s6 =	sadd.s32 @!p0 s3, s7;
	s7 =	simm.s32 @!p0 $0x108  }
0x21: {  	s3 =	sadd.s32 s3, s9;
	s6 =	sadd.s32 @!p0 $0x88, s6;
	s7 =	simm.s32 @p2 $0x1082  }
0x22: {  	[simem:s7], [sflag:s8] =	dma.local @!p0 [hbm:s6], $0xF7A  }
0x23: {  	s9 =	sor.u32 $0xD0000000, s2;
	s6 =	simm.s32 $0x108;
	_ =	swait.ge @!p0 [sflag:s8], $0x0  }
0x24: {  	s3 =	sadd.s32 $0x88, s3;
	s6 =	simm.s32 @!p1 $0x1082;
	[sflag:s4] =	ssyncset.s32 $0xFFFFF086  }
0x25: {  	[simem:s6], [sflag:s4] =	dma.local [hbm:s3], $0xF7A  }
0x26: {  	[smem:$0x3F89] =	sst s1;
	(tag) =	ssettag s2;
	_ =	strace s9  }
0x27: {  	s1 =	sld [smem:$0x3F99]  }
0x28: {  	s2 =	sld [smem:$0x3F9A]  }
0x29: {  	s4 =	sld [smem:$0x3F9C]  }
0x2a: {  	p0 =	seq.s32 s5, $0x0;
	s5 =	sld [smem:$0x3F9D]  }
0x2b: {  	s6 =	sld [smem:$0x3F9E]  }
0x2c: {  	s7 =	sld [smem:$0x3F9F]  }
0x2d: {  	s3 =	simm.s32 $0x108;
	s8 =	sld [smem:$0x3FA0]  }
0x2e: {  	s3 =	simm.s32 @!p0 $0x1082;
	s9 =	sld [smem:$0x3FA1]  }
0x2f: {  	lr =	sadd.s32 s0, s3;
	s0 =	sld [smem:$0x3F98]  }
0x30: {  	s3 =	sld [smem:$0x3F9B]  }
0x31: {  	[smem:$0x3FA4] =	sst s10  }
0x32: {  	s10 =	sld [smem:$0x3FA2];
	_ =	sdelay $0x3  }
0x33: {  	p0 =	seq.s32 s10, $0x1;
	s10 =	sld [smem:$0x3FA4];
	_ =	sdelay $0x3  }
0x34: {  	[smem:$0x3FA4] =	sst s10  }
0x35: {  	s10 =	sld [smem:$0x3FA3];
	_ =	sdelay $0x3  }
0x36: {  	p1 =	seq.s32 s10, $0x1;
	s10 =	sld [smem:$0x3FA4];
	_ =	sdelay $0x3  }
0x37: {  	[smem:$0x3FA4] =	sst s10  }
0x38: {  	s10 =	sld [smem:$0x3FA5]  }
0x39: {  	_ = 	snop;
	(pc) =	sbr.ind lr, $3  }
0x3a: {  	_ = 	snop  }
0x3b: {  	_ = 	snop  }
0x3c: {  	p2 =	seq.s32 s10, $0x1;
	s10 =	sld [smem:$0x3FA4]  }
0x3d: {  	_ =	shalt  }
0x3e: {  	_ =	shalt  }
0x3f: {  	_ =	shalt  }
0x40: {  	_ =	shalt  }
0x41: {  	_ =	shalt  }
0x42: {  	_ =	shalt  }
0x43: {  	_ =	shalt  }
0x44: {  	_ =	shalt  }
0x45: {  	_ =	shalt  }
0x46: {  	_ =	shalt  }
0x47: {  	_ =	shalt  }
0x48: {  	_ =	shalt  }
0x49: {  	_ =	shalt  }
0x4a: {  	_ =	shalt  }
0x4b: {  	_ =	shalt  }
0x4c: {  	_ =	shalt  }
0x4d: {  	_ =	shalt  }
0x4e: {  	_ =	shalt  }
0x4f: {  	_ =	shalt  }
0x50: {  	_ =	shalt  }
0x51: {  	_ =	shalt  }
0x52: {  	_ =	shalt  }
0x53: {  	_ =	shalt  }
0x54: {  	_ =	shalt  }
0x55: {  	_ =	shalt  }
0x56: {  	_ =	shalt  }
0x57: {  	_ =	shalt  }
0x58: {  	_ =	shalt  }
0x59: {  	_ =	shalt  }
0x5a: {  	_ =	shalt  }
0x5b: {  	_ =	shalt  }
0x5c: {  	_ =	shalt  }
0x5d: {  	_ =	shalt  }
0x5e: {  	_ =	shalt  }
0x5f: {  	_ =	shalt  }
0x60: {  	_ =	shalt  }
0x61: {  	_ =	shalt  }
0x62: {  	_ =	shalt  }
0x63: {  	_ =	shalt  }
0x64: {  	_ =	shalt  }
0x65: {  	_ =	shalt  }
0x66: {  	_ =	shalt  }
0x67: {  	_ =	shalt  }
0x68: {  	_ =	shalt  }
0x69: {  	_ =	shalt  }
0x6a: {  	_ =	shalt  }
0x6b: {  	_ =	shalt  }
0x6c: {  	_ =	shalt  }
0x6d: {  	_ =	shalt  }
0x6e: {  	_ =	shalt  }
0x6f: {  	_ =	shalt  }
0x70: {  	_ =	shalt  }
0x71: {  	_ =	shalt  }
0x72: {  	_ =	shalt  }
0x73: {  	_ =	shalt  }
0x74: {  	_ =	shalt  }
0x75: {  	_ =	shalt  }
0x76: {  	_ =	shalt  }
0x77: {  	_ =	shalt  }
0x78: {  	_ =	shalt  }
0x79: {  	_ =	shalt  }
0x7a: {  	_ =	shalt  }
0x7b: {  	_ =	shalt  }
0x7c: {  	_ =	shalt  }
0x7d: {  	_ =	shalt  }
0x7e: {  	_ =	shalt  }
0x7f: {  	_ =	shalt  }
0x80: {  	_ =	shalt  }
0x81: {  	_ =	shalt  }
0x82: {  	_ =	shalt  }
0x83: {  	_ =	shalt  }
0x84: {  	_ =	shalt  }
0x85: {  	_ =	shalt  }
0x86: {  	_ =	shalt  }
0x87: {  	_ =	shalt  }
.Lfunc_end0:
.L_simem_size_0:
called_computation.2_lowered:
.L_overlay_start_0:
0x88: {  	s2 =	sld [smem:$0x3FD9]  }
0x89: {  	s3 =	sld [smem:$0x3FFE];
	_ =	sdelay $0x1  }
0x8a: {  	s1 =	srdreg.scid  }
0x8b: {  	s0 =	sand.u32 $0x1, s1  }
0x8c: {  	s17 =	sshll.u32 s0, $0xA;
	s2 =	sadd.s32 s3, s2  }
0x8d: {  	s2 =	sadd.s32 s2, s17  }
0x8e: {  	[smem:$0x3FB0] =	sst s2  }
0x8f: {  	_ = 	snop  }
0x90: {  	s2 =	sld [smem:$0x3FC7];
	(tm) =	ssettm $0x1  }
0x91: {  	s18 =	sld [smem:$0x3FFB];
	_ =	sdelay $0x3  }
0x92: {  	_ =	strace s18  }
0x93: {  	s3 =	sld [smem:$0x3FFC];
	_ =	sdelay $0x3  }
0x94: {  	_ =	strace s3  }
0x95: {  	s3 =	sld [smem:$0x3FFD];
	_ =	sdelay $0x3  }
0x96: {  	_ =	strace s3  }
0x97: {  	_ =	strace $0x8FFFFFFF  }
0x98: {  	s19 =	sld [smem:$0x3FDB];
	_ =	sdelay $0x1  }
0x99: {  	s4 =	simm.s32 $_scs_section_size  }
0x9a: {  	s5 =	simm.s32 $_size__tile_overlayer_lowered;
	s6 =	simm.s32 $_tile_overlayer_lowered  }
0x9b: {  	s22 =	simm.s32 $0x1BFF;
	s21 =	sshll.u32 s6, $0x1;
	s3 =	sadd.s32 s4, s19  }
0x9c: {  	s7 =	simm.s32 $0x0;
	s20 =	sshll.u32 s5, $0x1;
	s5 =	sadd.s32 s21, s3  }
0x9d: {  	[timem:s7], [sflag:s22] =	dma.local [hbm:s5], s20  }
0x9e: {  	_ =	swait.ge [sflag:s22], s20  }
0x9f: {  	s4 =	ssub.s32 $0x0, s20;
	[sflag:s22] =	ssyncset.done $0x0  }
0xa0: {  	[sflag:s22] =	ssyncadd.s32 s4;
	_ =	sdelay $0x1  }
0xa1: {  	s23 =	simm.s32 $0x1B8B  }
0xa2: {  	_ =	swait.ge [sflag:s23], $0x1  }
0xa3: {  	[sflag:s23] =	ssyncset.done $0x0  }
0xa4: {  	s25 =	simm.s32 $0x1B8E;
	s24 =	sld [smem:$0x3FFE];
	[sflag:s23] =	ssyncadd.s32 $0xFFFFFFFF  }
0xa5: {  	s26 =	simm.s32 $execute0_lowered;
	[smem:$0x3FD2] =	sst s25  }
0xa6: {  	s5 =	sshll.u32 s26, $0x1;
	_ =	strace $0x8000004C;
	[dreg:$0x1] =	wrdreg $0xFFFFFFFF  }
0xa7: {  	s28 =	simm.s32 $_size_execute0_lowered;
	s3 =	sadd.s32 s3, s5;
	[dreg:$0x0] =	wrdreg $0x0  }
0xa8: {  	s5 =	sshll.u32 s28, $0x1;
	[dreg:$0x2] =	wrdreg s3  }
0xa9: {  	[dreg:$0x3] =	wrdreg s5  }
0xaa: {  	[dreg:$0x4] =	wrdreg $0xC0  }
0xab: {  	_ =	task [dreg:s7], $0x5FFFF  }
0xac: {  	[dreg:$0x1] =	wrdreg $0xFFFFFFFF  }
0xad: {  	[dreg:$0x0] =	wrdreg $0x60  }
0xae: {  	[dreg:$0x2] =	wrdreg s24  }
0xaf: {  	[dreg:$0x3] =	wrdreg s2  }
0xb0: {  	[dreg:$0x4] =	wrdreg $0x81000  }
0xb1: {  	[dreg:$0x5] =	wrdreg $0x9  }
0xb2: {  	_ =	task.clear_ibuf [dreg:s7], $0x6FFFF;
	_ =	strace $0x9000004C  }
0xb3: {  	s29 =	simm.s32 $0x9;
	_ =	strace $0x8000004E  }
0xb4: {  	_ =	swait.ge [sflag:s29], $0x1  }
0xb5: {  	[sflag:s29] =	ssyncadd.s32 $0xFFFFFFFF  }
0xb6: {  	_ =	strace $0x9000004E  }
0xb7: {  	_ =	sfence  }
0xb8: {  	s30 =	sld [smem:$0x0];
	_ =	sdelay $0x2  }
0xb9: {  	s31 =	sshll.u32 s1, $0xD;
	s1 =	sshrl.u32 s1, $0x2  }
0xba: {  	s3 =	sand.u32 $0x4000, s31;
	s1 =	sadd.s32 s1, s30  }
0xbb: {  	s0 =	sor.u32 s3, s0;
	s1 =	sshll.u32 s1, $0x11  }
0xbc: {  	s0 =	sor.u32 s1, s0  }
0xbd: {  	s0 =	sadd.s32 $0x8F2B, s0  }
0xbe: {  	[sflag:s0] =	ssyncadd.remote.s32 $0x1  }
0xbf: {  	_ =	sfence.sel $0xFFFF  }
0xc0: {  	[dreg:$0x0] =	wrdreg $0xFFFFFFFF;
	(pc) =	sbr.abs _section_cstart, $3  }
0xc1: {  	[dreg:$0x1] =	wrdreg $0xFFFFFFFF  }
0xc2: {  	_ =	task.clear_ibuf [dreg:s7], $0x2FFFF;
	_ =	strace $0x9FFFFFFF  }
0xc3: {  	(tm) =	ssettm $0x7FFFFFFF  }
tec
execute0_lowered:
.L_overlay_start_1:
0x0: {  	(tag) =	ssettag $0x1  }
0x1: {  	s0 =	rddreg [dreg:$0x0]  }
0x2: {  	s3 =	rddreg [dreg:$0x1]  }
0x3: {  	s1 =	rddreg [dreg:$0x2]  }
0x4: {  	s2 =	simm.s32 $0x0;
	s4 =	srdreg.scid;
	s16 =	stileid.u32  }
0x5: {  	s19 =	simm.s32 $0x5;
	s20 =	simm.s32 $0x100;
	s13 =	smul.u32 $0x14000, s16  }
0x6: {  	s28 =	simm.s32 $0x0;
	[smem:$0x7FF] =	sst s2;
	s15 =	smul.u32 $0x50000, s16  }
0x7: {  	s9 =	sand.u32 $0x1, s4;
	s14 =	sadd.s32 $0x536400, s0;
	s24 =	smul.u32 $0x1380, s16  }
0x8: {  	s5 =	sadd.s32 $0x18CA00, s0;
	p0 =	seq.s32 s16, $0xF;
	s26 =	smul.u32 $0x13800, s16  }
0x9: {  	s31 =	sshll.u32 s16, $0x6;
	_ =	strace $0x8000004D;
	s12 =	smul.u32 $0x138800, s9  }
0xa: {  	s4 =	sshll.u32 s9, $0x4;
	s6 =	ssub.s32 $0x2, s9;
	s22 =	smul.u32 $0x138000, s9  }
0xb: {  	s9 =	smul.u32 $0x13800, s9;
	s18 =	sor.u32 $0x1C05, s31;
	s7 =	sor.u32 s16, s4  }
0xc: {  	s4 =	sadd.s32 $0x13E800, s0;
	s8 =	sshrl.u32 s6, $0x1;
	s10 =	smul.u32 $0x4E0, s7  }
0xd: {  	s25 =	sshrl.u32 s15, $0x2;
	s21 =	ssub.s32 s6, s8;
	s11 =	smul.u32 $0x13800, s7  }
0xe: {  	s6 =	simm.s32 $0xA;
	s8 =	sadd.s32 $0x10, s3;
	s12 =	sadd.s32 s13, s12  }
0xf: {  	s13 =	sadd.s32 s25, s1;
	s3 =	sadd.s32 s22, s14;
	s22 =	simm.s32 $0x4100  }
0x10: {  	s25 =	simm.s32 $0x2;
	s6 =	simm.s32 @!p0 $0x10;
	p0 =	seq.s32 s7, $0x1F  }
0x11: {  	s7 =	simm.s32 $0x29;
	s0 =	smax.u32 s21, $0x1;
	s3 =	sadd.s32 s26, s3  }
0x12: {  	s21 =	simm.s32 $0x80;
	s26 =	simm.s32 $0x4;
	s7 =	simm.s32 @!p0 $0x27  }
0x13: {  	s10 =	sadd.s32 s10, s8;
	[dreg:$0x6] =	wrdreg s0;
	s0 =	sadd.s32 s24, s9  }
0x14: {  	s23 =	sadd.s32 s14, s11;
	s9 =	sadd.s32 $0x800, s3;
	s29 =	sadd.s32 $0x80, s0  }
0x15: {  	s24 =	simm.s32 $0x3;
	[dreg:$0x4] =	wrdreg s10;
	s30 =	sshrl.u32 s29, $0x2  }
0x16: {  	[dreg:$0x5] =	wrdreg s23;
	s14 =	sand.u32 $0x2E, s7;
	s3 =	sadd.s32 s30, s8  }
0x17: {  	s17 =	sadd.s32 $0x100, s0;
	s23 =	simm.s32 $0x1;
	[dreg:$0x7] =	wrdreg s3  }
.LBB2_1:
0x18: {  	p0 =	sne.s32 s6, $0x1  }
.Ltmp0:
0x19: {  	_ = 	snop;
	(pc) =	sbr.rel @!p0 .LBB2_3-.Ltmp0, $4  }
0x1a: {  	s29 =	sshrl.u32 s12, $0x3  }
0x1b: {  	s30 =	sshrl.u32 s13, $0x3;
	s3 =	sadd.s32 $0x1400, s12;
	s0 =	sadd.s32 s4, s29  }
0x1c: {  	[spmem:s30], [sflag:s18] =	dma.local [hbm:s0], $0x280  }
0x1d: {  	s15 =	smov.u32 s13;
	s0 =	sadd.s32 $0xFFFFFFFF, s6;
	_ =	swait.ge [sflag:s19], $0x280  }
.LBB2_2:
0x1e: {  	s31 =	sshrl.u32 s3, $0x3;
	[sflag:s19] =	ssyncset.done $0x0  }
0x1f: {  	s15 =	sadd.s32 $0x1400, s15;
	p1 =	sne.s32 s0, $0x1;
	s31 =	sadd.s32 s4, s31  }
.Ltmp1:
0x20: {  	s10 =	sshrl.u32 s15, $0x3;
	[sflag:s19] =	ssyncadd.s32 $0xFFFFFD80;
	(pc) =	sbr.rel @p1 .LBB2_2-.Ltmp1, $3  }
0x21: {  	[spmem:s10], [sflag:s18] =	dma.local [hbm:s31], $0x280  }
0x22: {  	s0 =	sadd.s32 $0xFFFFFFFF, s0;
	_ =	sdelay $0x1  }
0x23: {  	s3 =	sadd.s32 $0x1400, s3;
	_ =	swait.ge [sflag:s19], $0x280  }
.LBB2_3:
0x24: {  	[sflag:s19] =	ssyncset.done $0x0  }
0x25: {  	[sflag:s19] =	ssyncadd.s32 $0xFFFFFD80  }
0x26: {  	[bflag:$0x0] =	sbarrier.arrive $0xFFFF  }
0x27: {  	s0 =	simm.s32 $0x0;
	s3 =	rddreg [dreg:$0x4]  }
0x28: {  	[tilespmem:s0], [sflag:$0x1] =	stream.linear.gather [hbm4b:s3+s0], $0x80, $0x38;
	[tilespmem:$0x1B980] =	vst v63  }
0x29: {  	s16 =	rddreg [dreg:$0x5]  }
0x2a: {  	[tilespmem:s20], [sflag:$0x3] =	stream.linear.gather [hbm4b:s16+s0], $0x4000, $0x38;
	[tilespmem:$0x1B980] =	vst v63  }
0x2b: {  	s11 =	rddreg [dreg:$0x7]  }
0x2c: {  	[tilespmem:s21], [sflag:$0x2] =	stream.linear.gather [hbm4b:s11+s2], $0x80, $0x38;
	[tilespmem:$0x1B980] =	vst v63  }
0x2d: {  	_ = 	snop  }
0x2e: {  	[tilespmem:s22], [sflag:$0x4] =	stream.linear.gather [hbm4b:s9+s2], $0x4000, $0x38;
	[tilespmem:$0x1B980] =	vst v63  }
0x2f: {  	_ =	swait.ge [sflag:s23], $0x80  }
0x30: {  	[sflag:s23] =	ssyncset.done $0x0  }
0x31: {  	[sflag:s23] =	ssyncadd.s32 $0xFFFFFF80  }
0x32: {  	_ =	swait.ge [sflag:s24], $0x4000  }
0x33: {  	[sflag:s24] =	ssyncset.done $0x0  }
0x34: {  	[sflag:s24] =	ssyncadd.s32 $0xFFFFC000  }
0x35: {  	[spmem:s1] =	stream.indirect.scatter.add.f32 [tilespmem:s20], [sflag:$0x5], $0x80, s2, s21, $0xb8;
	[tilespmem:$0x1B980] =	vst v63  }
0x36: {  	p1 =	sle.u32 s7, $0x2;
	_ =	swait.ge [sflag:s19], $0x4000  }
0x37: {  	s0 =	sshrl.u32 @!p1 s17, $0x2;
	[sflag:s19] =	ssyncset.done $0x0  }
0x38: {  	s3 =	simm.s32 @!p1 $0x0;
	s0 =	sadd.s32 @!p1 s0, s8;
	[sflag:s19] =	ssyncadd.s32 $0xFFFFC000  }
0x39: {  	[tilespmem:s3], [sflag:$0x1] =	stream.linear.gather @!p1 [hbm4b:s0+s3], $0x80, $0x38;
	[tilespmem:$0x1B980] =	vst v63  }
0x3a: {  	s10 =	simm.s32 @!p1 $0x100;
	s0 =	sadd.s32 @!p1 $0x800, s9  }
0x3b: {  	[tilespmem:s10], [sflag:$0x3] =	stream.linear.gather @!p1 [hbm4b:s0+s3], $0x4000, $0x38;
	[tilespmem:$0x1B980] =	vst v63  }
0x3c: {  	_ =	swait.ge [sflag:s25], $0x80  }
0x3d: {  	[sflag:s25] =	ssyncset.done $0x0  }
0x3e: {  	[sflag:s25] =	ssyncadd.s32 $0xFFFFFF80  }
0x3f: {  	p1 =	sne.s32 s14, $0x2;
	_ =	swait.ge [sflag:s26], $0x4000  }
.Ltmp2:
0x40: {  	[sflag:s26] =	ssyncset.done $0x0;
	(pc) =	sbr.rel @!p1 .LBB2_5-.Ltmp2, $4  }
0x41: {  	[sflag:s26] =	ssyncadd.s32 $0xFFFFC000  }
0x42: {  	[spmem:s1] =	stream.indirect.scatter.add.f32 [tilespmem:s22], [sflag:$0x5], $0x80, s21, s21, $0xb8;
	[tilespmem:$0x1B980] =	vst v63  }
0x43: {  	s31 =	simm.s32 $0x2;
	s15 =	smov.u32 s9;
	_ =	swait.ge [sflag:s19], $0x4000  }
0x44: {  	s0 =	sadd.s32 $0x40, s11;
	s3 =	sadd.s32 $0x100, s17;
	[sflag:s19] =	ssyncset.done $0x0  }
.LBB2_4:
0x45: {  	s31 =	sadd.s32 $0x2, s31;
	[sflag:s19] =	ssyncadd.s32 $0xFFFFC000;
	s15 =	sadd.s32 $0x1000, s15  }
0x46: {  	[tilespmem:s21], [sflag:$0x2] =	stream.linear.gather [hbm4b:s0+s2], $0x80, $0x38;
	[tilespmem:$0x1B980] =	vst v63  }
0x47: {  	p1 =	sne.s32 s14, s31  }
0x48: {  	[tilespmem:s22], [sflag:$0x4] =	stream.linear.gather [hbm4b:s15+s2], $0x4000, $0x38;
	[tilespmem:$0x1B980] =	vst v63  }
0x49: {  	_ =	swait.ge [sflag:s23], $0x80  }
0x4a: {  	[sflag:s23] =	ssyncset.done $0x0  }
0x4b: {  	[sflag:s23] =	ssyncadd.s32 $0xFFFFFF80  }
0x4c: {  	_ =	swait.ge [sflag:s24], $0x4000  }
0x4d: {  	[sflag:s24] =	ssyncset.done $0x0  }
0x4e: {  	[sflag:s24] =	ssyncadd.s32 $0xFFFFC000  }
0x4f: {  	[spmem:s1] =	stream.indirect.scatter.add.f32 [tilespmem:s20], [sflag:$0x5], $0x80, s2, s21, $0xb8;
	[tilespmem:$0x1B980] =	vst v63  }
0x50: {  	p2 =	sge.u32 s31, s7;
	_ =	swait.ge [sflag:s19], $0x4000  }
0x51: {  	s10 =	sshrl.u32 @!p2 s3, $0x2;
	[sflag:s19] =	ssyncset.done $0x0  }
0x52: {  	s11 =	simm.s32 @!p2 $0x0;
	s10 =	sadd.s32 @!p2 s10, s8;
	[sflag:s19] =	ssyncadd.s32 $0xFFFFC000  }
0x53: {  	[tilespmem:s11], [sflag:$0x1] =	stream.linear.gather @!p2 [hbm4b:s10+s11], $0x80, $0x38;
	[tilespmem:$0x1B980] =	vst v63  }
0x54: {  	s16 =	simm.s32 @!p2 $0x100;
	s10 =	sadd.s32 @!p2 $0x800, s15  }
0x55: {  	[tilespmem:s16], [sflag:$0x3] =	stream.linear.gather @!p2 [hbm4b:s10+s11], $0x4000, $0x38;
	[tilespmem:$0x1B980] =	vst v63  }
0x56: {  	_ =	swait.ge [sflag:s25], $0x80  }
0x57: {  	[sflag:s25] =	ssyncset.done $0x0  }
0x58: {  	[sflag:s25] =	ssyncadd.s32 $0xFFFFFF80  }
0x59: {  	_ =	swait.ge [sflag:s26], $0x4000  }
.Ltmp3:
0x5a: {  	[sflag:s26] =	ssyncset.done $0x0;
	(pc) =	sbr.rel @p1 .LBB2_4-.Ltmp3, $4  }
0x5b: {  	[sflag:s26] =	ssyncadd.s32 $0xFFFFC000  }
0x5c: {  	[spmem:s1] =	stream.indirect.scatter.add.f32 [tilespmem:s22], [sflag:$0x5], $0x80, s21, s21, $0xb8;
	[tilespmem:$0x1B980] =	vst v63  }
0x5d: {  	_ =	swait.ge [sflag:s19], $0x4000  }
0x5e: {  	s0 =	sadd.s32 $0x40, s0;
	s3 =	sadd.s32 $0x100, s3;
	[sflag:s19] =	ssyncset.done $0x0  }
.LBB2_5:
0x5f: {  	[sflag:s19] =	ssyncadd.s32 $0xFFFFC000  }
0x60: {  	_ =	swait.ge [sflag:s23], $0x80  }
0x61: {  	[sflag:s23] =	ssyncset.done $0x0  }
0x62: {  	[sflag:s23] =	ssyncadd.s32 $0xFFFFFF80  }
0x63: {  	_ =	swait.ge [sflag:s24], $0x4000  }
0x64: {  	[sflag:s24] =	ssyncset.done $0x0  }
0x65: {  	[sflag:s24] =	ssyncadd.s32 $0xFFFFC000  }
0x66: {  	[spmem:s1] =	stream.indirect.scatter.add.f32 [tilespmem:s20], [sflag:$0x5], $0x80, s2, s21, $0xb8;
	[tilespmem:$0x1B980] =	vst v63  }
0x67: {  	_ =	swait.ge [sflag:s19], $0x4000  }
.Ltmp4:
0x68: {  	[sflag:s19] =	ssyncset.done $0x0;
	(pc) =	sbr.rel @!p0 .LBB2_7-.Ltmp4, $4  }
0x69: {  	[sflag:s19] =	ssyncadd.s32 $0xFFFFC000  }
0x6a: {  	s0 =	sadd.s32 s5, s29;
	s3 =	sadd.s32 $0x1400, s12;
	[bflag:$0x0] =	sbarrier.arrive $0xFFFF  }
0x6b: {  	[hbm:s0], [sflag:s18] =	dma.local [spmem:s30], $0x280  }
0x6c: {  	s15 =	smov.u32 s13;
	s0 =	sadd.s32 $0xFFFFFFFF, s6;
	_ =	swait.ge [sflag:s19], $0x280  }
.LBB2_6:
0x6d: {  	s10 =	sshrl.u32 s3, $0x3;
	[sflag:s19] =	ssyncset.done $0x0  }
0x6e: {  	s15 =	sadd.s32 $0x1400, s15;
	p0 =	sne.s32 s0, $0x1;
	s10 =	sadd.s32 s5, s10  }
.Ltmp5:
0x6f: {  	s11 =	sshrl.u32 s15, $0x3;
	[sflag:s19] =	ssyncadd.s32 $0xFFFFFD80;
	(pc) =	sbr.rel @p0 .LBB2_6-.Ltmp5, $3  }
0x70: {  	[hbm:s10], [sflag:s18] =	dma.local [spmem:s11], $0x280  }
0x71: {  	s0 =	sadd.s32 $0xFFFFFFFF, s0;
	_ =	sdelay $0x1  }
0x72: {  	s3 =	sadd.s32 $0x1400, s3;
	_ =	swait.ge [sflag:s19], $0x280  }
.LBB2_7:
0x73: {  	s28 =	sadd.s32 $0x1, s28;
	s0 =	rddreg [dreg:$0x6]  }
0x74: {  	p0 =	sne.s32 s28, s0  }
.Ltmp6:
0x75: {  	_ = 	snop;
	(pc) =	sbr.rel @p0 .LBB2_1-.Ltmp6, $3  }
0x76: {  	_ =	sdelay $0x1  }
0x77: {  	[sflag:s19] =	ssyncset.done $0x0  }
0x78: {  	[sflag:s19] =	ssyncadd.s32 $0xFFFFFD80  }
0x79: {  	_ =	sfence.sel $0x180000  }
0x7a: {  	[bflag:$0x0] =	sbarrier.arrive $0xFFFF  }
0x7b: {  	_ =	strace $0x9000004D  }
0x7c: {  	s0 =	stileid.u32;
	[bflag:$0x2] =	sbarrier.arrive $0xFFFF  }
0x7d: {  	p0 =	sne.s32 s0, $0x0;
	s0 =	rddreg [dreg:$0x3]  }
0x7e: {  	s0 =	sadd.s32 @!p0 $0x100000, s0  }
0x7f: {  	[sflag:s0] =	ssyncadd.tile.s32 @!p0 $0x1;
	_ =	shalt  }
.Lfunc_end2:
_tile_overlayer_lowered:
.L_overlay_start_2:
0x80: {  	(tag) =	ssettag $0x2  }
0x81: {  	s0 =	rddreg [dreg:$0x0];
	s2 =	stileid.u32  }
0x82: {  	s1 =	rddreg [dreg:$0x1];
	p0 =	sne.s32 s2, $0x0  }
0x83: {  	s3 =	rddreg [dreg:$0x2];
	[bflag:$0x3] =	sbarrier.arrive $0xFFFF;
	s2 =	simm.s32 @!p0 $0x1C05  }
0x84: {  	[timem:s3], [sflag:s2] =	dma.local @!p0 [hbm:s0], s1  }
0x85: {  	s0 =	simm.s32 @!p0 $0x5  }
0x86: {  	_ =	swait.ge @!p0 [sflag:s0], s1  }
0x87: {  	s1 =	ssub.s32 @!p0 $0x0, s1;
	[sflag:s0] =	ssyncset.done @!p0 $0x0  }
0x88: {  	[sflag:s0] =	ssyncadd.s32 @!p0 s1  }
0x89: {  	[bflag:$0x3] =	sbarrier.arrive $0xFFFF  }
0x8a: {  	_ =	shalt  }

// kernel: kernel.24.cloned.1.call-start
scs
__scs_entry_jumppad:
0x0: {  	(pc) =	sbr.rel $0x88, $3  }
0x1: {  	(tag) =	ssettag $0x0;
	lr =	simm.s32 $0x1  }
0x2: {  	[smem:$0x3F89] =	sst lr;
	_ =	strace $0xD0000000  }
0x3: {  	_ = 	snop  }
0x4: {  	_ = 	snop  }
0x5: {  	_ = 	snop  }
0x6: {  	_ = 	snop  }
0x7: {  	_ = 	snop  }
__scs_overlays_trampoline_lowered:
0x8: {  	[smem:$0x3F98] =	sst s0  }
0x9: {  	[smem:$0x3F99] =	sst s1  }
0xa: {  	[smem:$0x3F9A] =	sst s2  }
0xb: {  	[smem:$0x3F9B] =	sst s3  }
0xc: {  	[smem:$0x3F9C] =	sst s4  }
0xd: {  	[smem:$0x3F9D] =	sst s5  }
0xe: {  	[smem:$0x3F9E] =	sst s6  }
0xf: {  	[smem:$0x3F9F] =	sst s7  }
0x10: {  	[smem:$0x3FA0] =	sst s8  }
0x11: {  	[smem:$0x3FA1] =	sst s9;
	s0 =	simm.s32 @!p0 $0x0  }
0x12: {  	s1 =	sld [smem:$0x3F87];
	s0 =	simm.s32 @p0 $0x1  }
0x13: {  	[smem:$0x3FA2] =	sst s0;
	s0 =	simm.s32 @!p1 $0x0  }
0x14: {  	s2 =	sld [smem:$0x3F86];
	s0 =	simm.s32 @p1 $0x1  }
0x15: {  	[smem:$0x3FA3] =	sst s0;
	s0 =	simm.s32 @!p2 $0x0  }
0x16: {  	s3 =	sld [smem:$0x3FDB];
	s0 =	simm.s32 @p2 $0x1  }
0x17: {  	s4 =	simm.s32 $0x1BF5;
	[smem:$0x3FA5] =	sst s0  }
0x18: {  	s0 =	sld [smem:$0x3F88];
	_ =	swait.ge [sflag:s4], $0x0  }
0x19: {  	s7 =	sld [smem:$0x3F89]  }
0x1a: {  	s8 =	sadd.s32 $0xFFFFE003, lr  }
0x1b: {  	s9 =	sadd.s32 $0xFFFFFEF7, lr;
	s5 =	simm.s32 $0xFFFFFFFF;
	p2 =	slt.u32 s8, $0xFFFFF086  }
0x1c: {  	p1 =	slt.u32 s9, $0xF7A;
	s5 =	simm.s32 @!p2 $0x0  }
0x1d: {  	s5 =	simm.s32 @p1 $0x1;
	p0 =	seq.s32 s7, s2  }
0x1e: {  	s7 =	smul.u32 @!p0 $0xF7A, s2;
	p2 =	seq.s32 @!p0 s5, $0x0  }
0x1f: {  	s9 =	smul.u32 $0xF7A, s1;
	s8 =	simm.s32 @!p0 $0x1BF5;
	p2 =	por !p2, p0  }
0x20: {  	[sflag:s8] =	ssyncset.s32 @!p0 $0xFFFFF086;
	s6 =	sadd.s32 @!p0 s3, s7;
	s7 =	simm.s32 @!p0 $0x108  }
0x21: {  	s3 =	sadd.s32 s3, s9;
	s6 =	sadd.s32 @!p0 $0x88, s6;
	s7 =	simm.s32 @p2 $0x1082  }
0x22: {  	[simem:s7], [sflag:s8] =	dma.local @!p0 [hbm:s6], $0xF7A  }
0x23: {  	s9 =	sor.u32 $0xD0000000, s2;
	s6 =	simm.s32 $0x108;
	_ =	swait.ge @!p0 [sflag:s8], $0x0  }
0x24: {  	s3 =	sadd.s32 $0x88, s3;
	s6 =	simm.s32 @!p1 $0x1082;
	[sflag:s4] =	ssyncset.s32 $0xFFFFF086  }
0x25: {  	[simem:s6], [sflag:s4] =	dma.local [hbm:s3], $0xF7A  }
0x26: {  	[smem:$0x3F89] =	sst s1;
	(tag) =	ssettag s2;
	_ =	strace s9  }
0x27: {  	s1 =	sld [smem:$0x3F99]  }
0x28: {  	s2 =	sld [smem:$0x3F9A]  }
0x29: {  	s4 =	sld [smem:$0x3F9C]  }
0x2a: {  	p0 =	seq.s32 s5, $0x0;
	s5 =	sld [smem:$0x3F9D]  }
0x2b: {  	s6 =	sld [smem:$0x3F9E]  }
0x2c: {  	s7 =	sld [smem:$0x3F9F]  }
0x2d: {  	s3 =	simm.s32 $0x108;
	s8 =	sld [smem:$0x3FA0]  }
0x2e: {  	s3 =	simm.s32 @!p0 $0x1082;
	s9 =	sld [smem:$0x3FA1]  }
0x2f: {  	lr =	sadd.s32 s0, s3;
	s0 =	sld [smem:$0x3F98]  }
0x30: {  	s3 =	sld [smem:$0x3F9B]  }
0x31: {  	[smem:$0x3FA4] =	sst s10  }
0x32: {  	s10 =	sld [smem:$0x3FA2];
	_ =	sdelay $0x3  }
0x33: {  	p0 =	seq.s32 s10, $0x1;
	s10 =	sld [smem:$0x3FA4];
	_ =	sdelay $0x3  }
0x34: {  	[smem:$0x3FA4] =	sst s10  }
0x35: {  	s10 =	sld [smem:$0x3FA3];
	_ =	sdelay $0x3  }
0x36: {  	p1 =	seq.s32 s10, $0x1;
	s10 =	sld [smem:$0x3FA4];
	_ =	sdelay $0x3  }
0x37: {  	[smem:$0x3FA4] =	sst s10  }
0x38: {  	s10 =	sld [smem:$0x3FA5]  }
0x39: {  	_ = 	snop;
	(pc) =	sbr.ind lr, $3  }
0x3a: {  	_ = 	snop  }
0x3b: {  	_ = 	snop  }
0x3c: {  	p2 =	seq.s32 s10, $0x1;
	s10 =	sld [smem:$0x3FA4]  }
0x3d: {  	_ =	shalt  }
0x3e: {  	_ =	shalt  }
0x3f: {  	_ =	shalt  }
0x40: {  	_ =	shalt  }
0x41: {  	_ =	shalt  }
0x42: {  	_ =	shalt  }
0x43: {  	_ =	shalt  }
0x44: {  	_ =	shalt  }
0x45: {  	_ =	shalt  }
0x46: {  	_ =	shalt  }
0x47: {  	_ =	shalt  }
0x48: {  	_ =	shalt  }
0x49: {  	_ =	shalt  }
0x4a: {  	_ =	shalt  }
0x4b: {  	_ =	shalt  }
0x4c: {  	_ =	shalt  }
0x4d: {  	_ =	shalt  }
0x4e: {  	_ =	shalt  }
0x4f: {  	_ =	shalt  }
0x50: {  	_ =	shalt  }
0x51: {  	_ =	shalt  }
0x52: {  	_ =	shalt  }
0x53: {  	_ =	shalt  }
0x54: {  	_ =	shalt  }
0x55: {  	_ =	shalt  }
0x56: {  	_ =	shalt  }
0x57: {  	_ =	shalt  }
0x58: {  	_ =	shalt  }
0x59: {  	_ =	shalt  }
0x5a: {  	_ =	shalt  }
0x5b: {  	_ =	shalt  }
0x5c: {  	_ =	shalt  }
0x5d: {  	_ =	shalt  }
0x5e: {  	_ =	shalt  }
0x5f: {  	_ =	shalt  }
0x60: {  	_ =	shalt  }
0x61: {  	_ =	shalt  }
0x62: {  	_ =	shalt  }
0x63: {  	_ =	shalt  }
0x64: {  	_ =	shalt  }
0x65: {  	_ =	shalt  }
0x66: {  	_ =	shalt  }
0x67: {  	_ =	shalt  }
0x68: {  	_ =	shalt  }
0x69: {  	_ =	shalt  }
0x6a: {  	_ =	shalt  }
0x6b: {  	_ =	shalt  }
0x6c: {  	_ =	shalt  }
0x6d: {  	_ =	shalt  }
0x6e: {  	_ =	shalt  }
0x6f: {  	_ =	shalt  }
0x70: {  	_ =	shalt  }
0x71: {  	_ =	shalt  }
0x72: {  	_ =	shalt  }
0x73: {  	_ =	shalt  }
0x74: {  	_ =	shalt  }
0x75: {  	_ =	shalt  }
0x76: {  	_ =	shalt  }
0x77: {  	_ =	shalt  }
0x78: {  	_ =	shalt  }
0x79: {  	_ =	shalt  }
0x7a: {  	_ =	shalt  }
0x7b: {  	_ =	shalt  }
0x7c: {  	_ =	shalt  }
0x7d: {  	_ =	shalt  }
0x7e: {  	_ =	shalt  }
0x7f: {  	_ =	shalt  }
0x80: {  	_ =	shalt  }
0x81: {  	_ =	shalt  }
0x82: {  	_ =	shalt  }
0x83: {  	_ =	shalt  }
0x84: {  	_ =	shalt  }
0x85: {  	_ =	shalt  }
0x86: {  	_ =	shalt  }
0x87: {  	_ =	shalt  }
.Lfunc_end0:
.L_simem_size_0:
called_computation.3_lowered:
.L_overlay_start_0:
0x88: {  	s2 =	sld [smem:$0x3FD9]  }
0x89: {  	s3 =	sld [smem:$0x3FFE];
	_ =	sdelay $0x1  }
0x8a: {  	s1 =	srdreg.scid  }
0x8b: {  	s0 =	sand.u32 $0x1, s1  }
0x8c: {  	s17 =	sshll.u32 s0, $0xA;
	s2 =	sadd.s32 s3, s2  }
0x8d: {  	s2 =	sadd.s32 s2, s17  }
0x8e: {  	[smem:$0x3FB0] =	sst s2  }
0x8f: {  	_ = 	snop  }
0x90: {  	s2 =	sld [smem:$0x3FC7];
	(tm) =	ssettm $0x1  }
0x91: {  	s18 =	sld [smem:$0x3FFB];
	_ =	sdelay $0x3  }
0x92: {  	_ =	strace s18  }
0x93: {  	s3 =	sld [smem:$0x3FFC];
	_ =	sdelay $0x3  }
0x94: {  	_ =	strace s3  }
0x95: {  	s3 =	sld [smem:$0x3FFD];
	_ =	sdelay $0x3  }
0x96: {  	_ =	strace s3  }
0x97: {  	_ =	strace $0x8FFFFFFF  }
0x98: {  	s19 =	sld [smem:$0x3FDB];
	_ =	sdelay $0x1  }
0x99: {  	s4 =	simm.s32 $_scs_section_size  }
0x9a: {  	s5 =	simm.s32 $_size__tile_overlayer_lowered;
	s6 =	simm.s32 $_tile_overlayer_lowered  }
0x9b: {  	s22 =	simm.s32 $0x1BFF;
	s21 =	sshll.u32 s6, $0x1;
	s3 =	sadd.s32 s4, s19  }
0x9c: {  	s7 =	simm.s32 $0x0;
	s20 =	sshll.u32 s5, $0x1;
	s5 =	sadd.s32 s21, s3  }
0x9d: {  	[timem:s7], [sflag:s22] =	dma.local [hbm:s5], s20  }
0x9e: {  	_ =	swait.ge [sflag:s22], s20  }
0x9f: {  	s4 =	ssub.s32 $0x0, s20;
	[sflag:s22] =	ssyncset.done $0x0  }
0xa0: {  	[sflag:s22] =	ssyncadd.s32 s4;
	_ =	sdelay $0x1  }
0xa1: {  	s23 =	simm.s32 $0x1B8B  }
0xa2: {  	_ =	swait.ge [sflag:s23], $0x1  }
0xa3: {  	[sflag:s23] =	ssyncset.done $0x0  }
0xa4: {  	s25 =	simm.s32 $0x1B8E;
	s24 =	sld [smem:$0x3FFE];
	[sflag:s23] =	ssyncadd.s32 $0xFFFFFFFF  }
0xa5: {  	s26 =	simm.s32 $execute0_lowered;
	[smem:$0x3FD2] =	sst s25  }
0xa6: {  	s5 =	sshll.u32 s26, $0x1;
	_ =	strace $0x8000004F;
	[dreg:$0x1] =	wrdreg $0xFFFFFFFF  }
0xa7: {  	s28 =	simm.s32 $_size_execute0_lowered;
	s3 =	sadd.s32 s3, s5;
	[dreg:$0x0] =	wrdreg $0x0  }
0xa8: {  	s5 =	sshll.u32 s28, $0x1;
	[dreg:$0x2] =	wrdreg s3  }
0xa9: {  	[dreg:$0x3] =	wrdreg s5  }
0xaa: {  	[dreg:$0x4] =	wrdreg $0xC0  }
0xab: {  	_ =	task [dreg:s7], $0x5FFFF  }
0xac: {  	[dreg:$0x1] =	wrdreg $0xFFFFFFFF  }
0xad: {  	[dreg:$0x0] =	wrdreg $0x60  }
0xae: {  	[dreg:$0x2] =	wrdreg s24  }
0xaf: {  	[dreg:$0x3] =	wrdreg s2  }
0xb0: {  	[dreg:$0x4] =	wrdreg $0x81000  }
0xb1: {  	[dreg:$0x5] =	wrdreg $0x9  }
0xb2: {  	_ =	task.clear_ibuf [dreg:s7], $0x6FFFF;
	_ =	strace $0x9000004F  }
0xb3: {  	s29 =	simm.s32 $0x9;
	_ =	strace $0x80000051  }
0xb4: {  	_ =	swait.ge [sflag:s29], $0x1  }
0xb5: {  	[sflag:s29] =	ssyncadd.s32 $0xFFFFFFFF  }
0xb6: {  	_ =	strace $0x90000051  }
0xb7: {  	_ =	sfence  }
0xb8: {  	s30 =	sld [smem:$0x0];
	_ =	sdelay $0x2  }
0xb9: {  	s31 =	sshll.u32 s1, $0xD;
	s1 =	sshrl.u32 s1, $0x2  }
0xba: {  	s3 =	sand.u32 $0x4000, s31;
	s1 =	sadd.s32 s1, s30  }
0xbb: {  	s0 =	sor.u32 s3, s0;
	s1 =	sshll.u32 s1, $0x11  }
0xbc: {  	s0 =	sor.u32 s1, s0  }
0xbd: {  	s0 =	sadd.s32 $0x8F2B, s0  }
0xbe: {  	[sflag:s0] =	ssyncadd.remote.s32 $0x1  }
0xbf: {  	_ =	sfence.sel $0xFFFF  }
0xc0: {  	[dreg:$0x0] =	wrdreg $0xFFFFFFFF;
	(pc) =	sbr.abs _section_cstart, $3  }
0xc1: {  	[dreg:$0x1] =	wrdreg $0xFFFFFFFF  }
0xc2: {  	_ =	task.clear_ibuf [dreg:s7], $0x2FFFF;
	_ =	strace $0x9FFFFFFF  }
0xc3: {  	(tm) =	ssettm $0x7FFFFFFF  }
tec
execute0_lowered:
.L_overlay_start_1:
0x0: {  	(tag) =	ssettag $0x1  }
0x1: {  	s0 =	rddreg [dreg:$0x0]  }
0x2: {  	s3 =	rddreg [dreg:$0x1]  }
0x3: {  	s1 =	rddreg [dreg:$0x2]  }
0x4: {  	s2 =	simm.s32 $0x0;
	s4 =	srdreg.scid;
	s10 =	stileid.u32  }
0x5: {  	s18 =	simm.s32 $0x5;
	s19 =	simm.s32 $0x100;
	s20 =	simm.s32 $0x80  }
0x6: {  	s21 =	simm.s32 $0x4100;
	s22 =	simm.s32 $0x1;
	s13 =	smul.u32 $0x14000, s10  }
0x7: {  	s23 =	simm.s32 $0x3;
	[smem:$0x7FF] =	sst s2;
	s15 =	smul.u32 $0x50000, s10  }
0x8: {  	s14 =	sadd.s32 $0x1DAC00, s0;
	s11 =	sand.u32 $0x1, s4;
	s29 =	smul.u32 $0x1380, s10  }
0x9: {  	s4 =	sadd.s32 $0x18CA00, s0;
	s5 =	sadd.s32 $0x6000, s0;
	s17 =	smul.u32 $0x13800, s10  }
0xa: {  	p0 =	seq.s32 s10, $0xF;
	s3 =	sadd.s32 $0x10, s3;
	s12 =	smul.u32 $0x138800, s11  }
0xb: {  	s31 =	sshll.u32 s10, $0x6;
	_ =	strace $0x80000050;
	s16 =	smul.u32 $0x138000, s11  }
0xc: {  	s24 =	ssub.s32 $0x2, s11;
	s7 =	sshll.u32 s11, $0x4;
	s26 =	smul.u32 $0x13800, s11  }
0xd: {  	s6 =	sshrl.u32 s24, $0x1;
	s7 =	sor.u32 s10, s7;
	s28 =	sshrl.u32 s15, $0x2  }
0xe: {  	s0 =	ssub.s32 s24, s6;
	s6 =	simm.s32 $0xA;
	s8 =	smul.u32 $0x1380, s7  }
0xf: {  	s9 =	smul.u32 $0x13800, s7;
	s11 =	sadd.s32 s13, s12;
	s12 =	sadd.s32 s28, s1  }
0x10: {  	s24 =	simm.s32 $0x2;
	s6 =	simm.s32 @!p0 $0x10;
	p0 =	seq.s32 s7, $0x1F  }
0x11: {  	s7 =	simm.s32 $0x29;
	s0 =	smax.u32 s0, $0x1;
	s8 =	sshrl.u32 s8, $0x2  }
0x12: {  	s7 =	simm.s32 @!p0 $0x27;
	s25 =	sadd.s32 s14, s9;
	[dreg:$0x6] =	wrdreg s0  }
0x13: {  	s14 =	sadd.s32 s16, s14;
	s0 =	sadd.s32 s29, s26;
	s26 =	simm.s32 $0x0  }
0x14: {  	s8 =	sadd.s32 s3, s8;
	[dreg:$0x5] =	wrdreg s25;
	s30 =	sshll.u32 s7, $0xB  }
0x15: {  	s14 =	sadd.s32 s17, s14;
	s15 =	sadd.s32 $0x27180, s0;
	s0 =	sadd.s32 $0x27200, s0  }
0x16: {  	s17 =	sor.u32 $0x1C05, s31;
	s25 =	simm.s32 $0x4;
	s8 =	sadd.s32 $0x9C40, s8  }
0x17: {  	s13 =	sand.u32 $0x17000, s30;
	s15 =	sshrl.u32 s15, $0x2;
	s0 =	sshrl.u32 s0, $0x2  }
0x18: {  	[dreg:$0x4] =	wrdreg s8;
	s15 =	sadd.s32 s15, s3;
	s16 =	sadd.s32 s0, s3  }
.LBB2_1:
0x19: {  	p0 =	sne.s32 s6, $0x1  }
.Ltmp0:
0x1a: {  	_ = 	snop;
	(pc) =	sbr.rel @!p0 .LBB2_3-.Ltmp0, $4  }
0x1b: {  	s28 =	sshrl.u32 s11, $0x3  }
0x1c: {  	s29 =	sshrl.u32 s12, $0x3;
	s3 =	sadd.s32 $0x1400, s11;
	s0 =	sadd.s32 s4, s28  }
0x1d: {  	[spmem:s29], [sflag:s17] =	dma.local [hbm:s0], $0x280  }
0x1e: {  	s30 =	smov.u32 s12;
	s0 =	sadd.s32 $0xFFFFFFFF, s6;
	_ =	swait.ge [sflag:s18], $0x280  }
.LBB2_2:
0x1f: {  	s31 =	sshrl.u32 s3, $0x3;
	[sflag:s18] =	ssyncset.done $0x0  }
0x20: {  	s30 =	sadd.s32 $0x1400, s30;
	p1 =	sne.s32 s0, $0x1;
	s31 =	sadd.s32 s4, s31  }
.Ltmp1:
0x21: {  	s8 =	sshrl.u32 s30, $0x3;
	[sflag:s18] =	ssyncadd.s32 $0xFFFFFD80;
	(pc) =	sbr.rel @p1 .LBB2_2-.Ltmp1, $3  }
0x22: {  	[spmem:s8], [sflag:s17] =	dma.local [hbm:s31], $0x280  }
0x23: {  	s0 =	sadd.s32 $0xFFFFFFFF, s0;
	_ =	sdelay $0x1  }
0x24: {  	s3 =	sadd.s32 $0x1400, s3;
	_ =	swait.ge [sflag:s18], $0x280  }
.LBB2_3:
0x25: {  	[sflag:s18] =	ssyncset.done $0x0  }
0x26: {  	[sflag:s18] =	ssyncadd.s32 $0xFFFFFD80  }
0x27: {  	[bflag:$0x0] =	sbarrier.arrive $0xFFFF  }
0x28: {  	s0 =	simm.s32 $0x0;
	s3 =	rddreg [dreg:$0x4]  }
0x29: {  	[tilespmem:s0], [sflag:$0x1] =	stream.linear.gather [hbm4b:s3+s0], $0x80, $0x38;
	[tilespmem:$0x1B980] =	vst v63  }
0x2a: {  	s9 =	rddreg [dreg:$0x5]  }
0x2b: {  	[tilespmem:s19], [sflag:$0x3] =	stream.linear.gather [hbm4b:s9+s0], $0x4000, $0x38;
	[tilespmem:$0x1B980] =	vst v63  }
0x2c: {  	s10 =	sadd.s32 $0x0, s14  }
0x2d: {  	[tilespmem:s20], [sflag:$0x2] =	stream.linear.gather [hbm4b:s15+s2], $0x80, $0x38;
	[tilespmem:$0x1B980] =	vst v63  }
0x2e: {  	s0 =	sadd.s32 $0x800, s10  }
0x2f: {  	[tilespmem:s21], [sflag:$0x4] =	stream.linear.gather [hbm4b:s0+s2], $0x4000, $0x38;
	[tilespmem:$0x1B980] =	vst v63  }
0x30: {  	_ =	swait.ge [sflag:s22], $0x80  }
0x31: {  	[sflag:s22] =	ssyncset.done $0x0  }
0x32: {  	[sflag:s22] =	ssyncadd.s32 $0xFFFFFF80  }
0x33: {  	_ =	swait.ge [sflag:s23], $0x4000  }
0x34: {  	[sflag:s23] =	ssyncset.done $0x0  }
0x35: {  	[sflag:s23] =	ssyncadd.s32 $0xFFFFC000  }
0x36: {  	[spmem:s1] =	stream.indirect.scatter.add.f32 [tilespmem:s19], [sflag:$0x5], $0x80, s2, s20, $0xb8;
	[tilespmem:$0x1B980] =	vst v63  }
0x37: {  	_ =	swait.ge [sflag:s18], $0x4000  }
0x38: {  	p1 =	sle.u32 s7, $0x2;
	[sflag:s18] =	ssyncset.done $0x0  }
0x39: {  	s3 =	sadd.s32 @!p1 $0x0, s14;
	s0 =	simm.s32 @!p1 $0x0;
	[sflag:s18] =	ssyncadd.s32 $0xFFFFC000  }
0x3a: {  	[tilespmem:s0], [sflag:$0x1] =	stream.linear.gather @!p1 [hbm4b:s16+s0], $0x80, $0x38;
	[tilespmem:$0x1B980] =	vst v63  }
0x3b: {  	s8 =	simm.s32 @!p1 $0x100;
	s3 =	sadd.s32 @!p1 $0x1000, s3  }
0x3c: {  	[tilespmem:s8], [sflag:$0x3] =	stream.linear.gather @!p1 [hbm4b:s3+s0], $0x4000, $0x38;
	[tilespmem:$0x1B980] =	vst v63  }
0x3d: {  	_ =	swait.ge [sflag:s24], $0x80  }
0x3e: {  	[sflag:s24] =	ssyncset.done $0x0  }
0x3f: {  	[sflag:s24] =	ssyncadd.s32 $0xFFFFFF80  }
0x40: {  	p1 =	sne.s32 s13, $0x1000;
	_ =	swait.ge [sflag:s25], $0x4000  }
.Ltmp2:
0x41: {  	[sflag:s25] =	ssyncset.done $0x0;
	(pc) =	sbr.rel @!p1 .LBB2_5-.Ltmp2, $4  }
0x42: {  	[sflag:s25] =	ssyncadd.s32 $0xFFFFC000  }
0x43: {  	[spmem:s1] =	stream.indirect.scatter.add.f32 [tilespmem:s21], [sflag:$0x5], $0x80, s20, s20, $0xb8;
	[tilespmem:$0x1B980] =	vst v63  }
0x44: {  	s30 =	simm.s32 $0x1000;
	s31 =	simm.s32 $0x4;
	_ =	swait.ge [sflag:s18], $0x4000  }
0x45: {  	s0 =	sadd.s32 $0x40, s15;
	s3 =	sadd.s32 $0x40, s16;
	[sflag:s18] =	ssyncset.done $0x0  }
.LBB2_4:
0x46: {  	s8 =	sadd.s32 s30, s14  }
0x47: {  	[sflag:s18] =	ssyncadd.s32 $0xFFFFC000;
	s9 =	smov.u32 s30;
	s30 =	sadd.s32 $0x1000, s30  }
0x48: {  	[tilespmem:s20], [sflag:$0x2] =	stream.linear.gather [hbm4b:s0+s2], $0x80, $0x38;
	[tilespmem:$0x1B980] =	vst v63  }
0x49: {  	s8 =	sadd.s32 $0x800, s8;
	p1 =	sne.s32 s13, s30  }
0x4a: {  	[tilespmem:s21], [sflag:$0x4] =	stream.linear.gather [hbm4b:s8+s2], $0x4000, $0x38;
	[tilespmem:$0x1B980] =	vst v63  }
0x4b: {  	_ =	swait.ge [sflag:s22], $0x80  }
0x4c: {  	[sflag:s22] =	ssyncset.done $0x0  }
0x4d: {  	[sflag:s22] =	ssyncadd.s32 $0xFFFFFF80  }
0x4e: {  	_ =	swait.ge [sflag:s23], $0x4000  }
0x4f: {  	[sflag:s23] =	ssyncset.done $0x0  }
0x50: {  	[sflag:s23] =	ssyncadd.s32 $0xFFFFC000  }
0x51: {  	[spmem:s1] =	stream.indirect.scatter.add.f32 [tilespmem:s19], [sflag:$0x5], $0x80, s2, s20, $0xb8;
	[tilespmem:$0x1B980] =	vst v63  }
0x52: {  	_ =	swait.ge [sflag:s18], $0x4000  }
0x53: {  	p2 =	sge.u32 s31, s7;
	[sflag:s18] =	ssyncset.done $0x0  }
0x54: {  	s9 =	sadd.s32 @!p2 s9, s14;
	s8 =	simm.s32 @!p2 $0x0;
	[sflag:s18] =	ssyncadd.s32 $0xFFFFC000  }
0x55: {  	[tilespmem:s8], [sflag:$0x1] =	stream.linear.gather @!p2 [hbm4b:s3+s8], $0x80, $0x38;
	[tilespmem:$0x1B980] =	vst v63  }
0x56: {  	s10 =	simm.s32 @!p2 $0x100;
	s9 =	sadd.s32 @!p2 $0x1000, s9  }
0x57: {  	[tilespmem:s10], [sflag:$0x3] =	stream.linear.gather @!p2 [hbm4b:s9+s8], $0x4000, $0x38;
	[tilespmem:$0x1B980] =	vst v63  }
0x58: {  	_ =	swait.ge [sflag:s24], $0x80  }
0x59: {  	[sflag:s24] =	ssyncset.done $0x0  }
0x5a: {  	[sflag:s24] =	ssyncadd.s32 $0xFFFFFF80  }
0x5b: {  	_ =	swait.ge [sflag:s25], $0x4000  }
.Ltmp3:
0x5c: {  	[sflag:s25] =	ssyncset.done $0x0;
	(pc) =	sbr.rel @p1 .LBB2_4-.Ltmp3, $4  }
0x5d: {  	[sflag:s25] =	ssyncadd.s32 $0xFFFFC000  }
0x5e: {  	[spmem:s1] =	stream.indirect.scatter.add.f32 [tilespmem:s21], [sflag:$0x5], $0x80, s20, s20, $0xb8;
	[tilespmem:$0x1B980] =	vst v63  }
0x5f: {  	s31 =	sadd.s32 $0x2, s31;
	_ =	swait.ge [sflag:s18], $0x4000  }
0x60: {  	s0 =	sadd.s32 $0x40, s0;
	s3 =	sadd.s32 $0x40, s3;
	[sflag:s18] =	ssyncset.done $0x0  }
.LBB2_5:
0x61: {  	[sflag:s18] =	ssyncadd.s32 $0xFFFFC000  }
0x62: {  	_ =	swait.ge [sflag:s22], $0x80  }
0x63: {  	[sflag:s22] =	ssyncset.done $0x0  }
0x64: {  	[sflag:s22] =	ssyncadd.s32 $0xFFFFFF80  }
0x65: {  	_ =	swait.ge [sflag:s23], $0x4000  }
0x66: {  	[sflag:s23] =	ssyncset.done $0x0  }
0x67: {  	[sflag:s23] =	ssyncadd.s32 $0xFFFFC000  }
0x68: {  	[spmem:s1] =	stream.indirect.scatter.add.f32 [tilespmem:s19], [sflag:$0x5], $0x80, s2, s20, $0xb8;
	[tilespmem:$0x1B980] =	vst v63  }
0x69: {  	_ =	swait.ge [sflag:s18], $0x4000  }
.Ltmp4:
0x6a: {  	[sflag:s18] =	ssyncset.done $0x0;
	(pc) =	sbr.rel @!p0 .LBB2_7-.Ltmp4, $4  }
0x6b: {  	[sflag:s18] =	ssyncadd.s32 $0xFFFFC000  }
0x6c: {  	s0 =	sadd.s32 s5, s28;
	s3 =	sadd.s32 $0x1400, s11;
	[bflag:$0x0] =	sbarrier.arrive $0xFFFF  }
0x6d: {  	[hbm:s0], [sflag:s17] =	dma.local [spmem:s29], $0x280  }
0x6e: {  	s28 =	smov.u32 s12;
	s0 =	sadd.s32 $0xFFFFFFFF, s6;
	_ =	swait.ge [sflag:s18], $0x280  }
.LBB2_6:
0x6f: {  	s8 =	sshrl.u32 s3, $0x3;
	[sflag:s18] =	ssyncset.done $0x0  }
0x70: {  	s28 =	sadd.s32 $0x1400, s28;
	p0 =	sne.s32 s0, $0x1;
	s8 =	sadd.s32 s5, s8  }
.Ltmp5:
0x71: {  	s9 =	sshrl.u32 s28, $0x3;
	[sflag:s18] =	ssyncadd.s32 $0xFFFFFD80;
	(pc) =	sbr.rel @p0 .LBB2_6-.Ltmp5, $3  }
0x72: {  	[hbm:s8], [sflag:s17] =	dma.local [spmem:s9], $0x280  }
0x73: {  	s0 =	sadd.s32 $0xFFFFFFFF, s0;
	_ =	sdelay $0x1  }
0x74: {  	s3 =	sadd.s32 $0x1400, s3;
	_ =	swait.ge [sflag:s18], $0x280  }
.LBB2_7:
0x75: {  	s26 =	sadd.s32 $0x1, s26;
	s0 =	rddreg [dreg:$0x6]  }
0x76: {  	p0 =	sne.s32 s26, s0  }
.Ltmp6:
0x77: {  	_ = 	snop;
	(pc) =	sbr.rel @p0 .LBB2_1-.Ltmp6, $3  }
0x78: {  	_ =	sdelay $0x1  }
0x79: {  	[sflag:s18] =	ssyncset.done $0x0  }
0x7a: {  	[sflag:s18] =	ssyncadd.s32 $0xFFFFFD80  }
0x7b: {  	_ =	sfence.sel $0x180000  }
0x7c: {  	[bflag:$0x0] =	sbarrier.arrive $0xFFFF  }
0x7d: {  	_ =	strace $0x90000050  }
0x7e: {  	s0 =	stileid.u32;
	[bflag:$0x2] =	sbarrier.arrive $0xFFFF  }
0x7f: {  	p0 =	sne.s32 s0, $0x0;
	s0 =	rddreg [dreg:$0x3]  }
0x80: {  	s0 =	sadd.s32 @!p0 $0x100000, s0  }
0x81: {  	[sflag:s0] =	ssyncadd.tile.s32 @!p0 $0x1;
	_ =	shalt  }
.Lfunc_end2:
_tile_overlayer_lowered:
.L_overlay_start_2:
0x82: {  	(tag) =	ssettag $0x2  }
0x83: {  	s0 =	rddreg [dreg:$0x0];
	s2 =	stileid.u32  }
0x84: {  	s1 =	rddreg [dreg:$0x1];
	p0 =	sne.s32 s2, $0x0  }
0x85: {  	s3 =	rddreg [dreg:$0x2];
	[bflag:$0x3] =	sbarrier.arrive $0xFFFF;
	s2 =	simm.s32 @!p0 $0x1C05  }
0x86: {  	[timem:s3], [sflag:s2] =	dma.local @!p0 [hbm:s0], s1  }
0x87: {  	s0 =	simm.s32 @!p0 $0x5  }
0x88: {  	_ =	swait.ge @!p0 [sflag:s0], s1  }
0x89: {  	s1 =	ssub.s32 @!p0 $0x0, s1;
	[sflag:s0] =	ssyncset.done @!p0 $0x0  }
0x8a: {  	[sflag:s0] =	ssyncadd.s32 @!p0 s1  }
0x8b: {  	[bflag:$0x3] =	sbarrier.arrive $0xFFFF  }
0x8c: {  	_ =	shalt  }

</sc_bundles>
